<compile_context>
chip_gen: v7x
topology: tpu7x:2x2x1
jax: 0.10.2.dev20260603
libtpu: 0.0.44.dev20260713+nightly
codegen_flags: <defaults>
</compile_context>

<pallas_src>
import functools

import jax
import jax.numpy as jnp
import numpy as np
from jax import lax
from jax.experimental import pallas as pl
from jax.experimental.pallas import tpu as pltpu
from jax.experimental.pallas import tpu_sc as plsc

_DIM = 64
_SCALE = np.float32(8.0)
_L = 16
_NW = 32
_VB = 128


def _widx():
    return lax.axis_index("s") * 2 + lax.axis_index("c")


@functools.lru_cache(maxsize=None)
def _build_lookup(S, Bt, D):
    BB = Bt // _NW
    assert BB == 128
    mesh = plsc.VectorSubcoreMesh(core_axis_name="c", subcore_axis_name="s")

    @functools.partial(
        pl.kernel,
        mesh=mesh,
        out_type=jax.ShapeDtypeStruct((S, D, Bt), jnp.float32),
        compiler_params=pltpu.CompilerParams(use_tc_tiling_on_sc=True, needs_layout_passes=False),
        scratch_types=[
            pltpu.VMEM((S, BB), jnp.int32),
            pltpu.VMEM((4, BB), jnp.int32),
            pltpu.VMEM((BB, 2 * D), jnp.float32),
            pltpu.VMEM((BB, 2 * D), jnp.float32),
            pltpu.VMEM((BB, 2 * D), jnp.float32),
            pltpu.VMEM((BB, 2 * D), jnp.float32),
            pltpu.VMEM((D, BB), jnp.float32),
            pltpu.VMEM((D, BB), jnp.float32),
            pltpu.SemaphoreType.DMA,
            pltpu.SemaphoreType.DMA,
            pltpu.SemaphoreType.DMA,
            pltpu.SemaphoreType.DMA,
            pltpu.SemaphoreType.DMA,
            pltpu.SemaphoreType.DMA,
            pltpu.SemaphoreType.DMA,
        ],
    )
    def lookup(idxT_hbm, table_hbm, out_hbm, idx_v, pbuf,
               gb0, gb1, gb2, gb3, ob0, ob1,
               isem, g0, g1, g2, g3, o0, o1):
        gbufs = (gb0, gb1, gb2, gb3)
        gsems = (g0, g1, g2, g3)
        obufs = (ob0, ob1)
        osems = (o0, o1)
        wid = _widx()
        wb = wid * BB
        iota = lax.iota(jnp.int32, _L)
        rows = [iota + (k * _L) for k in range(BB // _L)]
        pltpu.async_copy(idxT_hbm.at[:, pl.ds(wb, BB)], idx_v, isem)
        pltpu.make_async_copy(idxT_hbm.at[:, pl.ds(wb, BB)], idx_v,
                              isem).wait()

        def prep_fire(s, slot):
            def prep_body(k, c):
                v = idx_v[s, pl.ds(k * _L, _L)]
                pbuf[slot, pl.ds(k * _L, _L)] = v >> 1
                return c
            lax.fori_loop(0, BB // _L, prep_body, 0, unroll=8)
            pltpu.async_copy(table_hbm.at[pbuf.at[slot]], gbufs[slot],
                             gsems[slot])

        def drain_gather(slot):
            pltpu.make_async_copy(table_hbm.at[pbuf.at[slot]], gbufs[slot],
                                  gsems[slot]).wait()

        def select_transpose(s, gslot, oslot):
            gb = gbufs[gslot]
            ob = obufs[oslot]
            cols = []
            for k in range(BB // _L):
                v = idx_v[s, pl.ds(k * _L, _L)]
                cols.append((v & 1) * D)

            @plsc.parallel_loop(0, D, unroll=8, carry=tuple(cols))
            def d_body(d, cv):
                for k in range(BB // _L):
                    vals = plsc.load_gather(gb, [rows[k], cv[k]])
                    ob[d, pl.ds(k * _L, _L)] = vals * _SCALE
                return tuple(c + 1 for c in cv)

        def out_slice(s):
            return out_hbm.at[s, :, pl.ds(wb, BB)]

        for s in range(3):
            prep_fire(s, s)

        def group_body(g, carry):
            for b in range(4):
                s = 4 * g + b
                oslot = b % 2

                @pl.when(s + 3 < S)
                def _prefetch():
                    prep_fire(s + 3, (b + 3) % 4)

                drain_gather(b)

                @pl.when(s >= 2)
                def _wait_prev_out():
                    pltpu.make_async_copy(obufs[oslot], out_slice(s - 2),
                                          osems[oslot]).wait()

                select_transpose(s, b, oslot)
                pltpu.async_copy(obufs[oslot], out_slice(s), osems[oslot])
            return carry

        lax.fori_loop(0, S // 4, group_body, 0)
        for b in range(2):
            s = S - 2 + b
            pltpu.make_async_copy(obufs[s % 2], out_slice(s),
                                  osems[s % 2]).wait()

    return lookup


def kernel(input_tensor, table):
    Bt, S = input_tensor.shape
    V, D = table.shape
    lookup = _build_lookup(S, Bt, D)
    compact = table.reshape(V // 2, 2 * D)
    out3 = lookup(input_tensor.T.astype(jnp.int32), compact)
    return out3.transpose(2, 0, 1)

# --- scband reference (transcript-rebuilt; emitter-appended) ---
"""Pipeline reference for scband-input-embedder-66073776881852 (READ-ONLY COPY).

The authoritative reference and input builder live on the scoring server;
editing this copy changes nothing except your own understanding.
"""

import jax, jax.numpy as jnp
import numpy as np

DIM = 64
VOCAB = 1000000

def setup_inputs(seed: int = 0) -> dict:
    key = jax.random.key(seed)
    k_idx, k_tab = jax.random.split(key)
    input_tensor = jax.random.randint(k_idx, (4096, 200), 0, VOCAB, dtype=jnp.int64 if jax.config.jax_enable_x64 else jnp.int32)
    table = jax.random.normal(k_tab, (VOCAB, DIM), dtype=jnp.float32)
    return {"input_tensor": input_tensor, "table": table}

def reference(input_tensor, table):
    # Embedding lookup followed by sqrt(d) scaling (Vaswani et al. 2017)
    emb = jnp.take(table, input_tensor, axis=0)  # (B, S, D)
    return emb * np.sqrt(DIM).astype(np.float32)

if __name__ == "__main__":
    import jax
    _d = setup_inputs()
    print(jax.jit(kernel)(*tuple(_d.values())))

</pallas_src>

<mosaic_0001>
#map = affine_map<(d0, d1) -> (0, 0)>
#map1 = affine_map<(d0, d1) -> (0, 0, 0)>
module attributes {stable_mosaic.version = 14 : i64} {
  func.func @lookup(%arg0: i32, %arg1: i32, %arg2: memref<200x4096xi32, #tpu.memory_space<hbm>>, %arg3: memref<500000x128xf32, #tpu.memory_space<hbm>>, %arg4: memref<200x64x4096xf32, #tpu.memory_space<hbm>>, %arg5: memref<200x128xi32, #tpu.memory_space<vmem>>, %arg6: memref<4x128xi32, #tpu.memory_space<vmem>>, %arg7: memref<128x128xf32, #tpu.memory_space<vmem>>, %arg8: memref<128x128xf32, #tpu.memory_space<vmem>>, %arg9: memref<128x128xf32, #tpu.memory_space<vmem>>, %arg10: memref<128x128xf32, #tpu.memory_space<vmem>>, %arg11: memref<64x128xf32, #tpu.memory_space<vmem>>, %arg12: memref<64x128xf32, #tpu.memory_space<vmem>>, %arg13: memref<!tpu.dma_semaphore, #tpu.memory_space<semaphore_mem>>, %arg14: memref<!tpu.dma_semaphore, #tpu.memory_space<semaphore_mem>>, %arg15: memref<!tpu.dma_semaphore, #tpu.memory_space<semaphore_mem>>, %arg16: memref<!tpu.dma_semaphore, #tpu.memory_space<semaphore_mem>>, %arg17: memref<!tpu.dma_semaphore, #tpu.memory_space<semaphore_mem>>, %arg18: memref<!tpu.dma_semaphore, #tpu.memory_space<semaphore_mem>>, %arg19: memref<!tpu.dma_semaphore, #tpu.memory_space<semaphore_mem>>) attributes {dimension_semantics = [#tpu.dimension_semantics<core_parallel>, #tpu.dimension_semantics<subcore_parallel>], iteration_bounds = array<i64: 2, 16>, scalar_prefetch = 0 : i64, scratch_operands = 15 : i64, tpu.core_type = #tpu.core_type<sc_vector_subcore>, window_params = [{transform_indices = #map}, {transform_indices = #map}, {transform_indices = #map1}]} {
    %mul3A = arith.constant 2 : i32
    %mul3A_0 = arith.muli %arg1, %mul3A : i32
    %add3A = arith.addi %mul3A_0, %arg0 : i32
    %mul3A_1 = arith.constant 128 : i32
    %mul3A_2 = arith.muli %add3A, %mul3A_1 : i32
    %iota3A = tpu.iota {dimensions = array<i32: 0>} : vector<16xi32>
    %add3A_3 = arith.constant 0 : i32
    %add3A_4 = vector.broadcast %add3A_3 : i32 to vector<16xi32>
    %add3A_5 = arith.addi %iota3A, %add3A_4 : vector<16xi32>
    %add3A_6 = arith.constant 16 : i32
    %add3A_7 = vector.broadcast %add3A_6 : i32 to vector<16xi32>
    %add3A_8 = arith.addi %iota3A, %add3A_7 : vector<16xi32>
    %add3A_9 = arith.constant 32 : i32
    %add3A_10 = vector.broadcast %add3A_9 : i32 to vector<16xi32>
    %add3A_11 = arith.addi %iota3A, %add3A_10 : vector<16xi32>
    %add3A_12 = arith.constant 48 : i32
    %add3A_13 = vector.broadcast %add3A_12 : i32 to vector<16xi32>
    %add3A_14 = arith.addi %iota3A, %add3A_13 : vector<16xi32>
    %add3A_15 = arith.constant 64 : i32
    %add3A_16 = vector.broadcast %add3A_15 : i32 to vector<16xi32>
    %add3A_17 = arith.addi %iota3A, %add3A_16 : vector<16xi32>
    %add3A_18 = arith.constant 80 : i32
    %add3A_19 = vector.broadcast %add3A_18 : i32 to vector<16xi32>
    %add3A_20 = arith.addi %iota3A, %add3A_19 : vector<16xi32>
    %add3A_21 = arith.constant 96 : i32
    %add3A_22 = vector.broadcast %add3A_21 : i32 to vector<16xi32>
    %add3A_23 = arith.addi %iota3A, %add3A_22 : vector<16xi32>
    %add3A_24 = arith.constant 112 : i32
    %add3A_25 = vector.broadcast %add3A_24 : i32 to vector<16xi32>
    %add3A_26 = arith.addi %iota3A, %add3A_25 : vector<16xi32>
    %dma_start3A = arith.constant 0 : i32
    %dma_start3A_27 = tpu.memref_slice %arg2[%dma_start3A, %mul3A_2] : memref<200x4096xi32, #tpu.memory_space<hbm>> -> memref<200x128xi32, #tpu.memory_space<hbm>>
    %dma_start3A_28 = arith.constant 0 : i32
    %dma_start3A_29 = tpu.memref_slice %arg2[%dma_start3A_28, %mul3A_2] : memref<200x4096xi32, #tpu.memory_space<hbm>> -> memref<200x128xi32, #tpu.memory_space<hbm>>
    tpu.enqueue_dma source(%dma_start3A_29 : memref<200x128xi32, #tpu.memory_space<hbm>>) target(%arg5 : memref<200x128xi32, #tpu.memory_space<vmem>>) target_semaphore(%arg13 : memref<!tpu.dma_semaphore, #tpu.memory_space<semaphore_mem>>)
    %dma_wait3A = arith.constant 0 : i32
    %dma_wait3A_30 = tpu.memref_slice %arg2[%dma_wait3A, %mul3A_2] : memref<200x4096xi32, #tpu.memory_space<hbm>> -> memref<200x128xi32, #tpu.memory_space<hbm>>
    %dma_wait3A_31 = arith.constant 0 : i32
    %dma_wait3A_32 = tpu.memref_slice %arg2[%dma_wait3A_31, %mul3A_2] : memref<200x4096xi32, #tpu.memory_space<hbm>> -> memref<200x128xi32, #tpu.memory_space<hbm>>
    tpu.wait_dma2 semaphore(%arg13 : memref<!tpu.dma_semaphore, #tpu.memory_space<semaphore_mem>>) src(%dma_wait3A_32 : memref<200x128xi32, #tpu.memory_space<hbm>>) dst(%arg5 : memref<200x128xi32, #tpu.memory_space<vmem>>)
    %scan3A = arith.constant 0 : i32
    %scan3A_33 = arith.constant 0 : i32
    %mul3A_34 = arith.constant 16 : i32
    %mul3A_35 = arith.muli %scan3A_33, %mul3A_34 : i32
    %get3A = arith.constant 0 : i32
    %get3A_36 = arith.index_cast %get3A : i32 to index
    %get3A_37 = arith.index_cast %mul3A_35 : i32 to index
    %get3A_38 = tpu.vector_load %arg5[%get3A_36, %get3A_37] {strides = array<i32>} : memref<200x128xi32, #tpu.memory_space<vmem>>, vector<16xi32>,
    %shift_right_arithmetic3A = arith.constant 1 : i32
    %shift_right_arithmetic3A_39 = vector.broadcast %shift_right_arithmetic3A : i32 to vector<16xi32>
    %shift_right_arithmetic3A_40 = arith.shrsi %get3A_38, %shift_right_arithmetic3A_39 : vector<16xi32>
    %mul3A_41 = arith.constant 16 : i32
    %mul3A_42 = arith.muli %scan3A_33, %mul3A_41 : i32
    %swap3A = arith.constant 0 : i32
    %swap3A_43 = arith.index_cast %swap3A : i32 to index
    %swap3A_44 = arith.index_cast %mul3A_42 : i32 to index
    %swap3A_45 = tpu.vector_load %arg6[%swap3A_43, %swap3A_44] {strides = array<i32>} : memref<4x128xi32, #tpu.memory_space<vmem>>, vector<16xi32>,
    tpu.vector_store %arg6[%swap3A_43, %swap3A_44], %shift_right_arithmetic3A_40 {strides = array<i32>} : memref<4x128xi32, #tpu.memory_space<vmem>>, vector<16xi32>,
    %scan3A_46 = arith.constant 1 : i32
    %mul3A_47 = arith.constant 16 : i32
    %mul3A_48 = arith.muli %scan3A_46, %mul3A_47 : i32
    %get3A_49 = arith.constant 0 : i32
    %get3A_50 = arith.index_cast %get3A_49 : i32 to index
    %get3A_51 = arith.index_cast %mul3A_48 : i32 to index
    %get3A_52 = tpu.vector_load %arg5[%get3A_50, %get3A_51] {strides = array<i32>} : memref<200x128xi32, #tpu.memory_space<vmem>>, vector<16xi32>,
    %shift_right_arithmetic3A_53 = arith.constant 1 : i32
    %shift_right_arithmetic3A_54 = vector.broadcast %shift_right_arithmetic3A_53 : i32 to vector<16xi32>
    %shift_right_arithmetic3A_55 = arith.shrsi %get3A_52, %shift_right_arithmetic3A_54 : vector<16xi32>
    %mul3A_56 = arith.constant 16 : i32
    %mul3A_57 = arith.muli %scan3A_46, %mul3A_56 : i32
    %swap3A_58 = arith.constant 0 : i32
    %swap3A_59 = arith.index_cast %swap3A_58 : i32 to index
    %swap3A_60 = arith.index_cast %mul3A_57 : i32 to index
    %swap3A_61 = tpu.vector_load %arg6[%swap3A_59, %swap3A_60] {strides = array<i32>} : memref<4x128xi32, #tpu.memory_space<vmem>>, vector<16xi32>,
    tpu.vector_store %arg6[%swap3A_59, %swap3A_60], %shift_right_arithmetic3A_55 {strides = array<i32>} : memref<4x128xi32, #tpu.memory_space<vmem>>, vector<16xi32>,
    %scan3A_62 = arith.constant 2 : i32
    %mul3A_63 = arith.constant 16 : i32
    %mul3A_64 = arith.muli %scan3A_62, %mul3A_63 : i32
    %get3A_65 = arith.constant 0 : i32
    %get3A_66 = arith.index_cast %get3A_65 : i32 to index
    %get3A_67 = arith.index_cast %mul3A_64 : i32 to index
    %get3A_68 = tpu.vector_load %arg5[%get3A_66, %get3A_67] {strides = array<i32>} : memref<200x128xi32, #tpu.memory_space<vmem>>, vector<16xi32>,
    %shift_right_arithmetic3A_69 = arith.constant 1 : i32
    %shift_right_arithmetic3A_70 = vector.broadcast %shift_right_arithmetic3A_69 : i32 to vector<16xi32>
    %shift_right_arithmetic3A_71 = arith.shrsi %get3A_68, %shift_right_arithmetic3A_70 : vector<16xi32>
    %mul3A_72 = arith.constant 16 : i32
    %mul3A_73 = arith.muli %scan3A_62, %mul3A_72 : i32
    %swap3A_74 = arith.constant 0 : i32
    %swap3A_75 = arith.index_cast %swap3A_74 : i32 to index
    %swap3A_76 = arith.index_cast %mul3A_73 : i32 to index
    %swap3A_77 = tpu.vector_load %arg6[%swap3A_75, %swap3A_76] {strides = array<i32>} : memref<4x128xi32, #tpu.memory_space<vmem>>, vector<16xi32>,
    tpu.vector_store %arg6[%swap3A_75, %swap3A_76], %shift_right_arithmetic3A_71 {strides = array<i32>} : memref<4x128xi32, #tpu.memory_space<vmem>>, vector<16xi32>,
    %scan3A_78 = arith.constant 3 : i32
    %mul3A_79 = arith.constant 16 : i32
    %mul3A_80 = arith.muli %scan3A_78, %mul3A_79 : i32
    %get3A_81 = arith.constant 0 : i32
    %get3A_82 = arith.index_cast %get3A_81 : i32 to index
    %get3A_83 = arith.index_cast %mul3A_80 : i32 to index
    %get3A_84 = tpu.vector_load %arg5[%get3A_82, %get3A_83] {strides = array<i32>} : memref<200x128xi32, #tpu.memory_space<vmem>>, vector<16xi32>,
    %shift_right_arithmetic3A_85 = arith.constant 1 : i32
    %shift_right_arithmetic3A_86 = vector.broadcast %shift_right_arithmetic3A_85 : i32 to vector<16xi32>
    %shift_right_arithmetic3A_87 = arith.shrsi %get3A_84, %shift_right_arithmetic3A_86 : vector<16xi32>
    %mul3A_88 = arith.constant 16 : i32
    %mul3A_89 = arith.muli %scan3A_78, %mul3A_88 : i32
    %swap3A_90 = arith.constant 0 : i32
    %swap3A_91 = arith.index_cast %swap3A_90 : i32 to index
    %swap3A_92 = arith.index_cast %mul3A_89 : i32 to index
    %swap3A_93 = tpu.vector_load %arg6[%swap3A_91, %swap3A_92] {strides = array<i32>} : memref<4x128xi32, #tpu.memory_space<vmem>>, vector<16xi32>,
    tpu.vector_store %arg6[%swap3A_91, %swap3A_92], %shift_right_arithmetic3A_87 {strides = array<i32>} : memref<4x128xi32, #tpu.memory_space<vmem>>, vector<16xi32>,
    %scan3A_94 = arith.constant 4 : i32
    %mul3A_95 = arith.constant 16 : i32
    %mul3A_96 = arith.muli %scan3A_94, %mul3A_95 : i32
    %get3A_97 = arith.constant 0 : i32
    %get3A_98 = arith.index_cast %get3A_97 : i32 to index
    %get3A_99 = arith.index_cast %mul3A_96 : i32 to index
    %get3A_100 = tpu.vector_load %arg5[%get3A_98, %get3A_99] {strides = array<i32>} : memref<200x128xi32, #tpu.memory_space<vmem>>, vector<16xi32>,
    %shift_right_arithmetic3A_101 = arith.constant 1 : i32
    %shift_right_arithmetic3A_102 = vector.broadcast %shift_right_arithmetic3A_101 : i32 to vector<16xi32>
    %shift_right_arithmetic3A_103 = arith.shrsi %get3A_100, %shift_right_arithmetic3A_102 : vector<16xi32>
    %mul3A_104 = arith.constant 16 : i32
    %mul3A_105 = arith.muli %scan3A_94, %mul3A_104 : i32
    %swap3A_106 = arith.constant 0 : i32
    %swap3A_107 = arith.index_cast %swap3A_106 : i32 to index
    %swap3A_108 = arith.index_cast %mul3A_105 : i32 to index
    %swap3A_109 = tpu.vector_load %arg6[%swap3A_107, %swap3A_108] {strides = array<i32>} : memref<4x128xi32, #tpu.memory_space<vmem>>, vector<16xi32>,
    tpu.vector_store %arg6[%swap3A_107, %swap3A_108], %shift_right_arithmetic3A_103 {strides = array<i32>} : memref<4x128xi32, #tpu.memory_space<vmem>>, vector<16xi32>,
    %scan3A_110 = arith.constant 5 : i32
    %mul3A_111 = arith.constant 16 : i32
    %mul3A_112 = arith.muli %scan3A_110, %mul3A_111 : i32
    %get3A_113 = arith.constant 0 : i32
    %get3A_114 = arith.index_cast %get3A_113 : i32 to index
    %get3A_115 = arith.index_cast %mul3A_112 : i32 to index
    %get3A_116 = tpu.vector_load %arg5[%get3A_114, %get3A_115] {strides = array<i32>} : memref<200x128xi32, #tpu.memory_space<vmem>>, vector<16xi32>,
    %shift_right_arithmetic3A_117 = arith.constant 1 : i32
    %shift_right_arithmetic3A_118 = vector.broadcast %shift_right_arithmetic3A_117 : i32 to vector<16xi32>
    %shift_right_arithmetic3A_119 = arith.shrsi %get3A_116, %shift_right_arithmetic3A_118 : vector<16xi32>
    %mul3A_120 = arith.constant 16 : i32
    %mul3A_121 = arith.muli %scan3A_110, %mul3A_120 : i32
    %swap3A_122 = arith.constant 0 : i32
    %swap3A_123 = arith.index_cast %swap3A_122 : i32 to index
    %swap3A_124 = arith.index_cast %mul3A_121 : i32 to index
    %swap3A_125 = tpu.vector_load %arg6[%swap3A_123, %swap3A_124] {strides = array<i32>} : memref<4x128xi32, #tpu.memory_space<vmem>>, vector<16xi32>,
    tpu.vector_store %arg6[%swap3A_123, %swap3A_124], %shift_right_arithmetic3A_119 {strides = array<i32>} : memref<4x128xi32, #tpu.memory_space<vmem>>, vector<16xi32>,
    %scan3A_126 = arith.constant 6 : i32
    %mul3A_127 = arith.constant 16 : i32
    %mul3A_128 = arith.muli %scan3A_126, %mul3A_127 : i32
    %get3A_129 = arith.constant 0 : i32
    %get3A_130 = arith.index_cast %get3A_129 : i32 to index
    %get3A_131 = arith.index_cast %mul3A_128 : i32 to index
    %get3A_132 = tpu.vector_load %arg5[%get3A_130, %get3A_131] {strides = array<i32>} : memref<200x128xi32, #tpu.memory_space<vmem>>, vector<16xi32>,
    %shift_right_arithmetic3A_133 = arith.constant 1 : i32
    %shift_right_arithmetic3A_134 = vector.broadcast %shift_right_arithmetic3A_133 : i32 to vector<16xi32>
    %shift_right_arithmetic3A_135 = arith.shrsi %get3A_132, %shift_right_arithmetic3A_134 : vector<16xi32>
    %mul3A_136 = arith.constant 16 : i32
    %mul3A_137 = arith.muli %scan3A_126, %mul3A_136 : i32
    %swap3A_138 = arith.constant 0 : i32
    %swap3A_139 = arith.index_cast %swap3A_138 : i32 to index
    %swap3A_140 = arith.index_cast %mul3A_137 : i32 to index
    %swap3A_141 = tpu.vector_load %arg6[%swap3A_139, %swap3A_140] {strides = array<i32>} : memref<4x128xi32, #tpu.memory_space<vmem>>, vector<16xi32>,
    tpu.vector_store %arg6[%swap3A_139, %swap3A_140], %shift_right_arithmetic3A_135 {strides = array<i32>} : memref<4x128xi32, #tpu.memory_space<vmem>>, vector<16xi32>,
    %scan3A_142 = arith.constant 7 : i32
    %mul3A_143 = arith.constant 16 : i32
    %mul3A_144 = arith.muli %scan3A_142, %mul3A_143 : i32
    %get3A_145 = arith.constant 0 : i32
    %get3A_146 = arith.index_cast %get3A_145 : i32 to index
    %get3A_147 = arith.index_cast %mul3A_144 : i32 to index
    %get3A_148 = tpu.vector_load %arg5[%get3A_146, %get3A_147] {strides = array<i32>} : memref<200x128xi32, #tpu.memory_space<vmem>>, vector<16xi32>,
    %shift_right_arithmetic3A_149 = arith.constant 1 : i32
    %shift_right_arithmetic3A_150 = vector.broadcast %shift_right_arithmetic3A_149 : i32 to vector<16xi32>
    %shift_right_arithmetic3A_151 = arith.shrsi %get3A_148, %shift_right_arithmetic3A_150 : vector<16xi32>
    %mul3A_152 = arith.constant 16 : i32
    %mul3A_153 = arith.muli %scan3A_142, %mul3A_152 : i32
    %swap3A_154 = arith.constant 0 : i32
    %swap3A_155 = arith.index_cast %swap3A_154 : i32 to index
    %swap3A_156 = arith.index_cast %mul3A_153 : i32 to index
    %swap3A_157 = tpu.vector_load %arg6[%swap3A_155, %swap3A_156] {strides = array<i32>} : memref<4x128xi32, #tpu.memory_space<vmem>>, vector<16xi32>,
    tpu.vector_store %arg6[%swap3A_155, %swap3A_156], %shift_right_arithmetic3A_151 {strides = array<i32>} : memref<4x128xi32, #tpu.memory_space<vmem>>, vector<16xi32>,
    %scan3A_158 = arith.constant 8 : i32
    %dma_start3A_159 = arith.constant 0 : i32
    %dma_start3A_160 = arith.constant 0 : i32
    %dma_start3A_161 = tpu.memref_slice %arg6[%dma_start3A_159, %dma_start3A_160] : memref<4x128xi32, #tpu.memory_space<vmem>> -> memref<1x128xi32, #tpu.memory_space<vmem>>
    %dma_start3A_162 = tpu.memref_squeeze %dma_start3A_161 : memref<1x128xi32, #tpu.memory_space<vmem>> -> memref<128xi32, #tpu.memory_space<vmem>>
    %dma_start3A_163 = arith.constant 0 : i32
    %dma_start3A_164 = arith.constant 0 : i32
    %dma_start3A_165 = tpu.memref_slice %arg3[%dma_start3A_163, %dma_start3A_164] : memref<500000x128xf32, #tpu.memory_space<hbm>> -> memref<500000x128xf32, #tpu.memory_space<hbm>>
    tpu.enqueue_indirect_dma source(%dma_start3A_165 : memref<500000x128xf32, #tpu.memory_space<hbm>>) target(%arg7 : memref<128x128xf32, #tpu.memory_space<vmem>>) offsets(%dma_start3A_162 : memref<128xi32, #tpu.memory_space<vmem>>) semaphore(%arg14 : memref<!tpu.dma_semaphore, #tpu.memory_space<semaphore_mem>>)
    %scan3A_166 = arith.constant 0 : i32
    %scan3A_167 = arith.constant 0 : i32
    %mul3A_168 = arith.constant 16 : i32
    %mul3A_169 = arith.muli %scan3A_167, %mul3A_168 : i32
    %get3A_170 = arith.constant 1 : i32
    %get3A_171 = arith.index_cast %get3A_170 : i32 to index
    %get3A_172 = arith.index_cast %mul3A_169 : i32 to index
    %get3A_173 = tpu.vector_load %arg5[%get3A_171, %get3A_172] {strides = array<i32>} : memref<200x128xi32, #tpu.memory_space<vmem>>, vector<16xi32>,
    %shift_right_arithmetic3A_174 = arith.constant 1 : i32
    %shift_right_arithmetic3A_175 = vector.broadcast %shift_right_arithmetic3A_174 : i32 to vector<16xi32>
    %shift_right_arithmetic3A_176 = arith.shrsi %get3A_173, %shift_right_arithmetic3A_175 : vector<16xi32>
    %mul3A_177 = arith.constant 16 : i32
    %mul3A_178 = arith.muli %scan3A_167, %mul3A_177 : i32
    %swap3A_179 = arith.constant 1 : i32
    %swap3A_180 = arith.index_cast %swap3A_179 : i32 to index
    %swap3A_181 = arith.index_cast %mul3A_178 : i32 to index
    %swap3A_182 = tpu.vector_load %arg6[%swap3A_180, %swap3A_181] {strides = array<i32>} : memref<4x128xi32, #tpu.memory_space<vmem>>, vector<16xi32>,
    tpu.vector_store %arg6[%swap3A_180, %swap3A_181], %shift_right_arithmetic3A_176 {strides = array<i32>} : memref<4x128xi32, #tpu.memory_space<vmem>>, vector<16xi32>,
    %scan3A_183 = arith.constant 1 : i32
    %mul3A_184 = arith.constant 16 : i32
    %mul3A_185 = arith.muli %scan3A_183, %mul3A_184 : i32
    %get3A_186 = arith.constant 1 : i32
    %get3A_187 = arith.index_cast %get3A_186 : i32 to index
    %get3A_188 = arith.index_cast %mul3A_185 : i32 to index
    %get3A_189 = tpu.vector_load %arg5[%get3A_187, %get3A_188] {strides = array<i32>} : memref<200x128xi32, #tpu.memory_space<vmem>>, vector<16xi32>,
    %shift_right_arithmetic3A_190 = arith.constant 1 : i32
    %shift_right_arithmetic3A_191 = vector.broadcast %shift_right_arithmetic3A_190 : i32 to vector<16xi32>
    %shift_right_arithmetic3A_192 = arith.shrsi %get3A_189, %shift_right_arithmetic3A_191 : vector<16xi32>
    %mul3A_193 = arith.constant 16 : i32
    %mul3A_194 = arith.muli %scan3A_183, %mul3A_193 : i32
    %swap3A_195 = arith.constant 1 : i32
    %swap3A_196 = arith.index_cast %swap3A_195 : i32 to index
    %swap3A_197 = arith.index_cast %mul3A_194 : i32 to index
    %swap3A_198 = tpu.vector_load %arg6[%swap3A_196, %swap3A_197] {strides = array<i32>} : memref<4x128xi32, #tpu.memory_space<vmem>>, vector<16xi32>,
    tpu.vector_store %arg6[%swap3A_196, %swap3A_197], %shift_right_arithmetic3A_192 {strides = array<i32>} : memref<4x128xi32, #tpu.memory_space<vmem>>, vector<16xi32>,
    %scan3A_199 = arith.constant 2 : i32
    %mul3A_200 = arith.constant 16 : i32
    %mul3A_201 = arith.muli %scan3A_199, %mul3A_200 : i32
    %get3A_202 = arith.constant 1 : i32
    %get3A_203 = arith.index_cast %get3A_202 : i32 to index
    %get3A_204 = arith.index_cast %mul3A_201 : i32 to index
    %get3A_205 = tpu.vector_load %arg5[%get3A_203, %get3A_204] {strides = array<i32>} : memref<200x128xi32, #tpu.memory_space<vmem>>, vector<16xi32>,
    %shift_right_arithmetic3A_206 = arith.constant 1 : i32
    %shift_right_arithmetic3A_207 = vector.broadcast %shift_right_arithmetic3A_206 : i32 to vector<16xi32>
    %shift_right_arithmetic3A_208 = arith.shrsi %get3A_205, %shift_right_arithmetic3A_207 : vector<16xi32>
    %mul3A_209 = arith.constant 16 : i32
    %mul3A_210 = arith.muli %scan3A_199, %mul3A_209 : i32
    %swap3A_211 = arith.constant 1 : i32
    %swap3A_212 = arith.index_cast %swap3A_211 : i32 to index
    %swap3A_213 = arith.index_cast %mul3A_210 : i32 to index
    %swap3A_214 = tpu.vector_load %arg6[%swap3A_212, %swap3A_213] {strides = array<i32>} : memref<4x128xi32, #tpu.memory_space<vmem>>, vector<16xi32>,
    tpu.vector_store %arg6[%swap3A_212, %swap3A_213], %shift_right_arithmetic3A_208 {strides = array<i32>} : memref<4x128xi32, #tpu.memory_space<vmem>>, vector<16xi32>,
    %scan3A_215 = arith.constant 3 : i32
    %mul3A_216 = arith.constant 16 : i32
    %mul3A_217 = arith.muli %scan3A_215, %mul3A_216 : i32
    %get3A_218 = arith.constant 1 : i32
    %get3A_219 = arith.index_cast %get3A_218 : i32 to index
    %get3A_220 = arith.index_cast %mul3A_217 : i32 to index
    %get3A_221 = tpu.vector_load %arg5[%get3A_219, %get3A_220] {strides = array<i32>} : memref<200x128xi32, #tpu.memory_space<vmem>>, vector<16xi32>,
    %shift_right_arithmetic3A_222 = arith.constant 1 : i32
    %shift_right_arithmetic3A_223 = vector.broadcast %shift_right_arithmetic3A_222 : i32 to vector<16xi32>
    %shift_right_arithmetic3A_224 = arith.shrsi %get3A_221, %shift_right_arithmetic3A_223 : vector<16xi32>
    %mul3A_225 = arith.constant 16 : i32
    %mul3A_226 = arith.muli %scan3A_215, %mul3A_225 : i32
    %swap3A_227 = arith.constant 1 : i32
    %swap3A_228 = arith.index_cast %swap3A_227 : i32 to index
    %swap3A_229 = arith.index_cast %mul3A_226 : i32 to index
    %swap3A_230 = tpu.vector_load %arg6[%swap3A_228, %swap3A_229] {strides = array<i32>} : memref<4x128xi32, #tpu.memory_space<vmem>>, vector<16xi32>,
    tpu.vector_store %arg6[%swap3A_228, %swap3A_229], %shift_right_arithmetic3A_224 {strides = array<i32>} : memref<4x128xi32, #tpu.memory_space<vmem>>, vector<16xi32>,
    %scan3A_231 = arith.constant 4 : i32
    %mul3A_232 = arith.constant 16 : i32
    %mul3A_233 = arith.muli %scan3A_231, %mul3A_232 : i32
    %get3A_234 = arith.constant 1 : i32
    %get3A_235 = arith.index_cast %get3A_234 : i32 to index
    %get3A_236 = arith.index_cast %mul3A_233 : i32 to index
    %get3A_237 = tpu.vector_load %arg5[%get3A_235, %get3A_236] {strides = array<i32>} : memref<200x128xi32, #tpu.memory_space<vmem>>, vector<16xi32>,
    %shift_right_arithmetic3A_238 = arith.constant 1 : i32
    %shift_right_arithmetic3A_239 = vector.broadcast %shift_right_arithmetic3A_238 : i32 to vector<16xi32>
    %shift_right_arithmetic3A_240 = arith.shrsi %get3A_237, %shift_right_arithmetic3A_239 : vector<16xi32>
    %mul3A_241 = arith.constant 16 : i32
    %mul3A_242 = arith.muli %scan3A_231, %mul3A_241 : i32
    %swap3A_243 = arith.constant 1 : i32
    %swap3A_244 = arith.index_cast %swap3A_243 : i32 to index
    %swap3A_245 = arith.index_cast %mul3A_242 : i32 to index
    %swap3A_246 = tpu.vector_load %arg6[%swap3A_244, %swap3A_245] {strides = array<i32>} : memref<4x128xi32, #tpu.memory_space<vmem>>, vector<16xi32>,
    tpu.vector_store %arg6[%swap3A_244, %swap3A_245], %shift_right_arithmetic3A_240 {strides = array<i32>} : memref<4x128xi32, #tpu.memory_space<vmem>>, vector<16xi32>,
    %scan3A_247 = arith.constant 5 : i32
    %mul3A_248 = arith.constant 16 : i32
    %mul3A_249 = arith.muli %scan3A_247, %mul3A_248 : i32
    %get3A_250 = arith.constant 1 : i32
    %get3A_251 = arith.index_cast %get3A_250 : i32 to index
    %get3A_252 = arith.index_cast %mul3A_249 : i32 to index
    %get3A_253 = tpu.vector_load %arg5[%get3A_251, %get3A_252] {strides = array<i32>} : memref<200x128xi32, #tpu.memory_space<vmem>>, vector<16xi32>,
    %shift_right_arithmetic3A_254 = arith.constant 1 : i32
    %shift_right_arithmetic3A_255 = vector.broadcast %shift_right_arithmetic3A_254 : i32 to vector<16xi32>
    %shift_right_arithmetic3A_256 = arith.shrsi %get3A_253, %shift_right_arithmetic3A_255 : vector<16xi32>
    %mul3A_257 = arith.constant 16 : i32
    %mul3A_258 = arith.muli %scan3A_247, %mul3A_257 : i32
    %swap3A_259 = arith.constant 1 : i32
    %swap3A_260 = arith.index_cast %swap3A_259 : i32 to index
    %swap3A_261 = arith.index_cast %mul3A_258 : i32 to index
    %swap3A_262 = tpu.vector_load %arg6[%swap3A_260, %swap3A_261] {strides = array<i32>} : memref<4x128xi32, #tpu.memory_space<vmem>>, vector<16xi32>,
    tpu.vector_store %arg6[%swap3A_260, %swap3A_261], %shift_right_arithmetic3A_256 {strides = array<i32>} : memref<4x128xi32, #tpu.memory_space<vmem>>, vector<16xi32>,
    %scan3A_263 = arith.constant 6 : i32
    %mul3A_264 = arith.constant 16 : i32
    %mul3A_265 = arith.muli %scan3A_263, %mul3A_264 : i32
    %get3A_266 = arith.constant 1 : i32
    %get3A_267 = arith.index_cast %get3A_266 : i32 to index
    %get3A_268 = arith.index_cast %mul3A_265 : i32 to index
    %get3A_269 = tpu.vector_load %arg5[%get3A_267, %get3A_268] {strides = array<i32>} : memref<200x128xi32, #tpu.memory_space<vmem>>, vector<16xi32>,
    %shift_right_arithmetic3A_270 = arith.constant 1 : i32
    %shift_right_arithmetic3A_271 = vector.broadcast %shift_right_arithmetic3A_270 : i32 to vector<16xi32>
    %shift_right_arithmetic3A_272 = arith.shrsi %get3A_269, %shift_right_arithmetic3A_271 : vector<16xi32>
    %mul3A_273 = arith.constant 16 : i32
    %mul3A_274 = arith.muli %scan3A_263, %mul3A_273 : i32
    %swap3A_275 = arith.constant 1 : i32
    %swap3A_276 = arith.index_cast %swap3A_275 : i32 to index
    %swap3A_277 = arith.index_cast %mul3A_274 : i32 to index
    %swap3A_278 = tpu.vector_load %arg6[%swap3A_276, %swap3A_277] {strides = array<i32>} : memref<4x128xi32, #tpu.memory_space<vmem>>, vector<16xi32>,
    tpu.vector_store %arg6[%swap3A_276, %swap3A_277], %shift_right_arithmetic3A_272 {strides = array<i32>} : memref<4x128xi32, #tpu.memory_space<vmem>>, vector<16xi32>,
    %scan3A_279 = arith.constant 7 : i32
    %mul3A_280 = arith.constant 16 : i32
    %mul3A_281 = arith.muli %scan3A_279, %mul3A_280 : i32
    %get3A_282 = arith.constant 1 : i32
    %get3A_283 = arith.index_cast %get3A_282 : i32 to index
    %get3A_284 = arith.index_cast %mul3A_281 : i32 to index
    %get3A_285 = tpu.vector_load %arg5[%get3A_283, %get3A_284] {strides = array<i32>} : memref<200x128xi32, #tpu.memory_space<vmem>>, vector<16xi32>,
    %shift_right_arithmetic3A_286 = arith.constant 1 : i32
    %shift_right_arithmetic3A_287 = vector.broadcast %shift_right_arithmetic3A_286 : i32 to vector<16xi32>
    %shift_right_arithmetic3A_288 = arith.shrsi %get3A_285, %shift_right_arithmetic3A_287 : vector<16xi32>
    %mul3A_289 = arith.constant 16 : i32
    %mul3A_290 = arith.muli %scan3A_279, %mul3A_289 : i32
    %swap3A_291 = arith.constant 1 : i32
    %swap3A_292 = arith.index_cast %swap3A_291 : i32 to index
    %swap3A_293 = arith.index_cast %mul3A_290 : i32 to index
    %swap3A_294 = tpu.vector_load %arg6[%swap3A_292, %swap3A_293] {strides = array<i32>} : memref<4x128xi32, #tpu.memory_space<vmem>>, vector<16xi32>,
    tpu.vector_store %arg6[%swap3A_292, %swap3A_293], %shift_right_arithmetic3A_288 {strides = array<i32>} : memref<4x128xi32, #tpu.memory_space<vmem>>, vector<16xi32>,
    %scan3A_295 = arith.constant 8 : i32
    %dma_start3A_296 = arith.constant 1 : i32
    %dma_start3A_297 = arith.constant 0 : i32
    %dma_start3A_298 = tpu.memref_slice %arg6[%dma_start3A_296, %dma_start3A_297] : memref<4x128xi32, #tpu.memory_space<vmem>> -> memref<1x128xi32, #tpu.memory_space<vmem>>
    %dma_start3A_299 = tpu.memref_squeeze %dma_start3A_298 : memref<1x128xi32, #tpu.memory_space<vmem>> -> memref<128xi32, #tpu.memory_space<vmem>>
    %dma_start3A_300 = arith.constant 0 : i32
    %dma_start3A_301 = arith.constant 0 : i32
    %dma_start3A_302 = tpu.memref_slice %arg3[%dma_start3A_300, %dma_start3A_301] : memref<500000x128xf32, #tpu.memory_space<hbm>> -> memref<500000x128xf32, #tpu.memory_space<hbm>>
    tpu.enqueue_indirect_dma source(%dma_start3A_302 : memref<500000x128xf32, #tpu.memory_space<hbm>>) target(%arg8 : memref<128x128xf32, #tpu.memory_space<vmem>>) offsets(%dma_start3A_299 : memref<128xi32, #tpu.memory_space<vmem>>) semaphore(%arg15 : memref<!tpu.dma_semaphore, #tpu.memory_space<semaphore_mem>>)
    %scan3A_303 = arith.constant 0 : i32
    %scan3A_304 = arith.constant 0 : i32
    %mul3A_305 = arith.constant 16 : i32
    %mul3A_306 = arith.muli %scan3A_304, %mul3A_305 : i32
    %get3A_307 = arith.constant 2 : i32
    %get3A_308 = arith.index_cast %get3A_307 : i32 to index
    %get3A_309 = arith.index_cast %mul3A_306 : i32 to index
    %get3A_310 = tpu.vector_load %arg5[%get3A_308, %get3A_309] {strides = array<i32>} : memref<200x128xi32, #tpu.memory_space<vmem>>, vector<16xi32>,
    %shift_right_arithmetic3A_311 = arith.constant 1 : i32
    %shift_right_arithmetic3A_312 = vector.broadcast %shift_right_arithmetic3A_311 : i32 to vector<16xi32>
    %shift_right_arithmetic3A_313 = arith.shrsi %get3A_310, %shift_right_arithmetic3A_312 : vector<16xi32>
    %mul3A_314 = arith.constant 16 : i32
    %mul3A_315 = arith.muli %scan3A_304, %mul3A_314 : i32
    %swap3A_316 = arith.constant 2 : i32
    %swap3A_317 = arith.index_cast %swap3A_316 : i32 to index
    %swap3A_318 = arith.index_cast %mul3A_315 : i32 to index
    %swap3A_319 = tpu.vector_load %arg6[%swap3A_317, %swap3A_318] {strides = array<i32>} : memref<4x128xi32, #tpu.memory_space<vmem>>, vector<16xi32>,
    tpu.vector_store %arg6[%swap3A_317, %swap3A_318], %shift_right_arithmetic3A_313 {strides = array<i32>} : memref<4x128xi32, #tpu.memory_space<vmem>>, vector<16xi32>,
    %scan3A_320 = arith.constant 1 : i32
    %mul3A_321 = arith.constant 16 : i32
    %mul3A_322 = arith.muli %scan3A_320, %mul3A_321 : i32
    %get3A_323 = arith.constant 2 : i32
    %get3A_324 = arith.index_cast %get3A_323 : i32 to index
    %get3A_325 = arith.index_cast %mul3A_322 : i32 to index
    %get3A_326 = tpu.vector_load %arg5[%get3A_324, %get3A_325] {strides = array<i32>} : memref<200x128xi32, #tpu.memory_space<vmem>>, vector<16xi32>,
    %shift_right_arithmetic3A_327 = arith.constant 1 : i32
    %shift_right_arithmetic3A_328 = vector.broadcast %shift_right_arithmetic3A_327 : i32 to vector<16xi32>
    %shift_right_arithmetic3A_329 = arith.shrsi %get3A_326, %shift_right_arithmetic3A_328 : vector<16xi32>
    %mul3A_330 = arith.constant 16 : i32
    %mul3A_331 = arith.muli %scan3A_320, %mul3A_330 : i32
    %swap3A_332 = arith.constant 2 : i32
    %swap3A_333 = arith.index_cast %swap3A_332 : i32 to index
    %swap3A_334 = arith.index_cast %mul3A_331 : i32 to index
    %swap3A_335 = tpu.vector_load %arg6[%swap3A_333, %swap3A_334] {strides = array<i32>} : memref<4x128xi32, #tpu.memory_space<vmem>>, vector<16xi32>,
    tpu.vector_store %arg6[%swap3A_333, %swap3A_334], %shift_right_arithmetic3A_329 {strides = array<i32>} : memref<4x128xi32, #tpu.memory_space<vmem>>, vector<16xi32>,
    %scan3A_336 = arith.constant 2 : i32
    %mul3A_337 = arith.constant 16 : i32
    %mul3A_338 = arith.muli %scan3A_336, %mul3A_337 : i32
    %get3A_339 = arith.constant 2 : i32
    %get3A_340 = arith.index_cast %get3A_339 : i32 to index
    %get3A_341 = arith.index_cast %mul3A_338 : i32 to index
    %get3A_342 = tpu.vector_load %arg5[%get3A_340, %get3A_341] {strides = array<i32>} : memref<200x128xi32, #tpu.memory_space<vmem>>, vector<16xi32>,
    %shift_right_arithmetic3A_343 = arith.constant 1 : i32
    %shift_right_arithmetic3A_344 = vector.broadcast %shift_right_arithmetic3A_343 : i32 to vector<16xi32>
    %shift_right_arithmetic3A_345 = arith.shrsi %get3A_342, %shift_right_arithmetic3A_344 : vector<16xi32>
    %mul3A_346 = arith.constant 16 : i32
    %mul3A_347 = arith.muli %scan3A_336, %mul3A_346 : i32
    %swap3A_348 = arith.constant 2 : i32
    %swap3A_349 = arith.index_cast %swap3A_348 : i32 to index
    %swap3A_350 = arith.index_cast %mul3A_347 : i32 to index
    %swap3A_351 = tpu.vector_load %arg6[%swap3A_349, %swap3A_350] {strides = array<i32>} : memref<4x128xi32, #tpu.memory_space<vmem>>, vector<16xi32>,
    tpu.vector_store %arg6[%swap3A_349, %swap3A_350], %shift_right_arithmetic3A_345 {strides = array<i32>} : memref<4x128xi32, #tpu.memory_space<vmem>>, vector<16xi32>,
    %scan3A_352 = arith.constant 3 : i32
    %mul3A_353 = arith.constant 16 : i32
    %mul3A_354 = arith.muli %scan3A_352, %mul3A_353 : i32
    %get3A_355 = arith.constant 2 : i32
    %get3A_356 = arith.index_cast %get3A_355 : i32 to index
    %get3A_357 = arith.index_cast %mul3A_354 : i32 to index
    %get3A_358 = tpu.vector_load %arg5[%get3A_356, %get3A_357] {strides = array<i32>} : memref<200x128xi32, #tpu.memory_space<vmem>>, vector<16xi32>,
    %shift_right_arithmetic3A_359 = arith.constant 1 : i32
    %shift_right_arithmetic3A_360 = vector.broadcast %shift_right_arithmetic3A_359 : i32 to vector<16xi32>
    %shift_right_arithmetic3A_361 = arith.shrsi %get3A_358, %shift_right_arithmetic3A_360 : vector<16xi32>
    %mul3A_362 = arith.constant 16 : i32
    %mul3A_363 = arith.muli %scan3A_352, %mul3A_362 : i32
    %swap3A_364 = arith.constant 2 : i32
    %swap3A_365 = arith.index_cast %swap3A_364 : i32 to index
    %swap3A_366 = arith.index_cast %mul3A_363 : i32 to index
    %swap3A_367 = tpu.vector_load %arg6[%swap3A_365, %swap3A_366] {strides = array<i32>} : memref<4x128xi32, #tpu.memory_space<vmem>>, vector<16xi32>,
    tpu.vector_store %arg6[%swap3A_365, %swap3A_366], %shift_right_arithmetic3A_361 {strides = array<i32>} : memref<4x128xi32, #tpu.memory_space<vmem>>, vector<16xi32>,
    %scan3A_368 = arith.constant 4 : i32
    %mul3A_369 = arith.constant 16 : i32
    %mul3A_370 = arith.muli %scan3A_368, %mul3A_369 : i32
    %get3A_371 = arith.constant 2 : i32
    %get3A_372 = arith.index_cast %get3A_371 : i32 to index
    %get3A_373 = arith.index_cast %mul3A_370 : i32 to index
    %get3A_374 = tpu.vector_load %arg5[%get3A_372, %get3A_373] {strides = array<i32>} : memref<200x128xi32, #tpu.memory_space<vmem>>, vector<16xi32>,
    %shift_right_arithmetic3A_375 = arith.constant 1 : i32
    %shift_right_arithmetic3A_376 = vector.broadcast %shift_right_arithmetic3A_375 : i32 to vector<16xi32>
    %shift_right_arithmetic3A_377 = arith.shrsi %get3A_374, %shift_right_arithmetic3A_376 : vector<16xi32>
    %mul3A_378 = arith.constant 16 : i32
    %mul3A_379 = arith.muli %scan3A_368, %mul3A_378 : i32
    %swap3A_380 = arith.constant 2 : i32
    %swap3A_381 = arith.index_cast %swap3A_380 : i32 to index
    %swap3A_382 = arith.index_cast %mul3A_379 : i32 to index
    %swap3A_383 = tpu.vector_load %arg6[%swap3A_381, %swap3A_382] {strides = array<i32>} : memref<4x128xi32, #tpu.memory_space<vmem>>, vector<16xi32>,
    tpu.vector_store %arg6[%swap3A_381, %swap3A_382], %shift_right_arithmetic3A_377 {strides = array<i32>} : memref<4x128xi32, #tpu.memory_space<vmem>>, vector<16xi32>,
    %scan3A_384 = arith.constant 5 : i32
    %mul3A_385 = arith.constant 16 : i32
    %mul3A_386 = arith.muli %scan3A_384, %mul3A_385 : i32
    %get3A_387 = arith.constant 2 : i32
    %get3A_388 = arith.index_cast %get3A_387 : i32 to index
    %get3A_389 = arith.index_cast %mul3A_386 : i32 to index
    %get3A_390 = tpu.vector_load %arg5[%get3A_388, %get3A_389] {strides = array<i32>} : memref<200x128xi32, #tpu.memory_space<vmem>>, vector<16xi32>,
    %shift_right_arithmetic3A_391 = arith.constant 1 : i32
    %shift_right_arithmetic3A_392 = vector.broadcast %shift_right_arithmetic3A_391 : i32 to vector<16xi32>
    %shift_right_arithmetic3A_393 = arith.shrsi %get3A_390, %shift_right_arithmetic3A_392 : vector<16xi32>
    %mul3A_394 = arith.constant 16 : i32
    %mul3A_395 = arith.muli %scan3A_384, %mul3A_394 : i32
    %swap3A_396 = arith.constant 2 : i32
    %swap3A_397 = arith.index_cast %swap3A_396 : i32 to index
    %swap3A_398 = arith.index_cast %mul3A_395 : i32 to index
    %swap3A_399 = tpu.vector_load %arg6[%swap3A_397, %swap3A_398] {strides = array<i32>} : memref<4x128xi32, #tpu.memory_space<vmem>>, vector<16xi32>,
    tpu.vector_store %arg6[%swap3A_397, %swap3A_398], %shift_right_arithmetic3A_393 {strides = array<i32>} : memref<4x128xi32, #tpu.memory_space<vmem>>, vector<16xi32>,
    %scan3A_400 = arith.constant 6 : i32
    %mul3A_401 = arith.constant 16 : i32
    %mul3A_402 = arith.muli %scan3A_400, %mul3A_401 : i32
    %get3A_403 = arith.constant 2 : i32
    %get3A_404 = arith.index_cast %get3A_403 : i32 to index
    %get3A_405 = arith.index_cast %mul3A_402 : i32 to index
    %get3A_406 = tpu.vector_load %arg5[%get3A_404, %get3A_405] {strides = array<i32>} : memref<200x128xi32, #tpu.memory_space<vmem>>, vector<16xi32>,
    %shift_right_arithmetic3A_407 = arith.constant 1 : i32
    %shift_right_arithmetic3A_408 = vector.broadcast %shift_right_arithmetic3A_407 : i32 to vector<16xi32>
    %shift_right_arithmetic3A_409 = arith.shrsi %get3A_406, %shift_right_arithmetic3A_408 : vector<16xi32>
    %mul3A_410 = arith.constant 16 : i32
    %mul3A_411 = arith.muli %scan3A_400, %mul3A_410 : i32
    %swap3A_412 = arith.constant 2 : i32
    %swap3A_413 = arith.index_cast %swap3A_412 : i32 to index
    %swap3A_414 = arith.index_cast %mul3A_411 : i32 to index
    %swap3A_415 = tpu.vector_load %arg6[%swap3A_413, %swap3A_414] {strides = array<i32>} : memref<4x128xi32, #tpu.memory_space<vmem>>, vector<16xi32>,
    tpu.vector_store %arg6[%swap3A_413, %swap3A_414], %shift_right_arithmetic3A_409 {strides = array<i32>} : memref<4x128xi32, #tpu.memory_space<vmem>>, vector<16xi32>,
    %scan3A_416 = arith.constant 7 : i32
    %mul3A_417 = arith.constant 16 : i32
    %mul3A_418 = arith.muli %scan3A_416, %mul3A_417 : i32
    %get3A_419 = arith.constant 2 : i32
    %get3A_420 = arith.index_cast %get3A_419 : i32 to index
    %get3A_421 = arith.index_cast %mul3A_418 : i32 to index
    %get3A_422 = tpu.vector_load %arg5[%get3A_420, %get3A_421] {strides = array<i32>} : memref<200x128xi32, #tpu.memory_space<vmem>>, vector<16xi32>,
    %shift_right_arithmetic3A_423 = arith.constant 1 : i32
    %shift_right_arithmetic3A_424 = vector.broadcast %shift_right_arithmetic3A_423 : i32 to vector<16xi32>
    %shift_right_arithmetic3A_425 = arith.shrsi %get3A_422, %shift_right_arithmetic3A_424 : vector<16xi32>
    %mul3A_426 = arith.constant 16 : i32
    %mul3A_427 = arith.muli %scan3A_416, %mul3A_426 : i32
    %swap3A_428 = arith.constant 2 : i32
    %swap3A_429 = arith.index_cast %swap3A_428 : i32 to index
    %swap3A_430 = arith.index_cast %mul3A_427 : i32 to index
    %swap3A_431 = tpu.vector_load %arg6[%swap3A_429, %swap3A_430] {strides = array<i32>} : memref<4x128xi32, #tpu.memory_space<vmem>>, vector<16xi32>,
    tpu.vector_store %arg6[%swap3A_429, %swap3A_430], %shift_right_arithmetic3A_425 {strides = array<i32>} : memref<4x128xi32, #tpu.memory_space<vmem>>, vector<16xi32>,
    %scan3A_432 = arith.constant 8 : i32
    %dma_start3A_433 = arith.constant 2 : i32
    %dma_start3A_434 = arith.constant 0 : i32
    %dma_start3A_435 = tpu.memref_slice %arg6[%dma_start3A_433, %dma_start3A_434] : memref<4x128xi32, #tpu.memory_space<vmem>> -> memref<1x128xi32, #tpu.memory_space<vmem>>
    %dma_start3A_436 = tpu.memref_squeeze %dma_start3A_435 : memref<1x128xi32, #tpu.memory_space<vmem>> -> memref<128xi32, #tpu.memory_space<vmem>>
    %dma_start3A_437 = arith.constant 0 : i32
    %dma_start3A_438 = arith.constant 0 : i32
    %dma_start3A_439 = tpu.memref_slice %arg3[%dma_start3A_437, %dma_start3A_438] : memref<500000x128xf32, #tpu.memory_space<hbm>> -> memref<500000x128xf32, #tpu.memory_space<hbm>>
    tpu.enqueue_indirect_dma source(%dma_start3A_439 : memref<500000x128xf32, #tpu.memory_space<hbm>>) target(%arg9 : memref<128x128xf32, #tpu.memory_space<vmem>>) offsets(%dma_start3A_436 : memref<128xi32, #tpu.memory_space<vmem>>) semaphore(%arg16 : memref<!tpu.dma_semaphore, #tpu.memory_space<semaphore_mem>>)
    %scan3A_440 = arith.constant 0 : i32
    %scan3A_441 = arith.constant 0 : i32
    %scan3A_442 = arith.constant 50 : i32
    %scan3A_443 = arith.addi %scan3A_441, %scan3A_442 : i32
    %scan3A_444 = arith.constant 1 : i32
    scf.for %scan3A_460 = %scan3A_441 to %scan3A_443 step %scan3A_444  : i32 {
      %mul3A_461 = arith.constant 4 : i32
      %mul3A_462 = arith.muli %mul3A_461, %scan3A_460 : i32
      %add3A_463 = arith.constant 0 : i32
      %add3A_464 = arith.addi %mul3A_462, %add3A_463 : i32
      %add3A_465 = arith.constant 3 : i32
      %add3A_466 = arith.addi %add3A_464, %add3A_465 : i32
      %lt3A = arith.constant 200 : i32
      %lt3A_467 = arith.cmpi slt, %add3A_466, %lt3A : i32
      %convert_element_type3A = arith.extui %lt3A_467 : i1 to i32
      %cond3A = arith.constant 0 : i32
      %cond3A_468 = arith.cmpi ne, %convert_element_type3A, %cond3A : i32
      scf.if %cond3A_468 {
        %add3A_875 = arith.constant 3 : i32
        %add3A_876 = arith.addi %add3A_464, %add3A_875 : i32
        %scan3A_877 = arith.constant 0 : i32
        %scan3A_878 = arith.constant 0 : i32
        %mul3A_879 = arith.constant 16 : i32
        %mul3A_880 = arith.muli %scan3A_878, %mul3A_879 : i32
        %get3A_881 = arith.index_cast %add3A_876 : i32 to index
        %get3A_882 = arith.index_cast %mul3A_880 : i32 to index
        %get3A_883 = tpu.vector_load %arg5[%get3A_881, %get3A_882] {strides = array<i32>} : memref<200x128xi32, #tpu.memory_space<vmem>>, vector<16xi32>,
        %shift_right_arithmetic3A_884 = arith.constant 1 : i32
        %shift_right_arithmetic3A_885 = vector.broadcast %shift_right_arithmetic3A_884 : i32 to vector<16xi32>
        %shift_right_arithmetic3A_886 = arith.shrsi %get3A_883, %shift_right_arithmetic3A_885 : vector<16xi32>
        %mul3A_887 = arith.constant 16 : i32
        %mul3A_888 = arith.muli %scan3A_878, %mul3A_887 : i32
        %swap3A_889 = arith.constant 3 : i32
        %swap3A_890 = arith.index_cast %swap3A_889 : i32 to index
        %swap3A_891 = arith.index_cast %mul3A_888 : i32 to index
        %swap3A_892 = tpu.vector_load %arg6[%swap3A_890, %swap3A_891] {strides = array<i32>} : memref<4x128xi32, #tpu.memory_space<vmem>>, vector<16xi32>,
        tpu.vector_store %arg6[%swap3A_890, %swap3A_891], %shift_right_arithmetic3A_886 {strides = array<i32>} : memref<4x128xi32, #tpu.memory_space<vmem>>, vector<16xi32>,
        %scan3A_893 = arith.constant 1 : i32
        %mul3A_894 = arith.constant 16 : i32
        %mul3A_895 = arith.muli %scan3A_893, %mul3A_894 : i32
        %get3A_896 = arith.index_cast %add3A_876 : i32 to index
        %get3A_897 = arith.index_cast %mul3A_895 : i32 to index
        %get3A_898 = tpu.vector_load %arg5[%get3A_896, %get3A_897] {strides = array<i32>} : memref<200x128xi32, #tpu.memory_space<vmem>>, vector<16xi32>,
        %shift_right_arithmetic3A_899 = arith.constant 1 : i32
        %shift_right_arithmetic3A_900 = vector.broadcast %shift_right_arithmetic3A_899 : i32 to vector<16xi32>
        %shift_right_arithmetic3A_901 = arith.shrsi %get3A_898, %shift_right_arithmetic3A_900 : vector<16xi32>
        %mul3A_902 = arith.constant 16 : i32
        %mul3A_903 = arith.muli %scan3A_893, %mul3A_902 : i32
        %swap3A_904 = arith.constant 3 : i32
        %swap3A_905 = arith.index_cast %swap3A_904 : i32 to index
        %swap3A_906 = arith.index_cast %mul3A_903 : i32 to index
        %swap3A_907 = tpu.vector_load %arg6[%swap3A_905, %swap3A_906] {strides = array<i32>} : memref<4x128xi32, #tpu.memory_space<vmem>>, vector<16xi32>,
        tpu.vector_store %arg6[%swap3A_905, %swap3A_906], %shift_right_arithmetic3A_901 {strides = array<i32>} : memref<4x128xi32, #tpu.memory_space<vmem>>, vector<16xi32>,
        %scan3A_908 = arith.constant 2 : i32
        %mul3A_909 = arith.constant 16 : i32
        %mul3A_910 = arith.muli %scan3A_908, %mul3A_909 : i32
        %get3A_911 = arith.index_cast %add3A_876 : i32 to index
        %get3A_912 = arith.index_cast %mul3A_910 : i32 to index
        %get3A_913 = tpu.vector_load %arg5[%get3A_911, %get3A_912] {strides = array<i32>} : memref<200x128xi32, #tpu.memory_space<vmem>>, vector<16xi32>,
        %shift_right_arithmetic3A_914 = arith.constant 1 : i32
        %shift_right_arithmetic3A_915 = vector.broadcast %shift_right_arithmetic3A_914 : i32 to vector<16xi32>
        %shift_right_arithmetic3A_916 = arith.shrsi %get3A_913, %shift_right_arithmetic3A_915 : vector<16xi32>
        %mul3A_917 = arith.constant 16 : i32
        %mul3A_918 = arith.muli %scan3A_908, %mul3A_917 : i32
        %swap3A_919 = arith.constant 3 : i32
        %swap3A_920 = arith.index_cast %swap3A_919 : i32 to index
        %swap3A_921 = arith.index_cast %mul3A_918 : i32 to index
        %swap3A_922 = tpu.vector_load %arg6[%swap3A_920, %swap3A_921] {strides = array<i32>} : memref<4x128xi32, #tpu.memory_space<vmem>>, vector<16xi32>,
        tpu.vector_store %arg6[%swap3A_920, %swap3A_921], %shift_right_arithmetic3A_916 {strides = array<i32>} : memref<4x128xi32, #tpu.memory_space<vmem>>, vector<16xi32>,
        %scan3A_923 = arith.constant 3 : i32
        %mul3A_924 = arith.constant 16 : i32
        %mul3A_925 = arith.muli %scan3A_923, %mul3A_924 : i32
        %get3A_926 = arith.index_cast %add3A_876 : i32 to index
        %get3A_927 = arith.index_cast %mul3A_925 : i32 to index
        %get3A_928 = tpu.vector_load %arg5[%get3A_926, %get3A_927] {strides = array<i32>} : memref<200x128xi32, #tpu.memory_space<vmem>>, vector<16xi32>,
        %shift_right_arithmetic3A_929 = arith.constant 1 : i32
        %shift_right_arithmetic3A_930 = vector.broadcast %shift_right_arithmetic3A_929 : i32 to vector<16xi32>
        %shift_right_arithmetic3A_931 = arith.shrsi %get3A_928, %shift_right_arithmetic3A_930 : vector<16xi32>
        %mul3A_932 = arith.constant 16 : i32
        %mul3A_933 = arith.muli %scan3A_923, %mul3A_932 : i32
        %swap3A_934 = arith.constant 3 : i32
        %swap3A_935 = arith.index_cast %swap3A_934 : i32 to index
        %swap3A_936 = arith.index_cast %mul3A_933 : i32 to index
        %swap3A_937 = tpu.vector_load %arg6[%swap3A_935, %swap3A_936] {strides = array<i32>} : memref<4x128xi32, #tpu.memory_space<vmem>>, vector<16xi32>,
        tpu.vector_store %arg6[%swap3A_935, %swap3A_936], %shift_right_arithmetic3A_931 {strides = array<i32>} : memref<4x128xi32, #tpu.memory_space<vmem>>, vector<16xi32>,
        %scan3A_938 = arith.constant 4 : i32
        %mul3A_939 = arith.constant 16 : i32
        %mul3A_940 = arith.muli %scan3A_938, %mul3A_939 : i32
        %get3A_941 = arith.index_cast %add3A_876 : i32 to index
        %get3A_942 = arith.index_cast %mul3A_940 : i32 to index
        %get3A_943 = tpu.vector_load %arg5[%get3A_941, %get3A_942] {strides = array<i32>} : memref<200x128xi32, #tpu.memory_space<vmem>>, vector<16xi32>,
        %shift_right_arithmetic3A_944 = arith.constant 1 : i32
        %shift_right_arithmetic3A_945 = vector.broadcast %shift_right_arithmetic3A_944 : i32 to vector<16xi32>
        %shift_right_arithmetic3A_946 = arith.shrsi %get3A_943, %shift_right_arithmetic3A_945 : vector<16xi32>
        %mul3A_947 = arith.constant 16 : i32
        %mul3A_948 = arith.muli %scan3A_938, %mul3A_947 : i32
        %swap3A_949 = arith.constant 3 : i32
        %swap3A_950 = arith.index_cast %swap3A_949 : i32 to index
        %swap3A_951 = arith.index_cast %mul3A_948 : i32 to index
        %swap3A_952 = tpu.vector_load %arg6[%swap3A_950, %swap3A_951] {strides = array<i32>} : memref<4x128xi32, #tpu.memory_space<vmem>>, vector<16xi32>,
        tpu.vector_store %arg6[%swap3A_950, %swap3A_951], %shift_right_arithmetic3A_946 {strides = array<i32>} : memref<4x128xi32, #tpu.memory_space<vmem>>, vector<16xi32>,
        %scan3A_953 = arith.constant 5 : i32
        %mul3A_954 = arith.constant 16 : i32
        %mul3A_955 = arith.muli %scan3A_953, %mul3A_954 : i32
        %get3A_956 = arith.index_cast %add3A_876 : i32 to index
        %get3A_957 = arith.index_cast %mul3A_955 : i32 to index
        %get3A_958 = tpu.vector_load %arg5[%get3A_956, %get3A_957] {strides = array<i32>} : memref<200x128xi32, #tpu.memory_space<vmem>>, vector<16xi32>,
        %shift_right_arithmetic3A_959 = arith.constant 1 : i32
        %shift_right_arithmetic3A_960 = vector.broadcast %shift_right_arithmetic3A_959 : i32 to vector<16xi32>
        %shift_right_arithmetic3A_961 = arith.shrsi %get3A_958, %shift_right_arithmetic3A_960 : vector<16xi32>
        %mul3A_962 = arith.constant 16 : i32
        %mul3A_963 = arith.muli %scan3A_953, %mul3A_962 : i32
        %swap3A_964 = arith.constant 3 : i32
        %swap3A_965 = arith.index_cast %swap3A_964 : i32 to index
        %swap3A_966 = arith.index_cast %mul3A_963 : i32 to index
        %swap3A_967 = tpu.vector_load %arg6[%swap3A_965, %swap3A_966] {strides = array<i32>} : memref<4x128xi32, #tpu.memory_space<vmem>>, vector<16xi32>,
        tpu.vector_store %arg6[%swap3A_965, %swap3A_966], %shift_right_arithmetic3A_961 {strides = array<i32>} : memref<4x128xi32, #tpu.memory_space<vmem>>, vector<16xi32>,
        %scan3A_968 = arith.constant 6 : i32
        %mul3A_969 = arith.constant 16 : i32
        %mul3A_970 = arith.muli %scan3A_968, %mul3A_969 : i32
        %get3A_971 = arith.index_cast %add3A_876 : i32 to index
        %get3A_972 = arith.index_cast %mul3A_970 : i32 to index
        %get3A_973 = tpu.vector_load %arg5[%get3A_971, %get3A_972] {strides = array<i32>} : memref<200x128xi32, #tpu.memory_space<vmem>>, vector<16xi32>,
        %shift_right_arithmetic3A_974 = arith.constant 1 : i32
        %shift_right_arithmetic3A_975 = vector.broadcast %shift_right_arithmetic3A_974 : i32 to vector<16xi32>
        %shift_right_arithmetic3A_976 = arith.shrsi %get3A_973, %shift_right_arithmetic3A_975 : vector<16xi32>
        %mul3A_977 = arith.constant 16 : i32
        %mul3A_978 = arith.muli %scan3A_968, %mul3A_977 : i32
        %swap3A_979 = arith.constant 3 : i32
        %swap3A_980 = arith.index_cast %swap3A_979 : i32 to index
        %swap3A_981 = arith.index_cast %mul3A_978 : i32 to index
        %swap3A_982 = tpu.vector_load %arg6[%swap3A_980, %swap3A_981] {strides = array<i32>} : memref<4x128xi32, #tpu.memory_space<vmem>>, vector<16xi32>,
        tpu.vector_store %arg6[%swap3A_980, %swap3A_981], %shift_right_arithmetic3A_976 {strides = array<i32>} : memref<4x128xi32, #tpu.memory_space<vmem>>, vector<16xi32>,
        %scan3A_983 = arith.constant 7 : i32
        %mul3A_984 = arith.constant 16 : i32
        %mul3A_985 = arith.muli %scan3A_983, %mul3A_984 : i32
        %get3A_986 = arith.index_cast %add3A_876 : i32 to index
        %get3A_987 = arith.index_cast %mul3A_985 : i32 to index
        %get3A_988 = tpu.vector_load %arg5[%get3A_986, %get3A_987] {strides = array<i32>} : memref<200x128xi32, #tpu.memory_space<vmem>>, vector<16xi32>,
        %shift_right_arithmetic3A_989 = arith.constant 1 : i32
        %shift_right_arithmetic3A_990 = vector.broadcast %shift_right_arithmetic3A_989 : i32 to vector<16xi32>
        %shift_right_arithmetic3A_991 = arith.shrsi %get3A_988, %shift_right_arithmetic3A_990 : vector<16xi32>
        %mul3A_992 = arith.constant 16 : i32
        %mul3A_993 = arith.muli %scan3A_983, %mul3A_992 : i32
        %swap3A_994 = arith.constant 3 : i32
        %swap3A_995 = arith.index_cast %swap3A_994 : i32 to index
        %swap3A_996 = arith.index_cast %mul3A_993 : i32 to index
        %swap3A_997 = tpu.vector_load %arg6[%swap3A_995, %swap3A_996] {strides = array<i32>} : memref<4x128xi32, #tpu.memory_space<vmem>>, vector<16xi32>,
        tpu.vector_store %arg6[%swap3A_995, %swap3A_996], %shift_right_arithmetic3A_991 {strides = array<i32>} : memref<4x128xi32, #tpu.memory_space<vmem>>, vector<16xi32>,
        %scan3A_998 = arith.constant 8 : i32
        %dma_start3A_999 = arith.constant 3 : i32
        %dma_start3A_1000 = arith.constant 0 : i32
        %dma_start3A_1001 = tpu.memref_slice %arg6[%dma_start3A_999, %dma_start3A_1000] : memref<4x128xi32, #tpu.memory_space<vmem>> -> memref<1x128xi32, #tpu.memory_space<vmem>>
        %dma_start3A_1002 = tpu.memref_squeeze %dma_start3A_1001 : memref<1x128xi32, #tpu.memory_space<vmem>> -> memref<128xi32, #tpu.memory_space<vmem>>
        %dma_start3A_1003 = arith.constant 0 : i32
        %dma_start3A_1004 = arith.constant 0 : i32
        %dma_start3A_1005 = tpu.memref_slice %arg3[%dma_start3A_1003, %dma_start3A_1004] : memref<500000x128xf32, #tpu.memory_space<hbm>> -> memref<500000x128xf32, #tpu.memory_space<hbm>>
        tpu.enqueue_indirect_dma source(%dma_start3A_1005 : memref<500000x128xf32, #tpu.memory_space<hbm>>) target(%arg10 : memref<128x128xf32, #tpu.memory_space<vmem>>) offsets(%dma_start3A_1002 : memref<128xi32, #tpu.memory_space<vmem>>) semaphore(%arg17 : memref<!tpu.dma_semaphore, #tpu.memory_space<semaphore_mem>>)
      } else {
      }
      %dma_wait3A_469 = arith.constant 0 : i32
      %dma_wait3A_470 = arith.constant 0 : i32
      %dma_wait3A_471 = tpu.memref_slice %arg6[%dma_wait3A_469, %dma_wait3A_470] : memref<4x128xi32, #tpu.memory_space<vmem>> -> memref<1x128xi32, #tpu.memory_space<vmem>>
      %dma_wait3A_472 = tpu.memref_squeeze %dma_wait3A_471 : memref<1x128xi32, #tpu.memory_space<vmem>> -> memref<128xi32, #tpu.memory_space<vmem>>
      %dma_wait3A_473 = arith.constant 0 : i32
      %dma_wait3A_474 = arith.constant 0 : i32
      %dma_wait3A_475 = tpu.memref_slice %arg3[%dma_wait3A_473, %dma_wait3A_474] : memref<500000x128xf32, #tpu.memory_space<hbm>> -> memref<500000x128xf32, #tpu.memory_space<hbm>>
      tpu.wait_indirect_dma semaphore(%arg14 : memref<!tpu.dma_semaphore, #tpu.memory_space<semaphore_mem>>) src(%dma_wait3A_475 : memref<500000x128xf32, #tpu.memory_space<hbm>>) dst(%arg7 : memref<128x128xf32, #tpu.memory_space<vmem>>)
      %ge3A = arith.constant 2 : i32
      %ge3A_476 = arith.cmpi sge, %add3A_464, %ge3A : i32
      %convert_element_type3A_477 = arith.extui %ge3A_476 : i1 to i32
      %cond3A_478 = arith.constant 0 : i32
      %cond3A_479 = arith.cmpi ne, %convert_element_type3A_477, %cond3A_478 : i32
      scf.if %cond3A_479 {
        %sub3A = arith.constant 2 : i32
        %sub3A_875 = arith.subi %add3A_464, %sub3A : i32
        %dma_wait3A_876 = arith.constant 0 : i32
        %dma_wait3A_877 = tpu.memref_slice %arg4[%sub3A_875, %dma_wait3A_876, %mul3A_2] : memref<200x64x4096xf32, #tpu.memory_space<hbm>> -> memref<1x64x128xf32, #tpu.memory_space<hbm>>
        %dma_wait3A_878 = tpu.memref_squeeze %dma_wait3A_877 : memref<1x64x128xf32, #tpu.memory_space<hbm>> -> memref<64x128xf32, #tpu.memory_space<hbm>>
        %dma_wait3A_879 = arith.constant 0 : i32
        %dma_wait3A_880 = tpu.memref_slice %arg4[%sub3A_875, %dma_wait3A_879, %mul3A_2] : memref<200x64x4096xf32, #tpu.memory_space<hbm>> -> memref<1x64x128xf32, #tpu.memory_space<hbm>>
        %dma_wait3A_881 = tpu.memref_squeeze %dma_wait3A_880 : memref<1x64x128xf32, #tpu.memory_space<hbm>> -> memref<64x128xf32, #tpu.memory_space<hbm>>
        tpu.wait_dma2 semaphore(%arg18 : memref<!tpu.dma_semaphore, #tpu.memory_space<semaphore_mem>>) src(%arg11 : memref<64x128xf32, #tpu.memory_space<vmem>>) dst(%dma_wait3A_881 : memref<64x128xf32, #tpu.memory_space<hbm>>)
      } else {
      }
      %get3A_480 = arith.index_cast %add3A_464 : i32 to index
      %get3A_481 = arith.constant 0 : index
      %get3A_482 = tpu.vector_load %arg5[%get3A_480, %get3A_481] {strides = array<i32>} : memref<200x128xi32, #tpu.memory_space<vmem>>, vector<16xi32>,
      %and3A = arith.constant 1 : i32
      %and3A_483 = vector.broadcast %and3A : i32 to vector<16xi32>
      %and3A_484 = arith.andi %get3A_482, %and3A_483 : vector<16xi32>
      %mul3A_485 = arith.constant 64 : i32
      %mul3A_486 = vector.broadcast %mul3A_485 : i32 to vector<16xi32>
      %mul3A_487 = arith.muli %and3A_484, %mul3A_486 : vector<16xi32>
      %get3A_488 = arith.index_cast %add3A_464 : i32 to index
      %get3A_489 = arith.constant 16 : index
      %get3A_490 = tpu.vector_load %arg5[%get3A_488, %get3A_489] {strides = array<i32>} : memref<200x128xi32, #tpu.memory_space<vmem>>, vector<16xi32>,
      %and3A_491 = arith.constant 1 : i32
      %and3A_492 = vector.broadcast %and3A_491 : i32 to vector<16xi32>
      %and3A_493 = arith.andi %get3A_490, %and3A_492 : vector<16xi32>
      %mul3A_494 = arith.constant 64 : i32
      %mul3A_495 = vector.broadcast %mul3A_494 : i32 to vector<16xi32>
      %mul3A_496 = arith.muli %and3A_493, %mul3A_495 : vector<16xi32>
      %get3A_497 = arith.index_cast %add3A_464 : i32 to index
      %get3A_498 = arith.constant 32 : index
      %get3A_499 = tpu.vector_load %arg5[%get3A_497, %get3A_498] {strides = array<i32>} : memref<200x128xi32, #tpu.memory_space<vmem>>, vector<16xi32>,
      %and3A_500 = arith.constant 1 : i32
      %and3A_501 = vector.broadcast %and3A_500 : i32 to vector<16xi32>
      %and3A_502 = arith.andi %get3A_499, %and3A_501 : vector<16xi32>
      %mul3A_503 = arith.constant 64 : i32
      %mul3A_504 = vector.broadcast %mul3A_503 : i32 to vector<16xi32>
      %mul3A_505 = arith.muli %and3A_502, %mul3A_504 : vector<16xi32>
      %get3A_506 = arith.index_cast %add3A_464 : i32 to index
      %get3A_507 = arith.constant 48 : index
      %get3A_508 = tpu.vector_load %arg5[%get3A_506, %get3A_507] {strides = array<i32>} : memref<200x128xi32, #tpu.memory_space<vmem>>, vector<16xi32>,
      %and3A_509 = arith.constant 1 : i32
      %and3A_510 = vector.broadcast %and3A_509 : i32 to vector<16xi32>
      %and3A_511 = arith.andi %get3A_508, %and3A_510 : vector<16xi32>
      %mul3A_512 = arith.constant 64 : i32
      %mul3A_513 = vector.broadcast %mul3A_512 : i32 to vector<16xi32>
      %mul3A_514 = arith.muli %and3A_511, %mul3A_513 : vector<16xi32>
      %get3A_515 = arith.index_cast %add3A_464 : i32 to index
      %get3A_516 = arith.constant 64 : index
      %get3A_517 = tpu.vector_load %arg5[%get3A_515, %get3A_516] {strides = array<i32>} : memref<200x128xi32, #tpu.memory_space<vmem>>, vector<16xi32>,
      %and3A_518 = arith.constant 1 : i32
      %and3A_519 = vector.broadcast %and3A_518 : i32 to vector<16xi32>
      %and3A_520 = arith.andi %get3A_517, %and3A_519 : vector<16xi32>
      %mul3A_521 = arith.constant 64 : i32
      %mul3A_522 = vector.broadcast %mul3A_521 : i32 to vector<16xi32>
      %mul3A_523 = arith.muli %and3A_520, %mul3A_522 : vector<16xi32>
      %get3A_524 = arith.index_cast %add3A_464 : i32 to index
      %get3A_525 = arith.constant 80 : index
      %get3A_526 = tpu.vector_load %arg5[%get3A_524, %get3A_525] {strides = array<i32>} : memref<200x128xi32, #tpu.memory_space<vmem>>, vector<16xi32>,
      %and3A_527 = arith.constant 1 : i32
      %and3A_528 = vector.broadcast %and3A_527 : i32 to vector<16xi32>
      %and3A_529 = arith.andi %get3A_526, %and3A_528 : vector<16xi32>
      %mul3A_530 = arith.constant 64 : i32
      %mul3A_531 = vector.broadcast %mul3A_530 : i32 to vector<16xi32>
      %mul3A_532 = arith.muli %and3A_529, %mul3A_531 : vector<16xi32>
      %get3A_533 = arith.index_cast %add3A_464 : i32 to index
      %get3A_534 = arith.constant 96 : index
      %get3A_535 = tpu.vector_load %arg5[%get3A_533, %get3A_534] {strides = array<i32>} : memref<200x128xi32, #tpu.memory_space<vmem>>, vector<16xi32>,
      %and3A_536 = arith.constant 1 : i32
      %and3A_537 = vector.broadcast %and3A_536 : i32 to vector<16xi32>
      %and3A_538 = arith.andi %get3A_535, %and3A_537 : vector<16xi32>
      %mul3A_539 = arith.constant 64 : i32
      %mul3A_540 = vector.broadcast %mul3A_539 : i32 to vector<16xi32>
      %mul3A_541 = arith.muli %and3A_538, %mul3A_540 : vector<16xi32>
      %get3A_542 = arith.index_cast %add3A_464 : i32 to index
      %get3A_543 = arith.constant 112 : index
      %get3A_544 = tpu.vector_load %arg5[%get3A_542, %get3A_543] {strides = array<i32>} : memref<200x128xi32, #tpu.memory_space<vmem>>, vector<16xi32>,
      %and3A_545 = arith.constant 1 : i32
      %and3A_546 = vector.broadcast %and3A_545 : i32 to vector<16xi32>
      %and3A_547 = arith.andi %get3A_544, %and3A_546 : vector<16xi32>
      %mul3A_548 = arith.constant 64 : i32
      %mul3A_549 = vector.broadcast %mul3A_548 : i32 to vector<16xi32>
      %mul3A_550 = arith.muli %and3A_547, %mul3A_549 : vector<16xi32>
      %parallel_loop3A = arith.constant 0 : i32
      %parallel_loop3A_551 = arith.constant 64 : i32
      %parallel_loop3A_552 = arith.constant 1 : i32
      %parallel_loop3A_553:8 = scf.for %parallel_loop3A_875 = %parallel_loop3A to %parallel_loop3A_551 step %parallel_loop3A_552 iter_args(%parallel_loop3A_876 = %mul3A_487, %parallel_loop3A_877 = %mul3A_496, %parallel_loop3A_878 = %mul3A_505, %parallel_loop3A_879 = %mul3A_514, %parallel_loop3A_880 = %mul3A_523, %parallel_loop3A_881 = %mul3A_532, %parallel_loop3A_882 = %mul3A_541, %parallel_loop3A_883 = %mul3A_550) -> (vector<16xi32>, vector<16xi32>, vector<16xi32>, vector<16xi32>, vector<16xi32>, vector<16xi32>, vector<16xi32>, vector<16xi32>)  : i32 {
        %parallel_loop3A_884 = tpu.vector_load_idx %arg7[%add3A_5, %parallel_loop3A_876] : memref<128x128xf32, #tpu.memory_space<vmem>>[vector<16xi32>, vector<16xi32>], vector<16xf32>,
        %parallel_loop3A_885 = arith.constant 8.000000e+00 : f32
        %parallel_loop3A_886 = vector.broadcast %parallel_loop3A_885 : f32 to vector<16xf32>
        %parallel_loop3A_887 = arith.mulf %parallel_loop3A_884, %parallel_loop3A_886 : vector<16xf32>
        %parallel_loop3A_888 = arith.index_cast %parallel_loop3A_875 : i32 to index
        %parallel_loop3A_889 = arith.constant 0 : index
        %parallel_loop3A_890 = tpu.vector_load %arg11[%parallel_loop3A_888, %parallel_loop3A_889] {strides = array<i32>} : memref<64x128xf32, #tpu.memory_space<vmem>>, vector<16xf32>,
        tpu.vector_store %arg11[%parallel_loop3A_888, %parallel_loop3A_889], %parallel_loop3A_887 {strides = array<i32>} : memref<64x128xf32, #tpu.memory_space<vmem>>, vector<16xf32>,
        %parallel_loop3A_891 = tpu.vector_load_idx %arg7[%add3A_8, %parallel_loop3A_877] : memref<128x128xf32, #tpu.memory_space<vmem>>[vector<16xi32>, vector<16xi32>], vector<16xf32>,
        %parallel_loop3A_892 = arith.constant 8.000000e+00 : f32
        %parallel_loop3A_893 = vector.broadcast %parallel_loop3A_892 : f32 to vector<16xf32>
        %parallel_loop3A_894 = arith.mulf %parallel_loop3A_891, %parallel_loop3A_893 : vector<16xf32>
        %parallel_loop3A_895 = arith.index_cast %parallel_loop3A_875 : i32 to index
        %parallel_loop3A_896 = arith.constant 16 : index
        %parallel_loop3A_897 = tpu.vector_load %arg11[%parallel_loop3A_895, %parallel_loop3A_896] {strides = array<i32>} : memref<64x128xf32, #tpu.memory_space<vmem>>, vector<16xf32>,
        tpu.vector_store %arg11[%parallel_loop3A_895, %parallel_loop3A_896], %parallel_loop3A_894 {strides = array<i32>} : memref<64x128xf32, #tpu.memory_space<vmem>>, vector<16xf32>,
        %parallel_loop3A_898 = tpu.vector_load_idx %arg7[%add3A_11, %parallel_loop3A_878] : memref<128x128xf32, #tpu.memory_space<vmem>>[vector<16xi32>, vector<16xi32>], vector<16xf32>,
        %parallel_loop3A_899 = arith.constant 8.000000e+00 : f32
        %parallel_loop3A_900 = vector.broadcast %parallel_loop3A_899 : f32 to vector<16xf32>
        %parallel_loop3A_901 = arith.mulf %parallel_loop3A_898, %parallel_loop3A_900 : vector<16xf32>
        %parallel_loop3A_902 = arith.index_cast %parallel_loop3A_875 : i32 to index
        %parallel_loop3A_903 = arith.constant 32 : index
        %parallel_loop3A_904 = tpu.vector_load %arg11[%parallel_loop3A_902, %parallel_loop3A_903] {strides = array<i32>} : memref<64x128xf32, #tpu.memory_space<vmem>>, vector<16xf32>,
        tpu.vector_store %arg11[%parallel_loop3A_902, %parallel_loop3A_903], %parallel_loop3A_901 {strides = array<i32>} : memref<64x128xf32, #tpu.memory_space<vmem>>, vector<16xf32>,
        %parallel_loop3A_905 = tpu.vector_load_idx %arg7[%add3A_14, %parallel_loop3A_879] : memref<128x128xf32, #tpu.memory_space<vmem>>[vector<16xi32>, vector<16xi32>], vector<16xf32>,
        %parallel_loop3A_906 = arith.constant 8.000000e+00 : f32
        %parallel_loop3A_907 = vector.broadcast %parallel_loop3A_906 : f32 to vector<16xf32>
        %parallel_loop3A_908 = arith.mulf %parallel_loop3A_905, %parallel_loop3A_907 : vector<16xf32>
        %parallel_loop3A_909 = arith.index_cast %parallel_loop3A_875 : i32 to index
        %parallel_loop3A_910 = arith.constant 48 : index
        %parallel_loop3A_911 = tpu.vector_load %arg11[%parallel_loop3A_909, %parallel_loop3A_910] {strides = array<i32>} : memref<64x128xf32, #tpu.memory_space<vmem>>, vector<16xf32>,
        tpu.vector_store %arg11[%parallel_loop3A_909, %parallel_loop3A_910], %parallel_loop3A_908 {strides = array<i32>} : memref<64x128xf32, #tpu.memory_space<vmem>>, vector<16xf32>,
        %parallel_loop3A_912 = tpu.vector_load_idx %arg7[%add3A_17, %parallel_loop3A_880] : memref<128x128xf32, #tpu.memory_space<vmem>>[vector<16xi32>, vector<16xi32>], vector<16xf32>,
        %parallel_loop3A_913 = arith.constant 8.000000e+00 : f32
        %parallel_loop3A_914 = vector.broadcast %parallel_loop3A_913 : f32 to vector<16xf32>
        %parallel_loop3A_915 = arith.mulf %parallel_loop3A_912, %parallel_loop3A_914 : vector<16xf32>
        %parallel_loop3A_916 = arith.index_cast %parallel_loop3A_875 : i32 to index
        %parallel_loop3A_917 = arith.constant 64 : index
        %parallel_loop3A_918 = tpu.vector_load %arg11[%parallel_loop3A_916, %parallel_loop3A_917] {strides = array<i32>} : memref<64x128xf32, #tpu.memory_space<vmem>>, vector<16xf32>,
        tpu.vector_store %arg11[%parallel_loop3A_916, %parallel_loop3A_917], %parallel_loop3A_915 {strides = array<i32>} : memref<64x128xf32, #tpu.memory_space<vmem>>, vector<16xf32>,
        %parallel_loop3A_919 = tpu.vector_load_idx %arg7[%add3A_20, %parallel_loop3A_881] : memref<128x128xf32, #tpu.memory_space<vmem>>[vector<16xi32>, vector<16xi32>], vector<16xf32>,
        %parallel_loop3A_920 = arith.constant 8.000000e+00 : f32
        %parallel_loop3A_921 = vector.broadcast %parallel_loop3A_920 : f32 to vector<16xf32>
        %parallel_loop3A_922 = arith.mulf %parallel_loop3A_919, %parallel_loop3A_921 : vector<16xf32>
        %parallel_loop3A_923 = arith.index_cast %parallel_loop3A_875 : i32 to index
        %parallel_loop3A_924 = arith.constant 80 : index
        %parallel_loop3A_925 = tpu.vector_load %arg11[%parallel_loop3A_923, %parallel_loop3A_924] {strides = array<i32>} : memref<64x128xf32, #tpu.memory_space<vmem>>, vector<16xf32>,
        tpu.vector_store %arg11[%parallel_loop3A_923, %parallel_loop3A_924], %parallel_loop3A_922 {strides = array<i32>} : memref<64x128xf32, #tpu.memory_space<vmem>>, vector<16xf32>,
        %parallel_loop3A_926 = tpu.vector_load_idx %arg7[%add3A_23, %parallel_loop3A_882] : memref<128x128xf32, #tpu.memory_space<vmem>>[vector<16xi32>, vector<16xi32>], vector<16xf32>,
        %parallel_loop3A_927 = arith.constant 8.000000e+00 : f32
        %parallel_loop3A_928 = vector.broadcast %parallel_loop3A_927 : f32 to vector<16xf32>
        %parallel_loop3A_929 = arith.mulf %parallel_loop3A_926, %parallel_loop3A_928 : vector<16xf32>
        %parallel_loop3A_930 = arith.index_cast %parallel_loop3A_875 : i32 to index
        %parallel_loop3A_931 = arith.constant 96 : index
        %parallel_loop3A_932 = tpu.vector_load %arg11[%parallel_loop3A_930, %parallel_loop3A_931] {strides = array<i32>} : memref<64x128xf32, #tpu.memory_space<vmem>>, vector<16xf32>,
        tpu.vector_store %arg11[%parallel_loop3A_930, %parallel_loop3A_931], %parallel_loop3A_929 {strides = array<i32>} : memref<64x128xf32, #tpu.memory_space<vmem>>, vector<16xf32>,
        %parallel_loop3A_933 = tpu.vector_load_idx %arg7[%add3A_26, %parallel_loop3A_883] : memref<128x128xf32, #tpu.memory_space<vmem>>[vector<16xi32>, vector<16xi32>], vector<16xf32>,
        %parallel_loop3A_934 = arith.constant 8.000000e+00 : f32
        %parallel_loop3A_935 = vector.broadcast %parallel_loop3A_934 : f32 to vector<16xf32>
        %parallel_loop3A_936 = arith.mulf %parallel_loop3A_933, %parallel_loop3A_935 : vector<16xf32>
        %parallel_loop3A_937 = arith.index_cast %parallel_loop3A_875 : i32 to index
        %parallel_loop3A_938 = arith.constant 112 : index
        %parallel_loop3A_939 = tpu.vector_load %arg11[%parallel_loop3A_937, %parallel_loop3A_938] {strides = array<i32>} : memref<64x128xf32, #tpu.memory_space<vmem>>, vector<16xf32>,
        tpu.vector_store %arg11[%parallel_loop3A_937, %parallel_loop3A_938], %parallel_loop3A_936 {strides = array<i32>} : memref<64x128xf32, #tpu.memory_space<vmem>>, vector<16xf32>,
        %parallel_loop3A_940 = arith.constant 1 : i32
        %parallel_loop3A_941 = vector.broadcast %parallel_loop3A_940 : i32 to vector<16xi32>
        %parallel_loop3A_942 = arith.addi %parallel_loop3A_876, %parallel_loop3A_941 : vector<16xi32>
        %parallel_loop3A_943 = arith.constant 1 : i32
        %parallel_loop3A_944 = vector.broadcast %parallel_loop3A_943 : i32 to vector<16xi32>
        %parallel_loop3A_945 = arith.addi %parallel_loop3A_877, %parallel_loop3A_944 : vector<16xi32>
        %parallel_loop3A_946 = arith.constant 1 : i32
        %parallel_loop3A_947 = vector.broadcast %parallel_loop3A_946 : i32 to vector<16xi32>
        %parallel_loop3A_948 = arith.addi %parallel_loop3A_878, %parallel_loop3A_947 : vector<16xi32>
        %parallel_loop3A_949 = arith.constant 1 : i32
        %parallel_loop3A_950 = vector.broadcast %parallel_loop3A_949 : i32 to vector<16xi32>
        %parallel_loop3A_951 = arith.addi %parallel_loop3A_879, %parallel_loop3A_950 : vector<16xi32>
        %parallel_loop3A_952 = arith.constant 1 : i32
        %parallel_loop3A_953 = vector.broadcast %parallel_loop3A_952 : i32 to vector<16xi32>
        %parallel_loop3A_954 = arith.addi %parallel_loop3A_880, %parallel_loop3A_953 : vector<16xi32>
        %parallel_loop3A_955 = arith.constant 1 : i32
        %parallel_loop3A_956 = vector.broadcast %parallel_loop3A_955 : i32 to vector<16xi32>
        %parallel_loop3A_957 = arith.addi %parallel_loop3A_881, %parallel_loop3A_956 : vector<16xi32>
        %parallel_loop3A_958 = arith.constant 1 : i32
        %parallel_loop3A_959 = vector.broadcast %parallel_loop3A_958 : i32 to vector<16xi32>
        %parallel_loop3A_960 = arith.addi %parallel_loop3A_882, %parallel_loop3A_959 : vector<16xi32>
        %parallel_loop3A_961 = arith.constant 1 : i32
        %parallel_loop3A_962 = vector.broadcast %parallel_loop3A_961 : i32 to vector<16xi32>
        %parallel_loop3A_963 = arith.addi %parallel_loop3A_883, %parallel_loop3A_962 : vector<16xi32>
        scf.yield %parallel_loop3A_942, %parallel_loop3A_945, %parallel_loop3A_948, %parallel_loop3A_951, %parallel_loop3A_954, %parallel_loop3A_957, %parallel_loop3A_960, %parallel_loop3A_963 : vector<16xi32>, vector<16xi32>, vector<16xi32>, vector<16xi32>, vector<16xi32>, vector<16xi32>, vector<16xi32>, vector<16xi32>
      } {sc.loop_unroll_factor = 8 : i64, sc.parallel_access}
      %dma_start3A_554 = arith.constant 0 : i32
      %dma_start3A_555 = tpu.memref_slice %arg4[%add3A_464, %dma_start3A_554, %mul3A_2] : memref<200x64x4096xf32, #tpu.memory_space<hbm>> -> memref<1x64x128xf32, #tpu.memory_space<hbm>>
      %dma_start3A_556 = tpu.memref_squeeze %dma_start3A_555 : memref<1x64x128xf32, #tpu.memory_space<hbm>> -> memref<64x128xf32, #tpu.memory_space<hbm>>
      %dma_start3A_557 = arith.constant 0 : i32
      %dma_start3A_558 = tpu.memref_slice %arg4[%add3A_464, %dma_start3A_557, %mul3A_2] : memref<200x64x4096xf32, #tpu.memory_space<hbm>> -> memref<1x64x128xf32, #tpu.memory_space<hbm>>
      %dma_start3A_559 = tpu.memref_squeeze %dma_start3A_558 : memref<1x64x128xf32, #tpu.memory_space<hbm>> -> memref<64x128xf32, #tpu.memory_space<hbm>>
      tpu.enqueue_dma source(%arg11 : memref<64x128xf32, #tpu.memory_space<vmem>>) target(%dma_start3A_559 : memref<64x128xf32, #tpu.memory_space<hbm>>) target_semaphore(%arg18 : memref<!tpu.dma_semaphore, #tpu.memory_space<semaphore_mem>>)
      %mul3A_560 = arith.constant 4 : i32
      %mul3A_561 = arith.muli %mul3A_560, %scan3A_460 : i32
      %add3A_562 = arith.constant 1 : i32
      %add3A_563 = arith.addi %mul3A_561, %add3A_562 : i32
      %add3A_564 = arith.constant 3 : i32
      %add3A_565 = arith.addi %add3A_563, %add3A_564 : i32
      %lt3A_566 = arith.constant 200 : i32
      %lt3A_567 = arith.cmpi slt, %add3A_565, %lt3A_566 : i32
      %convert_element_type3A_568 = arith.extui %lt3A_567 : i1 to i32
      %cond3A_569 = arith.constant 0 : i32
      %cond3A_570 = arith.cmpi ne, %convert_element_type3A_568, %cond3A_569 : i32
      scf.if %cond3A_570 {
        %add3A_875 = arith.constant 3 : i32
        %add3A_876 = arith.addi %add3A_563, %add3A_875 : i32
        %scan3A_877 = arith.constant 0 : i32
        %scan3A_878 = arith.constant 0 : i32
        %mul3A_879 = arith.constant 16 : i32
        %mul3A_880 = arith.muli %scan3A_878, %mul3A_879 : i32
        %get3A_881 = arith.index_cast %add3A_876 : i32 to index
        %get3A_882 = arith.index_cast %mul3A_880 : i32 to index
        %get3A_883 = tpu.vector_load %arg5[%get3A_881, %get3A_882] {strides = array<i32>} : memref<200x128xi32, #tpu.memory_space<vmem>>, vector<16xi32>,
        %shift_right_arithmetic3A_884 = arith.constant 1 : i32
        %shift_right_arithmetic3A_885 = vector.broadcast %shift_right_arithmetic3A_884 : i32 to vector<16xi32>
        %shift_right_arithmetic3A_886 = arith.shrsi %get3A_883, %shift_right_arithmetic3A_885 : vector<16xi32>
        %mul3A_887 = arith.constant 16 : i32
        %mul3A_888 = arith.muli %scan3A_878, %mul3A_887 : i32
        %swap3A_889 = arith.constant 0 : i32
        %swap3A_890 = arith.index_cast %swap3A_889 : i32 to index
        %swap3A_891 = arith.index_cast %mul3A_888 : i32 to index
        %swap3A_892 = tpu.vector_load %arg6[%swap3A_890, %swap3A_891] {strides = array<i32>} : memref<4x128xi32, #tpu.memory_space<vmem>>, vector<16xi32>,
        tpu.vector_store %arg6[%swap3A_890, %swap3A_891], %shift_right_arithmetic3A_886 {strides = array<i32>} : memref<4x128xi32, #tpu.memory_space<vmem>>, vector<16xi32>,
        %scan3A_893 = arith.constant 1 : i32
        %mul3A_894 = arith.constant 16 : i32
        %mul3A_895 = arith.muli %scan3A_893, %mul3A_894 : i32
        %get3A_896 = arith.index_cast %add3A_876 : i32 to index
        %get3A_897 = arith.index_cast %mul3A_895 : i32 to index
        %get3A_898 = tpu.vector_load %arg5[%get3A_896, %get3A_897] {strides = array<i32>} : memref<200x128xi32, #tpu.memory_space<vmem>>, vector<16xi32>,
        %shift_right_arithmetic3A_899 = arith.constant 1 : i32
        %shift_right_arithmetic3A_900 = vector.broadcast %shift_right_arithmetic3A_899 : i32 to vector<16xi32>
        %shift_right_arithmetic3A_901 = arith.shrsi %get3A_898, %shift_right_arithmetic3A_900 : vector<16xi32>
        %mul3A_902 = arith.constant 16 : i32
        %mul3A_903 = arith.muli %scan3A_893, %mul3A_902 : i32
        %swap3A_904 = arith.constant 0 : i32
        %swap3A_905 = arith.index_cast %swap3A_904 : i32 to index
        %swap3A_906 = arith.index_cast %mul3A_903 : i32 to index
        %swap3A_907 = tpu.vector_load %arg6[%swap3A_905, %swap3A_906] {strides = array<i32>} : memref<4x128xi32, #tpu.memory_space<vmem>>, vector<16xi32>,
        tpu.vector_store %arg6[%swap3A_905, %swap3A_906], %shift_right_arithmetic3A_901 {strides = array<i32>} : memref<4x128xi32, #tpu.memory_space<vmem>>, vector<16xi32>,
        %scan3A_908 = arith.constant 2 : i32
        %mul3A_909 = arith.constant 16 : i32
        %mul3A_910 = arith.muli %scan3A_908, %mul3A_909 : i32
        %get3A_911 = arith.index_cast %add3A_876 : i32 to index
        %get3A_912 = arith.index_cast %mul3A_910 : i32 to index
        %get3A_913 = tpu.vector_load %arg5[%get3A_911, %get3A_912] {strides = array<i32>} : memref<200x128xi32, #tpu.memory_space<vmem>>, vector<16xi32>,
        %shift_right_arithmetic3A_914 = arith.constant 1 : i32
        %shift_right_arithmetic3A_915 = vector.broadcast %shift_right_arithmetic3A_914 : i32 to vector<16xi32>
        %shift_right_arithmetic3A_916 = arith.shrsi %get3A_913, %shift_right_arithmetic3A_915 : vector<16xi32>
        %mul3A_917 = arith.constant 16 : i32
        %mul3A_918 = arith.muli %scan3A_908, %mul3A_917 : i32
        %swap3A_919 = arith.constant 0 : i32
        %swap3A_920 = arith.index_cast %swap3A_919 : i32 to index
        %swap3A_921 = arith.index_cast %mul3A_918 : i32 to index
        %swap3A_922 = tpu.vector_load %arg6[%swap3A_920, %swap3A_921] {strides = array<i32>} : memref<4x128xi32, #tpu.memory_space<vmem>>, vector<16xi32>,
        tpu.vector_store %arg6[%swap3A_920, %swap3A_921], %shift_right_arithmetic3A_916 {strides = array<i32>} : memref<4x128xi32, #tpu.memory_space<vmem>>, vector<16xi32>,
        %scan3A_923 = arith.constant 3 : i32
        %mul3A_924 = arith.constant 16 : i32
        %mul3A_925 = arith.muli %scan3A_923, %mul3A_924 : i32
        %get3A_926 = arith.index_cast %add3A_876 : i32 to index
        %get3A_927 = arith.index_cast %mul3A_925 : i32 to index
        %get3A_928 = tpu.vector_load %arg5[%get3A_926, %get3A_927] {strides = array<i32>} : memref<200x128xi32, #tpu.memory_space<vmem>>, vector<16xi32>,
        %shift_right_arithmetic3A_929 = arith.constant 1 : i32
        %shift_right_arithmetic3A_930 = vector.broadcast %shift_right_arithmetic3A_929 : i32 to vector<16xi32>
        %shift_right_arithmetic3A_931 = arith.shrsi %get3A_928, %shift_right_arithmetic3A_930 : vector<16xi32>
        %mul3A_932 = arith.constant 16 : i32
        %mul3A_933 = arith.muli %scan3A_923, %mul3A_932 : i32
        %swap3A_934 = arith.constant 0 : i32
        %swap3A_935 = arith.index_cast %swap3A_934 : i32 to index
        %swap3A_936 = arith.index_cast %mul3A_933 : i32 to index
        %swap3A_937 = tpu.vector_load %arg6[%swap3A_935, %swap3A_936] {strides = array<i32>} : memref<4x128xi32, #tpu.memory_space<vmem>>, vector<16xi32>,
        tpu.vector_store %arg6[%swap3A_935, %swap3A_936], %shift_right_arithmetic3A_931 {strides = array<i32>} : memref<4x128xi32, #tpu.memory_space<vmem>>, vector<16xi32>,
        %scan3A_938 = arith.constant 4 : i32
        %mul3A_939 = arith.constant 16 : i32
        %mul3A_940 = arith.muli %scan3A_938, %mul3A_939 : i32
        %get3A_941 = arith.index_cast %add3A_876 : i32 to index
        %get3A_942 = arith.index_cast %mul3A_940 : i32 to index
        %get3A_943 = tpu.vector_load %arg5[%get3A_941, %get3A_942] {strides = array<i32>} : memref<200x128xi32, #tpu.memory_space<vmem>>, vector<16xi32>,
        %shift_right_arithmetic3A_944 = arith.constant 1 : i32
        %shift_right_arithmetic3A_945 = vector.broadcast %shift_right_arithmetic3A_944 : i32 to vector<16xi32>
        %shift_right_arithmetic3A_946 = arith.shrsi %get3A_943, %shift_right_arithmetic3A_945 : vector<16xi32>
        %mul3A_947 = arith.constant 16 : i32
        %mul3A_948 = arith.muli %scan3A_938, %mul3A_947 : i32
        %swap3A_949 = arith.constant 0 : i32
        %swap3A_950 = arith.index_cast %swap3A_949 : i32 to index
        %swap3A_951 = arith.index_cast %mul3A_948 : i32 to index
        %swap3A_952 = tpu.vector_load %arg6[%swap3A_950, %swap3A_951] {strides = array<i32>} : memref<4x128xi32, #tpu.memory_space<vmem>>, vector<16xi32>,
        tpu.vector_store %arg6[%swap3A_950, %swap3A_951], %shift_right_arithmetic3A_946 {strides = array<i32>} : memref<4x128xi32, #tpu.memory_space<vmem>>, vector<16xi32>,
        %scan3A_953 = arith.constant 5 : i32
        %mul3A_954 = arith.constant 16 : i32
        %mul3A_955 = arith.muli %scan3A_953, %mul3A_954 : i32
        %get3A_956 = arith.index_cast %add3A_876 : i32 to index
        %get3A_957 = arith.index_cast %mul3A_955 : i32 to index
        %get3A_958 = tpu.vector_load %arg5[%get3A_956, %get3A_957] {strides = array<i32>} : memref<200x128xi32, #tpu.memory_space<vmem>>, vector<16xi32>,
        %shift_right_arithmetic3A_959 = arith.constant 1 : i32
        %shift_right_arithmetic3A_960 = vector.broadcast %shift_right_arithmetic3A_959 : i32 to vector<16xi32>
        %shift_right_arithmetic3A_961 = arith.shrsi %get3A_958, %shift_right_arithmetic3A_960 : vector<16xi32>
        %mul3A_962 = arith.constant 16 : i32
        %mul3A_963 = arith.muli %scan3A_953, %mul3A_962 : i32
        %swap3A_964 = arith.constant 0 : i32
        %swap3A_965 = arith.index_cast %swap3A_964 : i32 to index
        %swap3A_966 = arith.index_cast %mul3A_963 : i32 to index
        %swap3A_967 = tpu.vector_load %arg6[%swap3A_965, %swap3A_966] {strides = array<i32>} : memref<4x128xi32, #tpu.memory_space<vmem>>, vector<16xi32>,
        tpu.vector_store %arg6[%swap3A_965, %swap3A_966], %shift_right_arithmetic3A_961 {strides = array<i32>} : memref<4x128xi32, #tpu.memory_space<vmem>>, vector<16xi32>,
        %scan3A_968 = arith.constant 6 : i32
        %mul3A_969 = arith.constant 16 : i32
        %mul3A_970 = arith.muli %scan3A_968, %mul3A_969 : i32
        %get3A_971 = arith.index_cast %add3A_876 : i32 to index
        %get3A_972 = arith.index_cast %mul3A_970 : i32 to index
        %get3A_973 = tpu.vector_load %arg5[%get3A_971, %get3A_972] {strides = array<i32>} : memref<200x128xi32, #tpu.memory_space<vmem>>, vector<16xi32>,
        %shift_right_arithmetic3A_974 = arith.constant 1 : i32
        %shift_right_arithmetic3A_975 = vector.broadcast %shift_right_arithmetic3A_974 : i32 to vector<16xi32>
        %shift_right_arithmetic3A_976 = arith.shrsi %get3A_973, %shift_right_arithmetic3A_975 : vector<16xi32>
        %mul3A_977 = arith.constant 16 : i32
        %mul3A_978 = arith.muli %scan3A_968, %mul3A_977 : i32
        %swap3A_979 = arith.constant 0 : i32
        %swap3A_980 = arith.index_cast %swap3A_979 : i32 to index
        %swap3A_981 = arith.index_cast %mul3A_978 : i32 to index
        %swap3A_982 = tpu.vector_load %arg6[%swap3A_980, %swap3A_981] {strides = array<i32>} : memref<4x128xi32, #tpu.memory_space<vmem>>, vector<16xi32>,
        tpu.vector_store %arg6[%swap3A_980, %swap3A_981], %shift_right_arithmetic3A_976 {strides = array<i32>} : memref<4x128xi32, #tpu.memory_space<vmem>>, vector<16xi32>,
        %scan3A_983 = arith.constant 7 : i32
        %mul3A_984 = arith.constant 16 : i32
        %mul3A_985 = arith.muli %scan3A_983, %mul3A_984 : i32
        %get3A_986 = arith.index_cast %add3A_876 : i32 to index
        %get3A_987 = arith.index_cast %mul3A_985 : i32 to index
        %get3A_988 = tpu.vector_load %arg5[%get3A_986, %get3A_987] {strides = array<i32>} : memref<200x128xi32, #tpu.memory_space<vmem>>, vector<16xi32>,
        %shift_right_arithmetic3A_989 = arith.constant 1 : i32
        %shift_right_arithmetic3A_990 = vector.broadcast %shift_right_arithmetic3A_989 : i32 to vector<16xi32>
        %shift_right_arithmetic3A_991 = arith.shrsi %get3A_988, %shift_right_arithmetic3A_990 : vector<16xi32>
        %mul3A_992 = arith.constant 16 : i32
        %mul3A_993 = arith.muli %scan3A_983, %mul3A_992 : i32
        %swap3A_994 = arith.constant 0 : i32
        %swap3A_995 = arith.index_cast %swap3A_994 : i32 to index
        %swap3A_996 = arith.index_cast %mul3A_993 : i32 to index
        %swap3A_997 = tpu.vector_load %arg6[%swap3A_995, %swap3A_996] {strides = array<i32>} : memref<4x128xi32, #tpu.memory_space<vmem>>, vector<16xi32>,
        tpu.vector_store %arg6[%swap3A_995, %swap3A_996], %shift_right_arithmetic3A_991 {strides = array<i32>} : memref<4x128xi32, #tpu.memory_space<vmem>>, vector<16xi32>,
        %scan3A_998 = arith.constant 8 : i32
        %dma_start3A_999 = arith.constant 0 : i32
        %dma_start3A_1000 = arith.constant 0 : i32
        %dma_start3A_1001 = tpu.memref_slice %arg6[%dma_start3A_999, %dma_start3A_1000] : memref<4x128xi32, #tpu.memory_space<vmem>> -> memref<1x128xi32, #tpu.memory_space<vmem>>
        %dma_start3A_1002 = tpu.memref_squeeze %dma_start3A_1001 : memref<1x128xi32, #tpu.memory_space<vmem>> -> memref<128xi32, #tpu.memory_space<vmem>>
        %dma_start3A_1003 = arith.constant 0 : i32
        %dma_start3A_1004 = arith.constant 0 : i32
        %dma_start3A_1005 = tpu.memref_slice %arg3[%dma_start3A_1003, %dma_start3A_1004] : memref<500000x128xf32, #tpu.memory_space<hbm>> -> memref<500000x128xf32, #tpu.memory_space<hbm>>
        tpu.enqueue_indirect_dma source(%dma_start3A_1005 : memref<500000x128xf32, #tpu.memory_space<hbm>>) target(%arg7 : memref<128x128xf32, #tpu.memory_space<vmem>>) offsets(%dma_start3A_1002 : memref<128xi32, #tpu.memory_space<vmem>>) semaphore(%arg14 : memref<!tpu.dma_semaphore, #tpu.memory_space<semaphore_mem>>)
      } else {
      }
      %dma_wait3A_571 = arith.constant 1 : i32
      %dma_wait3A_572 = arith.constant 0 : i32
      %dma_wait3A_573 = tpu.memref_slice %arg6[%dma_wait3A_571, %dma_wait3A_572] : memref<4x128xi32, #tpu.memory_space<vmem>> -> memref<1x128xi32, #tpu.memory_space<vmem>>
      %dma_wait3A_574 = tpu.memref_squeeze %dma_wait3A_573 : memref<1x128xi32, #tpu.memory_space<vmem>> -> memref<128xi32, #tpu.memory_space<vmem>>
      %dma_wait3A_575 = arith.constant 0 : i32
      %dma_wait3A_576 = arith.constant 0 : i32
      %dma_wait3A_577 = tpu.memref_slice %arg3[%dma_wait3A_575, %dma_wait3A_576] : memref<500000x128xf32, #tpu.memory_space<hbm>> -> memref<500000x128xf32, #tpu.memory_space<hbm>>
      tpu.wait_indirect_dma semaphore(%arg15 : memref<!tpu.dma_semaphore, #tpu.memory_space<semaphore_mem>>) src(%dma_wait3A_577 : memref<500000x128xf32, #tpu.memory_space<hbm>>) dst(%arg8 : memref<128x128xf32, #tpu.memory_space<vmem>>)
      %ge3A_578 = arith.constant 2 : i32
      %ge3A_579 = arith.cmpi sge, %add3A_563, %ge3A_578 : i32
      %convert_element_type3A_580 = arith.extui %ge3A_579 : i1 to i32
      %cond3A_581 = arith.constant 0 : i32
      %cond3A_582 = arith.cmpi ne, %convert_element_type3A_580, %cond3A_581 : i32
      scf.if %cond3A_582 {
        %sub3A = arith.constant 2 : i32
        %sub3A_875 = arith.subi %add3A_563, %sub3A : i32
        %dma_wait3A_876 = arith.constant 0 : i32
        %dma_wait3A_877 = tpu.memref_slice %arg4[%sub3A_875, %dma_wait3A_876, %mul3A_2] : memref<200x64x4096xf32, #tpu.memory_space<hbm>> -> memref<1x64x128xf32, #tpu.memory_space<hbm>>
        %dma_wait3A_878 = tpu.memref_squeeze %dma_wait3A_877 : memref<1x64x128xf32, #tpu.memory_space<hbm>> -> memref<64x128xf32, #tpu.memory_space<hbm>>
        %dma_wait3A_879 = arith.constant 0 : i32
        %dma_wait3A_880 = tpu.memref_slice %arg4[%sub3A_875, %dma_wait3A_879, %mul3A_2] : memref<200x64x4096xf32, #tpu.memory_space<hbm>> -> memref<1x64x128xf32, #tpu.memory_space<hbm>>
        %dma_wait3A_881 = tpu.memref_squeeze %dma_wait3A_880 : memref<1x64x128xf32, #tpu.memory_space<hbm>> -> memref<64x128xf32, #tpu.memory_space<hbm>>
        tpu.wait_dma2 semaphore(%arg19 : memref<!tpu.dma_semaphore, #tpu.memory_space<semaphore_mem>>) src(%arg12 : memref<64x128xf32, #tpu.memory_space<vmem>>) dst(%dma_wait3A_881 : memref<64x128xf32, #tpu.memory_space<hbm>>)
      } else {
      }
      %get3A_583 = arith.index_cast %add3A_563 : i32 to index
      %get3A_584 = arith.constant 0 : index
      %get3A_585 = tpu.vector_load %arg5[%get3A_583, %get3A_584] {strides = array<i32>} : memref<200x128xi32, #tpu.memory_space<vmem>>, vector<16xi32>,
      %and3A_586 = arith.constant 1 : i32
      %and3A_587 = vector.broadcast %and3A_586 : i32 to vector<16xi32>
      %and3A_588 = arith.andi %get3A_585, %and3A_587 : vector<16xi32>
      %mul3A_589 = arith.constant 64 : i32
      %mul3A_590 = vector.broadcast %mul3A_589 : i32 to vector<16xi32>
      %mul3A_591 = arith.muli %and3A_588, %mul3A_590 : vector<16xi32>
      %get3A_592 = arith.index_cast %add3A_563 : i32 to index
      %get3A_593 = arith.constant 16 : index
      %get3A_594 = tpu.vector_load %arg5[%get3A_592, %get3A_593] {strides = array<i32>} : memref<200x128xi32, #tpu.memory_space<vmem>>, vector<16xi32>,
      %and3A_595 = arith.constant 1 : i32
      %and3A_596 = vector.broadcast %and3A_595 : i32 to vector<16xi32>
      %and3A_597 = arith.andi %get3A_594, %and3A_596 : vector<16xi32>
      %mul3A_598 = arith.constant 64 : i32
      %mul3A_599 = vector.broadcast %mul3A_598 : i32 to vector<16xi32>
      %mul3A_600 = arith.muli %and3A_597, %mul3A_599 : vector<16xi32>
      %get3A_601 = arith.index_cast %add3A_563 : i32 to index
      %get3A_602 = arith.constant 32 : index
      %get3A_603 = tpu.vector_load %arg5[%get3A_601, %get3A_602] {strides = array<i32>} : memref<200x128xi32, #tpu.memory_space<vmem>>, vector<16xi32>,
      %and3A_604 = arith.constant 1 : i32
      %and3A_605 = vector.broadcast %and3A_604 : i32 to vector<16xi32>
      %and3A_606 = arith.andi %get3A_603, %and3A_605 : vector<16xi32>
      %mul3A_607 = arith.constant 64 : i32
      %mul3A_608 = vector.broadcast %mul3A_607 : i32 to vector<16xi32>
      %mul3A_609 = arith.muli %and3A_606, %mul3A_608 : vector<16xi32>
      %get3A_610 = arith.index_cast %add3A_563 : i32 to index
      %get3A_611 = arith.constant 48 : index
      %get3A_612 = tpu.vector_load %arg5[%get3A_610, %get3A_611] {strides = array<i32>} : memref<200x128xi32, #tpu.memory_space<vmem>>, vector<16xi32>,
      %and3A_613 = arith.constant 1 : i32
      %and3A_614 = vector.broadcast %and3A_613 : i32 to vector<16xi32>
      %and3A_615 = arith.andi %get3A_612, %and3A_614 : vector<16xi32>
      %mul3A_616 = arith.constant 64 : i32
      %mul3A_617 = vector.broadcast %mul3A_616 : i32 to vector<16xi32>
      %mul3A_618 = arith.muli %and3A_615, %mul3A_617 : vector<16xi32>
      %get3A_619 = arith.index_cast %add3A_563 : i32 to index
      %get3A_620 = arith.constant 64 : index
      %get3A_621 = tpu.vector_load %arg5[%get3A_619, %get3A_620] {strides = array<i32>} : memref<200x128xi32, #tpu.memory_space<vmem>>, vector<16xi32>,
      %and3A_622 = arith.constant 1 : i32
      %and3A_623 = vector.broadcast %and3A_622 : i32 to vector<16xi32>
      %and3A_624 = arith.andi %get3A_621, %and3A_623 : vector<16xi32>
      %mul3A_625 = arith.constant 64 : i32
      %mul3A_626 = vector.broadcast %mul3A_625 : i32 to vector<16xi32>
      %mul3A_627 = arith.muli %and3A_624, %mul3A_626 : vector<16xi32>
      %get3A_628 = arith.index_cast %add3A_563 : i32 to index
      %get3A_629 = arith.constant 80 : index
      %get3A_630 = tpu.vector_load %arg5[%get3A_628, %get3A_629] {strides = array<i32>} : memref<200x128xi32, #tpu.memory_space<vmem>>, vector<16xi32>,
      %and3A_631 = arith.constant 1 : i32
      %and3A_632 = vector.broadcast %and3A_631 : i32 to vector<16xi32>
      %and3A_633 = arith.andi %get3A_630, %and3A_632 : vector<16xi32>
      %mul3A_634 = arith.constant 64 : i32
      %mul3A_635 = vector.broadcast %mul3A_634 : i32 to vector<16xi32>
      %mul3A_636 = arith.muli %and3A_633, %mul3A_635 : vector<16xi32>
      %get3A_637 = arith.index_cast %add3A_563 : i32 to index
      %get3A_638 = arith.constant 96 : index
      %get3A_639 = tpu.vector_load %arg5[%get3A_637, %get3A_638] {strides = array<i32>} : memref<200x128xi32, #tpu.memory_space<vmem>>, vector<16xi32>,
      %and3A_640 = arith.constant 1 : i32
      %and3A_641 = vector.broadcast %and3A_640 : i32 to vector<16xi32>
      %and3A_642 = arith.andi %get3A_639, %and3A_641 : vector<16xi32>
      %mul3A_643 = arith.constant 64 : i32
      %mul3A_644 = vector.broadcast %mul3A_643 : i32 to vector<16xi32>
      %mul3A_645 = arith.muli %and3A_642, %mul3A_644 : vector<16xi32>
      %get3A_646 = arith.index_cast %add3A_563 : i32 to index
      %get3A_647 = arith.constant 112 : index
      %get3A_648 = tpu.vector_load %arg5[%get3A_646, %get3A_647] {strides = array<i32>} : memref<200x128xi32, #tpu.memory_space<vmem>>, vector<16xi32>,
      %and3A_649 = arith.constant 1 : i32
      %and3A_650 = vector.broadcast %and3A_649 : i32 to vector<16xi32>
      %and3A_651 = arith.andi %get3A_648, %and3A_650 : vector<16xi32>
      %mul3A_652 = arith.constant 64 : i32
      %mul3A_653 = vector.broadcast %mul3A_652 : i32 to vector<16xi32>
      %mul3A_654 = arith.muli %and3A_651, %mul3A_653 : vector<16xi32>
      %parallel_loop3A_655 = arith.constant 0 : i32
      %parallel_loop3A_656 = arith.constant 64 : i32
      %parallel_loop3A_657 = arith.constant 1 : i32
      %parallel_loop3A_658:8 = scf.for %parallel_loop3A_875 = %parallel_loop3A_655 to %parallel_loop3A_656 step %parallel_loop3A_657 iter_args(%parallel_loop3A_876 = %mul3A_591, %parallel_loop3A_877 = %mul3A_600, %parallel_loop3A_878 = %mul3A_609, %parallel_loop3A_879 = %mul3A_618, %parallel_loop3A_880 = %mul3A_627, %parallel_loop3A_881 = %mul3A_636, %parallel_loop3A_882 = %mul3A_645, %parallel_loop3A_883 = %mul3A_654) -> (vector<16xi32>, vector<16xi32>, vector<16xi32>, vector<16xi32>, vector<16xi32>, vector<16xi32>, vector<16xi32>, vector<16xi32>)  : i32 {
        %parallel_loop3A_884 = tpu.vector_load_idx %arg8[%add3A_5, %parallel_loop3A_876] : memref<128x128xf32, #tpu.memory_space<vmem>>[vector<16xi32>, vector<16xi32>], vector<16xf32>,
        %parallel_loop3A_885 = arith.constant 8.000000e+00 : f32
        %parallel_loop3A_886 = vector.broadcast %parallel_loop3A_885 : f32 to vector<16xf32>
        %parallel_loop3A_887 = arith.mulf %parallel_loop3A_884, %parallel_loop3A_886 : vector<16xf32>
        %parallel_loop3A_888 = arith.index_cast %parallel_loop3A_875 : i32 to index
        %parallel_loop3A_889 = arith.constant 0 : index
        %parallel_loop3A_890 = tpu.vector_load %arg12[%parallel_loop3A_888, %parallel_loop3A_889] {strides = array<i32>} : memref<64x128xf32, #tpu.memory_space<vmem>>, vector<16xf32>,
        tpu.vector_store %arg12[%parallel_loop3A_888, %parallel_loop3A_889], %parallel_loop3A_887 {strides = array<i32>} : memref<64x128xf32, #tpu.memory_space<vmem>>, vector<16xf32>,
        %parallel_loop3A_891 = tpu.vector_load_idx %arg8[%add3A_8, %parallel_loop3A_877] : memref<128x128xf32, #tpu.memory_space<vmem>>[vector<16xi32>, vector<16xi32>], vector<16xf32>,
        %parallel_loop3A_892 = arith.constant 8.000000e+00 : f32
        %parallel_loop3A_893 = vector.broadcast %parallel_loop3A_892 : f32 to vector<16xf32>
        %parallel_loop3A_894 = arith.mulf %parallel_loop3A_891, %parallel_loop3A_893 : vector<16xf32>
        %parallel_loop3A_895 = arith.index_cast %parallel_loop3A_875 : i32 to index
        %parallel_loop3A_896 = arith.constant 16 : index
        %parallel_loop3A_897 = tpu.vector_load %arg12[%parallel_loop3A_895, %parallel_loop3A_896] {strides = array<i32>} : memref<64x128xf32, #tpu.memory_space<vmem>>, vector<16xf32>,
        tpu.vector_store %arg12[%parallel_loop3A_895, %parallel_loop3A_896], %parallel_loop3A_894 {strides = array<i32>} : memref<64x128xf32, #tpu.memory_space<vmem>>, vector<16xf32>,
        %parallel_loop3A_898 = tpu.vector_load_idx %arg8[%add3A_11, %parallel_loop3A_878] : memref<128x128xf32, #tpu.memory_space<vmem>>[vector<16xi32>, vector<16xi32>], vector<16xf32>,
        %parallel_loop3A_899 = arith.constant 8.000000e+00 : f32
        %parallel_loop3A_900 = vector.broadcast %parallel_loop3A_899 : f32 to vector<16xf32>
        %parallel_loop3A_901 = arith.mulf %parallel_loop3A_898, %parallel_loop3A_900 : vector<16xf32>
        %parallel_loop3A_902 = arith.index_cast %parallel_loop3A_875 : i32 to index
        %parallel_loop3A_903 = arith.constant 32 : index
        %parallel_loop3A_904 = tpu.vector_load %arg12[%parallel_loop3A_902, %parallel_loop3A_903] {strides = array<i32>} : memref<64x128xf32, #tpu.memory_space<vmem>>, vector<16xf32>,
        tpu.vector_store %arg12[%parallel_loop3A_902, %parallel_loop3A_903], %parallel_loop3A_901 {strides = array<i32>} : memref<64x128xf32, #tpu.memory_space<vmem>>, vector<16xf32>,
        %parallel_loop3A_905 = tpu.vector_load_idx %arg8[%add3A_14, %parallel_loop3A_879] : memref<128x128xf32, #tpu.memory_space<vmem>>[vector<16xi32>, vector<16xi32>], vector<16xf32>,
        %parallel_loop3A_906 = arith.constant 8.000000e+00 : f32
        %parallel_loop3A_907 = vector.broadcast %parallel_loop3A_906 : f32 to vector<16xf32>
        %parallel_loop3A_908 = arith.mulf %parallel_loop3A_905, %parallel_loop3A_907 : vector<16xf32>
        %parallel_loop3A_909 = arith.index_cast %parallel_loop3A_875 : i32 to index
        %parallel_loop3A_910 = arith.constant 48 : index
        %parallel_loop3A_911 = tpu.vector_load %arg12[%parallel_loop3A_909, %parallel_loop3A_910] {strides = array<i32>} : memref<64x128xf32, #tpu.memory_space<vmem>>, vector<16xf32>,
        tpu.vector_store %arg12[%parallel_loop3A_909, %parallel_loop3A_910], %parallel_loop3A_908 {strides = array<i32>} : memref<64x128xf32, #tpu.memory_space<vmem>>, vector<16xf32>,
        %parallel_loop3A_912 = tpu.vector_load_idx %arg8[%add3A_17, %parallel_loop3A_880] : memref<128x128xf32, #tpu.memory_space<vmem>>[vector<16xi32>, vector<16xi32>], vector<16xf32>,
        %parallel_loop3A_913 = arith.constant 8.000000e+00 : f32
        %parallel_loop3A_914 = vector.broadcast %parallel_loop3A_913 : f32 to vector<16xf32>
        %parallel_loop3A_915 = arith.mulf %parallel_loop3A_912, %parallel_loop3A_914 : vector<16xf32>
        %parallel_loop3A_916 = arith.index_cast %parallel_loop3A_875 : i32 to index
        %parallel_loop3A_917 = arith.constant 64 : index
        %parallel_loop3A_918 = tpu.vector_load %arg12[%parallel_loop3A_916, %parallel_loop3A_917] {strides = array<i32>} : memref<64x128xf32, #tpu.memory_space<vmem>>, vector<16xf32>,
        tpu.vector_store %arg12[%parallel_loop3A_916, %parallel_loop3A_917], %parallel_loop3A_915 {strides = array<i32>} : memref<64x128xf32, #tpu.memory_space<vmem>>, vector<16xf32>,
        %parallel_loop3A_919 = tpu.vector_load_idx %arg8[%add3A_20, %parallel_loop3A_881] : memref<128x128xf32, #tpu.memory_space<vmem>>[vector<16xi32>, vector<16xi32>], vector<16xf32>,
        %parallel_loop3A_920 = arith.constant 8.000000e+00 : f32
        %parallel_loop3A_921 = vector.broadcast %parallel_loop3A_920 : f32 to vector<16xf32>
        %parallel_loop3A_922 = arith.mulf %parallel_loop3A_919, %parallel_loop3A_921 : vector<16xf32>
        %parallel_loop3A_923 = arith.index_cast %parallel_loop3A_875 : i32 to index
        %parallel_loop3A_924 = arith.constant 80 : index
        %parallel_loop3A_925 = tpu.vector_load %arg12[%parallel_loop3A_923, %parallel_loop3A_924] {strides = array<i32>} : memref<64x128xf32, #tpu.memory_space<vmem>>, vector<16xf32>,
        tpu.vector_store %arg12[%parallel_loop3A_923, %parallel_loop3A_924], %parallel_loop3A_922 {strides = array<i32>} : memref<64x128xf32, #tpu.memory_space<vmem>>, vector<16xf32>,
        %parallel_loop3A_926 = tpu.vector_load_idx %arg8[%add3A_23, %parallel_loop3A_882] : memref<128x128xf32, #tpu.memory_space<vmem>>[vector<16xi32>, vector<16xi32>], vector<16xf32>,
        %parallel_loop3A_927 = arith.constant 8.000000e+00 : f32
        %parallel_loop3A_928 = vector.broadcast %parallel_loop3A_927 : f32 to vector<16xf32>
        %parallel_loop3A_929 = arith.mulf %parallel_loop3A_926, %parallel_loop3A_928 : vector<16xf32>
        %parallel_loop3A_930 = arith.index_cast %parallel_loop3A_875 : i32 to index
        %parallel_loop3A_931 = arith.constant 96 : index
        %parallel_loop3A_932 = tpu.vector_load %arg12[%parallel_loop3A_930, %parallel_loop3A_931] {strides = array<i32>} : memref<64x128xf32, #tpu.memory_space<vmem>>, vector<16xf32>,
        tpu.vector_store %arg12[%parallel_loop3A_930, %parallel_loop3A_931], %parallel_loop3A_929 {strides = array<i32>} : memref<64x128xf32, #tpu.memory_space<vmem>>, vector<16xf32>,
        %parallel_loop3A_933 = tpu.vector_load_idx %arg8[%add3A_26, %parallel_loop3A_883] : memref<128x128xf32, #tpu.memory_space<vmem>>[vector<16xi32>, vector<16xi32>], vector<16xf32>,
        %parallel_loop3A_934 = arith.constant 8.000000e+00 : f32
        %parallel_loop3A_935 = vector.broadcast %parallel_loop3A_934 : f32 to vector<16xf32>
        %parallel_loop3A_936 = arith.mulf %parallel_loop3A_933, %parallel_loop3A_935 : vector<16xf32>
        %parallel_loop3A_937 = arith.index_cast %parallel_loop3A_875 : i32 to index
        %parallel_loop3A_938 = arith.constant 112 : index
        %parallel_loop3A_939 = tpu.vector_load %arg12[%parallel_loop3A_937, %parallel_loop3A_938] {strides = array<i32>} : memref<64x128xf32, #tpu.memory_space<vmem>>, vector<16xf32>,
        tpu.vector_store %arg12[%parallel_loop3A_937, %parallel_loop3A_938], %parallel_loop3A_936 {strides = array<i32>} : memref<64x128xf32, #tpu.memory_space<vmem>>, vector<16xf32>,
        %parallel_loop3A_940 = arith.constant 1 : i32
        %parallel_loop3A_941 = vector.broadcast %parallel_loop3A_940 : i32 to vector<16xi32>
        %parallel_loop3A_942 = arith.addi %parallel_loop3A_876, %parallel_loop3A_941 : vector<16xi32>
        %parallel_loop3A_943 = arith.constant 1 : i32
        %parallel_loop3A_944 = vector.broadcast %parallel_loop3A_943 : i32 to vector<16xi32>
        %parallel_loop3A_945 = arith.addi %parallel_loop3A_877, %parallel_loop3A_944 : vector<16xi32>
        %parallel_loop3A_946 = arith.constant 1 : i32
        %parallel_loop3A_947 = vector.broadcast %parallel_loop3A_946 : i32 to vector<16xi32>
        %parallel_loop3A_948 = arith.addi %parallel_loop3A_878, %parallel_loop3A_947 : vector<16xi32>
        %parallel_loop3A_949 = arith.constant 1 : i32
        %parallel_loop3A_950 = vector.broadcast %parallel_loop3A_949 : i32 to vector<16xi32>
        %parallel_loop3A_951 = arith.addi %parallel_loop3A_879, %parallel_loop3A_950 : vector<16xi32>
        %parallel_loop3A_952 = arith.constant 1 : i32
        %parallel_loop3A_953 = vector.broadcast %parallel_loop3A_952 : i32 to vector<16xi32>
        %parallel_loop3A_954 = arith.addi %parallel_loop3A_880, %parallel_loop3A_953 : vector<16xi32>
        %parallel_loop3A_955 = arith.constant 1 : i32
        %parallel_loop3A_956 = vector.broadcast %parallel_loop3A_955 : i32 to vector<16xi32>
        %parallel_loop3A_957 = arith.addi %parallel_loop3A_881, %parallel_loop3A_956 : vector<16xi32>
        %parallel_loop3A_958 = arith.constant 1 : i32
        %parallel_loop3A_959 = vector.broadcast %parallel_loop3A_958 : i32 to vector<16xi32>
        %parallel_loop3A_960 = arith.addi %parallel_loop3A_882, %parallel_loop3A_959 : vector<16xi32>
        %parallel_loop3A_961 = arith.constant 1 : i32
        %parallel_loop3A_962 = vector.broadcast %parallel_loop3A_961 : i32 to vector<16xi32>
        %parallel_loop3A_963 = arith.addi %parallel_loop3A_883, %parallel_loop3A_962 : vector<16xi32>
        scf.yield %parallel_loop3A_942, %parallel_loop3A_945, %parallel_loop3A_948, %parallel_loop3A_951, %parallel_loop3A_954, %parallel_loop3A_957, %parallel_loop3A_960, %parallel_loop3A_963 : vector<16xi32>, vector<16xi32>, vector<16xi32>, vector<16xi32>, vector<16xi32>, vector<16xi32>, vector<16xi32>, vector<16xi32>
      } {sc.loop_unroll_factor = 8 : i64, sc.parallel_access}
      %dma_start3A_659 = arith.constant 0 : i32
      %dma_start3A_660 = tpu.memref_slice %arg4[%add3A_563, %dma_start3A_659, %mul3A_2] : memref<200x64x4096xf32, #tpu.memory_space<hbm>> -> memref<1x64x128xf32, #tpu.memory_space<hbm>>
      %dma_start3A_661 = tpu.memref_squeeze %dma_start3A_660 : memref<1x64x128xf32, #tpu.memory_space<hbm>> -> memref<64x128xf32, #tpu.memory_space<hbm>>
      %dma_start3A_662 = arith.constant 0 : i32
      %dma_start3A_663 = tpu.memref_slice %arg4[%add3A_563, %dma_start3A_662, %mul3A_2] : memref<200x64x4096xf32, #tpu.memory_space<hbm>> -> memref<1x64x128xf32, #tpu.memory_space<hbm>>
      %dma_start3A_664 = tpu.memref_squeeze %dma_start3A_663 : memref<1x64x128xf32, #tpu.memory_space<hbm>> -> memref<64x128xf32, #tpu.memory_space<hbm>>
      tpu.enqueue_dma source(%arg12 : memref<64x128xf32, #tpu.memory_space<vmem>>) target(%dma_start3A_664 : memref<64x128xf32, #tpu.memory_space<hbm>>) target_semaphore(%arg19 : memref<!tpu.dma_semaphore, #tpu.memory_space<semaphore_mem>>)
      %mul3A_665 = arith.constant 4 : i32
      %mul3A_666 = arith.muli %mul3A_665, %scan3A_460 : i32
      %add3A_667 = arith.constant 2 : i32
      %add3A_668 = arith.addi %mul3A_666, %add3A_667 : i32
      %add3A_669 = arith.constant 3 : i32
      %add3A_670 = arith.addi %add3A_668, %add3A_669 : i32
      %lt3A_671 = arith.constant 200 : i32
      %lt3A_672 = arith.cmpi slt, %add3A_670, %lt3A_671 : i32
      %convert_element_type3A_673 = arith.extui %lt3A_672 : i1 to i32
      %cond3A_674 = arith.constant 0 : i32
      %cond3A_675 = arith.cmpi ne, %convert_element_type3A_673, %cond3A_674 : i32
      scf.if %cond3A_675 {
        %add3A_875 = arith.constant 3 : i32
        %add3A_876 = arith.addi %add3A_668, %add3A_875 : i32
        %scan3A_877 = arith.constant 0 : i32
        %scan3A_878 = arith.constant 0 : i32
        %mul3A_879 = arith.constant 16 : i32
        %mul3A_880 = arith.muli %scan3A_878, %mul3A_879 : i32
        %get3A_881 = arith.index_cast %add3A_876 : i32 to index
        %get3A_882 = arith.index_cast %mul3A_880 : i32 to index
        %get3A_883 = tpu.vector_load %arg5[%get3A_881, %get3A_882] {strides = array<i32>} : memref<200x128xi32, #tpu.memory_space<vmem>>, vector<16xi32>,
        %shift_right_arithmetic3A_884 = arith.constant 1 : i32
        %shift_right_arithmetic3A_885 = vector.broadcast %shift_right_arithmetic3A_884 : i32 to vector<16xi32>
        %shift_right_arithmetic3A_886 = arith.shrsi %get3A_883, %shift_right_arithmetic3A_885 : vector<16xi32>
        %mul3A_887 = arith.constant 16 : i32
        %mul3A_888 = arith.muli %scan3A_878, %mul3A_887 : i32
        %swap3A_889 = arith.constant 1 : i32
        %swap3A_890 = arith.index_cast %swap3A_889 : i32 to index
        %swap3A_891 = arith.index_cast %mul3A_888 : i32 to index
        %swap3A_892 = tpu.vector_load %arg6[%swap3A_890, %swap3A_891] {strides = array<i32>} : memref<4x128xi32, #tpu.memory_space<vmem>>, vector<16xi32>,
        tpu.vector_store %arg6[%swap3A_890, %swap3A_891], %shift_right_arithmetic3A_886 {strides = array<i32>} : memref<4x128xi32, #tpu.memory_space<vmem>>, vector<16xi32>,
        %scan3A_893 = arith.constant 1 : i32
        %mul3A_894 = arith.constant 16 : i32
        %mul3A_895 = arith.muli %scan3A_893, %mul3A_894 : i32
        %get3A_896 = arith.index_cast %add3A_876 : i32 to index
        %get3A_897 = arith.index_cast %mul3A_895 : i32 to index
        %get3A_898 = tpu.vector_load %arg5[%get3A_896, %get3A_897] {strides = array<i32>} : memref<200x128xi32, #tpu.memory_space<vmem>>, vector<16xi32>,
        %shift_right_arithmetic3A_899 = arith.constant 1 : i32
        %shift_right_arithmetic3A_900 = vector.broadcast %shift_right_arithmetic3A_899 : i32 to vector<16xi32>
        %shift_right_arithmetic3A_901 = arith.shrsi %get3A_898, %shift_right_arithmetic3A_900 : vector<16xi32>
        %mul3A_902 = arith.constant 16 : i32
        %mul3A_903 = arith.muli %scan3A_893, %mul3A_902 : i32
        %swap3A_904 = arith.constant 1 : i32
        %swap3A_905 = arith.index_cast %swap3A_904 : i32 to index
        %swap3A_906 = arith.index_cast %mul3A_903 : i32 to index
        %swap3A_907 = tpu.vector_load %arg6[%swap3A_905, %swap3A_906] {strides = array<i32>} : memref<4x128xi32, #tpu.memory_space<vmem>>, vector<16xi32>,
        tpu.vector_store %arg6[%swap3A_905, %swap3A_906], %shift_right_arithmetic3A_901 {strides = array<i32>} : memref<4x128xi32, #tpu.memory_space<vmem>>, vector<16xi32>,
        %scan3A_908 = arith.constant 2 : i32
        %mul3A_909 = arith.constant 16 : i32
        %mul3A_910 = arith.muli %scan3A_908, %mul3A_909 : i32
        %get3A_911 = arith.index_cast %add3A_876 : i32 to index
        %get3A_912 = arith.index_cast %mul3A_910 : i32 to index
        %get3A_913 = tpu.vector_load %arg5[%get3A_911, %get3A_912] {strides = array<i32>} : memref<200x128xi32, #tpu.memory_space<vmem>>, vector<16xi32>,
        %shift_right_arithmetic3A_914 = arith.constant 1 : i32
        %shift_right_arithmetic3A_915 = vector.broadcast %shift_right_arithmetic3A_914 : i32 to vector<16xi32>
        %shift_right_arithmetic3A_916 = arith.shrsi %get3A_913, %shift_right_arithmetic3A_915 : vector<16xi32>
        %mul3A_917 = arith.constant 16 : i32
        %mul3A_918 = arith.muli %scan3A_908, %mul3A_917 : i32
        %swap3A_919 = arith.constant 1 : i32
        %swap3A_920 = arith.index_cast %swap3A_919 : i32 to index
        %swap3A_921 = arith.index_cast %mul3A_918 : i32 to index
        %swap3A_922 = tpu.vector_load %arg6[%swap3A_920, %swap3A_921] {strides = array<i32>} : memref<4x128xi32, #tpu.memory_space<vmem>>, vector<16xi32>,
        tpu.vector_store %arg6[%swap3A_920, %swap3A_921], %shift_right_arithmetic3A_916 {strides = array<i32>} : memref<4x128xi32, #tpu.memory_space<vmem>>, vector<16xi32>,
        %scan3A_923 = arith.constant 3 : i32
        %mul3A_924 = arith.constant 16 : i32
        %mul3A_925 = arith.muli %scan3A_923, %mul3A_924 : i32
        %get3A_926 = arith.index_cast %add3A_876 : i32 to index
        %get3A_927 = arith.index_cast %mul3A_925 : i32 to index
        %get3A_928 = tpu.vector_load %arg5[%get3A_926, %get3A_927] {strides = array<i32>} : memref<200x128xi32, #tpu.memory_space<vmem>>, vector<16xi32>,
        %shift_right_arithmetic3A_929 = arith.constant 1 : i32
        %shift_right_arithmetic3A_930 = vector.broadcast %shift_right_arithmetic3A_929 : i32 to vector<16xi32>
        %shift_right_arithmetic3A_931 = arith.shrsi %get3A_928, %shift_right_arithmetic3A_930 : vector<16xi32>
        %mul3A_932 = arith.constant 16 : i32
        %mul3A_933 = arith.muli %scan3A_923, %mul3A_932 : i32
        %swap3A_934 = arith.constant 1 : i32
        %swap3A_935 = arith.index_cast %swap3A_934 : i32 to index
        %swap3A_936 = arith.index_cast %mul3A_933 : i32 to index
        %swap3A_937 = tpu.vector_load %arg6[%swap3A_935, %swap3A_936] {strides = array<i32>} : memref<4x128xi32, #tpu.memory_space<vmem>>, vector<16xi32>,
        tpu.vector_store %arg6[%swap3A_935, %swap3A_936], %shift_right_arithmetic3A_931 {strides = array<i32>} : memref<4x128xi32, #tpu.memory_space<vmem>>, vector<16xi32>,
        %scan3A_938 = arith.constant 4 : i32
        %mul3A_939 = arith.constant 16 : i32
        %mul3A_940 = arith.muli %scan3A_938, %mul3A_939 : i32
        %get3A_941 = arith.index_cast %add3A_876 : i32 to index
        %get3A_942 = arith.index_cast %mul3A_940 : i32 to index
        %get3A_943 = tpu.vector_load %arg5[%get3A_941, %get3A_942] {strides = array<i32>} : memref<200x128xi32, #tpu.memory_space<vmem>>, vector<16xi32>,
        %shift_right_arithmetic3A_944 = arith.constant 1 : i32
        %shift_right_arithmetic3A_945 = vector.broadcast %shift_right_arithmetic3A_944 : i32 to vector<16xi32>
        %shift_right_arithmetic3A_946 = arith.shrsi %get3A_943, %shift_right_arithmetic3A_945 : vector<16xi32>
        %mul3A_947 = arith.constant 16 : i32
        %mul3A_948 = arith.muli %scan3A_938, %mul3A_947 : i32
        %swap3A_949 = arith.constant 1 : i32
        %swap3A_950 = arith.index_cast %swap3A_949 : i32 to index
        %swap3A_951 = arith.index_cast %mul3A_948 : i32 to index
        %swap3A_952 = tpu.vector_load %arg6[%swap3A_950, %swap3A_951] {strides = array<i32>} : memref<4x128xi32, #tpu.memory_space<vmem>>, vector<16xi32>,
        tpu.vector_store %arg6[%swap3A_950, %swap3A_951], %shift_right_arithmetic3A_946 {strides = array<i32>} : memref<4x128xi32, #tpu.memory_space<vmem>>, vector<16xi32>,
        %scan3A_953 = arith.constant 5 : i32
        %mul3A_954 = arith.constant 16 : i32
        %mul3A_955 = arith.muli %scan3A_953, %mul3A_954 : i32
        %get3A_956 = arith.index_cast %add3A_876 : i32 to index
        %get3A_957 = arith.index_cast %mul3A_955 : i32 to index
        %get3A_958 = tpu.vector_load %arg5[%get3A_956, %get3A_957] {strides = array<i32>} : memref<200x128xi32, #tpu.memory_space<vmem>>, vector<16xi32>,
        %shift_right_arithmetic3A_959 = arith.constant 1 : i32
        %shift_right_arithmetic3A_960 = vector.broadcast %shift_right_arithmetic3A_959 : i32 to vector<16xi32>
        %shift_right_arithmetic3A_961 = arith.shrsi %get3A_958, %shift_right_arithmetic3A_960 : vector<16xi32>
        %mul3A_962 = arith.constant 16 : i32
        %mul3A_963 = arith.muli %scan3A_953, %mul3A_962 : i32
        %swap3A_964 = arith.constant 1 : i32
        %swap3A_965 = arith.index_cast %swap3A_964 : i32 to index
        %swap3A_966 = arith.index_cast %mul3A_963 : i32 to index
        %swap3A_967 = tpu.vector_load %arg6[%swap3A_965, %swap3A_966] {strides = array<i32>} : memref<4x128xi32, #tpu.memory_space<vmem>>, vector<16xi32>,
        tpu.vector_store %arg6[%swap3A_965, %swap3A_966], %shift_right_arithmetic3A_961 {strides = array<i32>} : memref<4x128xi32, #tpu.memory_space<vmem>>, vector<16xi32>,
        %scan3A_968 = arith.constant 6 : i32
        %mul3A_969 = arith.constant 16 : i32
        %mul3A_970 = arith.muli %scan3A_968, %mul3A_969 : i32
        %get3A_971 = arith.index_cast %add3A_876 : i32 to index
        %get3A_972 = arith.index_cast %mul3A_970 : i32 to index
        %get3A_973 = tpu.vector_load %arg5[%get3A_971, %get3A_972] {strides = array<i32>} : memref<200x128xi32, #tpu.memory_space<vmem>>, vector<16xi32>,
        %shift_right_arithmetic3A_974 = arith.constant 1 : i32
        %shift_right_arithmetic3A_975 = vector.broadcast %shift_right_arithmetic3A_974 : i32 to vector<16xi32>
        %shift_right_arithmetic3A_976 = arith.shrsi %get3A_973, %shift_right_arithmetic3A_975 : vector<16xi32>
        %mul3A_977 = arith.constant 16 : i32
        %mul3A_978 = arith.muli %scan3A_968, %mul3A_977 : i32
        %swap3A_979 = arith.constant 1 : i32
        %swap3A_980 = arith.index_cast %swap3A_979 : i32 to index
        %swap3A_981 = arith.index_cast %mul3A_978 : i32 to index
        %swap3A_982 = tpu.vector_load %arg6[%swap3A_980, %swap3A_981] {strides = array<i32>} : memref<4x128xi32, #tpu.memory_space<vmem>>, vector<16xi32>,
        tpu.vector_store %arg6[%swap3A_980, %swap3A_981], %shift_right_arithmetic3A_976 {strides = array<i32>} : memref<4x128xi32, #tpu.memory_space<vmem>>, vector<16xi32>,
        %scan3A_983 = arith.constant 7 : i32
        %mul3A_984 = arith.constant 16 : i32
        %mul3A_985 = arith.muli %scan3A_983, %mul3A_984 : i32
        %get3A_986 = arith.index_cast %add3A_876 : i32 to index
        %get3A_987 = arith.index_cast %mul3A_985 : i32 to index
        %get3A_988 = tpu.vector_load %arg5[%get3A_986, %get3A_987] {strides = array<i32>} : memref<200x128xi32, #tpu.memory_space<vmem>>, vector<16xi32>,
        %shift_right_arithmetic3A_989 = arith.constant 1 : i32
        %shift_right_arithmetic3A_990 = vector.broadcast %shift_right_arithmetic3A_989 : i32 to vector<16xi32>
        %shift_right_arithmetic3A_991 = arith.shrsi %get3A_988, %shift_right_arithmetic3A_990 : vector<16xi32>
        %mul3A_992 = arith.constant 16 : i32
        %mul3A_993 = arith.muli %scan3A_983, %mul3A_992 : i32
        %swap3A_994 = arith.constant 1 : i32
        %swap3A_995 = arith.index_cast %swap3A_994 : i32 to index
        %swap3A_996 = arith.index_cast %mul3A_993 : i32 to index
        %swap3A_997 = tpu.vector_load %arg6[%swap3A_995, %swap3A_996] {strides = array<i32>} : memref<4x128xi32, #tpu.memory_space<vmem>>, vector<16xi32>,
        tpu.vector_store %arg6[%swap3A_995, %swap3A_996], %shift_right_arithmetic3A_991 {strides = array<i32>} : memref<4x128xi32, #tpu.memory_space<vmem>>, vector<16xi32>,
        %scan3A_998 = arith.constant 8 : i32
        %dma_start3A_999 = arith.constant 1 : i32
        %dma_start3A_1000 = arith.constant 0 : i32
        %dma_start3A_1001 = tpu.memref_slice %arg6[%dma_start3A_999, %dma_start3A_1000] : memref<4x128xi32, #tpu.memory_space<vmem>> -> memref<1x128xi32, #tpu.memory_space<vmem>>
        %dma_start3A_1002 = tpu.memref_squeeze %dma_start3A_1001 : memref<1x128xi32, #tpu.memory_space<vmem>> -> memref<128xi32, #tpu.memory_space<vmem>>
        %dma_start3A_1003 = arith.constant 0 : i32
        %dma_start3A_1004 = arith.constant 0 : i32
        %dma_start3A_1005 = tpu.memref_slice %arg3[%dma_start3A_1003, %dma_start3A_1004] : memref<500000x128xf32, #tpu.memory_space<hbm>> -> memref<500000x128xf32, #tpu.memory_space<hbm>>
        tpu.enqueue_indirect_dma source(%dma_start3A_1005 : memref<500000x128xf32, #tpu.memory_space<hbm>>) target(%arg8 : memref<128x128xf32, #tpu.memory_space<vmem>>) offsets(%dma_start3A_1002 : memref<128xi32, #tpu.memory_space<vmem>>) semaphore(%arg15 : memref<!tpu.dma_semaphore, #tpu.memory_space<semaphore_mem>>)
      } else {
      }
      %dma_wait3A_676 = arith.constant 2 : i32
      %dma_wait3A_677 = arith.constant 0 : i32
      %dma_wait3A_678 = tpu.memref_slice %arg6[%dma_wait3A_676, %dma_wait3A_677] : memref<4x128xi32, #tpu.memory_space<vmem>> -> memref<1x128xi32, #tpu.memory_space<vmem>>
      %dma_wait3A_679 = tpu.memref_squeeze %dma_wait3A_678 : memref<1x128xi32, #tpu.memory_space<vmem>> -> memref<128xi32, #tpu.memory_space<vmem>>
      %dma_wait3A_680 = arith.constant 0 : i32
      %dma_wait3A_681 = arith.constant 0 : i32
      %dma_wait3A_682 = tpu.memref_slice %arg3[%dma_wait3A_680, %dma_wait3A_681] : memref<500000x128xf32, #tpu.memory_space<hbm>> -> memref<500000x128xf32, #tpu.memory_space<hbm>>
      tpu.wait_indirect_dma semaphore(%arg16 : memref<!tpu.dma_semaphore, #tpu.memory_space<semaphore_mem>>) src(%dma_wait3A_682 : memref<500000x128xf32, #tpu.memory_space<hbm>>) dst(%arg9 : memref<128x128xf32, #tpu.memory_space<vmem>>)
      %ge3A_683 = arith.constant 2 : i32
      %ge3A_684 = arith.cmpi sge, %add3A_668, %ge3A_683 : i32
      %convert_element_type3A_685 = arith.extui %ge3A_684 : i1 to i32
      %cond3A_686 = arith.constant 0 : i32
      %cond3A_687 = arith.cmpi ne, %convert_element_type3A_685, %cond3A_686 : i32
      scf.if %cond3A_687 {
        %sub3A = arith.constant 2 : i32
        %sub3A_875 = arith.subi %add3A_668, %sub3A : i32
        %dma_wait3A_876 = arith.constant 0 : i32
        %dma_wait3A_877 = tpu.memref_slice %arg4[%sub3A_875, %dma_wait3A_876, %mul3A_2] : memref<200x64x4096xf32, #tpu.memory_space<hbm>> -> memref<1x64x128xf32, #tpu.memory_space<hbm>>
        %dma_wait3A_878 = tpu.memref_squeeze %dma_wait3A_877 : memref<1x64x128xf32, #tpu.memory_space<hbm>> -> memref<64x128xf32, #tpu.memory_space<hbm>>
        %dma_wait3A_879 = arith.constant 0 : i32
        %dma_wait3A_880 = tpu.memref_slice %arg4[%sub3A_875, %dma_wait3A_879, %mul3A_2] : memref<200x64x4096xf32, #tpu.memory_space<hbm>> -> memref<1x64x128xf32, #tpu.memory_space<hbm>>
        %dma_wait3A_881 = tpu.memref_squeeze %dma_wait3A_880 : memref<1x64x128xf32, #tpu.memory_space<hbm>> -> memref<64x128xf32, #tpu.memory_space<hbm>>
        tpu.wait_dma2 semaphore(%arg18 : memref<!tpu.dma_semaphore, #tpu.memory_space<semaphore_mem>>) src(%arg11 : memref<64x128xf32, #tpu.memory_space<vmem>>) dst(%dma_wait3A_881 : memref<64x128xf32, #tpu.memory_space<hbm>>)
      } else {
      }
      %get3A_688 = arith.index_cast %add3A_668 : i32 to index
      %get3A_689 = arith.constant 0 : index
      %get3A_690 = tpu.vector_load %arg5[%get3A_688, %get3A_689] {strides = array<i32>} : memref<200x128xi32, #tpu.memory_space<vmem>>, vector<16xi32>,
      %and3A_691 = arith.constant 1 : i32
      %and3A_692 = vector.broadcast %and3A_691 : i32 to vector<16xi32>
      %and3A_693 = arith.andi %get3A_690, %and3A_692 : vector<16xi32>
      %mul3A_694 = arith.constant 64 : i32
      %mul3A_695 = vector.broadcast %mul3A_694 : i32 to vector<16xi32>
      %mul3A_696 = arith.muli %and3A_693, %mul3A_695 : vector<16xi32>
      %get3A_697 = arith.index_cast %add3A_668 : i32 to index
      %get3A_698 = arith.constant 16 : index
      %get3A_699 = tpu.vector_load %arg5[%get3A_697, %get3A_698] {strides = array<i32>} : memref<200x128xi32, #tpu.memory_space<vmem>>, vector<16xi32>,
      %and3A_700 = arith.constant 1 : i32
      %and3A_701 = vector.broadcast %and3A_700 : i32 to vector<16xi32>
      %and3A_702 = arith.andi %get3A_699, %and3A_701 : vector<16xi32>
      %mul3A_703 = arith.constant 64 : i32
      %mul3A_704 = vector.broadcast %mul3A_703 : i32 to vector<16xi32>
      %mul3A_705 = arith.muli %and3A_702, %mul3A_704 : vector<16xi32>
      %get3A_706 = arith.index_cast %add3A_668 : i32 to index
      %get3A_707 = arith.constant 32 : index
      %get3A_708 = tpu.vector_load %arg5[%get3A_706, %get3A_707] {strides = array<i32>} : memref<200x128xi32, #tpu.memory_space<vmem>>, vector<16xi32>,
      %and3A_709 = arith.constant 1 : i32
      %and3A_710 = vector.broadcast %and3A_709 : i32 to vector<16xi32>
      %and3A_711 = arith.andi %get3A_708, %and3A_710 : vector<16xi32>
      %mul3A_712 = arith.constant 64 : i32
      %mul3A_713 = vector.broadcast %mul3A_712 : i32 to vector<16xi32>
      %mul3A_714 = arith.muli %and3A_711, %mul3A_713 : vector<16xi32>
      %get3A_715 = arith.index_cast %add3A_668 : i32 to index
      %get3A_716 = arith.constant 48 : index
      %get3A_717 = tpu.vector_load %arg5[%get3A_715, %get3A_716] {strides = array<i32>} : memref<200x128xi32, #tpu.memory_space<vmem>>, vector<16xi32>,
      %and3A_718 = arith.constant 1 : i32
      %and3A_719 = vector.broadcast %and3A_718 : i32 to vector<16xi32>
      %and3A_720 = arith.andi %get3A_717, %and3A_719 : vector<16xi32>
      %mul3A_721 = arith.constant 64 : i32
      %mul3A_722 = vector.broadcast %mul3A_721 : i32 to vector<16xi32>
      %mul3A_723 = arith.muli %and3A_720, %mul3A_722 : vector<16xi32>
      %get3A_724 = arith.index_cast %add3A_668 : i32 to index
      %get3A_725 = arith.constant 64 : index
      %get3A_726 = tpu.vector_load %arg5[%get3A_724, %get3A_725] {strides = array<i32>} : memref<200x128xi32, #tpu.memory_space<vmem>>, vector<16xi32>,
      %and3A_727 = arith.constant 1 : i32
      %and3A_728 = vector.broadcast %and3A_727 : i32 to vector<16xi32>
      %and3A_729 = arith.andi %get3A_726, %and3A_728 : vector<16xi32>
      %mul3A_730 = arith.constant 64 : i32
      %mul3A_731 = vector.broadcast %mul3A_730 : i32 to vector<16xi32>
      %mul3A_732 = arith.muli %and3A_729, %mul3A_731 : vector<16xi32>
      %get3A_733 = arith.index_cast %add3A_668 : i32 to index
      %get3A_734 = arith.constant 80 : index
      %get3A_735 = tpu.vector_load %arg5[%get3A_733, %get3A_734] {strides = array<i32>} : memref<200x128xi32, #tpu.memory_space<vmem>>, vector<16xi32>,
      %and3A_736 = arith.constant 1 : i32
      %and3A_737 = vector.broadcast %and3A_736 : i32 to vector<16xi32>
      %and3A_738 = arith.andi %get3A_735, %and3A_737 : vector<16xi32>
      %mul3A_739 = arith.constant 64 : i32
      %mul3A_740 = vector.broadcast %mul3A_739 : i32 to vector<16xi32>
      %mul3A_741 = arith.muli %and3A_738, %mul3A_740 : vector<16xi32>
      %get3A_742 = arith.index_cast %add3A_668 : i32 to index
      %get3A_743 = arith.constant 96 : index
      %get3A_744 = tpu.vector_load %arg5[%get3A_742, %get3A_743] {strides = array<i32>} : memref<200x128xi32, #tpu.memory_space<vmem>>, vector<16xi32>,
      %and3A_745 = arith.constant 1 : i32
      %and3A_746 = vector.broadcast %and3A_745 : i32 to vector<16xi32>
      %and3A_747 = arith.andi %get3A_744, %and3A_746 : vector<16xi32>
      %mul3A_748 = arith.constant 64 : i32
      %mul3A_749 = vector.broadcast %mul3A_748 : i32 to vector<16xi32>
      %mul3A_750 = arith.muli %and3A_747, %mul3A_749 : vector<16xi32>
      %get3A_751 = arith.index_cast %add3A_668 : i32 to index
      %get3A_752 = arith.constant 112 : index
      %get3A_753 = tpu.vector_load %arg5[%get3A_751, %get3A_752] {strides = array<i32>} : memref<200x128xi32, #tpu.memory_space<vmem>>, vector<16xi32>,
      %and3A_754 = arith.constant 1 : i32
      %and3A_755 = vector.broadcast %and3A_754 : i32 to vector<16xi32>
      %and3A_756 = arith.andi %get3A_753, %and3A_755 : vector<16xi32>
      %mul3A_757 = arith.constant 64 : i32
      %mul3A_758 = vector.broadcast %mul3A_757 : i32 to vector<16xi32>
      %mul3A_759 = arith.muli %and3A_756, %mul3A_758 : vector<16xi32>
      %parallel_loop3A_760 = arith.constant 0 : i32
      %parallel_loop3A_761 = arith.constant 64 : i32
      %parallel_loop3A_762 = arith.constant 1 : i32
      %parallel_loop3A_763:8 = scf.for %parallel_loop3A_875 = %parallel_loop3A_760 to %parallel_loop3A_761 step %parallel_loop3A_762 iter_args(%parallel_loop3A_876 = %mul3A_696, %parallel_loop3A_877 = %mul3A_705, %parallel_loop3A_878 = %mul3A_714, %parallel_loop3A_879 = %mul3A_723, %parallel_loop3A_880 = %mul3A_732, %parallel_loop3A_881 = %mul3A_741, %parallel_loop3A_882 = %mul3A_750, %parallel_loop3A_883 = %mul3A_759) -> (vector<16xi32>, vector<16xi32>, vector<16xi32>, vector<16xi32>, vector<16xi32>, vector<16xi32>, vector<16xi32>, vector<16xi32>)  : i32 {
        %parallel_loop3A_884 = tpu.vector_load_idx %arg9[%add3A_5, %parallel_loop3A_876] : memref<128x128xf32, #tpu.memory_space<vmem>>[vector<16xi32>, vector<16xi32>], vector<16xf32>,
        %parallel_loop3A_885 = arith.constant 8.000000e+00 : f32
        %parallel_loop3A_886 = vector.broadcast %parallel_loop3A_885 : f32 to vector<16xf32>
        %parallel_loop3A_887 = arith.mulf %parallel_loop3A_884, %parallel_loop3A_886 : vector<16xf32>
        %parallel_loop3A_888 = arith.index_cast %parallel_loop3A_875 : i32 to index
        %parallel_loop3A_889 = arith.constant 0 : index
        %parallel_loop3A_890 = tpu.vector_load %arg11[%parallel_loop3A_888, %parallel_loop3A_889] {strides = array<i32>} : memref<64x128xf32, #tpu.memory_space<vmem>>, vector<16xf32>,
        tpu.vector_store %arg11[%parallel_loop3A_888, %parallel_loop3A_889], %parallel_loop3A_887 {strides = array<i32>} : memref<64x128xf32, #tpu.memory_space<vmem>>, vector<16xf32>,
        %parallel_loop3A_891 = tpu.vector_load_idx %arg9[%add3A_8, %parallel_loop3A_877] : memref<128x128xf32, #tpu.memory_space<vmem>>[vector<16xi32>, vector<16xi32>], vector<16xf32>,
        %parallel_loop3A_892 = arith.constant 8.000000e+00 : f32
        %parallel_loop3A_893 = vector.broadcast %parallel_loop3A_892 : f32 to vector<16xf32>
        %parallel_loop3A_894 = arith.mulf %parallel_loop3A_891, %parallel_loop3A_893 : vector<16xf32>
        %parallel_loop3A_895 = arith.index_cast %parallel_loop3A_875 : i32 to index
        %parallel_loop3A_896 = arith.constant 16 : index
        %parallel_loop3A_897 = tpu.vector_load %arg11[%parallel_loop3A_895, %parallel_loop3A_896] {strides = array<i32>} : memref<64x128xf32, #tpu.memory_space<vmem>>, vector<16xf32>,
        tpu.vector_store %arg11[%parallel_loop3A_895, %parallel_loop3A_896], %parallel_loop3A_894 {strides = array<i32>} : memref<64x128xf32, #tpu.memory_space<vmem>>, vector<16xf32>,
        %parallel_loop3A_898 = tpu.vector_load_idx %arg9[%add3A_11, %parallel_loop3A_878] : memref<128x128xf32, #tpu.memory_space<vmem>>[vector<16xi32>, vector<16xi32>], vector<16xf32>,
        %parallel_loop3A_899 = arith.constant 8.000000e+00 : f32
        %parallel_loop3A_900 = vector.broadcast %parallel_loop3A_899 : f32 to vector<16xf32>
        %parallel_loop3A_901 = arith.mulf %parallel_loop3A_898, %parallel_loop3A_900 : vector<16xf32>
        %parallel_loop3A_902 = arith.index_cast %parallel_loop3A_875 : i32 to index
        %parallel_loop3A_903 = arith.constant 32 : index
        %parallel_loop3A_904 = tpu.vector_load %arg11[%parallel_loop3A_902, %parallel_loop3A_903] {strides = array<i32>} : memref<64x128xf32, #tpu.memory_space<vmem>>, vector<16xf32>,
        tpu.vector_store %arg11[%parallel_loop3A_902, %parallel_loop3A_903], %parallel_loop3A_901 {strides = array<i32>} : memref<64x128xf32, #tpu.memory_space<vmem>>, vector<16xf32>,
        %parallel_loop3A_905 = tpu.vector_load_idx %arg9[%add3A_14, %parallel_loop3A_879] : memref<128x128xf32, #tpu.memory_space<vmem>>[vector<16xi32>, vector<16xi32>], vector<16xf32>,
        %parallel_loop3A_906 = arith.constant 8.000000e+00 : f32
        %parallel_loop3A_907 = vector.broadcast %parallel_loop3A_906 : f32 to vector<16xf32>
        %parallel_loop3A_908 = arith.mulf %parallel_loop3A_905, %parallel_loop3A_907 : vector<16xf32>
        %parallel_loop3A_909 = arith.index_cast %parallel_loop3A_875 : i32 to index
        %parallel_loop3A_910 = arith.constant 48 : index
        %parallel_loop3A_911 = tpu.vector_load %arg11[%parallel_loop3A_909, %parallel_loop3A_910] {strides = array<i32>} : memref<64x128xf32, #tpu.memory_space<vmem>>, vector<16xf32>,
        tpu.vector_store %arg11[%parallel_loop3A_909, %parallel_loop3A_910], %parallel_loop3A_908 {strides = array<i32>} : memref<64x128xf32, #tpu.memory_space<vmem>>, vector<16xf32>,
        %parallel_loop3A_912 = tpu.vector_load_idx %arg9[%add3A_17, %parallel_loop3A_880] : memref<128x128xf32, #tpu.memory_space<vmem>>[vector<16xi32>, vector<16xi32>], vector<16xf32>,
        %parallel_loop3A_913 = arith.constant 8.000000e+00 : f32
        %parallel_loop3A_914 = vector.broadcast %parallel_loop3A_913 : f32 to vector<16xf32>
        %parallel_loop3A_915 = arith.mulf %parallel_loop3A_912, %parallel_loop3A_914 : vector<16xf32>
        %parallel_loop3A_916 = arith.index_cast %parallel_loop3A_875 : i32 to index
        %parallel_loop3A_917 = arith.constant 64 : index
        %parallel_loop3A_918 = tpu.vector_load %arg11[%parallel_loop3A_916, %parallel_loop3A_917] {strides = array<i32>} : memref<64x128xf32, #tpu.memory_space<vmem>>, vector<16xf32>,
        tpu.vector_store %arg11[%parallel_loop3A_916, %parallel_loop3A_917], %parallel_loop3A_915 {strides = array<i32>} : memref<64x128xf32, #tpu.memory_space<vmem>>, vector<16xf32>,
        %parallel_loop3A_919 = tpu.vector_load_idx %arg9[%add3A_20, %parallel_loop3A_881] : memref<128x128xf32, #tpu.memory_space<vmem>>[vector<16xi32>, vector<16xi32>], vector<16xf32>,
        %parallel_loop3A_920 = arith.constant 8.000000e+00 : f32
        %parallel_loop3A_921 = vector.broadcast %parallel_loop3A_920 : f32 to vector<16xf32>
        %parallel_loop3A_922 = arith.mulf %parallel_loop3A_919, %parallel_loop3A_921 : vector<16xf32>
        %parallel_loop3A_923 = arith.index_cast %parallel_loop3A_875 : i32 to index
        %parallel_loop3A_924 = arith.constant 80 : index
        %parallel_loop3A_925 = tpu.vector_load %arg11[%parallel_loop3A_923, %parallel_loop3A_924] {strides = array<i32>} : memref<64x128xf32, #tpu.memory_space<vmem>>, vector<16xf32>,
        tpu.vector_store %arg11[%parallel_loop3A_923, %parallel_loop3A_924], %parallel_loop3A_922 {strides = array<i32>} : memref<64x128xf32, #tpu.memory_space<vmem>>, vector<16xf32>,
        %parallel_loop3A_926 = tpu.vector_load_idx %arg9[%add3A_23, %parallel_loop3A_882] : memref<128x128xf32, #tpu.memory_space<vmem>>[vector<16xi32>, vector<16xi32>], vector<16xf32>,
        %parallel_loop3A_927 = arith.constant 8.000000e+00 : f32
        %parallel_loop3A_928 = vector.broadcast %parallel_loop3A_927 : f32 to vector<16xf32>
        %parallel_loop3A_929 = arith.mulf %parallel_loop3A_926, %parallel_loop3A_928 : vector<16xf32>
        %parallel_loop3A_930 = arith.index_cast %parallel_loop3A_875 : i32 to index
        %parallel_loop3A_931 = arith.constant 96 : index
        %parallel_loop3A_932 = tpu.vector_load %arg11[%parallel_loop3A_930, %parallel_loop3A_931] {strides = array<i32>} : memref<64x128xf32, #tpu.memory_space<vmem>>, vector<16xf32>,
        tpu.vector_store %arg11[%parallel_loop3A_930, %parallel_loop3A_931], %parallel_loop3A_929 {strides = array<i32>} : memref<64x128xf32, #tpu.memory_space<vmem>>, vector<16xf32>,
        %parallel_loop3A_933 = tpu.vector_load_idx %arg9[%add3A_26, %parallel_loop3A_883] : memref<128x128xf32, #tpu.memory_space<vmem>>[vector<16xi32>, vector<16xi32>], vector<16xf32>,
        %parallel_loop3A_934 = arith.constant 8.000000e+00 : f32
        %parallel_loop3A_935 = vector.broadcast %parallel_loop3A_934 : f32 to vector<16xf32>
        %parallel_loop3A_936 = arith.mulf %parallel_loop3A_933, %parallel_loop3A_935 : vector<16xf32>
        %parallel_loop3A_937 = arith.index_cast %parallel_loop3A_875 : i32 to index
        %parallel_loop3A_938 = arith.constant 112 : index
        %parallel_loop3A_939 = tpu.vector_load %arg11[%parallel_loop3A_937, %parallel_loop3A_938] {strides = array<i32>} : memref<64x128xf32, #tpu.memory_space<vmem>>, vector<16xf32>,
        tpu.vector_store %arg11[%parallel_loop3A_937, %parallel_loop3A_938], %parallel_loop3A_936 {strides = array<i32>} : memref<64x128xf32, #tpu.memory_space<vmem>>, vector<16xf32>,
        %parallel_loop3A_940 = arith.constant 1 : i32
        %parallel_loop3A_941 = vector.broadcast %parallel_loop3A_940 : i32 to vector<16xi32>
        %parallel_loop3A_942 = arith.addi %parallel_loop3A_876, %parallel_loop3A_941 : vector<16xi32>
        %parallel_loop3A_943 = arith.constant 1 : i32
        %parallel_loop3A_944 = vector.broadcast %parallel_loop3A_943 : i32 to vector<16xi32>
        %parallel_loop3A_945 = arith.addi %parallel_loop3A_877, %parallel_loop3A_944 : vector<16xi32>
        %parallel_loop3A_946 = arith.constant 1 : i32
        %parallel_loop3A_947 = vector.broadcast %parallel_loop3A_946 : i32 to vector<16xi32>
        %parallel_loop3A_948 = arith.addi %parallel_loop3A_878, %parallel_loop3A_947 : vector<16xi32>
        %parallel_loop3A_949 = arith.constant 1 : i32
        %parallel_loop3A_950 = vector.broadcast %parallel_loop3A_949 : i32 to vector<16xi32>
        %parallel_loop3A_951 = arith.addi %parallel_loop3A_879, %parallel_loop3A_950 : vector<16xi32>
        %parallel_loop3A_952 = arith.constant 1 : i32
        %parallel_loop3A_953 = vector.broadcast %parallel_loop3A_952 : i32 to vector<16xi32>
        %parallel_loop3A_954 = arith.addi %parallel_loop3A_880, %parallel_loop3A_953 : vector<16xi32>
        %parallel_loop3A_955 = arith.constant 1 : i32
        %parallel_loop3A_956 = vector.broadcast %parallel_loop3A_955 : i32 to vector<16xi32>
        %parallel_loop3A_957 = arith.addi %parallel_loop3A_881, %parallel_loop3A_956 : vector<16xi32>
        %parallel_loop3A_958 = arith.constant 1 : i32
        %parallel_loop3A_959 = vector.broadcast %parallel_loop3A_958 : i32 to vector<16xi32>
        %parallel_loop3A_960 = arith.addi %parallel_loop3A_882, %parallel_loop3A_959 : vector<16xi32>
        %parallel_loop3A_961 = arith.constant 1 : i32
        %parallel_loop3A_962 = vector.broadcast %parallel_loop3A_961 : i32 to vector<16xi32>
        %parallel_loop3A_963 = arith.addi %parallel_loop3A_883, %parallel_loop3A_962 : vector<16xi32>
        scf.yield %parallel_loop3A_942, %parallel_loop3A_945, %parallel_loop3A_948, %parallel_loop3A_951, %parallel_loop3A_954, %parallel_loop3A_957, %parallel_loop3A_960, %parallel_loop3A_963 : vector<16xi32>, vector<16xi32>, vector<16xi32>, vector<16xi32>, vector<16xi32>, vector<16xi32>, vector<16xi32>, vector<16xi32>
      } {sc.loop_unroll_factor = 8 : i64, sc.parallel_access}
      %dma_start3A_764 = arith.constant 0 : i32
      %dma_start3A_765 = tpu.memref_slice %arg4[%add3A_668, %dma_start3A_764, %mul3A_2] : memref<200x64x4096xf32, #tpu.memory_space<hbm>> -> memref<1x64x128xf32, #tpu.memory_space<hbm>>
      %dma_start3A_766 = tpu.memref_squeeze %dma_start3A_765 : memref<1x64x128xf32, #tpu.memory_space<hbm>> -> memref<64x128xf32, #tpu.memory_space<hbm>>
      %dma_start3A_767 = arith.constant 0 : i32
      %dma_start3A_768 = tpu.memref_slice %arg4[%add3A_668, %dma_start3A_767, %mul3A_2] : memref<200x64x4096xf32, #tpu.memory_space<hbm>> -> memref<1x64x128xf32, #tpu.memory_space<hbm>>
      %dma_start3A_769 = tpu.memref_squeeze %dma_start3A_768 : memref<1x64x128xf32, #tpu.memory_space<hbm>> -> memref<64x128xf32, #tpu.memory_space<hbm>>
      tpu.enqueue_dma source(%arg11 : memref<64x128xf32, #tpu.memory_space<vmem>>) target(%dma_start3A_769 : memref<64x128xf32, #tpu.memory_space<hbm>>) target_semaphore(%arg18 : memref<!tpu.dma_semaphore, #tpu.memory_space<semaphore_mem>>)
      %mul3A_770 = arith.constant 4 : i32
      %mul3A_771 = arith.muli %mul3A_770, %scan3A_460 : i32
      %add3A_772 = arith.constant 3 : i32
      %add3A_773 = arith.addi %mul3A_771, %add3A_772 : i32
      %add3A_774 = arith.constant 3 : i32
      %add3A_775 = arith.addi %add3A_773, %add3A_774 : i32
      %lt3A_776 = arith.constant 200 : i32
      %lt3A_777 = arith.cmpi slt, %add3A_775, %lt3A_776 : i32
      %convert_element_type3A_778 = arith.extui %lt3A_777 : i1 to i32
      %cond3A_779 = arith.constant 0 : i32
      %cond3A_780 = arith.cmpi ne, %convert_element_type3A_778, %cond3A_779 : i32
      scf.if %cond3A_780 {
        %add3A_875 = arith.constant 3 : i32
        %add3A_876 = arith.addi %add3A_773, %add3A_875 : i32
        %scan3A_877 = arith.constant 0 : i32
        %scan3A_878 = arith.constant 0 : i32
        %mul3A_879 = arith.constant 16 : i32
        %mul3A_880 = arith.muli %scan3A_878, %mul3A_879 : i32
        %get3A_881 = arith.index_cast %add3A_876 : i32 to index
        %get3A_882 = arith.index_cast %mul3A_880 : i32 to index
        %get3A_883 = tpu.vector_load %arg5[%get3A_881, %get3A_882] {strides = array<i32>} : memref<200x128xi32, #tpu.memory_space<vmem>>, vector<16xi32>,
        %shift_right_arithmetic3A_884 = arith.constant 1 : i32
        %shift_right_arithmetic3A_885 = vector.broadcast %shift_right_arithmetic3A_884 : i32 to vector<16xi32>
        %shift_right_arithmetic3A_886 = arith.shrsi %get3A_883, %shift_right_arithmetic3A_885 : vector<16xi32>
        %mul3A_887 = arith.constant 16 : i32
        %mul3A_888 = arith.muli %scan3A_878, %mul3A_887 : i32
        %swap3A_889 = arith.constant 2 : i32
        %swap3A_890 = arith.index_cast %swap3A_889 : i32 to index
        %swap3A_891 = arith.index_cast %mul3A_888 : i32 to index
        %swap3A_892 = tpu.vector_load %arg6[%swap3A_890, %swap3A_891] {strides = array<i32>} : memref<4x128xi32, #tpu.memory_space<vmem>>, vector<16xi32>,
        tpu.vector_store %arg6[%swap3A_890, %swap3A_891], %shift_right_arithmetic3A_886 {strides = array<i32>} : memref<4x128xi32, #tpu.memory_space<vmem>>, vector<16xi32>,
        %scan3A_893 = arith.constant 1 : i32
        %mul3A_894 = arith.constant 16 : i32
        %mul3A_895 = arith.muli %scan3A_893, %mul3A_894 : i32
        %get3A_896 = arith.index_cast %add3A_876 : i32 to index
        %get3A_897 = arith.index_cast %mul3A_895 : i32 to index
        %get3A_898 = tpu.vector_load %arg5[%get3A_896, %get3A_897] {strides = array<i32>} : memref<200x128xi32, #tpu.memory_space<vmem>>, vector<16xi32>,
        %shift_right_arithmetic3A_899 = arith.constant 1 : i32
        %shift_right_arithmetic3A_900 = vector.broadcast %shift_right_arithmetic3A_899 : i32 to vector<16xi32>
        %shift_right_arithmetic3A_901 = arith.shrsi %get3A_898, %shift_right_arithmetic3A_900 : vector<16xi32>
        %mul3A_902 = arith.constant 16 : i32
        %mul3A_903 = arith.muli %scan3A_893, %mul3A_902 : i32
        %swap3A_904 = arith.constant 2 : i32
        %swap3A_905 = arith.index_cast %swap3A_904 : i32 to index
        %swap3A_906 = arith.index_cast %mul3A_903 : i32 to index
        %swap3A_907 = tpu.vector_load %arg6[%swap3A_905, %swap3A_906] {strides = array<i32>} : memref<4x128xi32, #tpu.memory_space<vmem>>, vector<16xi32>,
        tpu.vector_store %arg6[%swap3A_905, %swap3A_906], %shift_right_arithmetic3A_901 {strides = array<i32>} : memref<4x128xi32, #tpu.memory_space<vmem>>, vector<16xi32>,
        %scan3A_908 = arith.constant 2 : i32
        %mul3A_909 = arith.constant 16 : i32
        %mul3A_910 = arith.muli %scan3A_908, %mul3A_909 : i32
        %get3A_911 = arith.index_cast %add3A_876 : i32 to index
        %get3A_912 = arith.index_cast %mul3A_910 : i32 to index
        %get3A_913 = tpu.vector_load %arg5[%get3A_911, %get3A_912] {strides = array<i32>} : memref<200x128xi32, #tpu.memory_space<vmem>>, vector<16xi32>,
        %shift_right_arithmetic3A_914 = arith.constant 1 : i32
        %shift_right_arithmetic3A_915 = vector.broadcast %shift_right_arithmetic3A_914 : i32 to vector<16xi32>
        %shift_right_arithmetic3A_916 = arith.shrsi %get3A_913, %shift_right_arithmetic3A_915 : vector<16xi32>
        %mul3A_917 = arith.constant 16 : i32
        %mul3A_918 = arith.muli %scan3A_908, %mul3A_917 : i32
        %swap3A_919 = arith.constant 2 : i32
        %swap3A_920 = arith.index_cast %swap3A_919 : i32 to index
        %swap3A_921 = arith.index_cast %mul3A_918 : i32 to index
        %swap3A_922 = tpu.vector_load %arg6[%swap3A_920, %swap3A_921] {strides = array<i32>} : memref<4x128xi32, #tpu.memory_space<vmem>>, vector<16xi32>,
        tpu.vector_store %arg6[%swap3A_920, %swap3A_921], %shift_right_arithmetic3A_916 {strides = array<i32>} : memref<4x128xi32, #tpu.memory_space<vmem>>, vector<16xi32>,
        %scan3A_923 = arith.constant 3 : i32
        %mul3A_924 = arith.constant 16 : i32
        %mul3A_925 = arith.muli %scan3A_923, %mul3A_924 : i32
        %get3A_926 = arith.index_cast %add3A_876 : i32 to index
        %get3A_927 = arith.index_cast %mul3A_925 : i32 to index
        %get3A_928 = tpu.vector_load %arg5[%get3A_926, %get3A_927] {strides = array<i32>} : memref<200x128xi32, #tpu.memory_space<vmem>>, vector<16xi32>,
        %shift_right_arithmetic3A_929 = arith.constant 1 : i32
        %shift_right_arithmetic3A_930 = vector.broadcast %shift_right_arithmetic3A_929 : i32 to vector<16xi32>
        %shift_right_arithmetic3A_931 = arith.shrsi %get3A_928, %shift_right_arithmetic3A_930 : vector<16xi32>
        %mul3A_932 = arith.constant 16 : i32
        %mul3A_933 = arith.muli %scan3A_923, %mul3A_932 : i32
        %swap3A_934 = arith.constant 2 : i32
        %swap3A_935 = arith.index_cast %swap3A_934 : i32 to index
        %swap3A_936 = arith.index_cast %mul3A_933 : i32 to index
        %swap3A_937 = tpu.vector_load %arg6[%swap3A_935, %swap3A_936] {strides = array<i32>} : memref<4x128xi32, #tpu.memory_space<vmem>>, vector<16xi32>,
        tpu.vector_store %arg6[%swap3A_935, %swap3A_936], %shift_right_arithmetic3A_931 {strides = array<i32>} : memref<4x128xi32, #tpu.memory_space<vmem>>, vector<16xi32>,
        %scan3A_938 = arith.constant 4 : i32
        %mul3A_939 = arith.constant 16 : i32
        %mul3A_940 = arith.muli %scan3A_938, %mul3A_939 : i32
        %get3A_941 = arith.index_cast %add3A_876 : i32 to index
        %get3A_942 = arith.index_cast %mul3A_940 : i32 to index
        %get3A_943 = tpu.vector_load %arg5[%get3A_941, %get3A_942] {strides = array<i32>} : memref<200x128xi32, #tpu.memory_space<vmem>>, vector<16xi32>,
        %shift_right_arithmetic3A_944 = arith.constant 1 : i32
        %shift_right_arithmetic3A_945 = vector.broadcast %shift_right_arithmetic3A_944 : i32 to vector<16xi32>
        %shift_right_arithmetic3A_946 = arith.shrsi %get3A_943, %shift_right_arithmetic3A_945 : vector<16xi32>
        %mul3A_947 = arith.constant 16 : i32
        %mul3A_948 = arith.muli %scan3A_938, %mul3A_947 : i32
        %swap3A_949 = arith.constant 2 : i32
        %swap3A_950 = arith.index_cast %swap3A_949 : i32 to index
        %swap3A_951 = arith.index_cast %mul3A_948 : i32 to index
        %swap3A_952 = tpu.vector_load %arg6[%swap3A_950, %swap3A_951] {strides = array<i32>} : memref<4x128xi32, #tpu.memory_space<vmem>>, vector<16xi32>,
        tpu.vector_store %arg6[%swap3A_950, %swap3A_951], %shift_right_arithmetic3A_946 {strides = array<i32>} : memref<4x128xi32, #tpu.memory_space<vmem>>, vector<16xi32>,
        %scan3A_953 = arith.constant 5 : i32
        %mul3A_954 = arith.constant 16 : i32
        %mul3A_955 = arith.muli %scan3A_953, %mul3A_954 : i32
        %get3A_956 = arith.index_cast %add3A_876 : i32 to index
        %get3A_957 = arith.index_cast %mul3A_955 : i32 to index
        %get3A_958 = tpu.vector_load %arg5[%get3A_956, %get3A_957] {strides = array<i32>} : memref<200x128xi32, #tpu.memory_space<vmem>>, vector<16xi32>,
        %shift_right_arithmetic3A_959 = arith.constant 1 : i32
        %shift_right_arithmetic3A_960 = vector.broadcast %shift_right_arithmetic3A_959 : i32 to vector<16xi32>
        %shift_right_arithmetic3A_961 = arith.shrsi %get3A_958, %shift_right_arithmetic3A_960 : vector<16xi32>
        %mul3A_962 = arith.constant 16 : i32
        %mul3A_963 = arith.muli %scan3A_953, %mul3A_962 : i32
        %swap3A_964 = arith.constant 2 : i32
        %swap3A_965 = arith.index_cast %swap3A_964 : i32 to index
        %swap3A_966 = arith.index_cast %mul3A_963 : i32 to index
        %swap3A_967 = tpu.vector_load %arg6[%swap3A_965, %swap3A_966] {strides = array<i32>} : memref<4x128xi32, #tpu.memory_space<vmem>>, vector<16xi32>,
        tpu.vector_store %arg6[%swap3A_965, %swap3A_966], %shift_right_arithmetic3A_961 {strides = array<i32>} : memref<4x128xi32, #tpu.memory_space<vmem>>, vector<16xi32>,
        %scan3A_968 = arith.constant 6 : i32
        %mul3A_969 = arith.constant 16 : i32
        %mul3A_970 = arith.muli %scan3A_968, %mul3A_969 : i32
        %get3A_971 = arith.index_cast %add3A_876 : i32 to index
        %get3A_972 = arith.index_cast %mul3A_970 : i32 to index
        %get3A_973 = tpu.vector_load %arg5[%get3A_971, %get3A_972] {strides = array<i32>} : memref<200x128xi32, #tpu.memory_space<vmem>>, vector<16xi32>,
        %shift_right_arithmetic3A_974 = arith.constant 1 : i32
        %shift_right_arithmetic3A_975 = vector.broadcast %shift_right_arithmetic3A_974 : i32 to vector<16xi32>
        %shift_right_arithmetic3A_976 = arith.shrsi %get3A_973, %shift_right_arithmetic3A_975 : vector<16xi32>
        %mul3A_977 = arith.constant 16 : i32
        %mul3A_978 = arith.muli %scan3A_968, %mul3A_977 : i32
        %swap3A_979 = arith.constant 2 : i32
        %swap3A_980 = arith.index_cast %swap3A_979 : i32 to index
        %swap3A_981 = arith.index_cast %mul3A_978 : i32 to index
        %swap3A_982 = tpu.vector_load %arg6[%swap3A_980, %swap3A_981] {strides = array<i32>} : memref<4x128xi32, #tpu.memory_space<vmem>>, vector<16xi32>,
        tpu.vector_store %arg6[%swap3A_980, %swap3A_981], %shift_right_arithmetic3A_976 {strides = array<i32>} : memref<4x128xi32, #tpu.memory_space<vmem>>, vector<16xi32>,
        %scan3A_983 = arith.constant 7 : i32
        %mul3A_984 = arith.constant 16 : i32
        %mul3A_985 = arith.muli %scan3A_983, %mul3A_984 : i32
        %get3A_986 = arith.index_cast %add3A_876 : i32 to index
        %get3A_987 = arith.index_cast %mul3A_985 : i32 to index
        %get3A_988 = tpu.vector_load %arg5[%get3A_986, %get3A_987] {strides = array<i32>} : memref<200x128xi32, #tpu.memory_space<vmem>>, vector<16xi32>,
        %shift_right_arithmetic3A_989 = arith.constant 1 : i32
        %shift_right_arithmetic3A_990 = vector.broadcast %shift_right_arithmetic3A_989 : i32 to vector<16xi32>
        %shift_right_arithmetic3A_991 = arith.shrsi %get3A_988, %shift_right_arithmetic3A_990 : vector<16xi32>
        %mul3A_992 = arith.constant 16 : i32
        %mul3A_993 = arith.muli %scan3A_983, %mul3A_992 : i32
        %swap3A_994 = arith.constant 2 : i32
        %swap3A_995 = arith.index_cast %swap3A_994 : i32 to index
        %swap3A_996 = arith.index_cast %mul3A_993 : i32 to index
        %swap3A_997 = tpu.vector_load %arg6[%swap3A_995, %swap3A_996] {strides = array<i32>} : memref<4x128xi32, #tpu.memory_space<vmem>>, vector<16xi32>,
        tpu.vector_store %arg6[%swap3A_995, %swap3A_996], %shift_right_arithmetic3A_991 {strides = array<i32>} : memref<4x128xi32, #tpu.memory_space<vmem>>, vector<16xi32>,
        %scan3A_998 = arith.constant 8 : i32
        %dma_start3A_999 = arith.constant 2 : i32
        %dma_start3A_1000 = arith.constant 0 : i32
        %dma_start3A_1001 = tpu.memref_slice %arg6[%dma_start3A_999, %dma_start3A_1000] : memref<4x128xi32, #tpu.memory_space<vmem>> -> memref<1x128xi32, #tpu.memory_space<vmem>>
        %dma_start3A_1002 = tpu.memref_squeeze %dma_start3A_1001 : memref<1x128xi32, #tpu.memory_space<vmem>> -> memref<128xi32, #tpu.memory_space<vmem>>
        %dma_start3A_1003 = arith.constant 0 : i32
        %dma_start3A_1004 = arith.constant 0 : i32
        %dma_start3A_1005 = tpu.memref_slice %arg3[%dma_start3A_1003, %dma_start3A_1004] : memref<500000x128xf32, #tpu.memory_space<hbm>> -> memref<500000x128xf32, #tpu.memory_space<hbm>>
        tpu.enqueue_indirect_dma source(%dma_start3A_1005 : memref<500000x128xf32, #tpu.memory_space<hbm>>) target(%arg9 : memref<128x128xf32, #tpu.memory_space<vmem>>) offsets(%dma_start3A_1002 : memref<128xi32, #tpu.memory_space<vmem>>) semaphore(%arg16 : memref<!tpu.dma_semaphore, #tpu.memory_space<semaphore_mem>>)
      } else {
      }
      %dma_wait3A_781 = arith.constant 3 : i32
      %dma_wait3A_782 = arith.constant 0 : i32
      %dma_wait3A_783 = tpu.memref_slice %arg6[%dma_wait3A_781, %dma_wait3A_782] : memref<4x128xi32, #tpu.memory_space<vmem>> -> memref<1x128xi32, #tpu.memory_space<vmem>>
      %dma_wait3A_784 = tpu.memref_squeeze %dma_wait3A_783 : memref<1x128xi32, #tpu.memory_space<vmem>> -> memref<128xi32, #tpu.memory_space<vmem>>
      %dma_wait3A_785 = arith.constant 0 : i32
      %dma_wait3A_786 = arith.constant 0 : i32
      %dma_wait3A_787 = tpu.memref_slice %arg3[%dma_wait3A_785, %dma_wait3A_786] : memref<500000x128xf32, #tpu.memory_space<hbm>> -> memref<500000x128xf32, #tpu.memory_space<hbm>>
      tpu.wait_indirect_dma semaphore(%arg17 : memref<!tpu.dma_semaphore, #tpu.memory_space<semaphore_mem>>) src(%dma_wait3A_787 : memref<500000x128xf32, #tpu.memory_space<hbm>>) dst(%arg10 : memref<128x128xf32, #tpu.memory_space<vmem>>)
      %ge3A_788 = arith.constant 2 : i32
      %ge3A_789 = arith.cmpi sge, %add3A_773, %ge3A_788 : i32
      %convert_element_type3A_790 = arith.extui %ge3A_789 : i1 to i32
      %cond3A_791 = arith.constant 0 : i32
      %cond3A_792 = arith.cmpi ne, %convert_element_type3A_790, %cond3A_791 : i32
      scf.if %cond3A_792 {
        %sub3A = arith.constant 2 : i32
        %sub3A_875 = arith.subi %add3A_773, %sub3A : i32
        %dma_wait3A_876 = arith.constant 0 : i32
        %dma_wait3A_877 = tpu.memref_slice %arg4[%sub3A_875, %dma_wait3A_876, %mul3A_2] : memref<200x64x4096xf32, #tpu.memory_space<hbm>> -> memref<1x64x128xf32, #tpu.memory_space<hbm>>
        %dma_wait3A_878 = tpu.memref_squeeze %dma_wait3A_877 : memref<1x64x128xf32, #tpu.memory_space<hbm>> -> memref<64x128xf32, #tpu.memory_space<hbm>>
        %dma_wait3A_879 = arith.constant 0 : i32
        %dma_wait3A_880 = tpu.memref_slice %arg4[%sub3A_875, %dma_wait3A_879, %mul3A_2] : memref<200x64x4096xf32, #tpu.memory_space<hbm>> -> memref<1x64x128xf32, #tpu.memory_space<hbm>>
        %dma_wait3A_881 = tpu.memref_squeeze %dma_wait3A_880 : memref<1x64x128xf32, #tpu.memory_space<hbm>> -> memref<64x128xf32, #tpu.memory_space<hbm>>
        tpu.wait_dma2 semaphore(%arg19 : memref<!tpu.dma_semaphore, #tpu.memory_space<semaphore_mem>>) src(%arg12 : memref<64x128xf32, #tpu.memory_space<vmem>>) dst(%dma_wait3A_881 : memref<64x128xf32, #tpu.memory_space<hbm>>)
      } else {
      }
      %get3A_793 = arith.index_cast %add3A_773 : i32 to index
      %get3A_794 = arith.constant 0 : index
      %get3A_795 = tpu.vector_load %arg5[%get3A_793, %get3A_794] {strides = array<i32>} : memref<200x128xi32, #tpu.memory_space<vmem>>, vector<16xi32>,
      %and3A_796 = arith.constant 1 : i32
      %and3A_797 = vector.broadcast %and3A_796 : i32 to vector<16xi32>
      %and3A_798 = arith.andi %get3A_795, %and3A_797 : vector<16xi32>
      %mul3A_799 = arith.constant 64 : i32
      %mul3A_800 = vector.broadcast %mul3A_799 : i32 to vector<16xi32>
      %mul3A_801 = arith.muli %and3A_798, %mul3A_800 : vector<16xi32>
      %get3A_802 = arith.index_cast %add3A_773 : i32 to index
      %get3A_803 = arith.constant 16 : index
      %get3A_804 = tpu.vector_load %arg5[%get3A_802, %get3A_803] {strides = array<i32>} : memref<200x128xi32, #tpu.memory_space<vmem>>, vector<16xi32>,
      %and3A_805 = arith.constant 1 : i32
      %and3A_806 = vector.broadcast %and3A_805 : i32 to vector<16xi32>
      %and3A_807 = arith.andi %get3A_804, %and3A_806 : vector<16xi32>
      %mul3A_808 = arith.constant 64 : i32
      %mul3A_809 = vector.broadcast %mul3A_808 : i32 to vector<16xi32>
      %mul3A_810 = arith.muli %and3A_807, %mul3A_809 : vector<16xi32>
      %get3A_811 = arith.index_cast %add3A_773 : i32 to index
      %get3A_812 = arith.constant 32 : index
      %get3A_813 = tpu.vector_load %arg5[%get3A_811, %get3A_812] {strides = array<i32>} : memref<200x128xi32, #tpu.memory_space<vmem>>, vector<16xi32>,
      %and3A_814 = arith.constant 1 : i32
      %and3A_815 = vector.broadcast %and3A_814 : i32 to vector<16xi32>
      %and3A_816 = arith.andi %get3A_813, %and3A_815 : vector<16xi32>
      %mul3A_817 = arith.constant 64 : i32
      %mul3A_818 = vector.broadcast %mul3A_817 : i32 to vector<16xi32>
      %mul3A_819 = arith.muli %and3A_816, %mul3A_818 : vector<16xi32>
      %get3A_820 = arith.index_cast %add3A_773 : i32 to index
      %get3A_821 = arith.constant 48 : index
      %get3A_822 = tpu.vector_load %arg5[%get3A_820, %get3A_821] {strides = array<i32>} : memref<200x128xi32, #tpu.memory_space<vmem>>, vector<16xi32>,
      %and3A_823 = arith.constant 1 : i32
      %and3A_824 = vector.broadcast %and3A_823 : i32 to vector<16xi32>
      %and3A_825 = arith.andi %get3A_822, %and3A_824 : vector<16xi32>
      %mul3A_826 = arith.constant 64 : i32
      %mul3A_827 = vector.broadcast %mul3A_826 : i32 to vector<16xi32>
      %mul3A_828 = arith.muli %and3A_825, %mul3A_827 : vector<16xi32>
      %get3A_829 = arith.index_cast %add3A_773 : i32 to index
      %get3A_830 = arith.constant 64 : index
      %get3A_831 = tpu.vector_load %arg5[%get3A_829, %get3A_830] {strides = array<i32>} : memref<200x128xi32, #tpu.memory_space<vmem>>, vector<16xi32>,
      %and3A_832 = arith.constant 1 : i32
      %and3A_833 = vector.broadcast %and3A_832 : i32 to vector<16xi32>
      %and3A_834 = arith.andi %get3A_831, %and3A_833 : vector<16xi32>
      %mul3A_835 = arith.constant 64 : i32
      %mul3A_836 = vector.broadcast %mul3A_835 : i32 to vector<16xi32>
      %mul3A_837 = arith.muli %and3A_834, %mul3A_836 : vector<16xi32>
      %get3A_838 = arith.index_cast %add3A_773 : i32 to index
      %get3A_839 = arith.constant 80 : index
      %get3A_840 = tpu.vector_load %arg5[%get3A_838, %get3A_839] {strides = array<i32>} : memref<200x128xi32, #tpu.memory_space<vmem>>, vector<16xi32>,
      %and3A_841 = arith.constant 1 : i32
      %and3A_842 = vector.broadcast %and3A_841 : i32 to vector<16xi32>
      %and3A_843 = arith.andi %get3A_840, %and3A_842 : vector<16xi32>
      %mul3A_844 = arith.constant 64 : i32
      %mul3A_845 = vector.broadcast %mul3A_844 : i32 to vector<16xi32>
      %mul3A_846 = arith.muli %and3A_843, %mul3A_845 : vector<16xi32>
      %get3A_847 = arith.index_cast %add3A_773 : i32 to index
      %get3A_848 = arith.constant 96 : index
      %get3A_849 = tpu.vector_load %arg5[%get3A_847, %get3A_848] {strides = array<i32>} : memref<200x128xi32, #tpu.memory_space<vmem>>, vector<16xi32>,
      %and3A_850 = arith.constant 1 : i32
      %and3A_851 = vector.broadcast %and3A_850 : i32 to vector<16xi32>
      %and3A_852 = arith.andi %get3A_849, %and3A_851 : vector<16xi32>
      %mul3A_853 = arith.constant 64 : i32
      %mul3A_854 = vector.broadcast %mul3A_853 : i32 to vector<16xi32>
      %mul3A_855 = arith.muli %and3A_852, %mul3A_854 : vector<16xi32>
      %get3A_856 = arith.index_cast %add3A_773 : i32 to index
      %get3A_857 = arith.constant 112 : index
      %get3A_858 = tpu.vector_load %arg5[%get3A_856, %get3A_857] {strides = array<i32>} : memref<200x128xi32, #tpu.memory_space<vmem>>, vector<16xi32>,
      %and3A_859 = arith.constant 1 : i32
      %and3A_860 = vector.broadcast %and3A_859 : i32 to vector<16xi32>
      %and3A_861 = arith.andi %get3A_858, %and3A_860 : vector<16xi32>
      %mul3A_862 = arith.constant 64 : i32
      %mul3A_863 = vector.broadcast %mul3A_862 : i32 to vector<16xi32>
      %mul3A_864 = arith.muli %and3A_861, %mul3A_863 : vector<16xi32>
      %parallel_loop3A_865 = arith.constant 0 : i32
      %parallel_loop3A_866 = arith.constant 64 : i32
      %parallel_loop3A_867 = arith.constant 1 : i32
      %parallel_loop3A_868:8 = scf.for %parallel_loop3A_875 = %parallel_loop3A_865 to %parallel_loop3A_866 step %parallel_loop3A_867 iter_args(%parallel_loop3A_876 = %mul3A_801, %parallel_loop3A_877 = %mul3A_810, %parallel_loop3A_878 = %mul3A_819, %parallel_loop3A_879 = %mul3A_828, %parallel_loop3A_880 = %mul3A_837, %parallel_loop3A_881 = %mul3A_846, %parallel_loop3A_882 = %mul3A_855, %parallel_loop3A_883 = %mul3A_864) -> (vector<16xi32>, vector<16xi32>, vector<16xi32>, vector<16xi32>, vector<16xi32>, vector<16xi32>, vector<16xi32>, vector<16xi32>)  : i32 {
        %parallel_loop3A_884 = tpu.vector_load_idx %arg10[%add3A_5, %parallel_loop3A_876] : memref<128x128xf32, #tpu.memory_space<vmem>>[vector<16xi32>, vector<16xi32>], vector<16xf32>,
        %parallel_loop3A_885 = arith.constant 8.000000e+00 : f32
        %parallel_loop3A_886 = vector.broadcast %parallel_loop3A_885 : f32 to vector<16xf32>
        %parallel_loop3A_887 = arith.mulf %parallel_loop3A_884, %parallel_loop3A_886 : vector<16xf32>
        %parallel_loop3A_888 = arith.index_cast %parallel_loop3A_875 : i32 to index
        %parallel_loop3A_889 = arith.constant 0 : index
        %parallel_loop3A_890 = tpu.vector_load %arg12[%parallel_loop3A_888, %parallel_loop3A_889] {strides = array<i32>} : memref<64x128xf32, #tpu.memory_space<vmem>>, vector<16xf32>,
        tpu.vector_store %arg12[%parallel_loop3A_888, %parallel_loop3A_889], %parallel_loop3A_887 {strides = array<i32>} : memref<64x128xf32, #tpu.memory_space<vmem>>, vector<16xf32>,
        %parallel_loop3A_891 = tpu.vector_load_idx %arg10[%add3A_8, %parallel_loop3A_877] : memref<128x128xf32, #tpu.memory_space<vmem>>[vector<16xi32>, vector<16xi32>], vector<16xf32>,
        %parallel_loop3A_892 = arith.constant 8.000000e+00 : f32
        %parallel_loop3A_893 = vector.broadcast %parallel_loop3A_892 : f32 to vector<16xf32>
        %parallel_loop3A_894 = arith.mulf %parallel_loop3A_891, %parallel_loop3A_893 : vector<16xf32>
        %parallel_loop3A_895 = arith.index_cast %parallel_loop3A_875 : i32 to index
        %parallel_loop3A_896 = arith.constant 16 : index
        %parallel_loop3A_897 = tpu.vector_load %arg12[%parallel_loop3A_895, %parallel_loop3A_896] {strides = array<i32>} : memref<64x128xf32, #tpu.memory_space<vmem>>, vector<16xf32>,
        tpu.vector_store %arg12[%parallel_loop3A_895, %parallel_loop3A_896], %parallel_loop3A_894 {strides = array<i32>} : memref<64x128xf32, #tpu.memory_space<vmem>>, vector<16xf32>,
        %parallel_loop3A_898 = tpu.vector_load_idx %arg10[%add3A_11, %parallel_loop3A_878] : memref<128x128xf32, #tpu.memory_space<vmem>>[vector<16xi32>, vector<16xi32>], vector<16xf32>,
        %parallel_loop3A_899 = arith.constant 8.000000e+00 : f32
        %parallel_loop3A_900 = vector.broadcast %parallel_loop3A_899 : f32 to vector<16xf32>
        %parallel_loop3A_901 = arith.mulf %parallel_loop3A_898, %parallel_loop3A_900 : vector<16xf32>
        %parallel_loop3A_902 = arith.index_cast %parallel_loop3A_875 : i32 to index
        %parallel_loop3A_903 = arith.constant 32 : index
        %parallel_loop3A_904 = tpu.vector_load %arg12[%parallel_loop3A_902, %parallel_loop3A_903] {strides = array<i32>} : memref<64x128xf32, #tpu.memory_space<vmem>>, vector<16xf32>,
        tpu.vector_store %arg12[%parallel_loop3A_902, %parallel_loop3A_903], %parallel_loop3A_901 {strides = array<i32>} : memref<64x128xf32, #tpu.memory_space<vmem>>, vector<16xf32>,
        %parallel_loop3A_905 = tpu.vector_load_idx %arg10[%add3A_14, %parallel_loop3A_879] : memref<128x128xf32, #tpu.memory_space<vmem>>[vector<16xi32>, vector<16xi32>], vector<16xf32>,
        %parallel_loop3A_906 = arith.constant 8.000000e+00 : f32
        %parallel_loop3A_907 = vector.broadcast %parallel_loop3A_906 : f32 to vector<16xf32>
        %parallel_loop3A_908 = arith.mulf %parallel_loop3A_905, %parallel_loop3A_907 : vector<16xf32>
        %parallel_loop3A_909 = arith.index_cast %parallel_loop3A_875 : i32 to index
        %parallel_loop3A_910 = arith.constant 48 : index
        %parallel_loop3A_911 = tpu.vector_load %arg12[%parallel_loop3A_909, %parallel_loop3A_910] {strides = array<i32>} : memref<64x128xf32, #tpu.memory_space<vmem>>, vector<16xf32>,
        tpu.vector_store %arg12[%parallel_loop3A_909, %parallel_loop3A_910], %parallel_loop3A_908 {strides = array<i32>} : memref<64x128xf32, #tpu.memory_space<vmem>>, vector<16xf32>,
        %parallel_loop3A_912 = tpu.vector_load_idx %arg10[%add3A_17, %parallel_loop3A_880] : memref<128x128xf32, #tpu.memory_space<vmem>>[vector<16xi32>, vector<16xi32>], vector<16xf32>,
        %parallel_loop3A_913 = arith.constant 8.000000e+00 : f32
        %parallel_loop3A_914 = vector.broadcast %parallel_loop3A_913 : f32 to vector<16xf32>
        %parallel_loop3A_915 = arith.mulf %parallel_loop3A_912, %parallel_loop3A_914 : vector<16xf32>
        %parallel_loop3A_916 = arith.index_cast %parallel_loop3A_875 : i32 to index
        %parallel_loop3A_917 = arith.constant 64 : index
        %parallel_loop3A_918 = tpu.vector_load %arg12[%parallel_loop3A_916, %parallel_loop3A_917] {strides = array<i32>} : memref<64x128xf32, #tpu.memory_space<vmem>>, vector<16xf32>,
        tpu.vector_store %arg12[%parallel_loop3A_916, %parallel_loop3A_917], %parallel_loop3A_915 {strides = array<i32>} : memref<64x128xf32, #tpu.memory_space<vmem>>, vector<16xf32>,
        %parallel_loop3A_919 = tpu.vector_load_idx %arg10[%add3A_20, %parallel_loop3A_881] : memref<128x128xf32, #tpu.memory_space<vmem>>[vector<16xi32>, vector<16xi32>], vector<16xf32>,
        %parallel_loop3A_920 = arith.constant 8.000000e+00 : f32
        %parallel_loop3A_921 = vector.broadcast %parallel_loop3A_920 : f32 to vector<16xf32>
        %parallel_loop3A_922 = arith.mulf %parallel_loop3A_919, %parallel_loop3A_921 : vector<16xf32>
        %parallel_loop3A_923 = arith.index_cast %parallel_loop3A_875 : i32 to index
        %parallel_loop3A_924 = arith.constant 80 : index
        %parallel_loop3A_925 = tpu.vector_load %arg12[%parallel_loop3A_923, %parallel_loop3A_924] {strides = array<i32>} : memref<64x128xf32, #tpu.memory_space<vmem>>, vector<16xf32>,
        tpu.vector_store %arg12[%parallel_loop3A_923, %parallel_loop3A_924], %parallel_loop3A_922 {strides = array<i32>} : memref<64x128xf32, #tpu.memory_space<vmem>>, vector<16xf32>,
        %parallel_loop3A_926 = tpu.vector_load_idx %arg10[%add3A_23, %parallel_loop3A_882] : memref<128x128xf32, #tpu.memory_space<vmem>>[vector<16xi32>, vector<16xi32>], vector<16xf32>,
        %parallel_loop3A_927 = arith.constant 8.000000e+00 : f32
        %parallel_loop3A_928 = vector.broadcast %parallel_loop3A_927 : f32 to vector<16xf32>
        %parallel_loop3A_929 = arith.mulf %parallel_loop3A_926, %parallel_loop3A_928 : vector<16xf32>
        %parallel_loop3A_930 = arith.index_cast %parallel_loop3A_875 : i32 to index
        %parallel_loop3A_931 = arith.constant 96 : index
        %parallel_loop3A_932 = tpu.vector_load %arg12[%parallel_loop3A_930, %parallel_loop3A_931] {strides = array<i32>} : memref<64x128xf32, #tpu.memory_space<vmem>>, vector<16xf32>,
        tpu.vector_store %arg12[%parallel_loop3A_930, %parallel_loop3A_931], %parallel_loop3A_929 {strides = array<i32>} : memref<64x128xf32, #tpu.memory_space<vmem>>, vector<16xf32>,
        %parallel_loop3A_933 = tpu.vector_load_idx %arg10[%add3A_26, %parallel_loop3A_883] : memref<128x128xf32, #tpu.memory_space<vmem>>[vector<16xi32>, vector<16xi32>], vector<16xf32>,
        %parallel_loop3A_934 = arith.constant 8.000000e+00 : f32
        %parallel_loop3A_935 = vector.broadcast %parallel_loop3A_934 : f32 to vector<16xf32>
        %parallel_loop3A_936 = arith.mulf %parallel_loop3A_933, %parallel_loop3A_935 : vector<16xf32>
        %parallel_loop3A_937 = arith.index_cast %parallel_loop3A_875 : i32 to index
        %parallel_loop3A_938 = arith.constant 112 : index
        %parallel_loop3A_939 = tpu.vector_load %arg12[%parallel_loop3A_937, %parallel_loop3A_938] {strides = array<i32>} : memref<64x128xf32, #tpu.memory_space<vmem>>, vector<16xf32>,
        tpu.vector_store %arg12[%parallel_loop3A_937, %parallel_loop3A_938], %parallel_loop3A_936 {strides = array<i32>} : memref<64x128xf32, #tpu.memory_space<vmem>>, vector<16xf32>,
        %parallel_loop3A_940 = arith.constant 1 : i32
        %parallel_loop3A_941 = vector.broadcast %parallel_loop3A_940 : i32 to vector<16xi32>
        %parallel_loop3A_942 = arith.addi %parallel_loop3A_876, %parallel_loop3A_941 : vector<16xi32>
        %parallel_loop3A_943 = arith.constant 1 : i32
        %parallel_loop3A_944 = vector.broadcast %parallel_loop3A_943 : i32 to vector<16xi32>
        %parallel_loop3A_945 = arith.addi %parallel_loop3A_877, %parallel_loop3A_944 : vector<16xi32>
        %parallel_loop3A_946 = arith.constant 1 : i32
        %parallel_loop3A_947 = vector.broadcast %parallel_loop3A_946 : i32 to vector<16xi32>
        %parallel_loop3A_948 = arith.addi %parallel_loop3A_878, %parallel_loop3A_947 : vector<16xi32>
        %parallel_loop3A_949 = arith.constant 1 : i32
        %parallel_loop3A_950 = vector.broadcast %parallel_loop3A_949 : i32 to vector<16xi32>
        %parallel_loop3A_951 = arith.addi %parallel_loop3A_879, %parallel_loop3A_950 : vector<16xi32>
        %parallel_loop3A_952 = arith.constant 1 : i32
        %parallel_loop3A_953 = vector.broadcast %parallel_loop3A_952 : i32 to vector<16xi32>
        %parallel_loop3A_954 = arith.addi %parallel_loop3A_880, %parallel_loop3A_953 : vector<16xi32>
        %parallel_loop3A_955 = arith.constant 1 : i32
        %parallel_loop3A_956 = vector.broadcast %parallel_loop3A_955 : i32 to vector<16xi32>
        %parallel_loop3A_957 = arith.addi %parallel_loop3A_881, %parallel_loop3A_956 : vector<16xi32>
        %parallel_loop3A_958 = arith.constant 1 : i32
        %parallel_loop3A_959 = vector.broadcast %parallel_loop3A_958 : i32 to vector<16xi32>
        %parallel_loop3A_960 = arith.addi %parallel_loop3A_882, %parallel_loop3A_959 : vector<16xi32>
        %parallel_loop3A_961 = arith.constant 1 : i32
        %parallel_loop3A_962 = vector.broadcast %parallel_loop3A_961 : i32 to vector<16xi32>
        %parallel_loop3A_963 = arith.addi %parallel_loop3A_883, %parallel_loop3A_962 : vector<16xi32>
        scf.yield %parallel_loop3A_942, %parallel_loop3A_945, %parallel_loop3A_948, %parallel_loop3A_951, %parallel_loop3A_954, %parallel_loop3A_957, %parallel_loop3A_960, %parallel_loop3A_963 : vector<16xi32>, vector<16xi32>, vector<16xi32>, vector<16xi32>, vector<16xi32>, vector<16xi32>, vector<16xi32>, vector<16xi32>
      } {sc.loop_unroll_factor = 8 : i64, sc.parallel_access}
      %dma_start3A_869 = arith.constant 0 : i32
      %dma_start3A_870 = tpu.memref_slice %arg4[%add3A_773, %dma_start3A_869, %mul3A_2] : memref<200x64x4096xf32, #tpu.memory_space<hbm>> -> memref<1x64x128xf32, #tpu.memory_space<hbm>>
      %dma_start3A_871 = tpu.memref_squeeze %dma_start3A_870 : memref<1x64x128xf32, #tpu.memory_space<hbm>> -> memref<64x128xf32, #tpu.memory_space<hbm>>
      %dma_start3A_872 = arith.constant 0 : i32
      %dma_start3A_873 = tpu.memref_slice %arg4[%add3A_773, %dma_start3A_872, %mul3A_2] : memref<200x64x4096xf32, #tpu.memory_space<hbm>> -> memref<1x64x128xf32, #tpu.memory_space<hbm>>
      %dma_start3A_874 = tpu.memref_squeeze %dma_start3A_873 : memref<1x64x128xf32, #tpu.memory_space<hbm>> -> memref<64x128xf32, #tpu.memory_space<hbm>>
      tpu.enqueue_dma source(%arg12 : memref<64x128xf32, #tpu.memory_space<vmem>>) target(%dma_start3A_874 : memref<64x128xf32, #tpu.memory_space<hbm>>) target_semaphore(%arg19 : memref<!tpu.dma_semaphore, #tpu.memory_space<semaphore_mem>>)
    }
    %scan3A_445 = arith.constant 50 : i32
    %dma_wait3A_446 = arith.constant 198 : i32
    %dma_wait3A_447 = arith.constant 0 : i32
    %dma_wait3A_448 = tpu.memref_slice %arg4[%dma_wait3A_446, %dma_wait3A_447, %mul3A_2] : memref<200x64x4096xf32, #tpu.memory_space<hbm>> -> memref<1x64x128xf32, #tpu.memory_space<hbm>>
    %dma_wait3A_449 = tpu.memref_squeeze %dma_wait3A_448 : memref<1x64x128xf32, #tpu.memory_space<hbm>> -> memref<64x128xf32, #tpu.memory_space<hbm>>
    %dma_wait3A_450 = arith.constant 0 : i32
    %dma_wait3A_451 = tpu.memref_slice %arg4[%dma_wait3A_446, %dma_wait3A_450, %mul3A_2] : memref<200x64x4096xf32, #tpu.memory_space<hbm>> -> memref<1x64x128xf32, #tpu.memory_space<hbm>>
    %dma_wait3A_452 = tpu.memref_squeeze %dma_wait3A_451 : memref<1x64x128xf32, #tpu.memory_space<hbm>> -> memref<64x128xf32, #tpu.memory_space<hbm>>
    tpu.wait_dma2 semaphore(%arg18 : memref<!tpu.dma_semaphore, #tpu.memory_space<semaphore_mem>>) src(%arg11 : memref<64x128xf32, #tpu.memory_space<vmem>>) dst(%dma_wait3A_452 : memref<64x128xf32, #tpu.memory_space<hbm>>)
    %dma_wait3A_453 = arith.constant 199 : i32
    %dma_wait3A_454 = arith.constant 0 : i32
    %dma_wait3A_455 = tpu.memref_slice %arg4[%dma_wait3A_453, %dma_wait3A_454, %mul3A_2] : memref<200x64x4096xf32, #tpu.memory_space<hbm>> -> memref<1x64x128xf32, #tpu.memory_space<hbm>>
    %dma_wait3A_456 = tpu.memref_squeeze %dma_wait3A_455 : memref<1x64x128xf32, #tpu.memory_space<hbm>> -> memref<64x128xf32, #tpu.memory_space<hbm>>
    %dma_wait3A_457 = arith.constant 0 : i32
    %dma_wait3A_458 = tpu.memref_slice %arg4[%dma_wait3A_453, %dma_wait3A_457, %mul3A_2] : memref<200x64x4096xf32, #tpu.memory_space<hbm>> -> memref<1x64x128xf32, #tpu.memory_space<hbm>>
    %dma_wait3A_459 = tpu.memref_squeeze %dma_wait3A_458 : memref<1x64x128xf32, #tpu.memory_space<hbm>> -> memref<64x128xf32, #tpu.memory_space<hbm>>
    tpu.wait_dma2 semaphore(%arg19 : memref<!tpu.dma_semaphore, #tpu.memory_space<semaphore_mem>>) src(%arg12 : memref<64x128xf32, #tpu.memory_space<vmem>>) dst(%dma_wait3A_459 : memref<64x128xf32, #tpu.memory_space<hbm>>)
    return
  }
}

</mosaic_0001>

<sc_bundles>
// kernel: kernel.3.cloned.1.call-start
scs
__scs_entry_jumppad:
0x0: {  	(pc) =	sbr.rel $0x88, $3  }
0x1: {  	(tag) =	ssettag $0x0;
	lr =	simm.s32 $0x1  }
0x2: {  	[smem:$0x3F9F] =	sst lr;
	_ =	strace $0xD0000000  }
0x3: {  	_ = 	snop  }
0x4: {  	_ = 	snop  }
0x5: {  	_ = 	snop  }
0x6: {  	_ = 	snop  }
0x7: {  	_ = 	snop  }
__scs_overlays_trampoline_lowered:
0x8: {  	[smem:$0x3FAE] =	sst s0  }
0x9: {  	[smem:$0x3FAF] =	sst s1  }
0xa: {  	[smem:$0x3FB0] =	sst s2  }
0xb: {  	[smem:$0x3FB1] =	sst s3  }
0xc: {  	[smem:$0x3FB2] =	sst s4  }
0xd: {  	[smem:$0x3FB3] =	sst s5  }
0xe: {  	[smem:$0x3FB4] =	sst s6  }
0xf: {  	[smem:$0x3FB5] =	sst s7  }
0x10: {  	[smem:$0x3FB6] =	sst s8  }
0x11: {  	[smem:$0x3FB7] =	sst s9;
	s0 =	simm.s32 @!p0 $0x0  }
0x12: {  	s1 =	sld [smem:$0x3F9D];
	s0 =	simm.s32 @p0 $0x1  }
0x13: {  	[smem:$0x3FB8] =	sst s0;
	s0 =	simm.s32 @!p1 $0x0  }
0x14: {  	s2 =	sld [smem:$0x3F9C];
	s0 =	simm.s32 @p1 $0x1  }
0x15: {  	[smem:$0x3FB9] =	sst s0;
	s0 =	simm.s32 @!p2 $0x0  }
0x16: {  	s3 =	sld [smem:$0x3FDB];
	s0 =	simm.s32 @p2 $0x1  }
0x17: {  	s4 =	simm.s32 $0x1BF5;
	[smem:$0x3FBB] =	sst s0  }
0x18: {  	s0 =	sld [smem:$0x3F9E];
	_ =	swait.ge [sflag:s4], $0x0  }
0x19: {  	s7 =	sld [smem:$0x3F9F]  }
0x1a: {  	s8 =	sadd.s32 $0xFFFFE003, lr  }
0x1b: {  	s9 =	sadd.s32 $0xFFFFFEF7, lr;
	s5 =	simm.s32 $0xFFFFFFFF;
	p2 =	slt.u32 s8, $0xFFFFF086  }
0x1c: {  	p1 =	slt.u32 s9, $0xF7A;
	s5 =	simm.s32 @!p2 $0x0  }
0x1d: {  	s5 =	simm.s32 @p1 $0x1;
	p0 =	seq.s32 s7, s2  }
0x1e: {  	s7 =	smul.u32 @!p0 $0xF7A, s2;
	p2 =	seq.s32 @!p0 s5, $0x0  }
0x1f: {  	s9 =	smul.u32 $0xF7A, s1;
	s8 =	simm.s32 @!p0 $0x1BF5;
	p2 =	por !p2, p0  }
0x20: {  	[sflag:s8] =	ssyncset.s32 @!p0 $0xFFFFF086;
	s6 =	sadd.s32 @!p0 s3, s7;
	s7 =	simm.s32 @!p0 $0x108  }
0x21: {  	s3 =	sadd.s32 s3, s9;
	s6 =	sadd.s32 @!p0 $0x88, s6;
	s7 =	simm.s32 @p2 $0x1082  }
0x22: {  	[simem:s7], [sflag:s8] =	dma.local @!p0 [hbm:s6], $0xF7A  }
0x23: {  	s9 =	sor.u32 $0xD0000000, s2;
	s6 =	simm.s32 $0x108;
	_ =	swait.ge @!p0 [sflag:s8], $0x0  }
0x24: {  	s3 =	sadd.s32 $0x88, s3;
	s6 =	simm.s32 @!p1 $0x1082;
	[sflag:s4] =	ssyncset.s32 $0xFFFFF086  }
0x25: {  	[simem:s6], [sflag:s4] =	dma.local [hbm:s3], $0xF7A  }
0x26: {  	[smem:$0x3F9F] =	sst s1;
	(tag) =	ssettag s2;
	_ =	strace s9  }
0x27: {  	s1 =	sld [smem:$0x3FAF]  }
0x28: {  	s2 =	sld [smem:$0x3FB0]  }
0x29: {  	s4 =	sld [smem:$0x3FB2]  }
0x2a: {  	p0 =	seq.s32 s5, $0x0;
	s5 =	sld [smem:$0x3FB3]  }
0x2b: {  	s6 =	sld [smem:$0x3FB4]  }
0x2c: {  	s7 =	sld [smem:$0x3FB5]  }
0x2d: {  	s3 =	simm.s32 $0x108;
	s8 =	sld [smem:$0x3FB6]  }
0x2e: {  	s3 =	simm.s32 @!p0 $0x1082;
	s9 =	sld [smem:$0x3FB7]  }
0x2f: {  	lr =	sadd.s32 s0, s3;
	s0 =	sld [smem:$0x3FAE]  }
0x30: {  	s3 =	sld [smem:$0x3FB1]  }
0x31: {  	[smem:$0x3FBA] =	sst s10  }
0x32: {  	s10 =	sld [smem:$0x3FB8];
	_ =	sdelay $0x3  }
0x33: {  	p0 =	seq.s32 s10, $0x1;
	s10 =	sld [smem:$0x3FBA];
	_ =	sdelay $0x3  }
0x34: {  	[smem:$0x3FBA] =	sst s10  }
0x35: {  	s10 =	sld [smem:$0x3FB9];
	_ =	sdelay $0x3  }
0x36: {  	p1 =	seq.s32 s10, $0x1;
	s10 =	sld [smem:$0x3FBA];
	_ =	sdelay $0x3  }
0x37: {  	[smem:$0x3FBA] =	sst s10  }
0x38: {  	s10 =	sld [smem:$0x3FBB]  }
0x39: {  	_ = 	snop;
	(pc) =	sbr.ind lr, $3  }
0x3a: {  	_ = 	snop  }
0x3b: {  	_ = 	snop  }
0x3c: {  	p2 =	seq.s32 s10, $0x1;
	s10 =	sld [smem:$0x3FBA]  }
0x3d: {  	_ =	shalt  }
0x3e: {  	_ =	shalt  }
0x3f: {  	_ =	shalt  }
0x40: {  	_ =	shalt  }
0x41: {  	_ =	shalt  }
0x42: {  	_ =	shalt  }
0x43: {  	_ =	shalt  }
0x44: {  	_ =	shalt  }
0x45: {  	_ =	shalt  }
0x46: {  	_ =	shalt  }
0x47: {  	_ =	shalt  }
0x48: {  	_ =	shalt  }
0x49: {  	_ =	shalt  }
0x4a: {  	_ =	shalt  }
0x4b: {  	_ =	shalt  }
0x4c: {  	_ =	shalt  }
0x4d: {  	_ =	shalt  }
0x4e: {  	_ =	shalt  }
0x4f: {  	_ =	shalt  }
0x50: {  	_ =	shalt  }
0x51: {  	_ =	shalt  }
0x52: {  	_ =	shalt  }
0x53: {  	_ =	shalt  }
0x54: {  	_ =	shalt  }
0x55: {  	_ =	shalt  }
0x56: {  	_ =	shalt  }
0x57: {  	_ =	shalt  }
0x58: {  	_ =	shalt  }
0x59: {  	_ =	shalt  }
0x5a: {  	_ =	shalt  }
0x5b: {  	_ =	shalt  }
0x5c: {  	_ =	shalt  }
0x5d: {  	_ =	shalt  }
0x5e: {  	_ =	shalt  }
0x5f: {  	_ =	shalt  }
0x60: {  	_ =	shalt  }
0x61: {  	_ =	shalt  }
0x62: {  	_ =	shalt  }
0x63: {  	_ =	shalt  }
0x64: {  	_ =	shalt  }
0x65: {  	_ =	shalt  }
0x66: {  	_ =	shalt  }
0x67: {  	_ =	shalt  }
0x68: {  	_ =	shalt  }
0x69: {  	_ =	shalt  }
0x6a: {  	_ =	shalt  }
0x6b: {  	_ =	shalt  }
0x6c: {  	_ =	shalt  }
0x6d: {  	_ =	shalt  }
0x6e: {  	_ =	shalt  }
0x6f: {  	_ =	shalt  }
0x70: {  	_ =	shalt  }
0x71: {  	_ =	shalt  }
0x72: {  	_ =	shalt  }
0x73: {  	_ =	shalt  }
0x74: {  	_ =	shalt  }
0x75: {  	_ =	shalt  }
0x76: {  	_ =	shalt  }
0x77: {  	_ =	shalt  }
0x78: {  	_ =	shalt  }
0x79: {  	_ =	shalt  }
0x7a: {  	_ =	shalt  }
0x7b: {  	_ =	shalt  }
0x7c: {  	_ =	shalt  }
0x7d: {  	_ =	shalt  }
0x7e: {  	_ =	shalt  }
0x7f: {  	_ =	shalt  }
0x80: {  	_ =	shalt  }
0x81: {  	_ =	shalt  }
0x82: {  	_ =	shalt  }
0x83: {  	_ =	shalt  }
0x84: {  	_ =	shalt  }
0x85: {  	_ =	shalt  }
0x86: {  	_ =	shalt  }
0x87: {  	_ =	shalt  }
.Lfunc_end0:
.L_simem_size_0:
called_computation_lowered:
.L_overlay_start_0:
0x88: {  	s2 =	sld [smem:$0x3FD9]  }
0x89: {  	s3 =	sld [smem:$0x3FFE];
	_ =	sdelay $0x1  }
0x8a: {  	s1 =	srdreg.scid  }
0x8b: {  	s0 =	sand.u32 $0x1, s1  }
0x8c: {  	s17 =	sshll.u32 s0, $0xA;
	s2 =	sadd.s32 s3, s2  }
0x8d: {  	s2 =	sadd.s32 s2, s17  }
0x8e: {  	[smem:$0x3FC6] =	sst s2  }
0x8f: {  	_ = 	snop  }
0x90: {  	s2 =	sld [smem:$0x3FC9]  }
0x91: {  	s18 =	sld [smem:$0x3FD0];
	(tm) =	ssettm $0x1  }
0x92: {  	s4 =	sld [smem:$0x3FFB];
	_ =	sdelay $0x3  }
0x93: {  	_ =	strace s4  }
0x94: {  	s4 =	sld [smem:$0x3FFC];
	_ =	sdelay $0x3  }
0x95: {  	_ =	strace s4  }
0x96: {  	s4 =	sld [smem:$0x3FFD];
	_ =	sdelay $0x3  }
0x97: {  	_ =	strace s4  }
0x98: {  	_ =	strace $0x8FFFFFFF  }
0x99: {  	s19 =	sld [smem:$0x3FDB];
	_ =	sdelay $0x1  }
0x9a: {  	s5 =	simm.s32 $_scs_section_size  }
0x9b: {  	s6 =	simm.s32 $_size__tile_overlayer_lowered;
	s7 =	simm.s32 $_tile_overlayer_lowered  }
0x9c: {  	s22 =	simm.s32 $0x1BFF;
	s21 =	sshll.u32 s7, $0x1;
	s4 =	sadd.s32 s5, s19  }
0x9d: {  	s8 =	simm.s32 $0x0;
	s20 =	sshll.u32 s6, $0x1;
	s6 =	sadd.s32 s21, s4  }
0x9e: {  	[timem:s8], [sflag:s22] =	dma.local [hbm:s6], s20  }
0x9f: {  	_ =	swait.ge [sflag:s22], s20  }
0xa0: {  	s5 =	ssub.s32 $0x0, s20;
	[sflag:s22] =	ssyncset.done $0x0  }
0xa1: {  	[sflag:s22] =	ssyncadd.s32 s5;
	_ =	sdelay $0x1  }
0xa2: {  	s23 =	simm.s32 $0x1B8B  }
0xa3: {  	_ =	swait.ge [sflag:s23], $0x1  }
0xa4: {  	[sflag:s23] =	ssyncset.done $0x0  }
0xa5: {  	s25 =	simm.s32 $0x1B8E;
	s24 =	sld [smem:$0x3FFE];
	[sflag:s23] =	ssyncadd.s32 $0xFFFFFFFF  }
0xa6: {  	s26 =	simm.s32 $execute0_lowered;
	[smem:$0x3FD2] =	sst s25  }
0xa7: {  	s6 =	sshll.u32 s26, $0x1;
	_ =	strace $0x80000046;
	[dreg:$0x1] =	wrdreg $0xFFFFFFFF  }
0xa8: {  	s28 =	simm.s32 $_size_execute0_lowered;
	s4 =	sadd.s32 s4, s6;
	[dreg:$0x0] =	wrdreg $0x0  }
0xa9: {  	s6 =	sshll.u32 s28, $0x1;
	[dreg:$0x2] =	wrdreg s4  }
0xaa: {  	[dreg:$0x3] =	wrdreg s6  }
0xab: {  	[dreg:$0x4] =	wrdreg $0xC0  }
0xac: {  	_ =	task [dreg:s8], $0x5FFFF  }
0xad: {  	[dreg:$0x1] =	wrdreg $0xFFFFFFFF  }
0xae: {  	[dreg:$0x0] =	wrdreg $0x60  }
0xaf: {  	[dreg:$0x2] =	wrdreg s2  }
0xb0: {  	[dreg:$0x3] =	wrdreg s24  }
0xb1: {  	[dreg:$0x4] =	wrdreg s18  }
0xb2: {  	[dreg:$0x5] =	wrdreg $0x9  }
0xb3: {  	_ =	task.clear_ibuf [dreg:s8], $0x6FFFF;
	_ =	strace $0x90000046  }
0xb4: {  	s29 =	simm.s32 $0x9;
	_ =	strace $0x80000048  }
0xb5: {  	_ =	swait.ge [sflag:s29], $0x1  }
0xb6: {  	[sflag:s29] =	ssyncadd.s32 $0xFFFFFFFF  }
0xb7: {  	_ =	strace $0x90000048  }
0xb8: {  	_ =	sfence  }
0xb9: {  	s30 =	sld [smem:$0x0];
	_ =	sdelay $0x2  }
0xba: {  	s31 =	sshll.u32 s1, $0xD;
	s1 =	sshrl.u32 s1, $0x2  }
0xbb: {  	s3 =	sand.u32 $0x4000, s31;
	s1 =	sadd.s32 s1, s30  }
0xbc: {  	s0 =	sor.u32 s3, s0;
	s1 =	sshll.u32 s1, $0x11  }
0xbd: {  	s0 =	sor.u32 s1, s0  }
0xbe: {  	s0 =	sadd.s32 $0x8F2B, s0  }
0xbf: {  	[sflag:s0] =	ssyncadd.remote.s32 $0x1  }
0xc0: {  	_ =	sfence.sel $0xFFFF  }
0xc1: {  	[dreg:$0x0] =	wrdreg $0xFFFFFFFF;
	(pc) =	sbr.abs _section_cstart, $3  }
0xc2: {  	[dreg:$0x1] =	wrdreg $0xFFFFFFFF  }
0xc3: {  	_ =	task.clear_ibuf [dreg:s8], $0x2FFFF;
	_ =	strace $0x9FFFFFFF  }
0xc4: {  	(tm) =	ssettm $0x7FFFFFFF  }
0xc5: {  	_ =	shalt  }
tec
execute0_lowered:
.L_overlay_start_1:
0x0: {  	(tag) =	ssettag $0x1  }
0x1: {  	s0 =	rddreg [dreg:$0x0]  }
0x2: {  	s1 =	rddreg [dreg:$0x1]  }
0x3: {  	s2 =	rddreg [dreg:$0x2]  }
0x4: {  	s3 =	srdreg.scid;
	s6 =	simm.s32 $0x0;
	s4 =	stileid.u32  }
0x5: {  	s8 =	simm.s32 $0x400;
	s9 =	simm.s32 $0x8000;
	s11 =	simm.s32 $0x80  }
0x6: {  	s12 =	simm.s32 $0x6400;
	s13 =	simm.s32 $0x6600;
	s15 =	simm.s32 $0xA600  }
0x7: {  	s17 =	simm.s32 $0xE600;
	s18 =	simm.s32 $0x6580;
	s19 =	simm.s32 $0x12600  }
0x8: {  	s20 =	simm.s32 $0x2;
	s21 =	simm.s32 $0x16600;
	s22 =	simm.s32 $0x3  }
0x9: {  	s23 =	simm.s32 $0x7;
	s24 =	simm.s32 $0x18600;
	s3 =	sand.u32 $0x1, s3  }
0xa: {  	v0 =	vlaneseq.u32;
	s4 =	sshll.u32 s4, $0xB;
	s5 =	ssub.s32 $0x2, s3;
	s3 =	sshll.u32 s3, $0xA  }
0xb: {  	s28 =	simm.s32 $0x5;
	s29 =	simm.s32 $0x0;
	v0 =	vmul.u32 $0x80, v0;
	s4 =	sor.u32 s3, s4  }
0xc: {  	[smem:$0x7FF] =	sst s6;
	s25 =	sshrl.u32 s5, $0x1;
	s30 =	sshrl.u32 s4, $0x3  }
0xd: {  	_ =	strace $0x80000047;
	v1 =	vor.u32 $0x800, v0;
	s26 =	ssub.s32 s5, s25;
	s0 =	sadd.s32 s0, s30  }
0xe: {  	v2 =	vor.u32 $0x1000, v0;
	v3 =	vor.u32 $0x1800, v0;
	v4 =	vor.u32 $0x2000, v0;
	s5 =	sadd.s32 $0xF42800, s1;
	s31 =	smax.u32 s26, $0x1;
	[dreg:$0x4] =	wrdreg s0  }
0xf: {  	v5 =	vor.u32 $0x2800, v0;
	v6 =	vor.u32 $0x3000, v0;
	v7 =	vor.u32 $0x3800, v0;
	s25 =	simm.s32 $0x4;
	s26 =	simm.s32 $0x6;
	[dreg:$0x5] =	wrdreg s31  }
.LBB2_1:
0x10: {  	s0 =	simm.s32 $0x0;
	s1 =	rddreg [dreg:$0x4];
	s14 =	simm.s32 $0x1  }
0x11: {  	[tilespmem:s0], [sflag:$0x1] =	stream.strided.gather [hbm4b:s1+s8], $0x6400, s9, s8, $0x38;
	[tilespmem:$0x1A600] =	vst v63  }
0x12: {  	_ =	swait.ge [sflag:s14], $0x6400  }
0x13: {  	[sflag:s14] =	ssyncset.done $0x0  }
0x14: {  	[sflag:s14] =	ssyncadd.s32 $0xFFFF9C00  }
0x15: {  	v8 =	vld [tilespmem:$0x0]  }
0x16: {  	v9 =	vld [tilespmem:$0x10]  }
0x17: {  	v10 =	vld [tilespmem:$0x20]  }
0x18: {  	v11 =	vld [tilespmem:$0x30]  }
0x19: {  	v12 =	vld [tilespmem:$0x40]  }
0x1a: {  	v13 =	vld [tilespmem:$0x50];
	v8 =	vshra.s32 v8, $0x1  }
0x1b: {  	v48 =	vld [tilespmem:$0x60];
	[tilespmem:$0x6400] =	vst v8;
	v8 =	vshra.s32 v9, $0x1  }
0x1c: {  	v49 =	vld [tilespmem:$0x70];
	[tilespmem:$0x6410] =	vst v8;
	v8 =	vshra.s32 v10, $0x1  }
0x1d: {  	[tilespmem:$0x6420] =	vst v8;
	v8 =	vshra.s32 v11, $0x1  }
0x1e: {  	[tilespmem:$0x6430] =	vst v8;
	v8 =	vshra.s32 v12, $0x1  }
0x1f: {  	[tilespmem:$0x6440] =	vst v8;
	v8 =	vshra.s32 v13, $0x1  }
0x20: {  	[tilespmem:$0x6450] =	vst v8;
	v8 =	vshra.s32 v48, $0x1  }
0x21: {  	[tilespmem:$0x6460] =	vst v8;
	v8 =	vshra.s32 v49, $0x1  }
0x22: {  	[tilespmem:$0x6470] =	vst v8  }
0x23: {  	[tilespmem:s13], [sflag:$0x2] =	stream.indirect.gather [hbm4b:s5+s11], $0x80, s12, s11, $0xb8;
	[tilespmem:$0x1A600] =	vst v63  }
0x24: {  	v8 =	vld [tilespmem:$0x80]  }
0x25: {  	v50 =	vld [tilespmem:$0x90]  }
0x26: {  	v51 =	vld [tilespmem:$0xA0]  }
0x27: {  	v52 =	vld [tilespmem:$0xB0]  }
0x28: {  	v53 =	vld [tilespmem:$0xC0]  }
0x29: {  	v54 =	vld [tilespmem:$0xD0];
	v8 =	vshra.s32 v8, $0x1  }
0x2a: {  	v55 =	vld [tilespmem:$0xE0];
	[tilespmem:$0x6480] =	vst v8;
	v8 =	vshra.s32 v50, $0x1  }
0x2b: {  	v56 =	vld [tilespmem:$0xF0];
	[tilespmem:$0x6490] =	vst v8;
	v8 =	vshra.s32 v51, $0x1  }
0x2c: {  	[tilespmem:$0x64A0] =	vst v8;
	v8 =	vshra.s32 v52, $0x1  }
0x2d: {  	[tilespmem:$0x64B0] =	vst v8;
	v8 =	vshra.s32 v53, $0x1  }
0x2e: {  	[tilespmem:$0x64C0] =	vst v8;
	v8 =	vshra.s32 v54, $0x1  }
0x2f: {  	[tilespmem:$0x64D0] =	vst v8;
	v8 =	vshra.s32 v55, $0x1  }
0x30: {  	[tilespmem:$0x64E0] =	vst v8;
	v8 =	vshra.s32 v56, $0x1  }
0x31: {  	s16 =	simm.s32 $0x6480;
	[tilespmem:$0x64F0] =	vst v8  }
0x32: {  	[tilespmem:s15], [sflag:$0x3] =	stream.indirect.gather [hbm4b:s5+s11], $0x80, s16, s11, $0xb8;
	[tilespmem:$0x1A600] =	vst v63  }
0x33: {  	v8 =	vld [tilespmem:$0x100]  }
0x34: {  	v57 =	vld [tilespmem:$0x110]  }
0x35: {  	v58 =	vld [tilespmem:$0x120]  }
0x36: {  	v59 =	vld [tilespmem:$0x130]  }
0x37: {  	v60 =	vld [tilespmem:$0x140]  }
0x38: {  	v61 =	vld [tilespmem:$0x150];
	v8 =	vshra.s32 v8, $0x1  }
0x39: {  	v62 =	vld [tilespmem:$0x160];
	[tilespmem:$0x6500] =	vst v8;
	v8 =	vshra.s32 v57, $0x1  }
0x3a: {  	v63 =	vld [tilespmem:$0x170];
	[tilespmem:$0x6510] =	vst v8;
	v8 =	vshra.s32 v58, $0x1  }
0x3b: {  	[tilespmem:$0x6520] =	vst v8;
	v8 =	vshra.s32 v59, $0x1  }
0x3c: {  	[tilespmem:$0x6530] =	vst v8;
	v8 =	vshra.s32 v60, $0x1  }
0x3d: {  	[tilespmem:$0x6540] =	vst v8;
	v8 =	vshra.s32 v61, $0x1  }
0x3e: {  	[tilespmem:$0x6550] =	vst v8;
	v8 =	vshra.s32 v62, $0x1  }
0x3f: {  	[tilespmem:$0x6560] =	vst v8;
	v8 =	vshra.s32 v63, $0x1  }
0x40: {  	s31 =	simm.s32 $0x6500;
	s30 =	simm.s32 $0x0;
	[tilespmem:$0x6570] =	vst v8  }
0x41: {  	[tilespmem:s17], [sflag:$0x4] =	stream.indirect.gather [hbm4b:s5+s11], $0x80, s31, s11, $0xb8;
	[tilespmem:$0x1A600] =	vst v63  }
.LBB2_2:
0x42: {  	s31 =	sshllo.u32 s30, $0x2  }
0x43: {  	s0 =	sshll.u32 s31, $0x7  }
0x44: {  	s0 =	sand.u32 $0x3FFFFF80, s0  }
0x45: {  	v8 =	vld [tilespmem:s0+$0x0];
	_ =	sdelay $0x4  }
0x46: {  	v8 =	vshra.s32 v8, $0x1  }
0x47: {  	[tilespmem:$0x6580] =	vst v8  }
0x48: {  	v8 =	vld [tilespmem:s0+$0x10];
	_ =	sdelay $0x4  }
0x49: {  	v8 =	vshra.s32 v8, $0x1  }
0x4a: {  	[tilespmem:$0x6590] =	vst v8  }
0x4b: {  	v8 =	vld [tilespmem:s0+$0x20];
	_ =	sdelay $0x4  }
0x4c: {  	v8 =	vshra.s32 v8, $0x1  }
0x4d: {  	[tilespmem:$0x65A0] =	vst v8  }
0x4e: {  	v8 =	vld [tilespmem:s0+$0x30];
	_ =	sdelay $0x4  }
0x4f: {  	v8 =	vshra.s32 v8, $0x1  }
0x50: {  	[tilespmem:$0x65B0] =	vst v8  }
0x51: {  	v8 =	vld [tilespmem:s0+$0x40];
	_ =	sdelay $0x4  }
0x52: {  	v8 =	vshra.s32 v8, $0x1  }
0x53: {  	[tilespmem:$0x65C0] =	vst v8  }
0x54: {  	v8 =	vld [tilespmem:s0+$0x50];
	_ =	sdelay $0x4  }
0x55: {  	v8 =	vshra.s32 v8, $0x1  }
0x56: {  	[tilespmem:$0x65D0] =	vst v8  }
0x57: {  	v8 =	vld [tilespmem:s0+$0x60];
	_ =	sdelay $0x4  }
0x58: {  	v8 =	vshra.s32 v8, $0x1  }
0x59: {  	[tilespmem:$0x65E0] =	vst v8  }
0x5a: {  	v8 =	vld [tilespmem:s0+$0x70];
	_ =	sdelay $0x4  }
0x5b: {  	v8 =	vshra.s32 v8, $0x1  }
0x5c: {  	[tilespmem:$0x65F0] =	vst v8  }
0x5d: {  	[tilespmem:s19], [sflag:$0x5] =	stream.indirect.gather [hbm4b:s5+s11], $0x80, s18, s11, $0xb8;
	[tilespmem:$0x1A600] =	vst v63  }
0x5e: {  	_ =	swait.ge [sflag:s20], $0x4000  }
0x5f: {  	p0 =	seq.s32 s30, $0x0;
	[sflag:s20] =	ssyncset.done $0x0  }
0x60: {  	s1 =	simm.s32 @!p0 $0x6;
	[sflag:s20] =	ssyncadd.s32 $0xFFFFC000  }
0x61: {  	_ =	swait.ge @!p0 [sflag:s1], $0x2000  }
0x62: {  	s3 =	sshll.u32 s30, $0xB;
	[sflag:s1] =	ssyncset.done @!p0 $0x0  }
0x63: {  	[sflag:s1] =	ssyncadd.s32 @!p0 $0xFFFFE000;
	s1 =	sshra.s32 s3, $0x2  }
0x64: {  	v8 =	vld [tilespmem:s1+$0x0];
	_ =	sdelay $0x4  }
0x65: {  	v8 =	vshll.u32 v8, $0x6  }
0x66: {  	v8 =	vand.u32 $0x40, v8  }
0x67: {  	v9 =	vld [tilespmem:s1+$0x10];
	v10 =	vand.u32 $0xFFFFFFF8, v8  }
0x68: {  	v11 =	vld [tilespmem:s1+$0x20];
	v10 =	vadd.s32 v0, v10  }
0x69: {  	v12 =	vld [tilespmem:s1+$0x30];
	v16 =	vor.u32 $0x7, v10  }
0x6a: {  	v17 =	vld [tilespmem:s1+$0x40];
	v18 =	vor.u32 $0x1, v10  }
0x6b: {  	v13 =	vld [tilespmem:s1+$0x50];
	v19 =	vor.u32 $0x2, v10  }
0x6c: {  	v14 =	vld [tilespmem:s1+$0x60];
	v20 =	vor.u32 $0x3, v10  }
0x6d: {  	v15 =	vld [tilespmem:s1+$0x70];
	v9 =	vshll.u32 v9, $0x6;
	v21 =	vor.u32 $0x4, v10  }
0x6e: {  	v9 =	vand.u32 $0x40, v9;
	v16 =	vld.idx.msk [tilespmem:v16+s13+$0x0], $0xffff  }
0x6f: {  	v24 =	vand.u32 $0xFFFFFFF8, v9;
	v22 =	vor.u32 $0x5, v10;
	v18 =	vld.idx.msk [tilespmem:v18+s13+$0x0], $0xffff  }
0x70: {  	v24 =	vadd.s32 v1, v24;
	v23 =	vor.u32 $0x6, v10;
	v19 =	vld.idx.msk [tilespmem:v19+s13+$0x0], $0xffff  }
0x71: {  	v25 =	vor.u32 $0x7, v24;
	v20 =	vld.idx.msk [tilespmem:v20+s13+$0x0], $0xffff  }
0x72: {  	v26 =	vor.u32 $0x1, v24;
	v21 =	vld.idx.msk [tilespmem:v21+s13+$0x0], $0xffff  }
0x73: {  	v27 =	vor.u32 $0x2, v24;
	v30 =	vld.idx.msk [tilespmem:v10+s13+$0x0], $0xffff;
	v16 =	vmul.f32 $8.000000000e+00, v16  }
0x74: {  	s16 =	simm.s32 $0x16800;
	v28 =	vor.u32 $0x3, v24;
	v22 =	vld.idx.msk [tilespmem:v22+s13+$0x0], $0xffff;
	v18 =	vmul.f32 $8.000000000e+00, v18  }
0x75: {  	v29 =	vor.u32 $0x4, v24;
	v23 =	vld.idx.msk [tilespmem:v23+s13+$0x0], $0xffff;
	v19 =	vmul.f32 $8.000000000e+00, v19;
	[tilespmem:s16+$0x180] =	vst v16  }
0x76: {  	v11 =	vshll.u32 v11, $0x6;
	[tilespmem:s16+$0xFFFFFE80] =	vst v18;
	v16 =	vmul.f32 $8.000000000e+00, v20;
	v18 =	vld.idx.msk [tilespmem:v25+s13+$0x0], $0xffff  }
0x77: {  	v10 =	vand.u32 $0x40, v11;
	v11 =	vor.u32 $0x5, v24;
	[tilespmem:s16+$0xFFFFFF00] =	vst v19;
	v19 =	vmul.f32 $8.000000000e+00, v21;
	v25 =	vld.idx.msk [tilespmem:v26+s13+$0x0], $0xffff  }
0x78: {  	v20 =	vor.u32 $0x6, v24;
	v21 =	vand.u32 $0xFFFFFFF8, v10;
	v26 =	vld.idx.msk [tilespmem:v27+s13+$0x0], $0xffff;
	v27 =	vmul.f32 $8.000000000e+00, v30;
	[tilespmem:s16+$0xFFFFFF80] =	vst v16  }
0x79: {  	v21 =	vadd.s32 v2, v21;
	v16 =	vmul.f32 $8.000000000e+00, v22;
	[tilespmem:s16+$0x0] =	vst v19;
	v22 =	vld.idx.msk [tilespmem:v28+s13+$0x0], $0xffff  }
0x7a: {  	v19 =	vmul.f32 $8.000000000e+00, v23;
	v23 =	vor.u32 $0x7, v21;
	v29 =	vld.idx.msk [tilespmem:v29+s13+$0x0], $0xffff;
	[tilespmem:s16+$0xFFFFFE00] =	vst v27  }
0x7b: {  	v28 =	vor.u32 $0x1, v21;
	[tilespmem:s16+$0x80] =	vst v16;
	v24 =	vld.idx.msk [tilespmem:v24+s13+$0x0], $0xffff  }
0x7c: {  	v16 =	vor.u32 $0x2, v21;
	[tilespmem:s16+$0x100] =	vst v19;
	v30 =	vld.idx.msk [tilespmem:v11+s13+$0x0], $0xffff;
	v11 =	vmul.f32 $8.000000000e+00, v18  }
0x7d: {  	v19 =	vld.idx.msk [tilespmem:v20+s13+$0x0], $0xffff;
	v18 =	vor.u32 $0x3, v21;
	v20 =	vmul.f32 $8.000000000e+00, v25  }
0x7e: {  	v25 =	vor.u32 $0x4, v21;
	v26 =	vmul.f32 $8.000000000e+00, v26;
	[tilespmem:s16+$0x190] =	vst v11  }
0x7f: {  	v12 =	vshll.u32 v12, $0x6;
	[tilespmem:s16+$0xFFFFFE90] =	vst v20;
	v20 =	vmul.f32 $8.000000000e+00, v22;
	v22 =	vld.idx.msk [tilespmem:v23+s13+$0x0], $0xffff  }
0x80: {  	v11 =	vand.u32 $0x40, v12;
	v12 =	vor.u32 $0x5, v21;
	[tilespmem:s16+$0xFFFFFF10] =	vst v26;
	v26 =	vmul.f32 $8.000000000e+00, v29;
	v27 =	vld.idx.msk [tilespmem:v28+s13+$0x0], $0xffff  }
0x81: {  	v23 =	vor.u32 $0x6, v21;
	v28 =	vand.u32 $0xFFFFFFF8, v11;
	v16 =	vld.idx.msk [tilespmem:v16+s13+$0x0], $0xffff;
	v24 =	vmul.f32 $8.000000000e+00, v24;
	[tilespmem:s16+$0xFFFFFF90] =	vst v20  }
0x82: {  	v20 =	vmul.f32 $8.000000000e+00, v30;
	v28 =	vadd.s32 v3, v28;
	[tilespmem:s16+$0x10] =	vst v26;
	v18 =	vld.idx.msk [tilespmem:v18+s13+$0x0], $0xffff  }
0x83: {  	v19 =	vmul.f32 $8.000000000e+00, v19;
	v26 =	vor.u32 $0x7, v28;
	v25 =	vld.idx.msk [tilespmem:v25+s13+$0x0], $0xffff;
	[tilespmem:s16+$0xFFFFFE10] =	vst v24  }
0x84: {  	v29 =	vor.u32 $0x1, v28;
	[tilespmem:s16+$0x90] =	vst v20;
	v21 =	vld.idx.msk [tilespmem:v21+s13+$0x0], $0xffff  }
0x85: {  	v20 =	vor.u32 $0x2, v28;
	[tilespmem:s16+$0x110] =	vst v19;
	v30 =	vld.idx.msk [tilespmem:v12+s13+$0x0], $0xffff;
	v12 =	vmul.f32 $8.000000000e+00, v22  }
0x86: {  	v19 =	vor.u32 $0x3, v28;
	v22 =	vld.idx.msk [tilespmem:v23+s13+$0x0], $0xffff;
	v23 =	vmul.f32 $8.000000000e+00, v27  }
0x87: {  	v24 =	vor.u32 $0x4, v28;
	v16 =	vmul.f32 $8.000000000e+00, v16;
	[tilespmem:s16+$0x1A0] =	vst v12  }
0x88: {  	v17 =	vshll.u32 v17, $0x6;
	[tilespmem:s16+$0xFFFFFEA0] =	vst v23;
	v18 =	vmul.f32 $8.000000000e+00, v18;
	v23 =	vld.idx.msk [tilespmem:v26+s13+$0x0], $0xffff  }
0x89: {  	v12 =	vand.u32 $0x40, v17;
	v17 =	vor.u32 $0x5, v28;
	[tilespmem:s16+$0xFFFFFF20] =	vst v16;
	v16 =	vmul.f32 $8.000000000e+00, v25;
	v27 =	vld.idx.msk [tilespmem:v29+s13+$0x0], $0xffff  }
0x8a: {  	v26 =	vor.u32 $0x6, v28;
	v25 =	vand.u32 $0xFFFFFFF8, v12;
	v20 =	vld.idx.msk [tilespmem:v20+s13+$0x0], $0xffff;
	v21 =	vmul.f32 $8.000000000e+00, v21;
	[tilespmem:s16+$0xFFFFFFA0] =	vst v18  }
0x8b: {  	v18 =	vmul.f32 $8.000000000e+00, v30;
	v25 =	vadd.s32 v4, v25;
	[tilespmem:s16+$0x20] =	vst v16;
	v19 =	vld.idx.msk [tilespmem:v19+s13+$0x0], $0xffff  }
0x8c: {  	v16 =	vmul.f32 $8.000000000e+00, v22;
	v22 =	vor.u32 $0x7, v25;
	v24 =	vld.idx.msk [tilespmem:v24+s13+$0x0], $0xffff;
	[tilespmem:s16+$0xFFFFFE20] =	vst v21  }
0x8d: {  	v29 =	vor.u32 $0x1, v25;
	[tilespmem:s16+$0xA0] =	vst v18;
	v28 =	vld.idx.msk [tilespmem:v28+s13+$0x0], $0xffff  }
0x8e: {  	v18 =	vor.u32 $0x2, v25;
	v17 =	vld.idx.msk [tilespmem:v17+s13+$0x0], $0xffff;
	[tilespmem:s16+$0x120] =	vst v16;
	v16 =	vmul.f32 $8.000000000e+00, v23  }
0x8f: {  	v23 =	vor.u32 $0x3, v25;
	v21 =	vld.idx.msk [tilespmem:v26+s13+$0x0], $0xffff;
	v26 =	vmul.f32 $8.000000000e+00, v27  }
0x90: {  	v27 =	vor.u32 $0x4, v25;
	v20 =	vmul.f32 $8.000000000e+00, v20;
	[tilespmem:s16+$0x1B0] =	vst v16  }
0x91: {  	v13 =	vshll.u32 v13, $0x6;
	v16 =	vor.u32 $0x5, v25;
	[tilespmem:s16+$0xFFFFFEB0] =	vst v26;
	v19 =	vmul.f32 $8.000000000e+00, v19;
	v22 =	vld.idx.msk [tilespmem:v22+s13+$0x0], $0xffff  }
0x92: {  	v13 =	vand.u32 $0x40, v13;
	[tilespmem:s16+$0xFFFFFF30] =	vst v20;
	v20 =	vmul.f32 $8.000000000e+00, v24;
	v29 =	vld.idx.msk [tilespmem:v29+s13+$0x0], $0xffff  }
0x93: {  	v26 =	vor.u32 $0x6, v25;
	v24 =	vand.u32 $0xFFFFFFF8, v13;
	v18 =	vld.idx.msk [tilespmem:v18+s13+$0x0], $0xffff;
	[tilespmem:s16+$0xFFFFFFB0] =	vst v19;
	v17 =	vmul.f32 $8.000000000e+00, v17  }
0x94: {  	v19 =	vadd.s32 v5, v24;
	[tilespmem:s16+$0x30] =	vst v20;
	v24 =	vmul.f32 $8.000000000e+00, v28;
	v23 =	vld.idx.msk [tilespmem:v23+s13+$0x0], $0xffff  }
0x95: {  	v20 =	vmul.f32 $8.000000000e+00, v21;
	v21 =	vor.u32 $0x7, v19;
	v27 =	vld.idx.msk [tilespmem:v27+s13+$0x0], $0xffff;
	[tilespmem:s16+$0xB0] =	vst v17  }
0x96: {  	v28 =	vor.u32 $0x1, v19;
	[tilespmem:s16+$0xFFFFFE30] =	vst v24;
	v16 =	vld.idx.msk [tilespmem:v16+s13+$0x0], $0xffff  }
0x97: {  	v17 =	vor.u32 $0x2, v19;
	[tilespmem:s16+$0x130] =	vst v20;
	v25 =	vld.idx.msk [tilespmem:v25+s13+$0x0], $0xffff;
	v20 =	vmul.f32 $8.000000000e+00, v22  }
0x98: {  	v22 =	vor.u32 $0x3, v19;
	v24 =	vld.idx.msk [tilespmem:v26+s13+$0x0], $0xffff;
	v26 =	vmul.f32 $8.000000000e+00, v29  }
0x99: {  	v29 =	vor.u32 $0x4, v19;
	v18 =	vmul.f32 $8.000000000e+00, v18;
	[tilespmem:s16+$0x1C0] =	vst v20  }
0x9a: {  	v14 =	vshll.u32 v14, $0x6;
	v20 =	vor.u32 $0x5, v19;
	[tilespmem:s16+$0xFFFFFEC0] =	vst v26;
	v23 =	vmul.f32 $8.000000000e+00, v23;
	v21 =	vld.idx.msk [tilespmem:v21+s13+$0x0], $0xffff  }
0x9b: {  	v14 =	vand.u32 $0x40, v14;
	[tilespmem:s16+$0xFFFFFF40] =	vst v18;
	v18 =	vmul.f32 $8.000000000e+00, v27;
	v28 =	vld.idx.msk [tilespmem:v28+s13+$0x0], $0xffff  }
0x9c: {  	v26 =	vor.u32 $0x6, v19;
	v27 =	vand.u32 $0xFFFFFFF8, v14;
	v17 =	vld.idx.msk [tilespmem:v17+s13+$0x0], $0xffff;
	[tilespmem:s16+$0xFFFFFFC0] =	vst v23;
	v16 =	vmul.f32 $8.000000000e+00, v16  }
0x9d: {  	v23 =	vadd.s32 v6, v27;
	[tilespmem:s16+$0x40] =	vst v18;
	v25 =	vmul.f32 $8.000000000e+00, v25;
	v22 =	vld.idx.msk [tilespmem:v22+s13+$0x0], $0xffff  }
0x9e: {  	v18 =	vmul.f32 $8.000000000e+00, v24;
	v24 =	vor.u32 $0x7, v23;
	v29 =	vld.idx.msk [tilespmem:v29+s13+$0x0], $0xffff;
	[tilespmem:s16+$0xC0] =	vst v16  }
0x9f: {  	v27 =	vor.u32 $0x1, v23;
	[tilespmem:s16+$0xFFFFFE40] =	vst v25;
	v20 =	vld.idx.msk [tilespmem:v20+s13+$0x0], $0xffff  }
0xa0: {  	v30 =	vor.u32 $0x2, v23;
	[tilespmem:s16+$0x140] =	vst v18;
	v19 =	vld.idx.msk [tilespmem:v19+s13+$0x0], $0xffff;
	v16 =	vmul.f32 $8.000000000e+00, v21  }
0xa1: {  	v15 =	vshll.u32 v15, $0x6;
	v18 =	vor.u32 $0x3, v23;
	v21 =	vld.idx.msk [tilespmem:v26+s13+$0x0], $0xffff;
	v25 =	vmul.f32 $8.000000000e+00, v28  }
0xa2: {  	v15 =	vand.u32 $0x40, v15;
	v26 =	vor.u32 $0x4, v23;
	v17 =	vmul.f32 $8.000000000e+00, v17;
	[tilespmem:s16+$0x1D0] =	vst v16  }
0xa3: {  	v31 =	vor.u32 $0x6, v23;
	v28 =	vor.u32 $0x5, v23;
	[tilespmem:s16+$0xFFFFFED0] =	vst v25;
	v22 =	vmul.f32 $8.000000000e+00, v22;
	v24 =	vld.idx.msk [tilespmem:v24+s13+$0x0], $0xffff  }
0xa4: {  	[tilespmem:s16+$0xFFFFFF50] =	vst v17;
	v17 =	vmul.f32 $8.000000000e+00, v29;
	v16 =	vadd.s32 $0x8, v8;
	v25 =	vld.idx.msk [tilespmem:v27+s13+$0x0], $0xffff;
	v27 =	vand.u32 $0xFFFFFFF8, v15  }
0xa5: {  	v29 =	vld.idx.msk [tilespmem:v30+s13+$0x0], $0xffff;
	[tilespmem:s16+$0xFFFFFFD0] =	vst v22;
	v20 =	vmul.f32 $8.000000000e+00, v20;
	v22 =	vand.u32 $0xFFFFFFF8, v16;
	v8 =	vadd.s32 v7, v27  }
0xa6: {  	[tilespmem:s16+$0x50] =	vst v17;
	v19 =	vmul.f32 $8.000000000e+00, v19;
	v18 =	vld.idx.msk [tilespmem:v18+s13+$0x0], $0xffff;
	v17 =	vmul.f32 $8.000000000e+00, v21;
	v21 =	vadd.s32 v0, v22  }
0xa7: {  	v22 =	vor.u32 $0x7, v8;
	v26 =	vld.idx.msk [tilespmem:v26+s13+$0x0], $0xffff;
	[tilespmem:s16+$0xD0] =	vst v20  }
0xa8: {  	v20 =	vor.u32 $0x7, v21;
	[tilespmem:s16+$0xFFFFFE50] =	vst v19;
	v28 =	vld.idx.msk [tilespmem:v28+s13+$0x0], $0xffff  }
0xa9: {  	v27 =	vor.u32 $0x1, v21;
	[tilespmem:s16+$0x150] =	vst v17;
	v23 =	vld.idx.msk [tilespmem:v23+s13+$0x0], $0xffff;
	v17 =	vmul.f32 $8.000000000e+00, v24  }
0xaa: {  	v30 =	vor.u32 $0x3, v21;
	v32 =	vor.u32 $0x6, v21;
	v24 =	vor.u32 $0x2, v21;
	v19 =	vld.idx.msk [tilespmem:v31+s13+$0x0], $0xffff  }
0xab: {  	v25 =	vmul.f32 $8.000000000e+00, v25;
	v31 =	vor.u32 $0x5, v21;
	[tilespmem:s16+$0x1E0] =	vst v17;
	v17 =	vor.u32 $0x4, v21;
	v21 =	vld.idx.msk [tilespmem:v21+s13+$0x0], $0xffff  }
0xac: {  	v29 =	vmul.f32 $8.000000000e+00, v29;
	v22 =	vld.idx.msk [tilespmem:v22+s13+$0x0], $0xffff  }
0xad: {  	v9 =	vadd.s32 $0x8, v9;
	[tilespmem:s16+$0xFFFFFEE0] =	vst v25;
	v18 =	vmul.f32 $8.000000000e+00, v18;
	v20 =	vld.idx.msk [tilespmem:v20+s13+$0x0], $0xffff  }
0xae: {  	[tilespmem:s16+$0xFFFFFF60] =	vst v29;
	v26 =	vmul.f32 $8.000000000e+00, v26;
	v25 =	vld.idx.msk [tilespmem:v27+s13+$0x0], $0xffff;
	v27 =	vand.u32 $0xFFFFFFF8, v9  }
0xaf: {  	v29 =	vor.u32 $0x1, v8;
	[tilespmem:s16+$0xFFFFFFE0] =	vst v18;
	v18 =	vmul.f32 $8.000000000e+00, v28;
	v27 =	vadd.s32 v1, v27;
	v24 =	vld.idx.msk [tilespmem:v24+s13+$0x0], $0xffff  }
0xb0: {  	v28 =	vld.idx.msk [tilespmem:v30+s13+$0x0], $0xffff;
	[tilespmem:s16+$0x60] =	vst v26;
	v23 =	vmul.f32 $8.000000000e+00, v23;
	v26 =	vor.u32 $0x7, v27  }
0xb1: {  	v19 =	vmul.f32 $8.000000000e+00, v19;
	[tilespmem:s16+$0xE0] =	vst v18;
	v18 =	vor.u32 $0x1, v27;
	v17 =	vld.idx.msk [tilespmem:v17+s13+$0x0], $0xffff  }
0xb2: {  	v30 =	vld.idx.msk [tilespmem:v31+s13+$0x0], $0xffff;
	v31 =	vor.u32 $0x2, v27;
	[tilespmem:s16+$0xFFFFFE60] =	vst v23;
	v20 =	vmul.f32 $8.000000000e+00, v20  }
0xb3: {  	s3 =	simm.s32 $0x16C00;
	v59 =	vor.u32 $0x3, v27;
	[tilespmem:s16+$0x160] =	vst v19;
	v19 =	vld.idx.msk [tilespmem:v32+s13+$0x0], $0xffff;
	v23 =	vmul.f32 $8.000000000e+00, v25  }
0xb4: {  	v25 =	vor.u32 $0x4, v27;
	v24 =	vmul.f32 $8.000000000e+00, v24;
	[tilespmem:s3+$0x180] =	vst v20;
	v20 =	vld.idx.msk [tilespmem:v29+s13+$0x0], $0xffff  }
0xb5: {  	v29 =	vor.u32 $0x5, v27;
	[tilespmem:s3+$0xFFFFFE80] =	vst v23;
	v23 =	vmul.f32 $8.000000000e+00, v28;
	v26 =	vld.idx.msk [tilespmem:v26+s13+$0x0], $0xffff  }
0xb6: {  	v10 =	vadd.s32 $0x8, v10;
	v28 =	vor.u32 $0x6, v27;
	v18 =	vld.idx.msk [tilespmem:v18+s13+$0x0], $0xffff;
	[tilespmem:s3+$0xFFFFFF00] =	vst v24;
	v17 =	vmul.f32 $8.000000000e+00, v17  }
0xb7: {  	v24 =	vand.u32 $0xFFFFFFF8, v10;
	[tilespmem:s3+$0xFFFFFF80] =	vst v23;
	v23 =	vmul.f32 $8.000000000e+00, v30;
	v31 =	vld.idx.msk [tilespmem:v31+s13+$0x0], $0xffff  }
0xb8: {  	v30 =	vor.u32 $0x2, v8;
	v24 =	vadd.s32 v2, v24;
	v32 =	vld.idx.msk [tilespmem:v59+s13+$0x0], $0xffff;
	[tilespmem:s3+$0x0] =	vst v17;
	v17 =	vmul.f32 $8.000000000e+00, v19  }
0xb9: {  	v19 =	vmul.f32 $8.000000000e+00, v21;
	[tilespmem:s3+$0x80] =	vst v23;
	v23 =	vor.u32 $0x7, v24;
	v21 =	vld.idx.msk [tilespmem:v25+s13+$0x0], $0xffff  }
0xba: {  	v22 =	vmul.f32 $8.000000000e+00, v22;
	v25 =	vor.u32 $0x1, v24;
	v29 =	vld.idx.msk [tilespmem:v29+s13+$0x0], $0xffff;
	[tilespmem:s3+$0x100] =	vst v17  }
0xbb: {  	v17 =	vor.u32 $0x2, v24;
	[tilespmem:s3+$0xFFFFFE00] =	vst v19;
	v26 =	vmul.f32 $8.000000000e+00, v26;
	v19 =	vld.idx.msk [tilespmem:v28+s13+$0x0], $0xffff  }
0xbc: {  	[tilespmem:s16+$0x1F0] =	vst v22;
	v22 =	vor.u32 $0x3, v24;
	v18 =	vmul.f32 $8.000000000e+00, v18;
	v27 =	vld.idx.msk [tilespmem:v27+s13+$0x0], $0xffff  }
0xbd: {  	v28 =	vor.u32 $0x4, v24;
	v31 =	vmul.f32 $8.000000000e+00, v31;
	[tilespmem:s3+$0x190] =	vst v26;
	v26 =	vld.idx.msk [tilespmem:v30+s13+$0x0], $0xffff  }
0xbe: {  	v30 =	vor.u32 $0x5, v24;
	[tilespmem:s3+$0xFFFFFE90] =	vst v18;
	v18 =	vmul.f32 $8.000000000e+00, v32;
	v23 =	vld.idx.msk [tilespmem:v23+s13+$0x0], $0xffff  }
0xbf: {  	v11 =	vadd.s32 $0x8, v11;
	v60 =	vor.u32 $0x6, v24;
	v25 =	vld.idx.msk [tilespmem:v25+s13+$0x0], $0xffff;
	[tilespmem:s3+$0xFFFFFF10] =	vst v31;
	v21 =	vmul.f32 $8.000000000e+00, v21  }
0xc0: {  	v31 =	vand.u32 $0xFFFFFFF8, v11;
	[tilespmem:s3+$0xFFFFFF90] =	vst v18;
	v18 =	vmul.f32 $8.000000000e+00, v29;
	v17 =	vld.idx.msk [tilespmem:v17+s13+$0x0], $0xffff  }
0xc1: {  	v29 =	vor.u32 $0x3, v8;
	v31 =	vadd.s32 v3, v31;
	v22 =	vld.idx.msk [tilespmem:v22+s13+$0x0], $0xffff;
	[tilespmem:s3+$0x10] =	vst v21;
	v19 =	vmul.f32 $8.000000000e+00, v19  }
0xc2: {  	v21 =	vmul.f32 $8.000000000e+00, v27;
	[tilespmem:s3+$0x90] =	vst v18;
	v18 =	vor.u32 $0x7, v31;
	v27 =	vld.idx.msk [tilespmem:v28+s13+$0x0], $0xffff  }
0xc3: {  	v20 =	vmul.f32 $8.000000000e+00, v20;
	v28 =	vor.u32 $0x1, v31;
	v30 =	vld.idx.msk [tilespmem:v30+s13+$0x0], $0xffff;
	[tilespmem:s3+$0x110] =	vst v19  }
0xc4: {  	v19 =	vor.u32 $0x2, v31;
	[tilespmem:s3+$0xFFFFFE10] =	vst v21;
	v23 =	vmul.f32 $8.000000000e+00, v23;
	v21 =	vld.idx.msk [tilespmem:v60+s13+$0x0], $0xffff  }
0xc5: {  	[tilespmem:s16+$0xFFFFFEF0] =	vst v20;
	v61 =	vor.u32 $0x3, v31;
	v24 =	vld.idx.msk [tilespmem:v24+s13+$0x0], $0xffff;
	v25 =	vmul.f32 $8.000000000e+00, v25  }
0xc6: {  	v20 =	vor.u32 $0x4, v31;
	v17 =	vmul.f32 $8.000000000e+00, v17;
	[tilespmem:s3+$0x1A0] =	vst v23;
	v23 =	vld.idx.msk [tilespmem:v29+s13+$0x0], $0xffff  }
0xc7: {  	v29 =	vor.u32 $0x5, v31;
	v22 =	vmul.f32 $8.000000000e+00, v22;
	[tilespmem:s3+$0xFFFFFEA0] =	vst v25;
	v18 =	vld.idx.msk [tilespmem:v18+s13+$0x0], $0xffff  }
0xc8: {  	v12 =	vadd.s32 $0x8, v12;
	v25 =	vor.u32 $0x6, v31;
	v28 =	vld.idx.msk [tilespmem:v28+s13+$0x0], $0xffff;
	[tilespmem:s3+$0xFFFFFF20] =	vst v17;
	v17 =	vmul.f32 $8.000000000e+00, v27  }
0xc9: {  	v27 =	vand.u32 $0xFFFFFFF8, v12;
	[tilespmem:s3+$0xFFFFFFA0] =	vst v22;
	v22 =	vmul.f32 $8.000000000e+00, v30;
	v19 =	vld.idx.msk [tilespmem:v19+s13+$0x0], $0xffff  }
0xca: {  	v30 =	vor.u32 $0x4, v8;
	v27 =	vadd.s32 v4, v27;
	v32 =	vld.idx.msk [tilespmem:v61+s13+$0x0], $0xffff;
	[tilespmem:s3+$0x20] =	vst v17;
	v17 =	vmul.f32 $8.000000000e+00, v21  }
0xcb: {  	v21 =	vmul.f32 $8.000000000e+00, v24;
	[tilespmem:s3+$0xA0] =	vst v22;
	v22 =	vor.u32 $0x7, v27;
	v20 =	vld.idx.msk [tilespmem:v20+s13+$0x0], $0xffff  }
0xcc: {  	v24 =	vmul.f32 $8.000000000e+00, v26;
	v26 =	vor.u32 $0x1, v27;
	v29 =	vld.idx.msk [tilespmem:v29+s13+$0x0], $0xffff;
	[tilespmem:s3+$0x120] =	vst v17  }
0xcd: {  	v17 =	vor.u32 $0x2, v27;
	[tilespmem:s3+$0xFFFFFE20] =	vst v21;
	v18 =	vmul.f32 $8.000000000e+00, v18;
	v21 =	vld.idx.msk [tilespmem:v25+s13+$0x0], $0xffff  }
0xce: {  	[tilespmem:s16+$0xFFFFFF70] =	vst v24;
	v25 =	vor.u32 $0x3, v27;
	v31 =	vld.idx.msk [tilespmem:v31+s13+$0x0], $0xffff;
	v28 =	vmul.f32 $8.000000000e+00, v28  }
0xcf: {  	v24 =	vor.u32 $0x4, v27;
	v30 =	vld.idx.msk [tilespmem:v30+s13+$0x0], $0xffff;
	v19 =	vmul.f32 $8.000000000e+00, v19;
	[tilespmem:s3+$0x1B0] =	vst v18  }
0xd0: {  	v18 =	vor.u32 $0x5, v27;
	[tilespmem:s3+$0xFFFFFEB0] =	vst v28;
	v28 =	vmul.f32 $8.000000000e+00, v32;
	v22 =	vld.idx.msk [tilespmem:v22+s13+$0x0], $0xffff  }
0xd1: {  	v13 =	vadd.s32 $0x8, v13;
	v62 =	vor.u32 $0x6, v27;
	v26 =	vld.idx.msk [tilespmem:v26+s13+$0x0], $0xffff;
	[tilespmem:s3+$0xFFFFFF30] =	vst v19;
	v19 =	vmul.f32 $8.000000000e+00, v20  }
0xd2: {  	v20 =	vand.u32 $0xFFFFFFF8, v13;
	v17 =	vld.idx.msk [tilespmem:v17+s13+$0x0], $0xffff;
	[tilespmem:s3+$0xFFFFFFB0] =	vst v28;
	v28 =	vmul.f32 $8.000000000e+00, v29  }
0xd3: {  	v29 =	vor.u32 $0x5, v8;
	v20 =	vadd.s32 v5, v20;
	v25 =	vld.idx.msk [tilespmem:v25+s13+$0x0], $0xffff;
	[tilespmem:s3+$0x30] =	vst v19;
	v19 =	vmul.f32 $8.000000000e+00, v21  }
0xd4: {  	v21 =	vmul.f32 $8.000000000e+00, v31;
	v24 =	vld.idx.msk [tilespmem:v24+s13+$0x0], $0xffff;
	[tilespmem:s3+$0xB0] =	vst v28;
	v28 =	vor.u32 $0x7, v20  }
0xd5: {  	v23 =	vmul.f32 $8.000000000e+00, v23;
	v31 =	vor.u32 $0x1, v20;
	v18 =	vld.idx.msk [tilespmem:v18+s13+$0x0], $0xffff;
	[tilespmem:s3+$0x130] =	vst v19  }
0xd6: {  	v19 =	vor.u32 $0x2, v20;
	[tilespmem:s3+$0xFFFFFE30] =	vst v21;
	v22 =	vmul.f32 $8.000000000e+00, v22;
	v21 =	vld.idx.msk [tilespmem:v62+s13+$0x0], $0xffff  }
0xd7: {  	[tilespmem:s16+$0xFFFFFFF0] =	vst v23;
	v63 =	vor.u32 $0x3, v20;
	v27 =	vld.idx.msk [tilespmem:v27+s13+$0x0], $0xffff;
	v26 =	vmul.f32 $8.000000000e+00, v26  }
0xd8: {  	v23 =	vor.u32 $0x4, v20;
	v17 =	vmul.f32 $8.000000000e+00, v17;
	[tilespmem:s3+$0x1C0] =	vst v22;
	v29 =	vld.idx.msk [tilespmem:v29+s13+$0x0], $0xffff  }
0xd9: {  	v22 =	vor.u32 $0x5, v20;
	[tilespmem:s3+$0xFFFFFEC0] =	vst v26;
	v25 =	vmul.f32 $8.000000000e+00, v25;
	v28 =	vld.idx.msk [tilespmem:v28+s13+$0x0], $0xffff  }
0xda: {  	v14 =	vadd.s32 $0x8, v14;
	v26 =	vor.u32 $0x6, v20;
	v31 =	vld.idx.msk [tilespmem:v31+s13+$0x0], $0xffff;
	[tilespmem:s3+$0xFFFFFF40] =	vst v17;
	v17 =	vmul.f32 $8.000000000e+00, v24  }
0xdb: {  	v24 =	vand.u32 $0xFFFFFFF8, v14;
	v19 =	vld.idx.msk [tilespmem:v19+s13+$0x0], $0xffff;
	[tilespmem:s3+$0xFFFFFFC0] =	vst v25;
	v25 =	vmul.f32 $8.000000000e+00, v18  }
0xdc: {  	v33 =	vor.u32 $0x6, v8;
	v18 =	vadd.s32 v6, v24;
	v32 =	vld.idx.msk [tilespmem:v63+s13+$0x0], $0xffff;
	[tilespmem:s3+$0x40] =	vst v17;
	v17 =	vmul.f32 $8.000000000e+00, v21  }
0xdd: {  	v21 =	vmul.f32 $8.000000000e+00, v27;
	v27 =	vor.u32 $0x7, v18;
	v34 =	vld.idx.msk [tilespmem:v23+s13+$0x0], $0xffff;
	[tilespmem:s3+$0xC0] =	vst v25  }
0xde: {  	v23 =	vmul.f32 $8.000000000e+00, v30;
	v30 =	vor.u32 $0x1, v18;
	v35 =	vld.idx.msk [tilespmem:v22+s13+$0x0], $0xffff;
	[tilespmem:s3+$0x140] =	vst v17  }
0xdf: {  	v36 =	vor.u32 $0x2, v18;
	[tilespmem:s3+$0xFFFFFE40] =	vst v21;
	v26 =	vld.idx.msk [tilespmem:v26+s13+$0x0], $0xffff;
	v17 =	vmul.f32 $8.000000000e+00, v28  }
0xe0: {  	v24 =	vor.u32 $0x3, v18;
	v25 =	vld.idx.msk [tilespmem:v20+s13+$0x0], $0xffff;
	v20 =	vmul.f32 $8.000000000e+00, v31;
	[tilespmem:s16+$0x70] =	vst v23  }
0xe1: {  	v21 =	vld.idx.msk [tilespmem:v33+s13+$0x0], $0xffff;
	v23 =	vor.u32 $0x4, v18;
	v28 =	vmul.f32 $8.000000000e+00, v19;
	[tilespmem:s3+$0x1D0] =	vst v17  }
0xe2: {  	v15 =	vadd.s32 $0x8, v15;
	v22 =	vor.u32 $0x5, v18;
	[tilespmem:s3+$0xFFFFFED0] =	vst v20;
	v32 =	vmul.f32 $8.000000000e+00, v32;
	v27 =	vld.idx.msk [tilespmem:v27+s13+$0x0], $0xffff  }
0xe3: {  	v19 =	vor.u32 $0x6, v18;
	v20 =	vmul.f32 $8.000000000e+00, v29;
	v17 =	vld.idx.msk [tilespmem:v30+s13+$0x0], $0xffff;
	[tilespmem:s3+$0xFFFFFF50] =	vst v28;
	v29 =	vmul.f32 $8.000000000e+00, v34  }
0xe4: {  	s14 =	sshll.u32 s30, $0x2;
	s7 =	simm.s32 $0x8;
	s6 =	simm.s32 $0x16C00;
	v16 =	vadd.s32 $0x8, v16;
	v31 =	vand.u32 $0xFFFFFFF8, v15;
	v28 =	vld.idx.msk [tilespmem:v36+s13+$0x0], $0xffff;
	[tilespmem:s3+$0xFFFFFFD0] =	vst v32;
	v30 =	vmul.f32 $8.000000000e+00, v35  }
.LBB2_3:
0xe5: {  	v32 =	vand.u32 $0xFFFFFFF8, v16;
	s7 =	sadd.s32 $0x8, s7;
	v31 =	vadd.s32 v7, v31;
	v24 =	vld.idx.msk [tilespmem:v24+s13+$0x0], $0xffff;
	[tilespmem:s3+$0x50] =	vst v29;
	v26 =	vmul.f32 $8.000000000e+00, v26  }
0xe6: {  	v25 =	vmul.f32 $8.000000000e+00, v25;
	v29 =	vadd.s32 v0, v32;
	p1 =	slt.u32 s7, $0x38;
	v23 =	vld.idx.msk [tilespmem:v23+s13+$0x0], $0xffff;
	[tilespmem:s3+$0xD0] =	vst v30;
	v30 =	vor.u32 $0x7, v31  }
0xe7: {  	v32 =	vor.u32 $0x1, v29;
	v33 =	vor.u32 $0x2, v29;
	v34 =	vor.u32 $0x7, v29;
	v22 =	vld.idx.msk [tilespmem:v22+s13+$0x0], $0xffff;
	[tilespmem:s3+$0x150] =	vst v26  }
0xe8: {  	v26 =	vor.u32 $0x3, v29;
	v35 =	vor.u32 $0x4, v29;
	[tilespmem:s3+$0xFFFFFE50] =	vst v25;
	v25 =	vld.idx.msk [tilespmem:v19+s13+$0x0], $0xffff;
	v19 =	vmul.f32 $8.000000000e+00, v27  }
0xe9: {  	v36 =	vor.u32 $0x6, v29;
	v27 =	vor.u32 $0x5, v29;
	v17 =	vmul.f32 $8.000000000e+00, v17;
	v37 =	vld.idx.msk [tilespmem:v18+s13+$0x0], $0xffff;
	[tilespmem:s16+$0xF0] =	vst v20  }
0xea: {  	v38 =	vor.u32 $0x1, v31;
	v18 =	vmul.f32 $8.000000000e+00, v28;
	v28 =	vor.u32 $0x2, v31;
	[tilespmem:s3+$0x1E0] =	vst v19;
	v39 =	vld.idx.msk [tilespmem:v8+s13+$0x0], $0xffff;
	v8 =	vmovc v31  }
0xeb: {  	v24 =	vmul.f32 $8.000000000e+00, v24;
	[tilespmem:s3+$0xFFFFFEE0] =	vst v17;
	v20 =	vor.u32 $0x3, v8;
	v19 =	vor.u32 $0x4, v8;
	v30 =	vld.idx.msk [tilespmem:v30+s13+$0x0], $0xffff  }
0xec: {  	v23 =	vmul.f32 $8.000000000e+00, v23;
	v17 =	vor.u32 $0x6, v8;
	v31 =	vld.idx.msk [tilespmem:v34+s13+$0x0], $0xffff;
	[tilespmem:s3+$0xFFFFFF60] =	vst v18;
	v18 =	vor.u32 $0x5, v8  }
0xed: {  	v9 =	vadd.s32 $0x8, v9;
	v21 =	vmul.f32 $8.000000000e+00, v21;
	v22 =	vmul.f32 $8.000000000e+00, v22;
	v32 =	vld.idx.msk [tilespmem:v32+s13+$0x0], $0xffff;
	[tilespmem:s3+$0xFFFFFFE0] =	vst v24  }
0xee: {  	v24 =	vand.u32 $0xFFFFFFF8, v9;
	v33 =	vld.idx.msk [tilespmem:v33+s13+$0x0], $0xffff;
	[tilespmem:s3+$0x60] =	vst v23;
	v23 =	vmul.f32 $8.000000000e+00, v25  }
0xef: {  	v24 =	vadd.s32 v1, v24;
	v25 =	vld.idx.msk [tilespmem:v26+s13+$0x0], $0xffff;
	v26 =	vmul.f32 $8.000000000e+00, v37;
	[tilespmem:s3+$0xE0] =	vst v22  }
0xf0: {  	v22 =	vor.u32 $0x1, v24;
	v34 =	vor.u32 $0x2, v24;
	v37 =	vor.u32 $0x7, v24;
	v35 =	vld.idx.msk [tilespmem:v35+s13+$0x0], $0xffff;
	[tilespmem:s3+$0x160] =	vst v23  }
0xf1: {  	v40 =	vor.u32 $0x4, v24;
	v23 =	vor.u32 $0x3, v24;
	v27 =	vld.idx.msk [tilespmem:v27+s13+$0x0], $0xffff;
	[tilespmem:s3+$0xFFFFFE60] =	vst v26;
	v26 =	vmul.f32 $8.000000000e+00, v30  }
0xf2: {  	v41 =	vor.u32 $0x6, v24;
	v30 =	vor.u32 $0x5, v24;
	v31 =	vmul.f32 $8.000000000e+00, v31;
	v36 =	vld.idx.msk [tilespmem:v36+s13+$0x0], $0xffff;
	[tilespmem:s16+$0x170] =	vst v21  }
0xf3: {  	s3 =	sadd.s32 $0x400, s3;
	v21 =	vld.idx.msk [tilespmem:v29+s13+$0x0], $0xffff;
	v29 =	vmul.f32 $8.000000000e+00, v32;
	[tilespmem:s6+$0x1F0] =	vst v26;
	v26 =	vmul.f32 $8.000000000e+00, v39  }
0xf4: {  	v32 =	vmul.f32 $8.000000000e+00, v33;
	[tilespmem:s3+$0x180] =	vst v31;
	v31 =	vld.idx.msk [tilespmem:v38+s13+$0x0], $0xffff  }
0xf5: {  	v25 =	vmul.f32 $8.000000000e+00, v25;
	[tilespmem:s3+$0xFFFFFE80] =	vst v29;
	v29 =	vld.idx.msk [tilespmem:v37+s13+$0x0], $0xffff  }
0xf6: {  	v10 =	vadd.s32 $0x8, v10;
	v22 =	vld.idx.msk [tilespmem:v22+s13+$0x0], $0xffff;
	[tilespmem:s3+$0xFFFFFF00] =	vst v32;
	v32 =	vmul.f32 $8.000000000e+00, v35  }
0xf7: {  	v33 =	vand.u32 $0xFFFFFFF8, v10;
	v34 =	vld.idx.msk [tilespmem:v34+s13+$0x0], $0xffff;
	[tilespmem:s3+$0xFFFFFF80] =	vst v25;
	v25 =	vmul.f32 $8.000000000e+00, v27  }
0xf8: {  	v27 =	vadd.s32 v2, v33;
	v23 =	vld.idx.msk [tilespmem:v23+s13+$0x0], $0xffff;
	[tilespmem:s3+$0x0] =	vst v32;
	v32 =	vmul.f32 $8.000000000e+00, v36  }
0xf9: {  	v21 =	vmul.f32 $8.000000000e+00, v21;
	v33 =	vor.u32 $0x1, v27;
	v35 =	vld.idx.msk [tilespmem:v40+s13+$0x0], $0xffff;
	[tilespmem:s3+$0x80] =	vst v25;
	v25 =	vor.u32 $0x7, v27  }
0xfa: {  	v36 =	vor.u32 $0x2, v27;
	v37 =	vor.u32 $0x3, v27;
	v38 =	vor.u32 $0x4, v27;
	v30 =	vld.idx.msk [tilespmem:v30+s13+$0x0], $0xffff;
	[tilespmem:s3+$0x100] =	vst v32  }
0xfb: {  	v39 =	vor.u32 $0x6, v27;
	v29 =	vmul.f32 $8.000000000e+00, v29;
	[tilespmem:s3+$0xFFFFFE00] =	vst v21;
	v21 =	vor.u32 $0x5, v27;
	v32 =	vld.idx.msk [tilespmem:v41+s13+$0x0], $0xffff  }
0xfc: {  	v31 =	vmul.f32 $8.000000000e+00, v31;
	v22 =	vmul.f32 $8.000000000e+00, v22;
	v24 =	vld.idx.msk [tilespmem:v24+s13+$0x0], $0xffff;
	[tilespmem:s16+$0xFFFFFE70] =	vst v26;
	s16 =	smov.u32 s6;
	s6 =	smov.u32 s3  }
0xfd: {  	v26 =	vmul.f32 $8.000000000e+00, v34;
	[tilespmem:s3+$0x190] =	vst v29;
	v28 =	vld.idx.msk [tilespmem:v28+s13+$0x0], $0xffff  }
0xfe: {  	[tilespmem:s3+$0xFFFFFE90] =	vst v22;
	v22 =	vmul.f32 $8.000000000e+00, v23;
	v23 =	vld.idx.msk [tilespmem:v25+s13+$0x0], $0xffff  }
0xff: {  	v11 =	vadd.s32 $0x8, v11;
	v25 =	vld.idx.msk [tilespmem:v33+s13+$0x0], $0xffff;
	[tilespmem:s3+$0xFFFFFF10] =	vst v26;
	v26 =	vmul.f32 $8.000000000e+00, v35  }
0x100: {  	v29 =	vand.u32 $0xFFFFFFF8, v11;
	v33 =	vld.idx.msk [tilespmem:v36+s13+$0x0], $0xffff;
	[tilespmem:s3+$0xFFFFFF90] =	vst v22;
	v22 =	vmul.f32 $8.000000000e+00, v30  }
0x101: {  	v29 =	vadd.s32 v3, v29;
	v30 =	vld.idx.msk [tilespmem:v37+s13+$0x0], $0xffff;
	[tilespmem:s3+$0x10] =	vst v26;
	v26 =	vmul.f32 $8.000000000e+00, v32  }
0x102: {  	v24 =	vmul.f32 $8.000000000e+00, v24;
	v32 =	vor.u32 $0x1, v29;
	v34 =	vld.idx.msk [tilespmem:v38+s13+$0x0], $0xffff;
	[tilespmem:s3+$0x90] =	vst v22;
	v22 =	vor.u32 $0x7, v29  }
0x103: {  	v35 =	vor.u32 $0x2, v29;
	v36 =	vor.u32 $0x3, v29;
	v37 =	vor.u32 $0x4, v29;
	v21 =	vld.idx.msk [tilespmem:v21+s13+$0x0], $0xffff;
	[tilespmem:s3+$0x110] =	vst v26  }
0x104: {  	v38 =	vor.u32 $0x6, v29;
	v23 =	vmul.f32 $8.000000000e+00, v23;
	[tilespmem:s3+$0xFFFFFE10] =	vst v24;
	v24 =	vor.u32 $0x5, v29;
	v26 =	vld.idx.msk [tilespmem:v39+s13+$0x0], $0xffff  }
0x105: {  	v28 =	vmul.f32 $8.000000000e+00, v28;
	v25 =	vmul.f32 $8.000000000e+00, v25;
	v27 =	vld.idx.msk [tilespmem:v27+s13+$0x0], $0xffff;
	[tilespmem:s16+$0xFFFFFEF0] =	vst v31  }
0x106: {  	v31 =	vmul.f32 $8.000000000e+00, v33;
	[tilespmem:s3+$0x1A0] =	vst v23;
	v20 =	vld.idx.msk [tilespmem:v20+s13+$0x0], $0xffff  }
0x107: {  	v23 =	vmul.f32 $8.000000000e+00, v30;
	[tilespmem:s3+$0xFFFFFEA0] =	vst v25;
	v22 =	vld.idx.msk [tilespmem:v22+s13+$0x0], $0xffff  }
0x108: {  	v12 =	vadd.s32 $0x8, v12;
	v30 =	vmul.f32 $8.000000000e+00, v34;
	v25 =	vld.idx.msk [tilespmem:v32+s13+$0x0], $0xffff;
	[tilespmem:s3+$0xFFFFFF20] =	vst v31  }
0x109: {  	v31 =	vand.u32 $0xFFFFFFF8, v12;
	v21 =	vmul.f32 $8.000000000e+00, v21;
	v32 =	vld.idx.msk [tilespmem:v35+s13+$0x0], $0xffff;
	[tilespmem:s3+$0xFFFFFFA0] =	vst v23  }
0x10a: {  	v23 =	vadd.s32 v4, v31;
	v26 =	vmul.f32 $8.000000000e+00, v26;
	v31 =	vld.idx.msk [tilespmem:v36+s13+$0x0], $0xffff;
	[tilespmem:s3+$0x20] =	vst v30  }
0x10b: {  	v27 =	vmul.f32 $8.000000000e+00, v27;
	v30 =	vor.u32 $0x1, v23;
	v33 =	vld.idx.msk [tilespmem:v37+s13+$0x0], $0xffff;
	[tilespmem:s3+$0xA0] =	vst v21;
	v21 =	vor.u32 $0x7, v23  }
0x10c: {  	v34 =	vor.u32 $0x2, v23;
	v35 =	vor.u32 $0x3, v23;
	v36 =	vor.u32 $0x4, v23;
	v24 =	vld.idx.msk [tilespmem:v24+s13+$0x0], $0xffff;
	[tilespmem:s3+$0x120] =	vst v26  }
0x10d: {  	v37 =	vor.u32 $0x6, v23;
	v26 =	vor.u32 $0x5, v23;
	v22 =	vmul.f32 $8.000000000e+00, v22;
	[tilespmem:s3+$0xFFFFFE20] =	vst v27;
	v27 =	vld.idx.msk [tilespmem:v38+s13+$0x0], $0xffff  }
0x10e: {  	v20 =	vmul.f32 $8.000000000e+00, v20;
	v25 =	vmul.f32 $8.000000000e+00, v25;
	v29 =	vld.idx.msk [tilespmem:v29+s13+$0x0], $0xffff;
	[tilespmem:s16+$0xFFFFFF70] =	vst v28  }
0x10f: {  	v28 =	vmul.f32 $8.000000000e+00, v32;
	[tilespmem:s3+$0x1B0] =	vst v22;
	v19 =	vld.idx.msk [tilespmem:v19+s13+$0x0], $0xffff  }
0x110: {  	v22 =	vmul.f32 $8.000000000e+00, v31;
	[tilespmem:s3+$0xFFFFFEB0] =	vst v25;
	v21 =	vld.idx.msk [tilespmem:v21+s13+$0x0], $0xffff  }
0x111: {  	v13 =	vadd.s32 $0x8, v13;
	v25 =	vld.idx.msk [tilespmem:v30+s13+$0x0], $0xffff;
	[tilespmem:s3+$0xFFFFFF30] =	vst v28;
	v28 =	vmul.f32 $8.000000000e+00, v33  }
0x112: {  	v30 =	vand.u32 $0xFFFFFFF8, v13;
	v31 =	vld.idx.msk [tilespmem:v34+s13+$0x0], $0xffff;
	[tilespmem:s3+$0xFFFFFFB0] =	vst v22;
	v22 =	vmul.f32 $8.000000000e+00, v24  }
0x113: {  	v30 =	vadd.s32 v5, v30;
	v27 =	vmul.f32 $8.000000000e+00, v27;
	v24 =	vld.idx.msk [tilespmem:v35+s13+$0x0], $0xffff;
	[tilespmem:s3+$0x30] =	vst v28  }
0x114: {  	v28 =	vmul.f32 $8.000000000e+00, v29;
	v29 =	vor.u32 $0x1, v30;
	v32 =	vld.idx.msk [tilespmem:v36+s13+$0x0], $0xffff;
	[tilespmem:s3+$0xB0] =	vst v22;
	v22 =	vor.u32 $0x7, v30  }
0x115: {  	v33 =	vor.u32 $0x2, v30;
	v34 =	vor.u32 $0x3, v30;
	v35 =	vor.u32 $0x4, v30;
	v26 =	vld.idx.msk [tilespmem:v26+s13+$0x0], $0xffff;
	[tilespmem:s3+$0x130] =	vst v27  }
0x116: {  	v36 =	vor.u32 $0x6, v30;
	v27 =	vor.u32 $0x5, v30;
	v21 =	vmul.f32 $8.000000000e+00, v21;
	[tilespmem:s3+$0xFFFFFE30] =	vst v28;
	v28 =	vld.idx.msk [tilespmem:v37+s13+$0x0], $0xffff  }
0x117: {  	v25 =	vmul.f32 $8.000000000e+00, v25;
	v23 =	vld.idx.msk [tilespmem:v23+s13+$0x0], $0xffff;
	[tilespmem:s16+$0xFFFFFFF0] =	vst v20;
	v20 =	vmul.f32 $8.000000000e+00, v19  }
0x118: {  	v19 =	vmul.f32 $8.000000000e+00, v31;
	[tilespmem:s3+$0x1C0] =	vst v21;
	v21 =	vld.idx.msk [tilespmem:v18+s13+$0x0], $0xffff  }
0x119: {  	v18 =	vmul.f32 $8.000000000e+00, v24;
	[tilespmem:s3+$0xFFFFFEC0] =	vst v25;
	v25 =	vld.idx.msk [tilespmem:v22+s13+$0x0], $0xffff  }
0x11a: {  	v14 =	vadd.s32 $0x8, v14;
	v29 =	vld.idx.msk [tilespmem:v29+s13+$0x0], $0xffff;
	[tilespmem:s3+$0xFFFFFF40] =	vst v19;
	v19 =	vmul.f32 $8.000000000e+00, v32  }
0x11b: {  	v22 =	vand.u32 $0xFFFFFFF8, v14;
	v24 =	vmul.f32 $8.000000000e+00, v26;
	v31 =	vld.idx.msk [tilespmem:v33+s13+$0x0], $0xffff;
	[tilespmem:s3+$0xFFFFFFC0] =	vst v18  }
0x11c: {  	v18 =	vadd.s32 v6, v22;
	v32 =	vld.idx.msk [tilespmem:v34+s13+$0x0], $0xffff;
	[tilespmem:s3+$0x40] =	vst v19;
	v19 =	vmul.f32 $8.000000000e+00, v28  }
0x11d: {  	v22 =	vmul.f32 $8.000000000e+00, v23;
	v28 =	vor.u32 $0x1, v18;
	v34 =	vor.u32 $0x7, v18;
	v33 =	vld.idx.msk [tilespmem:v35+s13+$0x0], $0xffff;
	[tilespmem:s3+$0xC0] =	vst v24  }
0x11e: {  	v23 =	vor.u32 $0x4, v18;
	v35 =	vor.u32 $0x2, v18;
	v24 =	vor.u32 $0x3, v18;
	v37 =	vld.idx.msk [tilespmem:v27+s13+$0x0], $0xffff;
	[tilespmem:s3+$0x140] =	vst v19  }
0x11f: {  	v19 =	vor.u32 $0x6, v18;
	v27 =	vmul.f32 $8.000000000e+00, v25;
	[tilespmem:s3+$0xFFFFFE40] =	vst v22;
	v22 =	vor.u32 $0x5, v18;
	v26 =	vld.idx.msk [tilespmem:v36+s13+$0x0], $0xffff  }
.Ltmp0:
0x120: {  	v29 =	vmul.f32 $8.000000000e+00, v29;
	v25 =	vld.idx.msk [tilespmem:v30+s13+$0x0], $0xffff;
	[tilespmem:s16+$0x70] =	vst v20;
	v20 =	vmul.f32 $8.000000000e+00, v21;
	(pc) =	sbr.rel @p1 .LBB2_3-.Ltmp0, $4  }
0x121: {  	v30 =	vmul.f32 $8.000000000e+00, v31;
	[tilespmem:s3+$0x1D0] =	vst v27;
	v21 =	vld.idx.msk [tilespmem:v17+s13+$0x0], $0xffff  }
0x122: {  	v32 =	vmul.f32 $8.000000000e+00, v32;
	[tilespmem:s3+$0xFFFFFED0] =	vst v29;
	v27 =	vld.idx.msk [tilespmem:v34+s13+$0x0], $0xffff  }
0x123: {  	v15 =	vadd.s32 $0x8, v15;
	v29 =	vmul.f32 $8.000000000e+00, v33;
	v17 =	vld.idx.msk [tilespmem:v28+s13+$0x0], $0xffff;
	[tilespmem:s3+$0xFFFFFF50] =	vst v30  }
0x124: {  	v16 =	vadd.s32 $0x8, v16;
	v31 =	vand.u32 $0xFFFFFFF8, v15;
	v30 =	vmul.f32 $8.000000000e+00, v37;
	v28 =	vld.idx.msk [tilespmem:v35+s13+$0x0], $0xffff;
	[tilespmem:s3+$0xFFFFFFD0] =	vst v32  }
0x125: {  	_ =	sdelay $0x1  }
0x126: {  	[tilespmem:s3+$0x50] =	vst v29  }
0x127: {  	v9 =	vmul.f32 $8.000000000e+00, v26;
	[tilespmem:s16+$0xF0] =	vst v20  }
0x128: {  	v10 =	vadd.s32 v7, v31;
	v11 =	vld.idx.msk [tilespmem:v24+s13+$0x0], $0xffff;
	v12 =	vmul.f32 $8.000000000e+00, v25;
	[tilespmem:s3+$0xD0] =	vst v30  }
0x129: {  	v8 =	vld.idx.msk [tilespmem:v8+s13+$0x0], $0xffff;
	v14 =	vor.u32 $0x7, v10;
	v56 =	vmul.f32 $8.000000000e+00, v21;
	[tilespmem:s3+$0x150] =	vst v9  }
0x12a: {  	v13 =	vld.idx.msk [tilespmem:v23+s13+$0x0], $0xffff;
	v45 =	vor.u32 $0x1, v10;
	[tilespmem:s3+$0xFFFFFE50] =	vst v12;
	v44 =	vmul.f32 $8.000000000e+00, v27  }
0x12b: {  	v47 =	vor.u32 $0x2, v10;
	v43 =	vld.idx.msk [tilespmem:v22+s13+$0x0], $0xffff;
	v16 =	vmul.f32 $8.000000000e+00, v17;
	[tilespmem:s16+$0x170] =	vst v56  }
0x12c: {  	v48 =	vor.u32 $0x3, v10;
	v15 =	vld.idx.msk [tilespmem:v19+s13+$0x0], $0xffff;
	v46 =	vmul.f32 $8.000000000e+00, v28;
	[tilespmem:s3+$0x1E0] =	vst v44  }
0x12d: {  	v49 =	vor.u32 $0x4, v10;
	v18 =	vld.idx.msk [tilespmem:v18+s13+$0x0], $0xffff;
	[tilespmem:s3+$0xFFFFFEE0] =	vst v16;
	v11 =	vmul.f32 $8.000000000e+00, v11  }
0x12e: {  	v50 =	vor.u32 $0x5, v10;
	v8 =	vmul.f32 $8.000000000e+00, v8;
	v14 =	vld.idx.msk [tilespmem:v14+s13+$0x0], $0xffff;
	[tilespmem:s3+$0xFFFFFF60] =	vst v46  }
0x12f: {  	v51 =	vor.u32 $0x6, v10;
	v13 =	vmul.f32 $8.000000000e+00, v13;
	v53 =	vld.idx.msk [tilespmem:v45+s13+$0x0], $0xffff;
	[tilespmem:s3+$0xFFFFFFE0] =	vst v11  }
0x130: {  	v9 =	vmul.f32 $8.000000000e+00, v43;
	v55 =	vld.idx.msk [tilespmem:v47+s13+$0x0], $0xffff;
	[tilespmem:s16+$0xFFFFFE70] =	vst v8  }
0x131: {  	[tilespmem:s3+$0x60] =	vst v13;
	v52 =	vmul.f32 $8.000000000e+00, v15;
	v12 =	vld.idx.msk [tilespmem:v48+s13+$0x0], $0xffff  }
0x132: {  	v54 =	vmul.f32 $8.000000000e+00, v18;
	[tilespmem:s3+$0xE0] =	vst v9;
	v58 =	vld.idx.msk [tilespmem:v49+s13+$0x0], $0xffff  }
0x133: {  	[tilespmem:s3+$0x160] =	vst v52;
	v59 =	vld.idx.msk [tilespmem:v50+s13+$0x0], $0xffff;
	v57 =	vmul.f32 $8.000000000e+00, v14  }
0x134: {  	[tilespmem:s3+$0xFFFFFE60] =	vst v54;
	v60 =	vmul.f32 $8.000000000e+00, v53;
	v11 =	vld.idx.msk [tilespmem:v51+s13+$0x0], $0xffff  }
0x135: {  	v61 =	vld.idx.msk [tilespmem:v10+s13+$0x0], $0xffff;
	v8 =	vmul.f32 $8.000000000e+00, v55;
	[tilespmem:s6+$0x1F0] =	vst v57  }
0x136: {  	[tilespmem:s6+$0xFFFFFEF0] =	vst v60;
	v62 =	vmul.f32 $8.000000000e+00, v12  }
0x137: {  	[tilespmem:s6+$0xFFFFFF70] =	vst v8;
	v8 =	vmul.f32 $8.000000000e+00, v58  }
0x138: {  	p1 =	sne.s32 s30, $0x31;
	[tilespmem:s6+$0xFFFFFFF0] =	vst v62;
	v63 =	vmul.f32 $8.000000000e+00, v59  }
.Ltmp1:
0x139: {  	s16 =	sshll.u32 s30, $0x14;
	[tilespmem:s6+$0x70] =	vst v8;
	v8 =	vmul.f32 $8.000000000e+00, v11;
	(pc) =	sbr.rel @p1 .LBB2_6-.Ltmp1, $4  }
0x13a: {  	s3 =	sor.u32 s4, s16;
	v9 =	vmul.f32 $8.000000000e+00, v61;
	[tilespmem:s6+$0xF0] =	vst v63  }
0x13b: {  	s3 =	sshrl.u32 s3, $0x3;
	[tilespmem:s6+$0x170] =	vst v8  }
0x13c: {  	s3 =	sadd.s32 s2, s3;
	[tilespmem:s6+$0xFFFFFE70] =	vst v9  }
0x13d: {  	[hbm4b:s3+s8] =	stream.strided.scatter [tilespmem:s21], [sflag:$0x6], $0x2000, s9, s8, $0x38;
	[tilespmem:$0x1A600] =	vst v63  }
.Ltmp2:
0x13e: {  	(pc) =	sbr.rel .LBB2_7-.Ltmp2, $4  }
0x13f: {  	_ = 	snop  }
0x140: {  	_ =	swait.ge [sflag:s22], $0x4000  }
0x141: {  	[sflag:s22] =	ssyncset.done $0x0  }
0x142: {  	[sflag:s22] =	ssyncadd.s32 $0xFFFFC000  }
.LBB2_6:
0x143: {  	v8 =	vld [tilespmem:s1+$0x200];
	_ =	sdelay $0x4  }
0x144: {  	v8 =	vshra.s32 v8, $0x1  }
0x145: {  	[tilespmem:$0x6400] =	vst v8  }
0x146: {  	v8 =	vld [tilespmem:s1+$0x210];
	_ =	sdelay $0x4  }
0x147: {  	v8 =	vshra.s32 v8, $0x1  }
0x148: {  	[tilespmem:$0x6410] =	vst v8  }
0x149: {  	v8 =	vld [tilespmem:s1+$0x220];
	_ =	sdelay $0x4  }
0x14a: {  	v8 =	vshra.s32 v8, $0x1  }
0x14b: {  	[tilespmem:$0x6420] =	vst v8  }
0x14c: {  	v8 =	vld [tilespmem:s1+$0x230];
	_ =	sdelay $0x4  }
0x14d: {  	v8 =	vshra.s32 v8, $0x1  }
0x14e: {  	[tilespmem:$0x6430] =	vst v8  }
0x14f: {  	v8 =	vld [tilespmem:s1+$0x240];
	_ =	sdelay $0x4  }
0x150: {  	v8 =	vshra.s32 v8, $0x1  }
0x151: {  	[tilespmem:$0x6440] =	vst v8  }
0x152: {  	v8 =	vld [tilespmem:s1+$0x250];
	_ =	sdelay $0x4  }
0x153: {  	v8 =	vshra.s32 v8, $0x1  }
0x154: {  	[tilespmem:$0x6450] =	vst v8  }
0x155: {  	v8 =	vld [tilespmem:s1+$0x260];
	_ =	sdelay $0x4  }
0x156: {  	v8 =	vshra.s32 v8, $0x1  }
0x157: {  	[tilespmem:$0x6460] =	vst v8  }
0x158: {  	v8 =	vld [tilespmem:s1+$0x270];
	_ =	sdelay $0x4  }
0x159: {  	v8 =	vshra.s32 v8, $0x1  }
.Ltmp3:
0x15a: {  	[tilespmem:$0x6470] =	vst v8;
	(pc) =	sbr.rel @p0 .LBB2_8-.Ltmp3, $4  }
0x15b: {  	[tilespmem:s13], [sflag:$0x2] =	stream.indirect.gather [hbm4b:s5+s11], $0x80, s12, s11, $0xb8;
	[tilespmem:$0x1A600] =	vst v63  }
0x15c: {  	_ =	swait.ge [sflag:s22], $0x4000  }
0x15d: {  	[sflag:s22] =	ssyncset.done $0x0  }
0x15e: {  	[sflag:s22] =	ssyncadd.s32 $0xFFFFC000  }
.LBB2_7:
0x15f: {  	_ =	swait.ge [sflag:s23], $0x2000  }
0x160: {  	[sflag:s23] =	ssyncset.done $0x0  }
0x161: {  	[sflag:s23] =	ssyncadd.s32 $0xFFFFE000  }
.LBB2_8:
0x162: {  	s16 =	sor.u32 $0x1, s14  }
0x163: {  	s3 =	sshll.u32 s16, $0x7  }
0x164: {  	s3 =	sand.u32 $0x3FFFFF80, s3  }
0x165: {  	v8 =	vld [tilespmem:s3+$0x0];
	_ =	sdelay $0x4  }
0x166: {  	v8 =	vshll.u32 v8, $0x6  }
0x167: {  	v8 =	vand.u32 $0x40, v8  }
0x168: {  	v9 =	vld [tilespmem:s3+$0x10];
	v10 =	vand.u32 $0xFFFFFFF8, v8  }
0x169: {  	v11 =	vld [tilespmem:s3+$0x20];
	v10 =	vadd.s32 v0, v10  }
0x16a: {  	v12 =	vld [tilespmem:s3+$0x30];
	v16 =	vor.u32 $0x7, v10  }
0x16b: {  	v17 =	vld [tilespmem:s3+$0x40];
	v18 =	vor.u32 $0x1, v10  }
0x16c: {  	v13 =	vld [tilespmem:s3+$0x50];
	v19 =	vor.u32 $0x2, v10  }
0x16d: {  	v14 =	vld [tilespmem:s3+$0x60];
	v20 =	vor.u32 $0x3, v10  }
0x16e: {  	v15 =	vld [tilespmem:s3+$0x70];
	v9 =	vshll.u32 v9, $0x6;
	v21 =	vor.u32 $0x4, v10  }
0x16f: {  	v9 =	vand.u32 $0x40, v9;
	v16 =	vld.idx.msk [tilespmem:v16+s15+$0x0], $0xffff  }
0x170: {  	v24 =	vand.u32 $0xFFFFFFF8, v9;
	v22 =	vor.u32 $0x5, v10;
	v18 =	vld.idx.msk [tilespmem:v18+s15+$0x0], $0xffff  }
0x171: {  	v24 =	vadd.s32 v1, v24;
	v23 =	vor.u32 $0x6, v10;
	v19 =	vld.idx.msk [tilespmem:v19+s15+$0x0], $0xffff  }
0x172: {  	v25 =	vor.u32 $0x7, v24;
	v20 =	vld.idx.msk [tilespmem:v20+s15+$0x0], $0xffff  }
0x173: {  	v26 =	vor.u32 $0x1, v24;
	v21 =	vld.idx.msk [tilespmem:v21+s15+$0x0], $0xffff  }
0x174: {  	v27 =	vor.u32 $0x2, v24;
	v30 =	vld.idx.msk [tilespmem:v10+s15+$0x0], $0xffff;
	v16 =	vmul.f32 $8.000000000e+00, v16  }
0x175: {  	s3 =	simm.s32 $0x18800;
	v28 =	vor.u32 $0x3, v24;
	v22 =	vld.idx.msk [tilespmem:v22+s15+$0x0], $0xffff;
	v18 =	vmul.f32 $8.000000000e+00, v18  }
0x176: {  	v29 =	vor.u32 $0x4, v24;
	v23 =	vld.idx.msk [tilespmem:v23+s15+$0x0], $0xffff;
	v19 =	vmul.f32 $8.000000000e+00, v19;
	[tilespmem:s3+$0x180] =	vst v16  }
0x177: {  	v11 =	vshll.u32 v11, $0x6;
	[tilespmem:s3+$0xFFFFFE80] =	vst v18;
	v16 =	vmul.f32 $8.000000000e+00, v20;
	v18 =	vld.idx.msk [tilespmem:v25+s15+$0x0], $0xffff  }
0x178: {  	v10 =	vand.u32 $0x40, v11;
	v11 =	vor.u32 $0x5, v24;
	[tilespmem:s3+$0xFFFFFF00] =	vst v19;
	v19 =	vmul.f32 $8.000000000e+00, v21;
	v25 =	vld.idx.msk [tilespmem:v26+s15+$0x0], $0xffff  }
0x179: {  	v20 =	vor.u32 $0x6, v24;
	v21 =	vand.u32 $0xFFFFFFF8, v10;
	v26 =	vld.idx.msk [tilespmem:v27+s15+$0x0], $0xffff;
	v27 =	vmul.f32 $8.000000000e+00, v30;
	[tilespmem:s3+$0xFFFFFF80] =	vst v16  }
0x17a: {  	v21 =	vadd.s32 v2, v21;
	v16 =	vmul.f32 $8.000000000e+00, v22;
	[tilespmem:s3+$0x0] =	vst v19;
	v22 =	vld.idx.msk [tilespmem:v28+s15+$0x0], $0xffff  }
0x17b: {  	v19 =	vmul.f32 $8.000000000e+00, v23;
	v23 =	vor.u32 $0x7, v21;
	v29 =	vld.idx.msk [tilespmem:v29+s15+$0x0], $0xffff;
	[tilespmem:s3+$0xFFFFFE00] =	vst v27  }
0x17c: {  	v28 =	vor.u32 $0x1, v21;
	[tilespmem:s3+$0x80] =	vst v16;
	v24 =	vld.idx.msk [tilespmem:v24+s15+$0x0], $0xffff  }
0x17d: {  	v16 =	vor.u32 $0x2, v21;
	[tilespmem:s3+$0x100] =	vst v19;
	v30 =	vld.idx.msk [tilespmem:v11+s15+$0x0], $0xffff;
	v11 =	vmul.f32 $8.000000000e+00, v18  }
0x17e: {  	v19 =	vld.idx.msk [tilespmem:v20+s15+$0x0], $0xffff;
	v18 =	vor.u32 $0x3, v21;
	v20 =	vmul.f32 $8.000000000e+00, v25  }
0x17f: {  	v25 =	vor.u32 $0x4, v21;
	v26 =	vmul.f32 $8.000000000e+00, v26;
	[tilespmem:s3+$0x190] =	vst v11  }
0x180: {  	v12 =	vshll.u32 v12, $0x6;
	[tilespmem:s3+$0xFFFFFE90] =	vst v20;
	v20 =	vmul.f32 $8.000000000e+00, v22;
	v22 =	vld.idx.msk [tilespmem:v23+s15+$0x0], $0xffff  }
0x181: {  	v11 =	vand.u32 $0x40, v12;
	v12 =	vor.u32 $0x5, v21;
	[tilespmem:s3+$0xFFFFFF10] =	vst v26;
	v26 =	vmul.f32 $8.000000000e+00, v29;
	v27 =	vld.idx.msk [tilespmem:v28+s15+$0x0], $0xffff  }
0x182: {  	v23 =	vor.u32 $0x6, v21;
	v28 =	vand.u32 $0xFFFFFFF8, v11;
	v16 =	vld.idx.msk [tilespmem:v16+s15+$0x0], $0xffff;
	v24 =	vmul.f32 $8.000000000e+00, v24;
	[tilespmem:s3+$0xFFFFFF90] =	vst v20  }
0x183: {  	v20 =	vmul.f32 $8.000000000e+00, v30;
	v28 =	vadd.s32 v3, v28;
	[tilespmem:s3+$0x10] =	vst v26;
	v18 =	vld.idx.msk [tilespmem:v18+s15+$0x0], $0xffff  }
0x184: {  	v19 =	vmul.f32 $8.000000000e+00, v19;
	v26 =	vor.u32 $0x7, v28;
	v25 =	vld.idx.msk [tilespmem:v25+s15+$0x0], $0xffff;
	[tilespmem:s3+$0xFFFFFE10] =	vst v24  }
0x185: {  	v29 =	vor.u32 $0x1, v28;
	[tilespmem:s3+$0x90] =	vst v20;
	v21 =	vld.idx.msk [tilespmem:v21+s15+$0x0], $0xffff  }
0x186: {  	v20 =	vor.u32 $0x2, v28;
	[tilespmem:s3+$0x110] =	vst v19;
	v30 =	vld.idx.msk [tilespmem:v12+s15+$0x0], $0xffff;
	v12 =	vmul.f32 $8.000000000e+00, v22  }
0x187: {  	v19 =	vor.u32 $0x3, v28;
	v22 =	vld.idx.msk [tilespmem:v23+s15+$0x0], $0xffff;
	v23 =	vmul.f32 $8.000000000e+00, v27  }
0x188: {  	v24 =	vor.u32 $0x4, v28;
	v16 =	vmul.f32 $8.000000000e+00, v16;
	[tilespmem:s3+$0x1A0] =	vst v12  }
0x189: {  	v17 =	vshll.u32 v17, $0x6;
	[tilespmem:s3+$0xFFFFFEA0] =	vst v23;
	v18 =	vmul.f32 $8.000000000e+00, v18;
	v23 =	vld.idx.msk [tilespmem:v26+s15+$0x0], $0xffff  }
0x18a: {  	v12 =	vand.u32 $0x40, v17;
	v17 =	vor.u32 $0x5, v28;
	[tilespmem:s3+$0xFFFFFF20] =	vst v16;
	v16 =	vmul.f32 $8.000000000e+00, v25;
	v27 =	vld.idx.msk [tilespmem:v29+s15+$0x0], $0xffff  }
0x18b: {  	v26 =	vor.u32 $0x6, v28;
	v25 =	vand.u32 $0xFFFFFFF8, v12;
	v20 =	vld.idx.msk [tilespmem:v20+s15+$0x0], $0xffff;
	v21 =	vmul.f32 $8.000000000e+00, v21;
	[tilespmem:s3+$0xFFFFFFA0] =	vst v18  }
0x18c: {  	v18 =	vmul.f32 $8.000000000e+00, v30;
	v25 =	vadd.s32 v4, v25;
	[tilespmem:s3+$0x20] =	vst v16;
	v19 =	vld.idx.msk [tilespmem:v19+s15+$0x0], $0xffff  }
0x18d: {  	v16 =	vmul.f32 $8.000000000e+00, v22;
	v22 =	vor.u32 $0x7, v25;
	v24 =	vld.idx.msk [tilespmem:v24+s15+$0x0], $0xffff;
	[tilespmem:s3+$0xFFFFFE20] =	vst v21  }
0x18e: {  	v29 =	vor.u32 $0x1, v25;
	[tilespmem:s3+$0xA0] =	vst v18;
	v28 =	vld.idx.msk [tilespmem:v28+s15+$0x0], $0xffff  }
0x18f: {  	v18 =	vor.u32 $0x2, v25;
	v17 =	vld.idx.msk [tilespmem:v17+s15+$0x0], $0xffff;
	[tilespmem:s3+$0x120] =	vst v16;
	v16 =	vmul.f32 $8.000000000e+00, v23  }
0x190: {  	v23 =	vor.u32 $0x3, v25;
	v21 =	vld.idx.msk [tilespmem:v26+s15+$0x0], $0xffff;
	v26 =	vmul.f32 $8.000000000e+00, v27  }
0x191: {  	v27 =	vor.u32 $0x4, v25;
	v20 =	vmul.f32 $8.000000000e+00, v20;
	[tilespmem:s3+$0x1B0] =	vst v16  }
0x192: {  	v13 =	vshll.u32 v13, $0x6;
	v16 =	vor.u32 $0x5, v25;
	[tilespmem:s3+$0xFFFFFEB0] =	vst v26;
	v19 =	vmul.f32 $8.000000000e+00, v19;
	v22 =	vld.idx.msk [tilespmem:v22+s15+$0x0], $0xffff  }
0x193: {  	v13 =	vand.u32 $0x40, v13;
	[tilespmem:s3+$0xFFFFFF30] =	vst v20;
	v20 =	vmul.f32 $8.000000000e+00, v24;
	v29 =	vld.idx.msk [tilespmem:v29+s15+$0x0], $0xffff  }
0x194: {  	v26 =	vor.u32 $0x6, v25;
	v24 =	vand.u32 $0xFFFFFFF8, v13;
	v18 =	vld.idx.msk [tilespmem:v18+s15+$0x0], $0xffff;
	[tilespmem:s3+$0xFFFFFFB0] =	vst v19;
	v17 =	vmul.f32 $8.000000000e+00, v17  }
0x195: {  	v19 =	vadd.s32 v5, v24;
	[tilespmem:s3+$0x30] =	vst v20;
	v24 =	vmul.f32 $8.000000000e+00, v28;
	v23 =	vld.idx.msk [tilespmem:v23+s15+$0x0], $0xffff  }
0x196: {  	v20 =	vmul.f32 $8.000000000e+00, v21;
	v21 =	vor.u32 $0x7, v19;
	v27 =	vld.idx.msk [tilespmem:v27+s15+$0x0], $0xffff;
	[tilespmem:s3+$0xB0] =	vst v17  }
0x197: {  	v28 =	vor.u32 $0x1, v19;
	[tilespmem:s3+$0xFFFFFE30] =	vst v24;
	v16 =	vld.idx.msk [tilespmem:v16+s15+$0x0], $0xffff  }
0x198: {  	v17 =	vor.u32 $0x2, v19;
	[tilespmem:s3+$0x130] =	vst v20;
	v25 =	vld.idx.msk [tilespmem:v25+s15+$0x0], $0xffff;
	v20 =	vmul.f32 $8.000000000e+00, v22  }
0x199: {  	v22 =	vor.u32 $0x3, v19;
	v24 =	vld.idx.msk [tilespmem:v26+s15+$0x0], $0xffff;
	v26 =	vmul.f32 $8.000000000e+00, v29  }
0x19a: {  	v29 =	vor.u32 $0x4, v19;
	v18 =	vmul.f32 $8.000000000e+00, v18;
	[tilespmem:s3+$0x1C0] =	vst v20  }
0x19b: {  	v14 =	vshll.u32 v14, $0x6;
	v20 =	vor.u32 $0x5, v19;
	[tilespmem:s3+$0xFFFFFEC0] =	vst v26;
	v23 =	vmul.f32 $8.000000000e+00, v23;
	v21 =	vld.idx.msk [tilespmem:v21+s15+$0x0], $0xffff  }
0x19c: {  	v14 =	vand.u32 $0x40, v14;
	[tilespmem:s3+$0xFFFFFF40] =	vst v18;
	v18 =	vmul.f32 $8.000000000e+00, v27;
	v28 =	vld.idx.msk [tilespmem:v28+s15+$0x0], $0xffff  }
0x19d: {  	v26 =	vor.u32 $0x6, v19;
	v27 =	vand.u32 $0xFFFFFFF8, v14;
	v17 =	vld.idx.msk [tilespmem:v17+s15+$0x0], $0xffff;
	[tilespmem:s3+$0xFFFFFFC0] =	vst v23;
	v16 =	vmul.f32 $8.000000000e+00, v16  }
0x19e: {  	v23 =	vadd.s32 v6, v27;
	[tilespmem:s3+$0x40] =	vst v18;
	v25 =	vmul.f32 $8.000000000e+00, v25;
	v22 =	vld.idx.msk [tilespmem:v22+s15+$0x0], $0xffff  }
0x19f: {  	v18 =	vmul.f32 $8.000000000e+00, v24;
	v24 =	vor.u32 $0x7, v23;
	v29 =	vld.idx.msk [tilespmem:v29+s15+$0x0], $0xffff;
	[tilespmem:s3+$0xC0] =	vst v16  }
0x1a0: {  	v27 =	vor.u32 $0x1, v23;
	[tilespmem:s3+$0xFFFFFE40] =	vst v25;
	v20 =	vld.idx.msk [tilespmem:v20+s15+$0x0], $0xffff  }
0x1a1: {  	v30 =	vor.u32 $0x2, v23;
	[tilespmem:s3+$0x140] =	vst v18;
	v19 =	vld.idx.msk [tilespmem:v19+s15+$0x0], $0xffff;
	v16 =	vmul.f32 $8.000000000e+00, v21  }
0x1a2: {  	v15 =	vshll.u32 v15, $0x6;
	v18 =	vor.u32 $0x3, v23;
	v21 =	vld.idx.msk [tilespmem:v26+s15+$0x0], $0xffff;
	v25 =	vmul.f32 $8.000000000e+00, v28  }
0x1a3: {  	v15 =	vand.u32 $0x40, v15;
	v26 =	vor.u32 $0x4, v23;
	v17 =	vmul.f32 $8.000000000e+00, v17;
	[tilespmem:s3+$0x1D0] =	vst v16  }
0x1a4: {  	v31 =	vor.u32 $0x6, v23;
	v28 =	vor.u32 $0x5, v23;
	[tilespmem:s3+$0xFFFFFED0] =	vst v25;
	v22 =	vmul.f32 $8.000000000e+00, v22;
	v24 =	vld.idx.msk [tilespmem:v24+s15+$0x0], $0xffff  }
0x1a5: {  	[tilespmem:s3+$0xFFFFFF50] =	vst v17;
	v17 =	vmul.f32 $8.000000000e+00, v29;
	v16 =	vadd.s32 $0x8, v8;
	v25 =	vld.idx.msk [tilespmem:v27+s15+$0x0], $0xffff;
	v27 =	vand.u32 $0xFFFFFFF8, v15  }
0x1a6: {  	v29 =	vld.idx.msk [tilespmem:v30+s15+$0x0], $0xffff;
	[tilespmem:s3+$0xFFFFFFD0] =	vst v22;
	v20 =	vmul.f32 $8.000000000e+00, v20;
	v22 =	vand.u32 $0xFFFFFFF8, v16;
	v8 =	vadd.s32 v7, v27  }
0x1a7: {  	[tilespmem:s3+$0x50] =	vst v17;
	v19 =	vmul.f32 $8.000000000e+00, v19;
	v18 =	vld.idx.msk [tilespmem:v18+s15+$0x0], $0xffff;
	v17 =	vmul.f32 $8.000000000e+00, v21;
	v21 =	vadd.s32 v0, v22  }
0x1a8: {  	v22 =	vor.u32 $0x7, v8;
	v26 =	vld.idx.msk [tilespmem:v26+s15+$0x0], $0xffff;
	[tilespmem:s3+$0xD0] =	vst v20  }
0x1a9: {  	v20 =	vor.u32 $0x7, v21;
	[tilespmem:s3+$0xFFFFFE50] =	vst v19;
	v28 =	vld.idx.msk [tilespmem:v28+s15+$0x0], $0xffff  }
0x1aa: {  	v27 =	vor.u32 $0x1, v21;
	[tilespmem:s3+$0x150] =	vst v17;
	v23 =	vld.idx.msk [tilespmem:v23+s15+$0x0], $0xffff;
	v17 =	vmul.f32 $8.000000000e+00, v24  }
0x1ab: {  	v30 =	vor.u32 $0x3, v21;
	v32 =	vor.u32 $0x6, v21;
	v24 =	vor.u32 $0x2, v21;
	v19 =	vld.idx.msk [tilespmem:v31+s15+$0x0], $0xffff  }
0x1ac: {  	v25 =	vmul.f32 $8.000000000e+00, v25;
	v31 =	vor.u32 $0x5, v21;
	[tilespmem:s3+$0x1E0] =	vst v17;
	v17 =	vor.u32 $0x4, v21;
	v21 =	vld.idx.msk [tilespmem:v21+s15+$0x0], $0xffff  }
0x1ad: {  	v29 =	vmul.f32 $8.000000000e+00, v29;
	v22 =	vld.idx.msk [tilespmem:v22+s15+$0x0], $0xffff  }
0x1ae: {  	v9 =	vadd.s32 $0x8, v9;
	[tilespmem:s3+$0xFFFFFEE0] =	vst v25;
	v18 =	vmul.f32 $8.000000000e+00, v18;
	v20 =	vld.idx.msk [tilespmem:v20+s15+$0x0], $0xffff  }
0x1af: {  	[tilespmem:s3+$0xFFFFFF60] =	vst v29;
	v26 =	vmul.f32 $8.000000000e+00, v26;
	v25 =	vld.idx.msk [tilespmem:v27+s15+$0x0], $0xffff;
	v27 =	vand.u32 $0xFFFFFFF8, v9  }
0x1b0: {  	v29 =	vor.u32 $0x1, v8;
	[tilespmem:s3+$0xFFFFFFE0] =	vst v18;
	v18 =	vmul.f32 $8.000000000e+00, v28;
	v27 =	vadd.s32 v1, v27;
	v24 =	vld.idx.msk [tilespmem:v24+s15+$0x0], $0xffff  }
0x1b1: {  	v28 =	vld.idx.msk [tilespmem:v30+s15+$0x0], $0xffff;
	[tilespmem:s3+$0x60] =	vst v26;
	v23 =	vmul.f32 $8.000000000e+00, v23;
	v26 =	vor.u32 $0x7, v27  }
0x1b2: {  	v19 =	vmul.f32 $8.000000000e+00, v19;
	[tilespmem:s3+$0xE0] =	vst v18;
	v18 =	vor.u32 $0x1, v27;
	v17 =	vld.idx.msk [tilespmem:v17+s15+$0x0], $0xffff  }
0x1b3: {  	v30 =	vld.idx.msk [tilespmem:v31+s15+$0x0], $0xffff;
	v31 =	vor.u32 $0x2, v27;
	[tilespmem:s3+$0xFFFFFE60] =	vst v23;
	v20 =	vmul.f32 $8.000000000e+00, v20  }
0x1b4: {  	s6 =	simm.s32 $0x18C00;
	v59 =	vor.u32 $0x3, v27;
	[tilespmem:s3+$0x160] =	vst v19;
	v19 =	vld.idx.msk [tilespmem:v32+s15+$0x0], $0xffff;
	v23 =	vmul.f32 $8.000000000e+00, v25  }
0x1b5: {  	v25 =	vor.u32 $0x4, v27;
	v24 =	vmul.f32 $8.000000000e+00, v24;
	[tilespmem:s6+$0x180] =	vst v20;
	v20 =	vld.idx.msk [tilespmem:v29+s15+$0x0], $0xffff  }
0x1b6: {  	v29 =	vor.u32 $0x5, v27;
	[tilespmem:s6+$0xFFFFFE80] =	vst v23;
	v23 =	vmul.f32 $8.000000000e+00, v28;
	v26 =	vld.idx.msk [tilespmem:v26+s15+$0x0], $0xffff  }
0x1b7: {  	v10 =	vadd.s32 $0x8, v10;
	v28 =	vor.u32 $0x6, v27;
	v18 =	vld.idx.msk [tilespmem:v18+s15+$0x0], $0xffff;
	[tilespmem:s6+$0xFFFFFF00] =	vst v24;
	v17 =	vmul.f32 $8.000000000e+00, v17  }
0x1b8: {  	v24 =	vand.u32 $0xFFFFFFF8, v10;
	[tilespmem:s6+$0xFFFFFF80] =	vst v23;
	v23 =	vmul.f32 $8.000000000e+00, v30;
	v31 =	vld.idx.msk [tilespmem:v31+s15+$0x0], $0xffff  }
0x1b9: {  	v30 =	vor.u32 $0x2, v8;
	v24 =	vadd.s32 v2, v24;
	v32 =	vld.idx.msk [tilespmem:v59+s15+$0x0], $0xffff;
	[tilespmem:s6+$0x0] =	vst v17;
	v17 =	vmul.f32 $8.000000000e+00, v19  }
0x1ba: {  	v19 =	vmul.f32 $8.000000000e+00, v21;
	[tilespmem:s6+$0x80] =	vst v23;
	v23 =	vor.u32 $0x7, v24;
	v21 =	vld.idx.msk [tilespmem:v25+s15+$0x0], $0xffff  }
0x1bb: {  	v22 =	vmul.f32 $8.000000000e+00, v22;
	v25 =	vor.u32 $0x1, v24;
	v29 =	vld.idx.msk [tilespmem:v29+s15+$0x0], $0xffff;
	[tilespmem:s6+$0x100] =	vst v17  }
0x1bc: {  	v17 =	vor.u32 $0x2, v24;
	[tilespmem:s6+$0xFFFFFE00] =	vst v19;
	v26 =	vmul.f32 $8.000000000e+00, v26;
	v19 =	vld.idx.msk [tilespmem:v28+s15+$0x0], $0xffff  }
0x1bd: {  	[tilespmem:s3+$0x1F0] =	vst v22;
	v22 =	vor.u32 $0x3, v24;
	v18 =	vmul.f32 $8.000000000e+00, v18;
	v27 =	vld.idx.msk [tilespmem:v27+s15+$0x0], $0xffff  }
0x1be: {  	v28 =	vor.u32 $0x4, v24;
	v31 =	vmul.f32 $8.000000000e+00, v31;
	[tilespmem:s6+$0x190] =	vst v26;
	v26 =	vld.idx.msk [tilespmem:v30+s15+$0x0], $0xffff  }
0x1bf: {  	v30 =	vor.u32 $0x5, v24;
	[tilespmem:s6+$0xFFFFFE90] =	vst v18;
	v18 =	vmul.f32 $8.000000000e+00, v32;
	v23 =	vld.idx.msk [tilespmem:v23+s15+$0x0], $0xffff  }
0x1c0: {  	v11 =	vadd.s32 $0x8, v11;
	v60 =	vor.u32 $0x6, v24;
	v25 =	vld.idx.msk [tilespmem:v25+s15+$0x0], $0xffff;
	[tilespmem:s6+$0xFFFFFF10] =	vst v31;
	v21 =	vmul.f32 $8.000000000e+00, v21  }
0x1c1: {  	v31 =	vand.u32 $0xFFFFFFF8, v11;
	[tilespmem:s6+$0xFFFFFF90] =	vst v18;
	v18 =	vmul.f32 $8.000000000e+00, v29;
	v17 =	vld.idx.msk [tilespmem:v17+s15+$0x0], $0xffff  }
0x1c2: {  	v29 =	vor.u32 $0x3, v8;
	v31 =	vadd.s32 v3, v31;
	v22 =	vld.idx.msk [tilespmem:v22+s15+$0x0], $0xffff;
	[tilespmem:s6+$0x10] =	vst v21;
	v19 =	vmul.f32 $8.000000000e+00, v19  }
0x1c3: {  	v21 =	vmul.f32 $8.000000000e+00, v27;
	[tilespmem:s6+$0x90] =	vst v18;
	v18 =	vor.u32 $0x7, v31;
	v27 =	vld.idx.msk [tilespmem:v28+s15+$0x0], $0xffff  }
0x1c4: {  	v20 =	vmul.f32 $8.000000000e+00, v20;
	v28 =	vor.u32 $0x1, v31;
	v30 =	vld.idx.msk [tilespmem:v30+s15+$0x0], $0xffff;
	[tilespmem:s6+$0x110] =	vst v19  }
0x1c5: {  	v19 =	vor.u32 $0x2, v31;
	[tilespmem:s6+$0xFFFFFE10] =	vst v21;
	v23 =	vmul.f32 $8.000000000e+00, v23;
	v21 =	vld.idx.msk [tilespmem:v60+s15+$0x0], $0xffff  }
0x1c6: {  	[tilespmem:s3+$0xFFFFFEF0] =	vst v20;
	v61 =	vor.u32 $0x3, v31;
	v24 =	vld.idx.msk [tilespmem:v24+s15+$0x0], $0xffff;
	v25 =	vmul.f32 $8.000000000e+00, v25  }
0x1c7: {  	v20 =	vor.u32 $0x4, v31;
	v17 =	vmul.f32 $8.000000000e+00, v17;
	[tilespmem:s6+$0x1A0] =	vst v23;
	v23 =	vld.idx.msk [tilespmem:v29+s15+$0x0], $0xffff  }
0x1c8: {  	v29 =	vor.u32 $0x5, v31;
	v22 =	vmul.f32 $8.000000000e+00, v22;
	[tilespmem:s6+$0xFFFFFEA0] =	vst v25;
	v18 =	vld.idx.msk [tilespmem:v18+s15+$0x0], $0xffff  }
0x1c9: {  	v12 =	vadd.s32 $0x8, v12;
	v25 =	vor.u32 $0x6, v31;
	v28 =	vld.idx.msk [tilespmem:v28+s15+$0x0], $0xffff;
	[tilespmem:s6+$0xFFFFFF20] =	vst v17;
	v17 =	vmul.f32 $8.000000000e+00, v27  }
0x1ca: {  	v27 =	vand.u32 $0xFFFFFFF8, v12;
	[tilespmem:s6+$0xFFFFFFA0] =	vst v22;
	v22 =	vmul.f32 $8.000000000e+00, v30;
	v19 =	vld.idx.msk [tilespmem:v19+s15+$0x0], $0xffff  }
0x1cb: {  	v30 =	vor.u32 $0x4, v8;
	v27 =	vadd.s32 v4, v27;
	v32 =	vld.idx.msk [tilespmem:v61+s15+$0x0], $0xffff;
	[tilespmem:s6+$0x20] =	vst v17;
	v17 =	vmul.f32 $8.000000000e+00, v21  }
0x1cc: {  	v21 =	vmul.f32 $8.000000000e+00, v24;
	[tilespmem:s6+$0xA0] =	vst v22;
	v22 =	vor.u32 $0x7, v27;
	v20 =	vld.idx.msk [tilespmem:v20+s15+$0x0], $0xffff  }
0x1cd: {  	v24 =	vmul.f32 $8.000000000e+00, v26;
	v26 =	vor.u32 $0x1, v27;
	v29 =	vld.idx.msk [tilespmem:v29+s15+$0x0], $0xffff;
	[tilespmem:s6+$0x120] =	vst v17  }
0x1ce: {  	v17 =	vor.u32 $0x2, v27;
	[tilespmem:s6+$0xFFFFFE20] =	vst v21;
	v18 =	vmul.f32 $8.000000000e+00, v18;
	v21 =	vld.idx.msk [tilespmem:v25+s15+$0x0], $0xffff  }
0x1cf: {  	[tilespmem:s3+$0xFFFFFF70] =	vst v24;
	v25 =	vor.u32 $0x3, v27;
	v31 =	vld.idx.msk [tilespmem:v31+s15+$0x0], $0xffff;
	v28 =	vmul.f32 $8.000000000e+00, v28  }
0x1d0: {  	v24 =	vor.u32 $0x4, v27;
	v30 =	vld.idx.msk [tilespmem:v30+s15+$0x0], $0xffff;
	v19 =	vmul.f32 $8.000000000e+00, v19;
	[tilespmem:s6+$0x1B0] =	vst v18  }
0x1d1: {  	v18 =	vor.u32 $0x5, v27;
	[tilespmem:s6+$0xFFFFFEB0] =	vst v28;
	v28 =	vmul.f32 $8.000000000e+00, v32;
	v22 =	vld.idx.msk [tilespmem:v22+s15+$0x0], $0xffff  }
0x1d2: {  	v13 =	vadd.s32 $0x8, v13;
	v62 =	vor.u32 $0x6, v27;
	v26 =	vld.idx.msk [tilespmem:v26+s15+$0x0], $0xffff;
	[tilespmem:s6+$0xFFFFFF30] =	vst v19;
	v19 =	vmul.f32 $8.000000000e+00, v20  }
0x1d3: {  	v20 =	vand.u32 $0xFFFFFFF8, v13;
	v17 =	vld.idx.msk [tilespmem:v17+s15+$0x0], $0xffff;
	[tilespmem:s6+$0xFFFFFFB0] =	vst v28;
	v28 =	vmul.f32 $8.000000000e+00, v29  }
0x1d4: {  	v29 =	vor.u32 $0x5, v8;
	v20 =	vadd.s32 v5, v20;
	v25 =	vld.idx.msk [tilespmem:v25+s15+$0x0], $0xffff;
	[tilespmem:s6+$0x30] =	vst v19;
	v19 =	vmul.f32 $8.000000000e+00, v21  }
0x1d5: {  	v21 =	vmul.f32 $8.000000000e+00, v31;
	v24 =	vld.idx.msk [tilespmem:v24+s15+$0x0], $0xffff;
	[tilespmem:s6+$0xB0] =	vst v28;
	v28 =	vor.u32 $0x7, v20  }
0x1d6: {  	v23 =	vmul.f32 $8.000000000e+00, v23;
	v31 =	vor.u32 $0x1, v20;
	v18 =	vld.idx.msk [tilespmem:v18+s15+$0x0], $0xffff;
	[tilespmem:s6+$0x130] =	vst v19  }
0x1d7: {  	v19 =	vor.u32 $0x2, v20;
	[tilespmem:s6+$0xFFFFFE30] =	vst v21;
	v22 =	vmul.f32 $8.000000000e+00, v22;
	v21 =	vld.idx.msk [tilespmem:v62+s15+$0x0], $0xffff  }
0x1d8: {  	[tilespmem:s3+$0xFFFFFFF0] =	vst v23;
	v63 =	vor.u32 $0x3, v20;
	v27 =	vld.idx.msk [tilespmem:v27+s15+$0x0], $0xffff;
	v26 =	vmul.f32 $8.000000000e+00, v26  }
0x1d9: {  	v23 =	vor.u32 $0x4, v20;
	v17 =	vmul.f32 $8.000000000e+00, v17;
	[tilespmem:s6+$0x1C0] =	vst v22;
	v29 =	vld.idx.msk [tilespmem:v29+s15+$0x0], $0xffff  }
0x1da: {  	v22 =	vor.u32 $0x5, v20;
	[tilespmem:s6+$0xFFFFFEC0] =	vst v26;
	v25 =	vmul.f32 $8.000000000e+00, v25;
	v28 =	vld.idx.msk [tilespmem:v28+s15+$0x0], $0xffff  }
0x1db: {  	v14 =	vadd.s32 $0x8, v14;
	v26 =	vor.u32 $0x6, v20;
	v31 =	vld.idx.msk [tilespmem:v31+s15+$0x0], $0xffff;
	[tilespmem:s6+$0xFFFFFF40] =	vst v17;
	v17 =	vmul.f32 $8.000000000e+00, v24  }
0x1dc: {  	v24 =	vand.u32 $0xFFFFFFF8, v14;
	v19 =	vld.idx.msk [tilespmem:v19+s15+$0x0], $0xffff;
	[tilespmem:s6+$0xFFFFFFC0] =	vst v25;
	v25 =	vmul.f32 $8.000000000e+00, v18  }
0x1dd: {  	v33 =	vor.u32 $0x6, v8;
	v18 =	vadd.s32 v6, v24;
	v32 =	vld.idx.msk [tilespmem:v63+s15+$0x0], $0xffff;
	[tilespmem:s6+$0x40] =	vst v17;
	v17 =	vmul.f32 $8.000000000e+00, v21  }
0x1de: {  	v21 =	vmul.f32 $8.000000000e+00, v27;
	v27 =	vor.u32 $0x7, v18;
	v34 =	vld.idx.msk [tilespmem:v23+s15+$0x0], $0xffff;
	[tilespmem:s6+$0xC0] =	vst v25  }
0x1df: {  	v23 =	vmul.f32 $8.000000000e+00, v30;
	v30 =	vor.u32 $0x1, v18;
	v35 =	vld.idx.msk [tilespmem:v22+s15+$0x0], $0xffff;
	[tilespmem:s6+$0x140] =	vst v17  }
0x1e0: {  	v36 =	vor.u32 $0x2, v18;
	[tilespmem:s6+$0xFFFFFE40] =	vst v21;
	v26 =	vld.idx.msk [tilespmem:v26+s15+$0x0], $0xffff;
	v17 =	vmul.f32 $8.000000000e+00, v28  }
0x1e1: {  	v24 =	vor.u32 $0x3, v18;
	v25 =	vld.idx.msk [tilespmem:v20+s15+$0x0], $0xffff;
	v20 =	vmul.f32 $8.000000000e+00, v31;
	[tilespmem:s3+$0x70] =	vst v23  }
0x1e2: {  	v21 =	vld.idx.msk [tilespmem:v33+s15+$0x0], $0xffff;
	v23 =	vor.u32 $0x4, v18;
	v28 =	vmul.f32 $8.000000000e+00, v19;
	[tilespmem:s6+$0x1D0] =	vst v17  }
0x1e3: {  	v15 =	vadd.s32 $0x8, v15;
	v22 =	vor.u32 $0x5, v18;
	[tilespmem:s6+$0xFFFFFED0] =	vst v20;
	v32 =	vmul.f32 $8.000000000e+00, v32;
	v27 =	vld.idx.msk [tilespmem:v27+s15+$0x0], $0xffff  }
0x1e4: {  	v19 =	vor.u32 $0x6, v18;
	v20 =	vmul.f32 $8.000000000e+00, v29;
	v17 =	vld.idx.msk [tilespmem:v30+s15+$0x0], $0xffff;
	[tilespmem:s6+$0xFFFFFF50] =	vst v28;
	v29 =	vmul.f32 $8.000000000e+00, v34  }
0x1e5: {  	s10 =	simm.s32 $0x8;
	s7 =	simm.s32 $0x18C00;
	v16 =	vadd.s32 $0x8, v16;
	v31 =	vand.u32 $0xFFFFFFF8, v15;
	v28 =	vld.idx.msk [tilespmem:v36+s15+$0x0], $0xffff;
	[tilespmem:s6+$0xFFFFFFD0] =	vst v32;
	v30 =	vmul.f32 $8.000000000e+00, v35  }
.LBB2_9:
0x1e6: {  	v32 =	vand.u32 $0xFFFFFFF8, v16;
	s10 =	sadd.s32 $0x8, s10;
	v31 =	vadd.s32 v7, v31;
	v24 =	vld.idx.msk [tilespmem:v24+s15+$0x0], $0xffff;
	[tilespmem:s6+$0x50] =	vst v29;
	v26 =	vmul.f32 $8.000000000e+00, v26  }
0x1e7: {  	v25 =	vmul.f32 $8.000000000e+00, v25;
	v29 =	vadd.s32 v0, v32;
	p0 =	slt.u32 s10, $0x38;
	v23 =	vld.idx.msk [tilespmem:v23+s15+$0x0], $0xffff;
	[tilespmem:s6+$0xD0] =	vst v30;
	v30 =	vor.u32 $0x7, v31  }
0x1e8: {  	v32 =	vor.u32 $0x1, v29;
	v33 =	vor.u32 $0x2, v29;
	v34 =	vor.u32 $0x7, v29;
	v22 =	vld.idx.msk [tilespmem:v22+s15+$0x0], $0xffff;
	[tilespmem:s6+$0x150] =	vst v26  }
0x1e9: {  	v26 =	vor.u32 $0x3, v29;
	v35 =	vor.u32 $0x4, v29;
	[tilespmem:s6+$0xFFFFFE50] =	vst v25;
	v25 =	vld.idx.msk [tilespmem:v19+s15+$0x0], $0xffff;
	v19 =	vmul.f32 $8.000000000e+00, v27  }
0x1ea: {  	v36 =	vor.u32 $0x6, v29;
	v27 =	vor.u32 $0x5, v29;
	v17 =	vmul.f32 $8.000000000e+00, v17;
	v37 =	vld.idx.msk [tilespmem:v18+s15+$0x0], $0xffff;
	[tilespmem:s3+$0xF0] =	vst v20  }
0x1eb: {  	v38 =	vor.u32 $0x1, v31;
	v18 =	vmul.f32 $8.000000000e+00, v28;
	v28 =	vor.u32 $0x2, v31;
	[tilespmem:s6+$0x1E0] =	vst v19;
	v39 =	vld.idx.msk [tilespmem:v8+s15+$0x0], $0xffff;
	v8 =	vmovc v31  }
0x1ec: {  	v24 =	vmul.f32 $8.000000000e+00, v24;
	[tilespmem:s6+$0xFFFFFEE0] =	vst v17;
	v20 =	vor.u32 $0x3, v8;
	v19 =	vor.u32 $0x4, v8;
	v30 =	vld.idx.msk [tilespmem:v30+s15+$0x0], $0xffff  }
0x1ed: {  	v23 =	vmul.f32 $8.000000000e+00, v23;
	v17 =	vor.u32 $0x6, v8;
	v31 =	vld.idx.msk [tilespmem:v34+s15+$0x0], $0xffff;
	[tilespmem:s6+$0xFFFFFF60] =	vst v18;
	v18 =	vor.u32 $0x5, v8  }
0x1ee: {  	v9 =	vadd.s32 $0x8, v9;
	v21 =	vmul.f32 $8.000000000e+00, v21;
	v22 =	vmul.f32 $8.000000000e+00, v22;
	v32 =	vld.idx.msk [tilespmem:v32+s15+$0x0], $0xffff;
	[tilespmem:s6+$0xFFFFFFE0] =	vst v24  }
0x1ef: {  	v24 =	vand.u32 $0xFFFFFFF8, v9;
	v33 =	vld.idx.msk [tilespmem:v33+s15+$0x0], $0xffff;
	[tilespmem:s6+$0x60] =	vst v23;
	v23 =	vmul.f32 $8.000000000e+00, v25  }
0x1f0: {  	v24 =	vadd.s32 v1, v24;
	v25 =	vld.idx.msk [tilespmem:v26+s15+$0x0], $0xffff;
	v26 =	vmul.f32 $8.000000000e+00, v37;
	[tilespmem:s6+$0xE0] =	vst v22  }
0x1f1: {  	v22 =	vor.u32 $0x1, v24;
	v34 =	vor.u32 $0x2, v24;
	v37 =	vor.u32 $0x7, v24;
	v35 =	vld.idx.msk [tilespmem:v35+s15+$0x0], $0xffff;
	[tilespmem:s6+$0x160] =	vst v23  }
0x1f2: {  	v40 =	vor.u32 $0x4, v24;
	v23 =	vor.u32 $0x3, v24;
	v27 =	vld.idx.msk [tilespmem:v27+s15+$0x0], $0xffff;
	[tilespmem:s6+$0xFFFFFE60] =	vst v26;
	v26 =	vmul.f32 $8.000000000e+00, v30  }
0x1f3: {  	v41 =	vor.u32 $0x6, v24;
	v30 =	vor.u32 $0x5, v24;
	v31 =	vmul.f32 $8.000000000e+00, v31;
	v36 =	vld.idx.msk [tilespmem:v36+s15+$0x0], $0xffff;
	[tilespmem:s3+$0x170] =	vst v21  }
0x1f4: {  	s6 =	sadd.s32 $0x400, s6;
	v21 =	vld.idx.msk [tilespmem:v29+s15+$0x0], $0xffff;
	v29 =	vmul.f32 $8.000000000e+00, v32;
	[tilespmem:s7+$0x1F0] =	vst v26;
	v26 =	vmul.f32 $8.000000000e+00, v39  }
0x1f5: {  	v32 =	vmul.f32 $8.000000000e+00, v33;
	[tilespmem:s6+$0x180] =	vst v31;
	v31 =	vld.idx.msk [tilespmem:v38+s15+$0x0], $0xffff  }
0x1f6: {  	v25 =	vmul.f32 $8.000000000e+00, v25;
	[tilespmem:s6+$0xFFFFFE80] =	vst v29;
	v29 =	vld.idx.msk [tilespmem:v37+s15+$0x0], $0xffff  }
0x1f7: {  	v10 =	vadd.s32 $0x8, v10;
	v22 =	vld.idx.msk [tilespmem:v22+s15+$0x0], $0xffff;
	[tilespmem:s6+$0xFFFFFF00] =	vst v32;
	v32 =	vmul.f32 $8.000000000e+00, v35  }
0x1f8: {  	v33 =	vand.u32 $0xFFFFFFF8, v10;
	v34 =	vld.idx.msk [tilespmem:v34+s15+$0x0], $0xffff;
	[tilespmem:s6+$0xFFFFFF80] =	vst v25;
	v25 =	vmul.f32 $8.000000000e+00, v27  }
0x1f9: {  	v27 =	vadd.s32 v2, v33;
	v23 =	vld.idx.msk [tilespmem:v23+s15+$0x0], $0xffff;
	[tilespmem:s6+$0x0] =	vst v32;
	v32 =	vmul.f32 $8.000000000e+00, v36  }
0x1fa: {  	v21 =	vmul.f32 $8.000000000e+00, v21;
	v33 =	vor.u32 $0x1, v27;
	v35 =	vld.idx.msk [tilespmem:v40+s15+$0x0], $0xffff;
	[tilespmem:s6+$0x80] =	vst v25;
	v25 =	vor.u32 $0x7, v27  }
0x1fb: {  	v36 =	vor.u32 $0x2, v27;
	v37 =	vor.u32 $0x3, v27;
	v38 =	vor.u32 $0x4, v27;
	v30 =	vld.idx.msk [tilespmem:v30+s15+$0x0], $0xffff;
	[tilespmem:s6+$0x100] =	vst v32  }
0x1fc: {  	v39 =	vor.u32 $0x6, v27;
	v29 =	vmul.f32 $8.000000000e+00, v29;
	[tilespmem:s6+$0xFFFFFE00] =	vst v21;
	v21 =	vor.u32 $0x5, v27;
	v32 =	vld.idx.msk [tilespmem:v41+s15+$0x0], $0xffff  }
0x1fd: {  	v31 =	vmul.f32 $8.000000000e+00, v31;
	v22 =	vmul.f32 $8.000000000e+00, v22;
	v24 =	vld.idx.msk [tilespmem:v24+s15+$0x0], $0xffff;
	[tilespmem:s3+$0xFFFFFE70] =	vst v26;
	s3 =	smov.u32 s7;
	s7 =	smov.u32 s6  }
0x1fe: {  	v26 =	vmul.f32 $8.000000000e+00, v34;
	[tilespmem:s6+$0x190] =	vst v29;
	v28 =	vld.idx.msk [tilespmem:v28+s15+$0x0], $0xffff  }
0x1ff: {  	[tilespmem:s6+$0xFFFFFE90] =	vst v22;
	v22 =	vmul.f32 $8.000000000e+00, v23;
	v23 =	vld.idx.msk [tilespmem:v25+s15+$0x0], $0xffff  }
0x200: {  	v11 =	vadd.s32 $0x8, v11;
	v25 =	vld.idx.msk [tilespmem:v33+s15+$0x0], $0xffff;
	[tilespmem:s6+$0xFFFFFF10] =	vst v26;
	v26 =	vmul.f32 $8.000000000e+00, v35  }
0x201: {  	v29 =	vand.u32 $0xFFFFFFF8, v11;
	v33 =	vld.idx.msk [tilespmem:v36+s15+$0x0], $0xffff;
	[tilespmem:s6+$0xFFFFFF90] =	vst v22;
	v22 =	vmul.f32 $8.000000000e+00, v30  }
0x202: {  	v29 =	vadd.s32 v3, v29;
	v30 =	vld.idx.msk [tilespmem:v37+s15+$0x0], $0xffff;
	[tilespmem:s6+$0x10] =	vst v26;
	v26 =	vmul.f32 $8.000000000e+00, v32  }
0x203: {  	v24 =	vmul.f32 $8.000000000e+00, v24;
	v32 =	vor.u32 $0x1, v29;
	v34 =	vld.idx.msk [tilespmem:v38+s15+$0x0], $0xffff;
	[tilespmem:s6+$0x90] =	vst v22;
	v22 =	vor.u32 $0x7, v29  }
0x204: {  	v35 =	vor.u32 $0x2, v29;
	v36 =	vor.u32 $0x3, v29;
	v37 =	vor.u32 $0x4, v29;
	v21 =	vld.idx.msk [tilespmem:v21+s15+$0x0], $0xffff;
	[tilespmem:s6+$0x110] =	vst v26  }
0x205: {  	v38 =	vor.u32 $0x6, v29;
	v23 =	vmul.f32 $8.000000000e+00, v23;
	[tilespmem:s6+$0xFFFFFE10] =	vst v24;
	v24 =	vor.u32 $0x5, v29;
	v26 =	vld.idx.msk [tilespmem:v39+s15+$0x0], $0xffff  }
0x206: {  	v28 =	vmul.f32 $8.000000000e+00, v28;
	v25 =	vmul.f32 $8.000000000e+00, v25;
	v27 =	vld.idx.msk [tilespmem:v27+s15+$0x0], $0xffff;
	[tilespmem:s3+$0xFFFFFEF0] =	vst v31  }
0x207: {  	v31 =	vmul.f32 $8.000000000e+00, v33;
	[tilespmem:s6+$0x1A0] =	vst v23;
	v20 =	vld.idx.msk [tilespmem:v20+s15+$0x0], $0xffff  }
0x208: {  	v23 =	vmul.f32 $8.000000000e+00, v30;
	[tilespmem:s6+$0xFFFFFEA0] =	vst v25;
	v22 =	vld.idx.msk [tilespmem:v22+s15+$0x0], $0xffff  }
0x209: {  	v12 =	vadd.s32 $0x8, v12;
	v30 =	vmul.f32 $8.000000000e+00, v34;
	v25 =	vld.idx.msk [tilespmem:v32+s15+$0x0], $0xffff;
	[tilespmem:s6+$0xFFFFFF20] =	vst v31  }
0x20a: {  	v31 =	vand.u32 $0xFFFFFFF8, v12;
	v21 =	vmul.f32 $8.000000000e+00, v21;
	v32 =	vld.idx.msk [tilespmem:v35+s15+$0x0], $0xffff;
	[tilespmem:s6+$0xFFFFFFA0] =	vst v23  }
0x20b: {  	v23 =	vadd.s32 v4, v31;
	v26 =	vmul.f32 $8.000000000e+00, v26;
	v31 =	vld.idx.msk [tilespmem:v36+s15+$0x0], $0xffff;
	[tilespmem:s6+$0x20] =	vst v30  }
0x20c: {  	v27 =	vmul.f32 $8.000000000e+00, v27;
	v30 =	vor.u32 $0x1, v23;
	v33 =	vld.idx.msk [tilespmem:v37+s15+$0x0], $0xffff;
	[tilespmem:s6+$0xA0] =	vst v21;
	v21 =	vor.u32 $0x7, v23  }
0x20d: {  	v34 =	vor.u32 $0x2, v23;
	v35 =	vor.u32 $0x3, v23;
	v36 =	vor.u32 $0x4, v23;
	v24 =	vld.idx.msk [tilespmem:v24+s15+$0x0], $0xffff;
	[tilespmem:s6+$0x120] =	vst v26  }
0x20e: {  	v37 =	vor.u32 $0x6, v23;
	v26 =	vor.u32 $0x5, v23;
	v22 =	vmul.f32 $8.000000000e+00, v22;
	[tilespmem:s6+$0xFFFFFE20] =	vst v27;
	v27 =	vld.idx.msk [tilespmem:v38+s15+$0x0], $0xffff  }
0x20f: {  	v20 =	vmul.f32 $8.000000000e+00, v20;
	v25 =	vmul.f32 $8.000000000e+00, v25;
	v29 =	vld.idx.msk [tilespmem:v29+s15+$0x0], $0xffff;
	[tilespmem:s3+$0xFFFFFF70] =	vst v28  }
0x210: {  	v28 =	vmul.f32 $8.000000000e+00, v32;
	[tilespmem:s6+$0x1B0] =	vst v22;
	v19 =	vld.idx.msk [tilespmem:v19+s15+$0x0], $0xffff  }
0x211: {  	v22 =	vmul.f32 $8.000000000e+00, v31;
	[tilespmem:s6+$0xFFFFFEB0] =	vst v25;
	v21 =	vld.idx.msk [tilespmem:v21+s15+$0x0], $0xffff  }
0x212: {  	v13 =	vadd.s32 $0x8, v13;
	v25 =	vld.idx.msk [tilespmem:v30+s15+$0x0], $0xffff;
	[tilespmem:s6+$0xFFFFFF30] =	vst v28;
	v28 =	vmul.f32 $8.000000000e+00, v33  }
0x213: {  	v30 =	vand.u32 $0xFFFFFFF8, v13;
	v31 =	vld.idx.msk [tilespmem:v34+s15+$0x0], $0xffff;
	[tilespmem:s6+$0xFFFFFFB0] =	vst v22;
	v22 =	vmul.f32 $8.000000000e+00, v24  }
0x214: {  	v30 =	vadd.s32 v5, v30;
	v27 =	vmul.f32 $8.000000000e+00, v27;
	v24 =	vld.idx.msk [tilespmem:v35+s15+$0x0], $0xffff;
	[tilespmem:s6+$0x30] =	vst v28  }
0x215: {  	v28 =	vmul.f32 $8.000000000e+00, v29;
	v29 =	vor.u32 $0x1, v30;
	v32 =	vld.idx.msk [tilespmem:v36+s15+$0x0], $0xffff;
	[tilespmem:s6+$0xB0] =	vst v22;
	v22 =	vor.u32 $0x7, v30  }
0x216: {  	v33 =	vor.u32 $0x2, v30;
	v34 =	vor.u32 $0x3, v30;
	v35 =	vor.u32 $0x4, v30;
	v26 =	vld.idx.msk [tilespmem:v26+s15+$0x0], $0xffff;
	[tilespmem:s6+$0x130] =	vst v27  }
0x217: {  	v36 =	vor.u32 $0x6, v30;
	v27 =	vor.u32 $0x5, v30;
	v21 =	vmul.f32 $8.000000000e+00, v21;
	[tilespmem:s6+$0xFFFFFE30] =	vst v28;
	v28 =	vld.idx.msk [tilespmem:v37+s15+$0x0], $0xffff  }
0x218: {  	v25 =	vmul.f32 $8.000000000e+00, v25;
	v23 =	vld.idx.msk [tilespmem:v23+s15+$0x0], $0xffff;
	[tilespmem:s3+$0xFFFFFFF0] =	vst v20;
	v20 =	vmul.f32 $8.000000000e+00, v19  }
0x219: {  	v19 =	vmul.f32 $8.000000000e+00, v31;
	[tilespmem:s6+$0x1C0] =	vst v21;
	v21 =	vld.idx.msk [tilespmem:v18+s15+$0x0], $0xffff  }
0x21a: {  	v18 =	vmul.f32 $8.000000000e+00, v24;
	[tilespmem:s6+$0xFFFFFEC0] =	vst v25;
	v25 =	vld.idx.msk [tilespmem:v22+s15+$0x0], $0xffff  }
0x21b: {  	v14 =	vadd.s32 $0x8, v14;
	v29 =	vld.idx.msk [tilespmem:v29+s15+$0x0], $0xffff;
	[tilespmem:s6+$0xFFFFFF40] =	vst v19;
	v19 =	vmul.f32 $8.000000000e+00, v32  }
0x21c: {  	v22 =	vand.u32 $0xFFFFFFF8, v14;
	v24 =	vmul.f32 $8.000000000e+00, v26;
	v31 =	vld.idx.msk [tilespmem:v33+s15+$0x0], $0xffff;
	[tilespmem:s6+$0xFFFFFFC0] =	vst v18  }
0x21d: {  	v18 =	vadd.s32 v6, v22;
	v32 =	vld.idx.msk [tilespmem:v34+s15+$0x0], $0xffff;
	[tilespmem:s6+$0x40] =	vst v19;
	v19 =	vmul.f32 $8.000000000e+00, v28  }
0x21e: {  	v22 =	vmul.f32 $8.000000000e+00, v23;
	v28 =	vor.u32 $0x1, v18;
	v34 =	vor.u32 $0x7, v18;
	v33 =	vld.idx.msk [tilespmem:v35+s15+$0x0], $0xffff;
	[tilespmem:s6+$0xC0] =	vst v24  }
0x21f: {  	v23 =	vor.u32 $0x4, v18;
	v35 =	vor.u32 $0x2, v18;
	v24 =	vor.u32 $0x3, v18;
	v37 =	vld.idx.msk [tilespmem:v27+s15+$0x0], $0xffff;
	[tilespmem:s6+$0x140] =	vst v19  }
0x220: {  	v19 =	vor.u32 $0x6, v18;
	v27 =	vmul.f32 $8.000000000e+00, v25;
	[tilespmem:s6+$0xFFFFFE40] =	vst v22;
	v22 =	vor.u32 $0x5, v18;
	v26 =	vld.idx.msk [tilespmem:v36+s15+$0x0], $0xffff  }
.Ltmp4:
0x221: {  	v29 =	vmul.f32 $8.000000000e+00, v29;
	v25 =	vld.idx.msk [tilespmem:v30+s15+$0x0], $0xffff;
	[tilespmem:s3+$0x70] =	vst v20;
	v20 =	vmul.f32 $8.000000000e+00, v21;
	(pc) =	sbr.rel @p0 .LBB2_9-.Ltmp4, $4  }
0x222: {  	v30 =	vmul.f32 $8.000000000e+00, v31;
	[tilespmem:s6+$0x1D0] =	vst v27;
	v21 =	vld.idx.msk [tilespmem:v17+s15+$0x0], $0xffff  }
0x223: {  	v32 =	vmul.f32 $8.000000000e+00, v32;
	[tilespmem:s6+$0xFFFFFED0] =	vst v29;
	v27 =	vld.idx.msk [tilespmem:v34+s15+$0x0], $0xffff  }
0x224: {  	v15 =	vadd.s32 $0x8, v15;
	v29 =	vmul.f32 $8.000000000e+00, v33;
	v17 =	vld.idx.msk [tilespmem:v28+s15+$0x0], $0xffff;
	[tilespmem:s6+$0xFFFFFF50] =	vst v30  }
0x225: {  	v16 =	vadd.s32 $0x8, v16;
	v31 =	vand.u32 $0xFFFFFFF8, v15;
	v30 =	vmul.f32 $8.000000000e+00, v37;
	v28 =	vld.idx.msk [tilespmem:v35+s15+$0x0], $0xffff;
	[tilespmem:s6+$0xFFFFFFD0] =	vst v32  }
0x226: {  	_ =	sdelay $0x3  }
0x227: {  	[tilespmem:s6+$0x50] =	vst v29;
	v9 =	vmul.f32 $8.000000000e+00, v26;
	v11 =	vld.idx.msk [tilespmem:v24+s15+$0x0], $0xffff  }
0x228: {  	v10 =	vadd.s32 v7, v31;
	v12 =	vmul.f32 $8.000000000e+00, v25;
	v8 =	vld.idx.msk [tilespmem:v8+s15+$0x0], $0xffff;
	[tilespmem:s6+$0xD0] =	vst v30  }
0x229: {  	v13 =	vld.idx.msk [tilespmem:v23+s15+$0x0], $0xffff;
	v14 =	vor.u32 $0x7, v10;
	[tilespmem:s6+$0x150] =	vst v9  }
0x22a: {  	v9 =	vld.idx.msk [tilespmem:v22+s15+$0x0], $0xffff;
	[tilespmem:s6+$0xFFFFFE50] =	vst v12;
	v12 =	vmul.f32 $8.000000000e+00, v27  }
0x22b: {  	[tilespmem:s3+$0xF0] =	vst v20;
	v15 =	vld.idx.msk [tilespmem:v19+s15+$0x0], $0xffff;
	v16 =	vmul.f32 $8.000000000e+00, v17;
	v17 =	vor.u32 $0x1, v10  }
0x22c: {  	v20 =	vor.u32 $0x2, v10;
	v19 =	vmul.f32 $8.000000000e+00, v28;
	[tilespmem:s6+$0x1E0] =	vst v12  }
0x22d: {  	v18 =	vld.idx.msk [tilespmem:v18+s15+$0x0], $0xffff;
	v12 =	vor.u32 $0x3, v10;
	[tilespmem:s6+$0xFFFFFEE0] =	vst v16;
	v11 =	vmul.f32 $8.000000000e+00, v11  }
0x22e: {  	v16 =	vor.u32 $0x4, v10;
	v14 =	vld.idx.msk [tilespmem:v14+s15+$0x0], $0xffff;
	[tilespmem:s6+$0xFFFFFF60] =	vst v19;
	v13 =	vmul.f32 $8.000000000e+00, v13  }
0x22f: {  	v19 =	vor.u32 $0x5, v10;
	[tilespmem:s6+$0xFFFFFFE0] =	vst v11;
	v9 =	vmul.f32 $8.000000000e+00, v9  }
0x230: {  	v8 =	vmul.f32 $8.000000000e+00, v8;
	v11 =	vor.u32 $0x6, v10;
	[tilespmem:s6+$0x60] =	vst v13;
	v13 =	vmul.f32 $8.000000000e+00, v15;
	v15 =	vld.idx.msk [tilespmem:v17+s15+$0x0], $0xffff  }
0x231: {  	[tilespmem:s6+$0xE0] =	vst v9;
	v9 =	vld.idx.msk [tilespmem:v20+s15+$0x0], $0xffff  }
0x232: {  	[tilespmem:s3+$0xFFFFFE70] =	vst v8;
	v17 =	vmul.f32 $8.000000000e+00, v18;
	v12 =	vld.idx.msk [tilespmem:v12+s15+$0x0], $0xffff  }
0x233: {  	[tilespmem:s6+$0x160] =	vst v13;
	v13 =	vmul.f32 $8.000000000e+00, v14;
	v14 =	vld.idx.msk [tilespmem:v16+s15+$0x0], $0xffff  }
0x234: {  	v18 =	vmul.f32 $8.000000000e+00, v21;
	[tilespmem:s6+$0xFFFFFE60] =	vst v17;
	v16 =	vld.idx.msk [tilespmem:v19+s15+$0x0], $0xffff  }
0x235: {  	v11 =	vld.idx.msk [tilespmem:v11+s15+$0x0], $0xffff;
	[tilespmem:s7+$0x1F0] =	vst v13;
	v13 =	vmul.f32 $8.000000000e+00, v15  }
0x236: {  	[tilespmem:s3+$0x170] =	vst v18;
	v8 =	vmul.f32 $8.000000000e+00, v9;
	v9 =	vld.idx.msk [tilespmem:v10+s15+$0x0], $0xffff  }
0x237: {  	v10 =	vmul.f32 $8.000000000e+00, v12;
	[tilespmem:s7+$0xFFFFFEF0] =	vst v13  }
0x238: {  	[tilespmem:s7+$0xFFFFFF70] =	vst v8;
	v8 =	vmul.f32 $8.000000000e+00, v14  }
0x239: {  	[tilespmem:s7+$0xFFFFFFF0] =	vst v10;
	v10 =	vmul.f32 $8.000000000e+00, v16  }
0x23a: {  	s10 =	sshll.u32 s16, $0x12;
	[tilespmem:s7+$0x70] =	vst v8;
	v8 =	vmul.f32 $8.000000000e+00, v11  }
0x23b: {  	s3 =	sor.u32 s4, s10;
	[tilespmem:s7+$0xF0] =	vst v10;
	v9 =	vmul.f32 $8.000000000e+00, v9  }
0x23c: {  	s3 =	sshrl.u32 s3, $0x3;
	[tilespmem:s7+$0x170] =	vst v8  }
0x23d: {  	p0 =	seq.s32 s30, $0x31;
	s3 =	sadd.s32 s2, s3;
	[tilespmem:s7+$0xFFFFFE70] =	vst v9  }
0x23e: {  	[hbm4b:s3+s8] =	stream.strided.scatter [tilespmem:s24], [sflag:$0x7], $0x2000, s9, s8, $0x38;
	[tilespmem:$0x1A600] =	vst v63  }
0x23f: {  	v8 =	vld @!p0 [tilespmem:s1+$0x280];
	_ =	sdelay $0x4  }
0x240: {  	v8 =	vshra.s32 @!p0 v8, $0x1  }
0x241: {  	[tilespmem:$0x6480] =	vst @!p0 v8  }
0x242: {  	v8 =	vld @!p0 [tilespmem:s1+$0x290];
	_ =	sdelay $0x4  }
0x243: {  	v8 =	vshra.s32 @!p0 v8, $0x1  }
0x244: {  	[tilespmem:$0x6490] =	vst @!p0 v8  }
0x245: {  	v8 =	vld @!p0 [tilespmem:s1+$0x2A0];
	_ =	sdelay $0x4  }
0x246: {  	v8 =	vshra.s32 @!p0 v8, $0x1  }
0x247: {  	[tilespmem:$0x64A0] =	vst @!p0 v8  }
0x248: {  	v8 =	vld @!p0 [tilespmem:s1+$0x2B0];
	_ =	sdelay $0x4  }
0x249: {  	v8 =	vshra.s32 @!p0 v8, $0x1  }
0x24a: {  	[tilespmem:$0x64B0] =	vst @!p0 v8  }
0x24b: {  	v8 =	vld @!p0 [tilespmem:s1+$0x2C0];
	_ =	sdelay $0x4  }
0x24c: {  	v8 =	vshra.s32 @!p0 v8, $0x1  }
0x24d: {  	[tilespmem:$0x64C0] =	vst @!p0 v8  }
0x24e: {  	v8 =	vld @!p0 [tilespmem:s1+$0x2D0];
	_ =	sdelay $0x4  }
0x24f: {  	v8 =	vshra.s32 @!p0 v8, $0x1  }
0x250: {  	[tilespmem:$0x64D0] =	vst @!p0 v8  }
0x251: {  	v8 =	vld @!p0 [tilespmem:s1+$0x2E0];
	_ =	sdelay $0x4  }
0x252: {  	v8 =	vshra.s32 @!p0 v8, $0x1  }
0x253: {  	[tilespmem:$0x64E0] =	vst @!p0 v8  }
0x254: {  	v8 =	vld @!p0 [tilespmem:s1+$0x2F0];
	_ =	sdelay $0x4  }
0x255: {  	v8 =	vshra.s32 @!p0 v8, $0x1  }
0x256: {  	s6 =	simm.s32 @!p0 $0x6480;
	s7 =	simm.s32 @!p0 $0xA600;
	s3 =	simm.s32 @!p0 $0x80;
	[tilespmem:$0x64F0] =	vst @!p0 v8  }
0x257: {  	[tilespmem:s7], [sflag:$0x3] =	stream.indirect.gather @!p0 [hbm4b:s5+s3], $0x80, s6, s3, $0xb8;
	[tilespmem:$0x1A600] =	vst v63  }
0x258: {  	_ =	swait.ge [sflag:s25], $0x4000  }
0x259: {  	[sflag:s25] =	ssyncset.done $0x0  }
0x25a: {  	[sflag:s25] =	ssyncadd.s32 $0xFFFFC000  }
0x25b: {  	s14 =	sor.u32 $0x2, s14;
	_ =	swait.ge [sflag:s26], $0x2000  }
0x25c: {  	s16 =	sshll.u32 s14, $0x7;
	[sflag:s26] =	ssyncset.done $0x0  }
0x25d: {  	s3 =	sand.u32 $0x3FFFFF80, s16;
	[sflag:s26] =	ssyncadd.s32 $0xFFFFE000  }
0x25e: {  	v8 =	vld [tilespmem:s3+$0x0];
	_ =	sdelay $0x4  }
0x25f: {  	v8 =	vshll.u32 v8, $0x6  }
0x260: {  	v8 =	vand.u32 $0x40, v8  }
0x261: {  	v9 =	vld [tilespmem:s3+$0x10];
	v10 =	vand.u32 $0xFFFFFFF8, v8  }
0x262: {  	v11 =	vld [tilespmem:s3+$0x20];
	v10 =	vadd.s32 v0, v10  }
0x263: {  	v12 =	vld [tilespmem:s3+$0x30];
	v16 =	vor.u32 $0x7, v10  }
0x264: {  	v17 =	vld [tilespmem:s3+$0x40];
	v18 =	vor.u32 $0x1, v10  }
0x265: {  	v13 =	vld [tilespmem:s3+$0x50];
	v19 =	vor.u32 $0x2, v10  }
0x266: {  	v14 =	vld [tilespmem:s3+$0x60];
	v20 =	vor.u32 $0x3, v10  }
0x267: {  	v15 =	vld [tilespmem:s3+$0x70];
	v9 =	vshll.u32 v9, $0x6;
	v21 =	vor.u32 $0x4, v10  }
0x268: {  	v9 =	vand.u32 $0x40, v9;
	v16 =	vld.idx.msk [tilespmem:v16+s17+$0x0], $0xffff  }
0x269: {  	v24 =	vand.u32 $0xFFFFFFF8, v9;
	v22 =	vor.u32 $0x5, v10;
	v18 =	vld.idx.msk [tilespmem:v18+s17+$0x0], $0xffff  }
0x26a: {  	v24 =	vadd.s32 v1, v24;
	v23 =	vor.u32 $0x6, v10;
	v19 =	vld.idx.msk [tilespmem:v19+s17+$0x0], $0xffff  }
0x26b: {  	v25 =	vor.u32 $0x7, v24;
	v20 =	vld.idx.msk [tilespmem:v20+s17+$0x0], $0xffff  }
0x26c: {  	v26 =	vor.u32 $0x1, v24;
	v21 =	vld.idx.msk [tilespmem:v21+s17+$0x0], $0xffff  }
0x26d: {  	v27 =	vor.u32 $0x2, v24;
	v30 =	vld.idx.msk [tilespmem:v10+s17+$0x0], $0xffff;
	v16 =	vmul.f32 $8.000000000e+00, v16  }
0x26e: {  	s3 =	simm.s32 $0x16800;
	v28 =	vor.u32 $0x3, v24;
	v22 =	vld.idx.msk [tilespmem:v22+s17+$0x0], $0xffff;
	v18 =	vmul.f32 $8.000000000e+00, v18  }
0x26f: {  	v29 =	vor.u32 $0x4, v24;
	v23 =	vld.idx.msk [tilespmem:v23+s17+$0x0], $0xffff;
	v19 =	vmul.f32 $8.000000000e+00, v19;
	[tilespmem:s3+$0x180] =	vst v16  }
0x270: {  	v11 =	vshll.u32 v11, $0x6;
	[tilespmem:s3+$0xFFFFFE80] =	vst v18;
	v16 =	vmul.f32 $8.000000000e+00, v20;
	v18 =	vld.idx.msk [tilespmem:v25+s17+$0x0], $0xffff  }
0x271: {  	v10 =	vand.u32 $0x40, v11;
	v11 =	vor.u32 $0x5, v24;
	[tilespmem:s3+$0xFFFFFF00] =	vst v19;
	v19 =	vmul.f32 $8.000000000e+00, v21;
	v25 =	vld.idx.msk [tilespmem:v26+s17+$0x0], $0xffff  }
0x272: {  	v20 =	vor.u32 $0x6, v24;
	v21 =	vand.u32 $0xFFFFFFF8, v10;
	v26 =	vld.idx.msk [tilespmem:v27+s17+$0x0], $0xffff;
	v27 =	vmul.f32 $8.000000000e+00, v30;
	[tilespmem:s3+$0xFFFFFF80] =	vst v16  }
0x273: {  	v21 =	vadd.s32 v2, v21;
	v16 =	vmul.f32 $8.000000000e+00, v22;
	[tilespmem:s3+$0x0] =	vst v19;
	v22 =	vld.idx.msk [tilespmem:v28+s17+$0x0], $0xffff  }
0x274: {  	v19 =	vmul.f32 $8.000000000e+00, v23;
	v23 =	vor.u32 $0x7, v21;
	v29 =	vld.idx.msk [tilespmem:v29+s17+$0x0], $0xffff;
	[tilespmem:s3+$0xFFFFFE00] =	vst v27  }
0x275: {  	v28 =	vor.u32 $0x1, v21;
	[tilespmem:s3+$0x80] =	vst v16;
	v24 =	vld.idx.msk [tilespmem:v24+s17+$0x0], $0xffff  }
0x276: {  	v16 =	vor.u32 $0x2, v21;
	[tilespmem:s3+$0x100] =	vst v19;
	v30 =	vld.idx.msk [tilespmem:v11+s17+$0x0], $0xffff;
	v11 =	vmul.f32 $8.000000000e+00, v18  }
0x277: {  	v19 =	vld.idx.msk [tilespmem:v20+s17+$0x0], $0xffff;
	v18 =	vor.u32 $0x3, v21;
	v20 =	vmul.f32 $8.000000000e+00, v25  }
0x278: {  	v25 =	vor.u32 $0x4, v21;
	v26 =	vmul.f32 $8.000000000e+00, v26;
	[tilespmem:s3+$0x190] =	vst v11  }
0x279: {  	v12 =	vshll.u32 v12, $0x6;
	[tilespmem:s3+$0xFFFFFE90] =	vst v20;
	v20 =	vmul.f32 $8.000000000e+00, v22;
	v22 =	vld.idx.msk [tilespmem:v23+s17+$0x0], $0xffff  }
0x27a: {  	v11 =	vand.u32 $0x40, v12;
	v12 =	vor.u32 $0x5, v21;
	[tilespmem:s3+$0xFFFFFF10] =	vst v26;
	v26 =	vmul.f32 $8.000000000e+00, v29;
	v27 =	vld.idx.msk [tilespmem:v28+s17+$0x0], $0xffff  }
0x27b: {  	v23 =	vor.u32 $0x6, v21;
	v28 =	vand.u32 $0xFFFFFFF8, v11;
	v16 =	vld.idx.msk [tilespmem:v16+s17+$0x0], $0xffff;
	v24 =	vmul.f32 $8.000000000e+00, v24;
	[tilespmem:s3+$0xFFFFFF90] =	vst v20  }
0x27c: {  	v20 =	vmul.f32 $8.000000000e+00, v30;
	v28 =	vadd.s32 v3, v28;
	[tilespmem:s3+$0x10] =	vst v26;
	v18 =	vld.idx.msk [tilespmem:v18+s17+$0x0], $0xffff  }
0x27d: {  	v19 =	vmul.f32 $8.000000000e+00, v19;
	v26 =	vor.u32 $0x7, v28;
	v25 =	vld.idx.msk [tilespmem:v25+s17+$0x0], $0xffff;
	[tilespmem:s3+$0xFFFFFE10] =	vst v24  }
0x27e: {  	v29 =	vor.u32 $0x1, v28;
	[tilespmem:s3+$0x90] =	vst v20;
	v21 =	vld.idx.msk [tilespmem:v21+s17+$0x0], $0xffff  }
0x27f: {  	v20 =	vor.u32 $0x2, v28;
	[tilespmem:s3+$0x110] =	vst v19;
	v30 =	vld.idx.msk [tilespmem:v12+s17+$0x0], $0xffff;
	v12 =	vmul.f32 $8.000000000e+00, v22  }
0x280: {  	v19 =	vor.u32 $0x3, v28;
	v22 =	vld.idx.msk [tilespmem:v23+s17+$0x0], $0xffff;
	v23 =	vmul.f32 $8.000000000e+00, v27  }
0x281: {  	v24 =	vor.u32 $0x4, v28;
	v16 =	vmul.f32 $8.000000000e+00, v16;
	[tilespmem:s3+$0x1A0] =	vst v12  }
0x282: {  	v17 =	vshll.u32 v17, $0x6;
	[tilespmem:s3+$0xFFFFFEA0] =	vst v23;
	v18 =	vmul.f32 $8.000000000e+00, v18;
	v23 =	vld.idx.msk [tilespmem:v26+s17+$0x0], $0xffff  }
0x283: {  	v12 =	vand.u32 $0x40, v17;
	v17 =	vor.u32 $0x5, v28;
	[tilespmem:s3+$0xFFFFFF20] =	vst v16;
	v16 =	vmul.f32 $8.000000000e+00, v25;
	v27 =	vld.idx.msk [tilespmem:v29+s17+$0x0], $0xffff  }
0x284: {  	v26 =	vor.u32 $0x6, v28;
	v25 =	vand.u32 $0xFFFFFFF8, v12;
	v20 =	vld.idx.msk [tilespmem:v20+s17+$0x0], $0xffff;
	v21 =	vmul.f32 $8.000000000e+00, v21;
	[tilespmem:s3+$0xFFFFFFA0] =	vst v18  }
0x285: {  	v18 =	vmul.f32 $8.000000000e+00, v30;
	v25 =	vadd.s32 v4, v25;
	[tilespmem:s3+$0x20] =	vst v16;
	v19 =	vld.idx.msk [tilespmem:v19+s17+$0x0], $0xffff  }
0x286: {  	v16 =	vmul.f32 $8.000000000e+00, v22;
	v22 =	vor.u32 $0x7, v25;
	v24 =	vld.idx.msk [tilespmem:v24+s17+$0x0], $0xffff;
	[tilespmem:s3+$0xFFFFFE20] =	vst v21  }
0x287: {  	v29 =	vor.u32 $0x1, v25;
	[tilespmem:s3+$0xA0] =	vst v18;
	v28 =	vld.idx.msk [tilespmem:v28+s17+$0x0], $0xffff  }
0x288: {  	v18 =	vor.u32 $0x2, v25;
	v17 =	vld.idx.msk [tilespmem:v17+s17+$0x0], $0xffff;
	[tilespmem:s3+$0x120] =	vst v16;
	v16 =	vmul.f32 $8.000000000e+00, v23  }
0x289: {  	v23 =	vor.u32 $0x3, v25;
	v21 =	vld.idx.msk [tilespmem:v26+s17+$0x0], $0xffff;
	v26 =	vmul.f32 $8.000000000e+00, v27  }
0x28a: {  	v27 =	vor.u32 $0x4, v25;
	v20 =	vmul.f32 $8.000000000e+00, v20;
	[tilespmem:s3+$0x1B0] =	vst v16  }
0x28b: {  	v13 =	vshll.u32 v13, $0x6;
	v16 =	vor.u32 $0x5, v25;
	[tilespmem:s3+$0xFFFFFEB0] =	vst v26;
	v19 =	vmul.f32 $8.000000000e+00, v19;
	v22 =	vld.idx.msk [tilespmem:v22+s17+$0x0], $0xffff  }
0x28c: {  	v13 =	vand.u32 $0x40, v13;
	[tilespmem:s3+$0xFFFFFF30] =	vst v20;
	v20 =	vmul.f32 $8.000000000e+00, v24;
	v29 =	vld.idx.msk [tilespmem:v29+s17+$0x0], $0xffff  }
0x28d: {  	v26 =	vor.u32 $0x6, v25;
	v24 =	vand.u32 $0xFFFFFFF8, v13;
	v18 =	vld.idx.msk [tilespmem:v18+s17+$0x0], $0xffff;
	[tilespmem:s3+$0xFFFFFFB0] =	vst v19;
	v17 =	vmul.f32 $8.000000000e+00, v17  }
0x28e: {  	v19 =	vadd.s32 v5, v24;
	[tilespmem:s3+$0x30] =	vst v20;
	v24 =	vmul.f32 $8.000000000e+00, v28;
	v23 =	vld.idx.msk [tilespmem:v23+s17+$0x0], $0xffff  }
0x28f: {  	v20 =	vmul.f32 $8.000000000e+00, v21;
	v21 =	vor.u32 $0x7, v19;
	v27 =	vld.idx.msk [tilespmem:v27+s17+$0x0], $0xffff;
	[tilespmem:s3+$0xB0] =	vst v17  }
0x290: {  	v28 =	vor.u32 $0x1, v19;
	[tilespmem:s3+$0xFFFFFE30] =	vst v24;
	v16 =	vld.idx.msk [tilespmem:v16+s17+$0x0], $0xffff  }
0x291: {  	v17 =	vor.u32 $0x2, v19;
	[tilespmem:s3+$0x130] =	vst v20;
	v25 =	vld.idx.msk [tilespmem:v25+s17+$0x0], $0xffff;
	v20 =	vmul.f32 $8.000000000e+00, v22  }
0x292: {  	v22 =	vor.u32 $0x3, v19;
	v24 =	vld.idx.msk [tilespmem:v26+s17+$0x0], $0xffff;
	v26 =	vmul.f32 $8.000000000e+00, v29  }
0x293: {  	v29 =	vor.u32 $0x4, v19;
	v18 =	vmul.f32 $8.000000000e+00, v18;
	[tilespmem:s3+$0x1C0] =	vst v20  }
0x294: {  	v14 =	vshll.u32 v14, $0x6;
	v20 =	vor.u32 $0x5, v19;
	[tilespmem:s3+$0xFFFFFEC0] =	vst v26;
	v23 =	vmul.f32 $8.000000000e+00, v23;
	v21 =	vld.idx.msk [tilespmem:v21+s17+$0x0], $0xffff  }
0x295: {  	v14 =	vand.u32 $0x40, v14;
	[tilespmem:s3+$0xFFFFFF40] =	vst v18;
	v18 =	vmul.f32 $8.000000000e+00, v27;
	v28 =	vld.idx.msk [tilespmem:v28+s17+$0x0], $0xffff  }
0x296: {  	v26 =	vor.u32 $0x6, v19;
	v27 =	vand.u32 $0xFFFFFFF8, v14;
	v17 =	vld.idx.msk [tilespmem:v17+s17+$0x0], $0xffff;
	[tilespmem:s3+$0xFFFFFFC0] =	vst v23;
	v16 =	vmul.f32 $8.000000000e+00, v16  }
0x297: {  	v23 =	vadd.s32 v6, v27;
	[tilespmem:s3+$0x40] =	vst v18;
	v25 =	vmul.f32 $8.000000000e+00, v25;
	v22 =	vld.idx.msk [tilespmem:v22+s17+$0x0], $0xffff  }
0x298: {  	v18 =	vmul.f32 $8.000000000e+00, v24;
	v24 =	vor.u32 $0x7, v23;
	v29 =	vld.idx.msk [tilespmem:v29+s17+$0x0], $0xffff;
	[tilespmem:s3+$0xC0] =	vst v16  }
0x299: {  	v27 =	vor.u32 $0x1, v23;
	[tilespmem:s3+$0xFFFFFE40] =	vst v25;
	v20 =	vld.idx.msk [tilespmem:v20+s17+$0x0], $0xffff  }
0x29a: {  	v30 =	vor.u32 $0x2, v23;
	[tilespmem:s3+$0x140] =	vst v18;
	v19 =	vld.idx.msk [tilespmem:v19+s17+$0x0], $0xffff;
	v16 =	vmul.f32 $8.000000000e+00, v21  }
0x29b: {  	v15 =	vshll.u32 v15, $0x6;
	v18 =	vor.u32 $0x3, v23;
	v21 =	vld.idx.msk [tilespmem:v26+s17+$0x0], $0xffff;
	v25 =	vmul.f32 $8.000000000e+00, v28  }
0x29c: {  	v15 =	vand.u32 $0x40, v15;
	v26 =	vor.u32 $0x4, v23;
	v17 =	vmul.f32 $8.000000000e+00, v17;
	[tilespmem:s3+$0x1D0] =	vst v16  }
0x29d: {  	v31 =	vor.u32 $0x6, v23;
	v28 =	vor.u32 $0x5, v23;
	[tilespmem:s3+$0xFFFFFED0] =	vst v25;
	v22 =	vmul.f32 $8.000000000e+00, v22;
	v24 =	vld.idx.msk [tilespmem:v24+s17+$0x0], $0xffff  }
0x29e: {  	[tilespmem:s3+$0xFFFFFF50] =	vst v17;
	v17 =	vmul.f32 $8.000000000e+00, v29;
	v16 =	vadd.s32 $0x8, v8;
	v25 =	vld.idx.msk [tilespmem:v27+s17+$0x0], $0xffff;
	v27 =	vand.u32 $0xFFFFFFF8, v15  }
0x29f: {  	v29 =	vld.idx.msk [tilespmem:v30+s17+$0x0], $0xffff;
	[tilespmem:s3+$0xFFFFFFD0] =	vst v22;
	v20 =	vmul.f32 $8.000000000e+00, v20;
	v22 =	vand.u32 $0xFFFFFFF8, v16;
	v8 =	vadd.s32 v7, v27  }
0x2a0: {  	[tilespmem:s3+$0x50] =	vst v17;
	v19 =	vmul.f32 $8.000000000e+00, v19;
	v18 =	vld.idx.msk [tilespmem:v18+s17+$0x0], $0xffff;
	v17 =	vmul.f32 $8.000000000e+00, v21;
	v21 =	vadd.s32 v0, v22  }
0x2a1: {  	v22 =	vor.u32 $0x7, v8;
	v26 =	vld.idx.msk [tilespmem:v26+s17+$0x0], $0xffff;
	[tilespmem:s3+$0xD0] =	vst v20  }
0x2a2: {  	v20 =	vor.u32 $0x7, v21;
	[tilespmem:s3+$0xFFFFFE50] =	vst v19;
	v28 =	vld.idx.msk [tilespmem:v28+s17+$0x0], $0xffff  }
0x2a3: {  	v27 =	vor.u32 $0x1, v21;
	[tilespmem:s3+$0x150] =	vst v17;
	v23 =	vld.idx.msk [tilespmem:v23+s17+$0x0], $0xffff;
	v17 =	vmul.f32 $8.000000000e+00, v24  }
0x2a4: {  	v30 =	vor.u32 $0x3, v21;
	v32 =	vor.u32 $0x6, v21;
	v24 =	vor.u32 $0x2, v21;
	v19 =	vld.idx.msk [tilespmem:v31+s17+$0x0], $0xffff  }
0x2a5: {  	v25 =	vmul.f32 $8.000000000e+00, v25;
	v31 =	vor.u32 $0x5, v21;
	[tilespmem:s3+$0x1E0] =	vst v17;
	v17 =	vor.u32 $0x4, v21;
	v21 =	vld.idx.msk [tilespmem:v21+s17+$0x0], $0xffff  }
0x2a6: {  	v29 =	vmul.f32 $8.000000000e+00, v29;
	v22 =	vld.idx.msk [tilespmem:v22+s17+$0x0], $0xffff  }
0x2a7: {  	v9 =	vadd.s32 $0x8, v9;
	[tilespmem:s3+$0xFFFFFEE0] =	vst v25;
	v18 =	vmul.f32 $8.000000000e+00, v18;
	v20 =	vld.idx.msk [tilespmem:v20+s17+$0x0], $0xffff  }
0x2a8: {  	[tilespmem:s3+$0xFFFFFF60] =	vst v29;
	v26 =	vmul.f32 $8.000000000e+00, v26;
	v25 =	vld.idx.msk [tilespmem:v27+s17+$0x0], $0xffff;
	v27 =	vand.u32 $0xFFFFFFF8, v9  }
0x2a9: {  	v29 =	vor.u32 $0x1, v8;
	[tilespmem:s3+$0xFFFFFFE0] =	vst v18;
	v18 =	vmul.f32 $8.000000000e+00, v28;
	v27 =	vadd.s32 v1, v27;
	v24 =	vld.idx.msk [tilespmem:v24+s17+$0x0], $0xffff  }
0x2aa: {  	v28 =	vld.idx.msk [tilespmem:v30+s17+$0x0], $0xffff;
	[tilespmem:s3+$0x60] =	vst v26;
	v23 =	vmul.f32 $8.000000000e+00, v23;
	v26 =	vor.u32 $0x7, v27  }
0x2ab: {  	v19 =	vmul.f32 $8.000000000e+00, v19;
	[tilespmem:s3+$0xE0] =	vst v18;
	v18 =	vor.u32 $0x1, v27;
	v17 =	vld.idx.msk [tilespmem:v17+s17+$0x0], $0xffff  }
0x2ac: {  	v30 =	vld.idx.msk [tilespmem:v31+s17+$0x0], $0xffff;
	v31 =	vor.u32 $0x2, v27;
	[tilespmem:s3+$0xFFFFFE60] =	vst v23;
	v20 =	vmul.f32 $8.000000000e+00, v20  }
0x2ad: {  	s6 =	simm.s32 $0x16C00;
	v59 =	vor.u32 $0x3, v27;
	[tilespmem:s3+$0x160] =	vst v19;
	v19 =	vld.idx.msk [tilespmem:v32+s17+$0x0], $0xffff;
	v23 =	vmul.f32 $8.000000000e+00, v25  }
0x2ae: {  	v25 =	vor.u32 $0x4, v27;
	v24 =	vmul.f32 $8.000000000e+00, v24;
	[tilespmem:s6+$0x180] =	vst v20;
	v20 =	vld.idx.msk [tilespmem:v29+s17+$0x0], $0xffff  }
0x2af: {  	v29 =	vor.u32 $0x5, v27;
	[tilespmem:s6+$0xFFFFFE80] =	vst v23;
	v23 =	vmul.f32 $8.000000000e+00, v28;
	v26 =	vld.idx.msk [tilespmem:v26+s17+$0x0], $0xffff  }
0x2b0: {  	v10 =	vadd.s32 $0x8, v10;
	v28 =	vor.u32 $0x6, v27;
	v18 =	vld.idx.msk [tilespmem:v18+s17+$0x0], $0xffff;
	[tilespmem:s6+$0xFFFFFF00] =	vst v24;
	v17 =	vmul.f32 $8.000000000e+00, v17  }
0x2b1: {  	v24 =	vand.u32 $0xFFFFFFF8, v10;
	[tilespmem:s6+$0xFFFFFF80] =	vst v23;
	v23 =	vmul.f32 $8.000000000e+00, v30;
	v31 =	vld.idx.msk [tilespmem:v31+s17+$0x0], $0xffff  }
0x2b2: {  	v30 =	vor.u32 $0x2, v8;
	v24 =	vadd.s32 v2, v24;
	v32 =	vld.idx.msk [tilespmem:v59+s17+$0x0], $0xffff;
	[tilespmem:s6+$0x0] =	vst v17;
	v17 =	vmul.f32 $8.000000000e+00, v19  }
0x2b3: {  	v19 =	vmul.f32 $8.000000000e+00, v21;
	[tilespmem:s6+$0x80] =	vst v23;
	v23 =	vor.u32 $0x7, v24;
	v21 =	vld.idx.msk [tilespmem:v25+s17+$0x0], $0xffff  }
0x2b4: {  	v22 =	vmul.f32 $8.000000000e+00, v22;
	v25 =	vor.u32 $0x1, v24;
	v29 =	vld.idx.msk [tilespmem:v29+s17+$0x0], $0xffff;
	[tilespmem:s6+$0x100] =	vst v17  }
0x2b5: {  	v17 =	vor.u32 $0x2, v24;
	[tilespmem:s6+$0xFFFFFE00] =	vst v19;
	v26 =	vmul.f32 $8.000000000e+00, v26;
	v19 =	vld.idx.msk [tilespmem:v28+s17+$0x0], $0xffff  }
0x2b6: {  	[tilespmem:s3+$0x1F0] =	vst v22;
	v22 =	vor.u32 $0x3, v24;
	v18 =	vmul.f32 $8.000000000e+00, v18;
	v27 =	vld.idx.msk [tilespmem:v27+s17+$0x0], $0xffff  }
0x2b7: {  	v28 =	vor.u32 $0x4, v24;
	v31 =	vmul.f32 $8.000000000e+00, v31;
	[tilespmem:s6+$0x190] =	vst v26;
	v26 =	vld.idx.msk [tilespmem:v30+s17+$0x0], $0xffff  }
0x2b8: {  	v30 =	vor.u32 $0x5, v24;
	[tilespmem:s6+$0xFFFFFE90] =	vst v18;
	v18 =	vmul.f32 $8.000000000e+00, v32;
	v23 =	vld.idx.msk [tilespmem:v23+s17+$0x0], $0xffff  }
0x2b9: {  	v11 =	vadd.s32 $0x8, v11;
	v60 =	vor.u32 $0x6, v24;
	v25 =	vld.idx.msk [tilespmem:v25+s17+$0x0], $0xffff;
	[tilespmem:s6+$0xFFFFFF10] =	vst v31;
	v21 =	vmul.f32 $8.000000000e+00, v21  }
0x2ba: {  	v31 =	vand.u32 $0xFFFFFFF8, v11;
	[tilespmem:s6+$0xFFFFFF90] =	vst v18;
	v18 =	vmul.f32 $8.000000000e+00, v29;
	v17 =	vld.idx.msk [tilespmem:v17+s17+$0x0], $0xffff  }
0x2bb: {  	v29 =	vor.u32 $0x3, v8;
	v31 =	vadd.s32 v3, v31;
	v22 =	vld.idx.msk [tilespmem:v22+s17+$0x0], $0xffff;
	[tilespmem:s6+$0x10] =	vst v21;
	v19 =	vmul.f32 $8.000000000e+00, v19  }
0x2bc: {  	v21 =	vmul.f32 $8.000000000e+00, v27;
	[tilespmem:s6+$0x90] =	vst v18;
	v18 =	vor.u32 $0x7, v31;
	v27 =	vld.idx.msk [tilespmem:v28+s17+$0x0], $0xffff  }
0x2bd: {  	v20 =	vmul.f32 $8.000000000e+00, v20;
	v28 =	vor.u32 $0x1, v31;
	v30 =	vld.idx.msk [tilespmem:v30+s17+$0x0], $0xffff;
	[tilespmem:s6+$0x110] =	vst v19  }
0x2be: {  	v19 =	vor.u32 $0x2, v31;
	[tilespmem:s6+$0xFFFFFE10] =	vst v21;
	v23 =	vmul.f32 $8.000000000e+00, v23;
	v21 =	vld.idx.msk [tilespmem:v60+s17+$0x0], $0xffff  }
0x2bf: {  	[tilespmem:s3+$0xFFFFFEF0] =	vst v20;
	v61 =	vor.u32 $0x3, v31;
	v24 =	vld.idx.msk [tilespmem:v24+s17+$0x0], $0xffff;
	v25 =	vmul.f32 $8.000000000e+00, v25  }
0x2c0: {  	v20 =	vor.u32 $0x4, v31;
	v17 =	vmul.f32 $8.000000000e+00, v17;
	[tilespmem:s6+$0x1A0] =	vst v23;
	v23 =	vld.idx.msk [tilespmem:v29+s17+$0x0], $0xffff  }
0x2c1: {  	v29 =	vor.u32 $0x5, v31;
	v22 =	vmul.f32 $8.000000000e+00, v22;
	[tilespmem:s6+$0xFFFFFEA0] =	vst v25;
	v18 =	vld.idx.msk [tilespmem:v18+s17+$0x0], $0xffff  }
0x2c2: {  	v12 =	vadd.s32 $0x8, v12;
	v25 =	vor.u32 $0x6, v31;
	v28 =	vld.idx.msk [tilespmem:v28+s17+$0x0], $0xffff;
	[tilespmem:s6+$0xFFFFFF20] =	vst v17;
	v17 =	vmul.f32 $8.000000000e+00, v27  }
0x2c3: {  	v27 =	vand.u32 $0xFFFFFFF8, v12;
	[tilespmem:s6+$0xFFFFFFA0] =	vst v22;
	v22 =	vmul.f32 $8.000000000e+00, v30;
	v19 =	vld.idx.msk [tilespmem:v19+s17+$0x0], $0xffff  }
0x2c4: {  	v30 =	vor.u32 $0x4, v8;
	v27 =	vadd.s32 v4, v27;
	v32 =	vld.idx.msk [tilespmem:v61+s17+$0x0], $0xffff;
	[tilespmem:s6+$0x20] =	vst v17;
	v17 =	vmul.f32 $8.000000000e+00, v21  }
0x2c5: {  	v21 =	vmul.f32 $8.000000000e+00, v24;
	[tilespmem:s6+$0xA0] =	vst v22;
	v22 =	vor.u32 $0x7, v27;
	v20 =	vld.idx.msk [tilespmem:v20+s17+$0x0], $0xffff  }
0x2c6: {  	v24 =	vmul.f32 $8.000000000e+00, v26;
	v26 =	vor.u32 $0x1, v27;
	v29 =	vld.idx.msk [tilespmem:v29+s17+$0x0], $0xffff;
	[tilespmem:s6+$0x120] =	vst v17  }
0x2c7: {  	v17 =	vor.u32 $0x2, v27;
	[tilespmem:s6+$0xFFFFFE20] =	vst v21;
	v18 =	vmul.f32 $8.000000000e+00, v18;
	v21 =	vld.idx.msk [tilespmem:v25+s17+$0x0], $0xffff  }
0x2c8: {  	[tilespmem:s3+$0xFFFFFF70] =	vst v24;
	v25 =	vor.u32 $0x3, v27;
	v31 =	vld.idx.msk [tilespmem:v31+s17+$0x0], $0xffff;
	v28 =	vmul.f32 $8.000000000e+00, v28  }
0x2c9: {  	v24 =	vor.u32 $0x4, v27;
	v30 =	vld.idx.msk [tilespmem:v30+s17+$0x0], $0xffff;
	v19 =	vmul.f32 $8.000000000e+00, v19;
	[tilespmem:s6+$0x1B0] =	vst v18  }
0x2ca: {  	v18 =	vor.u32 $0x5, v27;
	[tilespmem:s6+$0xFFFFFEB0] =	vst v28;
	v28 =	vmul.f32 $8.000000000e+00, v32;
	v22 =	vld.idx.msk [tilespmem:v22+s17+$0x0], $0xffff  }
0x2cb: {  	v13 =	vadd.s32 $0x8, v13;
	v62 =	vor.u32 $0x6, v27;
	v26 =	vld.idx.msk [tilespmem:v26+s17+$0x0], $0xffff;
	[tilespmem:s6+$0xFFFFFF30] =	vst v19;
	v19 =	vmul.f32 $8.000000000e+00, v20  }
0x2cc: {  	v20 =	vand.u32 $0xFFFFFFF8, v13;
	v17 =	vld.idx.msk [tilespmem:v17+s17+$0x0], $0xffff;
	[tilespmem:s6+$0xFFFFFFB0] =	vst v28;
	v28 =	vmul.f32 $8.000000000e+00, v29  }
0x2cd: {  	v29 =	vor.u32 $0x5, v8;
	v20 =	vadd.s32 v5, v20;
	v25 =	vld.idx.msk [tilespmem:v25+s17+$0x0], $0xffff;
	[tilespmem:s6+$0x30] =	vst v19;
	v19 =	vmul.f32 $8.000000000e+00, v21  }
0x2ce: {  	v21 =	vmul.f32 $8.000000000e+00, v31;
	v24 =	vld.idx.msk [tilespmem:v24+s17+$0x0], $0xffff;
	[tilespmem:s6+$0xB0] =	vst v28;
	v28 =	vor.u32 $0x7, v20  }
0x2cf: {  	v23 =	vmul.f32 $8.000000000e+00, v23;
	v31 =	vor.u32 $0x1, v20;
	v18 =	vld.idx.msk [tilespmem:v18+s17+$0x0], $0xffff;
	[tilespmem:s6+$0x130] =	vst v19  }
0x2d0: {  	v19 =	vor.u32 $0x2, v20;
	[tilespmem:s6+$0xFFFFFE30] =	vst v21;
	v22 =	vmul.f32 $8.000000000e+00, v22;
	v21 =	vld.idx.msk [tilespmem:v62+s17+$0x0], $0xffff  }
0x2d1: {  	[tilespmem:s3+$0xFFFFFFF0] =	vst v23;
	v63 =	vor.u32 $0x3, v20;
	v27 =	vld.idx.msk [tilespmem:v27+s17+$0x0], $0xffff;
	v26 =	vmul.f32 $8.000000000e+00, v26  }
0x2d2: {  	v23 =	vor.u32 $0x4, v20;
	v17 =	vmul.f32 $8.000000000e+00, v17;
	[tilespmem:s6+$0x1C0] =	vst v22;
	v29 =	vld.idx.msk [tilespmem:v29+s17+$0x0], $0xffff  }
0x2d3: {  	v22 =	vor.u32 $0x5, v20;
	[tilespmem:s6+$0xFFFFFEC0] =	vst v26;
	v25 =	vmul.f32 $8.000000000e+00, v25;
	v28 =	vld.idx.msk [tilespmem:v28+s17+$0x0], $0xffff  }
0x2d4: {  	v14 =	vadd.s32 $0x8, v14;
	v26 =	vor.u32 $0x6, v20;
	v31 =	vld.idx.msk [tilespmem:v31+s17+$0x0], $0xffff;
	[tilespmem:s6+$0xFFFFFF40] =	vst v17;
	v17 =	vmul.f32 $8.000000000e+00, v24  }
0x2d5: {  	v24 =	vand.u32 $0xFFFFFFF8, v14;
	v19 =	vld.idx.msk [tilespmem:v19+s17+$0x0], $0xffff;
	[tilespmem:s6+$0xFFFFFFC0] =	vst v25;
	v25 =	vmul.f32 $8.000000000e+00, v18  }
0x2d6: {  	v33 =	vor.u32 $0x6, v8;
	v18 =	vadd.s32 v6, v24;
	v32 =	vld.idx.msk [tilespmem:v63+s17+$0x0], $0xffff;
	[tilespmem:s6+$0x40] =	vst v17;
	v17 =	vmul.f32 $8.000000000e+00, v21  }
0x2d7: {  	v21 =	vmul.f32 $8.000000000e+00, v27;
	v27 =	vor.u32 $0x7, v18;
	v34 =	vld.idx.msk [tilespmem:v23+s17+$0x0], $0xffff;
	[tilespmem:s6+$0xC0] =	vst v25  }
0x2d8: {  	v23 =	vmul.f32 $8.000000000e+00, v30;
	v30 =	vor.u32 $0x1, v18;
	v35 =	vld.idx.msk [tilespmem:v22+s17+$0x0], $0xffff;
	[tilespmem:s6+$0x140] =	vst v17  }
0x2d9: {  	v36 =	vor.u32 $0x2, v18;
	[tilespmem:s6+$0xFFFFFE40] =	vst v21;
	v26 =	vld.idx.msk [tilespmem:v26+s17+$0x0], $0xffff;
	v17 =	vmul.f32 $8.000000000e+00, v28  }
0x2da: {  	v24 =	vor.u32 $0x3, v18;
	v25 =	vld.idx.msk [tilespmem:v20+s17+$0x0], $0xffff;
	v20 =	vmul.f32 $8.000000000e+00, v31;
	[tilespmem:s3+$0x70] =	vst v23  }
0x2db: {  	v21 =	vld.idx.msk [tilespmem:v33+s17+$0x0], $0xffff;
	v23 =	vor.u32 $0x4, v18;
	v28 =	vmul.f32 $8.000000000e+00, v19;
	[tilespmem:s6+$0x1D0] =	vst v17  }
0x2dc: {  	v15 =	vadd.s32 $0x8, v15;
	v22 =	vor.u32 $0x5, v18;
	[tilespmem:s6+$0xFFFFFED0] =	vst v20;
	v32 =	vmul.f32 $8.000000000e+00, v32;
	v27 =	vld.idx.msk [tilespmem:v27+s17+$0x0], $0xffff  }
0x2dd: {  	v19 =	vor.u32 $0x6, v18;
	v20 =	vmul.f32 $8.000000000e+00, v29;
	v17 =	vld.idx.msk [tilespmem:v30+s17+$0x0], $0xffff;
	[tilespmem:s6+$0xFFFFFF50] =	vst v28;
	v29 =	vmul.f32 $8.000000000e+00, v34  }
0x2de: {  	s10 =	simm.s32 $0x8;
	s7 =	simm.s32 $0x16C00;
	v16 =	vadd.s32 $0x8, v16;
	v31 =	vand.u32 $0xFFFFFFF8, v15;
	v28 =	vld.idx.msk [tilespmem:v36+s17+$0x0], $0xffff;
	[tilespmem:s6+$0xFFFFFFD0] =	vst v32;
	v30 =	vmul.f32 $8.000000000e+00, v35  }
.LBB2_11:
0x2df: {  	v32 =	vand.u32 $0xFFFFFFF8, v16;
	s10 =	sadd.s32 $0x8, s10;
	v31 =	vadd.s32 v7, v31;
	v24 =	vld.idx.msk [tilespmem:v24+s17+$0x0], $0xffff;
	[tilespmem:s6+$0x50] =	vst v29;
	v26 =	vmul.f32 $8.000000000e+00, v26  }
0x2e0: {  	v25 =	vmul.f32 $8.000000000e+00, v25;
	v29 =	vadd.s32 v0, v32;
	p1 =	slt.u32 s10, $0x38;
	v23 =	vld.idx.msk [tilespmem:v23+s17+$0x0], $0xffff;
	[tilespmem:s6+$0xD0] =	vst v30;
	v30 =	vor.u32 $0x7, v31  }
0x2e1: {  	v32 =	vor.u32 $0x1, v29;
	v33 =	vor.u32 $0x2, v29;
	v34 =	vor.u32 $0x7, v29;
	v22 =	vld.idx.msk [tilespmem:v22+s17+$0x0], $0xffff;
	[tilespmem:s6+$0x150] =	vst v26  }
0x2e2: {  	v26 =	vor.u32 $0x3, v29;
	v35 =	vor.u32 $0x4, v29;
	[tilespmem:s6+$0xFFFFFE50] =	vst v25;
	v25 =	vld.idx.msk [tilespmem:v19+s17+$0x0], $0xffff;
	v19 =	vmul.f32 $8.000000000e+00, v27  }
0x2e3: {  	v36 =	vor.u32 $0x6, v29;
	v27 =	vor.u32 $0x5, v29;
	v17 =	vmul.f32 $8.000000000e+00, v17;
	v37 =	vld.idx.msk [tilespmem:v18+s17+$0x0], $0xffff;
	[tilespmem:s3+$0xF0] =	vst v20  }
0x2e4: {  	v38 =	vor.u32 $0x1, v31;
	v18 =	vmul.f32 $8.000000000e+00, v28;
	v28 =	vor.u32 $0x2, v31;
	[tilespmem:s6+$0x1E0] =	vst v19;
	v39 =	vld.idx.msk [tilespmem:v8+s17+$0x0], $0xffff;
	v8 =	vmovc v31  }
0x2e5: {  	v24 =	vmul.f32 $8.000000000e+00, v24;
	[tilespmem:s6+$0xFFFFFEE0] =	vst v17;
	v20 =	vor.u32 $0x3, v8;
	v19 =	vor.u32 $0x4, v8;
	v30 =	vld.idx.msk [tilespmem:v30+s17+$0x0], $0xffff  }
0x2e6: {  	v23 =	vmul.f32 $8.000000000e+00, v23;
	v17 =	vor.u32 $0x6, v8;
	v31 =	vld.idx.msk [tilespmem:v34+s17+$0x0], $0xffff;
	[tilespmem:s6+$0xFFFFFF60] =	vst v18;
	v18 =	vor.u32 $0x5, v8  }
0x2e7: {  	v9 =	vadd.s32 $0x8, v9;
	v21 =	vmul.f32 $8.000000000e+00, v21;
	v22 =	vmul.f32 $8.000000000e+00, v22;
	v32 =	vld.idx.msk [tilespmem:v32+s17+$0x0], $0xffff;
	[tilespmem:s6+$0xFFFFFFE0] =	vst v24  }
0x2e8: {  	v24 =	vand.u32 $0xFFFFFFF8, v9;
	v33 =	vld.idx.msk [tilespmem:v33+s17+$0x0], $0xffff;
	[tilespmem:s6+$0x60] =	vst v23;
	v23 =	vmul.f32 $8.000000000e+00, v25  }
0x2e9: {  	v24 =	vadd.s32 v1, v24;
	v25 =	vld.idx.msk [tilespmem:v26+s17+$0x0], $0xffff;
	v26 =	vmul.f32 $8.000000000e+00, v37;
	[tilespmem:s6+$0xE0] =	vst v22  }
0x2ea: {  	v22 =	vor.u32 $0x1, v24;
	v34 =	vor.u32 $0x2, v24;
	v37 =	vor.u32 $0x7, v24;
	v35 =	vld.idx.msk [tilespmem:v35+s17+$0x0], $0xffff;
	[tilespmem:s6+$0x160] =	vst v23  }
0x2eb: {  	v40 =	vor.u32 $0x4, v24;
	v23 =	vor.u32 $0x3, v24;
	v27 =	vld.idx.msk [tilespmem:v27+s17+$0x0], $0xffff;
	[tilespmem:s6+$0xFFFFFE60] =	vst v26;
	v26 =	vmul.f32 $8.000000000e+00, v30  }
0x2ec: {  	v41 =	vor.u32 $0x6, v24;
	v30 =	vor.u32 $0x5, v24;
	v31 =	vmul.f32 $8.000000000e+00, v31;
	v36 =	vld.idx.msk [tilespmem:v36+s17+$0x0], $0xffff;
	[tilespmem:s3+$0x170] =	vst v21  }
0x2ed: {  	s6 =	sadd.s32 $0x400, s6;
	v21 =	vld.idx.msk [tilespmem:v29+s17+$0x0], $0xffff;
	v29 =	vmul.f32 $8.000000000e+00, v32;
	[tilespmem:s7+$0x1F0] =	vst v26;
	v26 =	vmul.f32 $8.000000000e+00, v39  }
0x2ee: {  	v32 =	vmul.f32 $8.000000000e+00, v33;
	[tilespmem:s6+$0x180] =	vst v31;
	v31 =	vld.idx.msk [tilespmem:v38+s17+$0x0], $0xffff  }
0x2ef: {  	v25 =	vmul.f32 $8.000000000e+00, v25;
	[tilespmem:s6+$0xFFFFFE80] =	vst v29;
	v29 =	vld.idx.msk [tilespmem:v37+s17+$0x0], $0xffff  }
0x2f0: {  	v10 =	vadd.s32 $0x8, v10;
	v22 =	vld.idx.msk [tilespmem:v22+s17+$0x0], $0xffff;
	[tilespmem:s6+$0xFFFFFF00] =	vst v32;
	v32 =	vmul.f32 $8.000000000e+00, v35  }
0x2f1: {  	v33 =	vand.u32 $0xFFFFFFF8, v10;
	v34 =	vld.idx.msk [tilespmem:v34+s17+$0x0], $0xffff;
	[tilespmem:s6+$0xFFFFFF80] =	vst v25;
	v25 =	vmul.f32 $8.000000000e+00, v27  }
0x2f2: {  	v27 =	vadd.s32 v2, v33;
	v23 =	vld.idx.msk [tilespmem:v23+s17+$0x0], $0xffff;
	[tilespmem:s6+$0x0] =	vst v32;
	v32 =	vmul.f32 $8.000000000e+00, v36  }
0x2f3: {  	v21 =	vmul.f32 $8.000000000e+00, v21;
	v33 =	vor.u32 $0x1, v27;
	v35 =	vld.idx.msk [tilespmem:v40+s17+$0x0], $0xffff;
	[tilespmem:s6+$0x80] =	vst v25;
	v25 =	vor.u32 $0x7, v27  }
0x2f4: {  	v36 =	vor.u32 $0x2, v27;
	v37 =	vor.u32 $0x3, v27;
	v38 =	vor.u32 $0x4, v27;
	v30 =	vld.idx.msk [tilespmem:v30+s17+$0x0], $0xffff;
	[tilespmem:s6+$0x100] =	vst v32  }
0x2f5: {  	v39 =	vor.u32 $0x6, v27;
	v29 =	vmul.f32 $8.000000000e+00, v29;
	[tilespmem:s6+$0xFFFFFE00] =	vst v21;
	v21 =	vor.u32 $0x5, v27;
	v32 =	vld.idx.msk [tilespmem:v41+s17+$0x0], $0xffff  }
0x2f6: {  	v31 =	vmul.f32 $8.000000000e+00, v31;
	v22 =	vmul.f32 $8.000000000e+00, v22;
	v24 =	vld.idx.msk [tilespmem:v24+s17+$0x0], $0xffff;
	[tilespmem:s3+$0xFFFFFE70] =	vst v26;
	s3 =	smov.u32 s7;
	s7 =	smov.u32 s6  }
0x2f7: {  	v26 =	vmul.f32 $8.000000000e+00, v34;
	[tilespmem:s6+$0x190] =	vst v29;
	v28 =	vld.idx.msk [tilespmem:v28+s17+$0x0], $0xffff  }
0x2f8: {  	[tilespmem:s6+$0xFFFFFE90] =	vst v22;
	v22 =	vmul.f32 $8.000000000e+00, v23;
	v23 =	vld.idx.msk [tilespmem:v25+s17+$0x0], $0xffff  }
0x2f9: {  	v11 =	vadd.s32 $0x8, v11;
	v25 =	vld.idx.msk [tilespmem:v33+s17+$0x0], $0xffff;
	[tilespmem:s6+$0xFFFFFF10] =	vst v26;
	v26 =	vmul.f32 $8.000000000e+00, v35  }
0x2fa: {  	v29 =	vand.u32 $0xFFFFFFF8, v11;
	v33 =	vld.idx.msk [tilespmem:v36+s17+$0x0], $0xffff;
	[tilespmem:s6+$0xFFFFFF90] =	vst v22;
	v22 =	vmul.f32 $8.000000000e+00, v30  }
0x2fb: {  	v29 =	vadd.s32 v3, v29;
	v30 =	vld.idx.msk [tilespmem:v37+s17+$0x0], $0xffff;
	[tilespmem:s6+$0x10] =	vst v26;
	v26 =	vmul.f32 $8.000000000e+00, v32  }
0x2fc: {  	v24 =	vmul.f32 $8.000000000e+00, v24;
	v32 =	vor.u32 $0x1, v29;
	v34 =	vld.idx.msk [tilespmem:v38+s17+$0x0], $0xffff;
	[tilespmem:s6+$0x90] =	vst v22;
	v22 =	vor.u32 $0x7, v29  }
0x2fd: {  	v35 =	vor.u32 $0x2, v29;
	v36 =	vor.u32 $0x3, v29;
	v37 =	vor.u32 $0x4, v29;
	v21 =	vld.idx.msk [tilespmem:v21+s17+$0x0], $0xffff;
	[tilespmem:s6+$0x110] =	vst v26  }
0x2fe: {  	v38 =	vor.u32 $0x6, v29;
	v23 =	vmul.f32 $8.000000000e+00, v23;
	[tilespmem:s6+$0xFFFFFE10] =	vst v24;
	v24 =	vor.u32 $0x5, v29;
	v26 =	vld.idx.msk [tilespmem:v39+s17+$0x0], $0xffff  }
0x2ff: {  	v28 =	vmul.f32 $8.000000000e+00, v28;
	v25 =	vmul.f32 $8.000000000e+00, v25;
	v27 =	vld.idx.msk [tilespmem:v27+s17+$0x0], $0xffff;
	[tilespmem:s3+$0xFFFFFEF0] =	vst v31  }
0x300: {  	v31 =	vmul.f32 $8.000000000e+00, v33;
	[tilespmem:s6+$0x1A0] =	vst v23;
	v20 =	vld.idx.msk [tilespmem:v20+s17+$0x0], $0xffff  }
0x301: {  	v23 =	vmul.f32 $8.000000000e+00, v30;
	[tilespmem:s6+$0xFFFFFEA0] =	vst v25;
	v22 =	vld.idx.msk [tilespmem:v22+s17+$0x0], $0xffff  }
0x302: {  	v12 =	vadd.s32 $0x8, v12;
	v30 =	vmul.f32 $8.000000000e+00, v34;
	v25 =	vld.idx.msk [tilespmem:v32+s17+$0x0], $0xffff;
	[tilespmem:s6+$0xFFFFFF20] =	vst v31  }
0x303: {  	v31 =	vand.u32 $0xFFFFFFF8, v12;
	v21 =	vmul.f32 $8.000000000e+00, v21;
	v32 =	vld.idx.msk [tilespmem:v35+s17+$0x0], $0xffff;
	[tilespmem:s6+$0xFFFFFFA0] =	vst v23  }
0x304: {  	v23 =	vadd.s32 v4, v31;
	v26 =	vmul.f32 $8.000000000e+00, v26;
	v31 =	vld.idx.msk [tilespmem:v36+s17+$0x0], $0xffff;
	[tilespmem:s6+$0x20] =	vst v30  }
0x305: {  	v27 =	vmul.f32 $8.000000000e+00, v27;
	v30 =	vor.u32 $0x1, v23;
	v33 =	vld.idx.msk [tilespmem:v37+s17+$0x0], $0xffff;
	[tilespmem:s6+$0xA0] =	vst v21;
	v21 =	vor.u32 $0x7, v23  }
0x306: {  	v34 =	vor.u32 $0x2, v23;
	v35 =	vor.u32 $0x3, v23;
	v36 =	vor.u32 $0x4, v23;
	v24 =	vld.idx.msk [tilespmem:v24+s17+$0x0], $0xffff;
	[tilespmem:s6+$0x120] =	vst v26  }
0x307: {  	v37 =	vor.u32 $0x6, v23;
	v26 =	vor.u32 $0x5, v23;
	v22 =	vmul.f32 $8.000000000e+00, v22;
	[tilespmem:s6+$0xFFFFFE20] =	vst v27;
	v27 =	vld.idx.msk [tilespmem:v38+s17+$0x0], $0xffff  }
0x308: {  	v20 =	vmul.f32 $8.000000000e+00, v20;
	v25 =	vmul.f32 $8.000000000e+00, v25;
	v29 =	vld.idx.msk [tilespmem:v29+s17+$0x0], $0xffff;
	[tilespmem:s3+$0xFFFFFF70] =	vst v28  }
0x309: {  	v28 =	vmul.f32 $8.000000000e+00, v32;
	[tilespmem:s6+$0x1B0] =	vst v22;
	v19 =	vld.idx.msk [tilespmem:v19+s17+$0x0], $0xffff  }
0x30a: {  	v22 =	vmul.f32 $8.000000000e+00, v31;
	[tilespmem:s6+$0xFFFFFEB0] =	vst v25;
	v21 =	vld.idx.msk [tilespmem:v21+s17+$0x0], $0xffff  }
0x30b: {  	v13 =	vadd.s32 $0x8, v13;
	v25 =	vld.idx.msk [tilespmem:v30+s17+$0x0], $0xffff;
	[tilespmem:s6+$0xFFFFFF30] =	vst v28;
	v28 =	vmul.f32 $8.000000000e+00, v33  }
0x30c: {  	v30 =	vand.u32 $0xFFFFFFF8, v13;
	v31 =	vld.idx.msk [tilespmem:v34+s17+$0x0], $0xffff;
	[tilespmem:s6+$0xFFFFFFB0] =	vst v22;
	v22 =	vmul.f32 $8.000000000e+00, v24  }
0x30d: {  	v30 =	vadd.s32 v5, v30;
	v27 =	vmul.f32 $8.000000000e+00, v27;
	v24 =	vld.idx.msk [tilespmem:v35+s17+$0x0], $0xffff;
	[tilespmem:s6+$0x30] =	vst v28  }
0x30e: {  	v28 =	vmul.f32 $8.000000000e+00, v29;
	v29 =	vor.u32 $0x1, v30;
	v32 =	vld.idx.msk [tilespmem:v36+s17+$0x0], $0xffff;
	[tilespmem:s6+$0xB0] =	vst v22;
	v22 =	vor.u32 $0x7, v30  }
0x30f: {  	v33 =	vor.u32 $0x2, v30;
	v34 =	vor.u32 $0x3, v30;
	v35 =	vor.u32 $0x4, v30;
	v26 =	vld.idx.msk [tilespmem:v26+s17+$0x0], $0xffff;
	[tilespmem:s6+$0x130] =	vst v27  }
0x310: {  	v36 =	vor.u32 $0x6, v30;
	v27 =	vor.u32 $0x5, v30;
	v21 =	vmul.f32 $8.000000000e+00, v21;
	[tilespmem:s6+$0xFFFFFE30] =	vst v28;
	v28 =	vld.idx.msk [tilespmem:v37+s17+$0x0], $0xffff  }
0x311: {  	v25 =	vmul.f32 $8.000000000e+00, v25;
	v23 =	vld.idx.msk [tilespmem:v23+s17+$0x0], $0xffff;
	[tilespmem:s3+$0xFFFFFFF0] =	vst v20;
	v20 =	vmul.f32 $8.000000000e+00, v19  }
0x312: {  	v19 =	vmul.f32 $8.000000000e+00, v31;
	[tilespmem:s6+$0x1C0] =	vst v21;
	v21 =	vld.idx.msk [tilespmem:v18+s17+$0x0], $0xffff  }
0x313: {  	v18 =	vmul.f32 $8.000000000e+00, v24;
	[tilespmem:s6+$0xFFFFFEC0] =	vst v25;
	v25 =	vld.idx.msk [tilespmem:v22+s17+$0x0], $0xffff  }
0x314: {  	v14 =	vadd.s32 $0x8, v14;
	v29 =	vld.idx.msk [tilespmem:v29+s17+$0x0], $0xffff;
	[tilespmem:s6+$0xFFFFFF40] =	vst v19;
	v19 =	vmul.f32 $8.000000000e+00, v32  }
0x315: {  	v22 =	vand.u32 $0xFFFFFFF8, v14;
	v24 =	vmul.f32 $8.000000000e+00, v26;
	v31 =	vld.idx.msk [tilespmem:v33+s17+$0x0], $0xffff;
	[tilespmem:s6+$0xFFFFFFC0] =	vst v18  }
0x316: {  	v18 =	vadd.s32 v6, v22;
	v32 =	vld.idx.msk [tilespmem:v34+s17+$0x0], $0xffff;
	[tilespmem:s6+$0x40] =	vst v19;
	v19 =	vmul.f32 $8.000000000e+00, v28  }
0x317: {  	v22 =	vmul.f32 $8.000000000e+00, v23;
	v28 =	vor.u32 $0x1, v18;
	v34 =	vor.u32 $0x7, v18;
	v33 =	vld.idx.msk [tilespmem:v35+s17+$0x0], $0xffff;
	[tilespmem:s6+$0xC0] =	vst v24  }
0x318: {  	v23 =	vor.u32 $0x4, v18;
	v35 =	vor.u32 $0x2, v18;
	v24 =	vor.u32 $0x3, v18;
	v37 =	vld.idx.msk [tilespmem:v27+s17+$0x0], $0xffff;
	[tilespmem:s6+$0x140] =	vst v19  }
0x319: {  	v19 =	vor.u32 $0x6, v18;
	v27 =	vmul.f32 $8.000000000e+00, v25;
	[tilespmem:s6+$0xFFFFFE40] =	vst v22;
	v22 =	vor.u32 $0x5, v18;
	v26 =	vld.idx.msk [tilespmem:v36+s17+$0x0], $0xffff  }
.Ltmp5:
0x31a: {  	v29 =	vmul.f32 $8.000000000e+00, v29;
	v25 =	vld.idx.msk [tilespmem:v30+s17+$0x0], $0xffff;
	[tilespmem:s3+$0x70] =	vst v20;
	v20 =	vmul.f32 $8.000000000e+00, v21;
	(pc) =	sbr.rel @p1 .LBB2_11-.Ltmp5, $4  }
0x31b: {  	v30 =	vmul.f32 $8.000000000e+00, v31;
	[tilespmem:s6+$0x1D0] =	vst v27;
	v21 =	vld.idx.msk [tilespmem:v17+s17+$0x0], $0xffff  }
0x31c: {  	v32 =	vmul.f32 $8.000000000e+00, v32;
	[tilespmem:s6+$0xFFFFFED0] =	vst v29;
	v27 =	vld.idx.msk [tilespmem:v34+s17+$0x0], $0xffff  }
0x31d: {  	v15 =	vadd.s32 $0x8, v15;
	v29 =	vmul.f32 $8.000000000e+00, v33;
	v17 =	vld.idx.msk [tilespmem:v28+s17+$0x0], $0xffff;
	[tilespmem:s6+$0xFFFFFF50] =	vst v30  }
0x31e: {  	v16 =	vadd.s32 $0x8, v16;
	v31 =	vand.u32 $0xFFFFFFF8, v15;
	v30 =	vmul.f32 $8.000000000e+00, v37;
	v28 =	vld.idx.msk [tilespmem:v35+s17+$0x0], $0xffff;
	[tilespmem:s6+$0xFFFFFFD0] =	vst v32  }
0x31f: {  	_ =	sdelay $0x3  }
0x320: {  	[tilespmem:s6+$0x50] =	vst v29;
	v9 =	vmul.f32 $8.000000000e+00, v26;
	v11 =	vld.idx.msk [tilespmem:v24+s17+$0x0], $0xffff  }
0x321: {  	v10 =	vadd.s32 v7, v31;
	v12 =	vmul.f32 $8.000000000e+00, v25;
	v8 =	vld.idx.msk [tilespmem:v8+s17+$0x0], $0xffff;
	[tilespmem:s6+$0xD0] =	vst v30  }
0x322: {  	v13 =	vld.idx.msk [tilespmem:v23+s17+$0x0], $0xffff;
	v14 =	vor.u32 $0x7, v10;
	[tilespmem:s6+$0x150] =	vst v9  }
0x323: {  	v9 =	vld.idx.msk [tilespmem:v22+s17+$0x0], $0xffff;
	[tilespmem:s6+$0xFFFFFE50] =	vst v12;
	v12 =	vmul.f32 $8.000000000e+00, v27  }
0x324: {  	[tilespmem:s3+$0xF0] =	vst v20;
	v15 =	vld.idx.msk [tilespmem:v19+s17+$0x0], $0xffff;
	v16 =	vmul.f32 $8.000000000e+00, v17;
	v17 =	vor.u32 $0x1, v10  }
0x325: {  	v20 =	vor.u32 $0x2, v10;
	v19 =	vmul.f32 $8.000000000e+00, v28;
	[tilespmem:s6+$0x1E0] =	vst v12  }
0x326: {  	v18 =	vld.idx.msk [tilespmem:v18+s17+$0x0], $0xffff;
	v12 =	vor.u32 $0x3, v10;
	[tilespmem:s6+$0xFFFFFEE0] =	vst v16;
	v11 =	vmul.f32 $8.000000000e+00, v11  }
0x327: {  	v16 =	vor.u32 $0x4, v10;
	v14 =	vld.idx.msk [tilespmem:v14+s17+$0x0], $0xffff;
	[tilespmem:s6+$0xFFFFFF60] =	vst v19;
	v13 =	vmul.f32 $8.000000000e+00, v13  }
0x328: {  	v19 =	vor.u32 $0x5, v10;
	[tilespmem:s6+$0xFFFFFFE0] =	vst v11;
	v9 =	vmul.f32 $8.000000000e+00, v9  }
0x329: {  	v8 =	vmul.f32 $8.000000000e+00, v8;
	v11 =	vor.u32 $0x6, v10;
	[tilespmem:s6+$0x60] =	vst v13;
	v13 =	vmul.f32 $8.000000000e+00, v15;
	v15 =	vld.idx.msk [tilespmem:v17+s17+$0x0], $0xffff  }
0x32a: {  	[tilespmem:s6+$0xE0] =	vst v9;
	v9 =	vld.idx.msk [tilespmem:v20+s17+$0x0], $0xffff  }
0x32b: {  	[tilespmem:s3+$0xFFFFFE70] =	vst v8;
	v17 =	vmul.f32 $8.000000000e+00, v18;
	v12 =	vld.idx.msk [tilespmem:v12+s17+$0x0], $0xffff  }
0x32c: {  	[tilespmem:s6+$0x160] =	vst v13;
	v13 =	vmul.f32 $8.000000000e+00, v14;
	v14 =	vld.idx.msk [tilespmem:v16+s17+$0x0], $0xffff  }
0x32d: {  	v18 =	vmul.f32 $8.000000000e+00, v21;
	[tilespmem:s6+$0xFFFFFE60] =	vst v17;
	v16 =	vld.idx.msk [tilespmem:v19+s17+$0x0], $0xffff  }
0x32e: {  	v11 =	vld.idx.msk [tilespmem:v11+s17+$0x0], $0xffff;
	[tilespmem:s7+$0x1F0] =	vst v13;
	v13 =	vmul.f32 $8.000000000e+00, v15  }
0x32f: {  	[tilespmem:s3+$0x170] =	vst v18;
	v8 =	vmul.f32 $8.000000000e+00, v9;
	v9 =	vld.idx.msk [tilespmem:v10+s17+$0x0], $0xffff  }
0x330: {  	v10 =	vmul.f32 $8.000000000e+00, v12;
	[tilespmem:s7+$0xFFFFFEF0] =	vst v13  }
0x331: {  	[tilespmem:s7+$0xFFFFFF70] =	vst v8;
	v8 =	vmul.f32 $8.000000000e+00, v14  }
0x332: {  	[tilespmem:s7+$0xFFFFFFF0] =	vst v10;
	v10 =	vmul.f32 $8.000000000e+00, v16  }
0x333: {  	s16 =	sshll.u32 s14, $0x12;
	[tilespmem:s7+$0x70] =	vst v8;
	v8 =	vmul.f32 $8.000000000e+00, v11  }
0x334: {  	s3 =	sor.u32 s4, s16;
	[tilespmem:s7+$0xF0] =	vst v10;
	v9 =	vmul.f32 $8.000000000e+00, v9  }
0x335: {  	s3 =	sshrl.u32 s3, $0x3;
	[tilespmem:s7+$0x170] =	vst v8  }
0x336: {  	s3 =	sadd.s32 s2, s3;
	[tilespmem:s7+$0xFFFFFE70] =	vst v9  }
0x337: {  	[hbm4b:s3+s8] =	stream.strided.scatter [tilespmem:s21], [sflag:$0x6], $0x2000, s9, s8, $0x38;
	[tilespmem:$0x1A600] =	vst v63  }
0x338: {  	v8 =	vld @!p0 [tilespmem:s1+$0x300];
	_ =	sdelay $0x4  }
0x339: {  	v8 =	vshra.s32 @!p0 v8, $0x1  }
0x33a: {  	[tilespmem:$0x6500] =	vst @!p0 v8  }
0x33b: {  	v8 =	vld @!p0 [tilespmem:s1+$0x310];
	_ =	sdelay $0x4  }
0x33c: {  	v8 =	vshra.s32 @!p0 v8, $0x1  }
0x33d: {  	[tilespmem:$0x6510] =	vst @!p0 v8  }
0x33e: {  	v8 =	vld @!p0 [tilespmem:s1+$0x320];
	_ =	sdelay $0x4  }
0x33f: {  	v8 =	vshra.s32 @!p0 v8, $0x1  }
0x340: {  	[tilespmem:$0x6520] =	vst @!p0 v8  }
0x341: {  	v8 =	vld @!p0 [tilespmem:s1+$0x330];
	_ =	sdelay $0x4  }
0x342: {  	v8 =	vshra.s32 @!p0 v8, $0x1  }
0x343: {  	[tilespmem:$0x6530] =	vst @!p0 v8  }
0x344: {  	v8 =	vld @!p0 [tilespmem:s1+$0x340];
	_ =	sdelay $0x4  }
0x345: {  	v8 =	vshra.s32 @!p0 v8, $0x1  }
0x346: {  	[tilespmem:$0x6540] =	vst @!p0 v8  }
0x347: {  	v8 =	vld @!p0 [tilespmem:s1+$0x350];
	_ =	sdelay $0x4  }
0x348: {  	v8 =	vshra.s32 @!p0 v8, $0x1  }
0x349: {  	[tilespmem:$0x6550] =	vst @!p0 v8  }
0x34a: {  	v8 =	vld @!p0 [tilespmem:s1+$0x360];
	_ =	sdelay $0x4  }
0x34b: {  	v8 =	vshra.s32 @!p0 v8, $0x1  }
0x34c: {  	[tilespmem:$0x6560] =	vst @!p0 v8  }
0x34d: {  	v8 =	vld @!p0 [tilespmem:s1+$0x370];
	_ =	sdelay $0x4  }
0x34e: {  	v8 =	vshra.s32 @!p0 v8, $0x1  }
0x34f: {  	s6 =	simm.s32 @!p0 $0xE600;
	s3 =	simm.s32 @!p0 $0x6500;
	s1 =	simm.s32 @!p0 $0x80;
	[tilespmem:$0x6570] =	vst @!p0 v8  }
0x350: {  	[tilespmem:s6], [sflag:$0x4] =	stream.indirect.gather @!p0 [hbm4b:s5+s1], $0x80, s3, s1, $0xb8;
	[tilespmem:$0x1A600] =	vst v63  }
0x351: {  	_ =	swait.ge [sflag:s28], $0x4000  }
0x352: {  	[sflag:s28] =	ssyncset.done $0x0  }
0x353: {  	[sflag:s28] =	ssyncadd.s32 $0xFFFFC000  }
0x354: {  	_ =	swait.ge [sflag:s23], $0x2000  }
0x355: {  	[sflag:s23] =	ssyncset.done $0x0  }
0x356: {  	[sflag:s23] =	ssyncadd.s32 $0xFFFFE000  }
0x357: {  	v8 =	vld [tilespmem:s0+$0x0];
	_ =	sdelay $0x4  }
0x358: {  	v8 =	vshll.u32 v8, $0x6  }
0x359: {  	v8 =	vand.u32 $0x40, v8  }
0x35a: {  	v9 =	vld [tilespmem:s0+$0x10];
	v10 =	vand.u32 $0xFFFFFFF8, v8  }
0x35b: {  	v11 =	vld [tilespmem:s0+$0x20];
	v10 =	vadd.s32 v0, v10  }
0x35c: {  	v12 =	vld [tilespmem:s0+$0x30];
	v16 =	vor.u32 $0x7, v10  }
0x35d: {  	v17 =	vld [tilespmem:s0+$0x40];
	v18 =	vor.u32 $0x1, v10  }
0x35e: {  	v13 =	vld [tilespmem:s0+$0x50];
	v19 =	vor.u32 $0x2, v10  }
0x35f: {  	v14 =	vld [tilespmem:s0+$0x60];
	v20 =	vor.u32 $0x3, v10  }
0x360: {  	v15 =	vld [tilespmem:s0+$0x70];
	v9 =	vshll.u32 v9, $0x6;
	v21 =	vor.u32 $0x4, v10  }
0x361: {  	v9 =	vand.u32 $0x40, v9;
	v16 =	vld.idx.msk [tilespmem:v16+s19+$0x0], $0xffff  }
0x362: {  	v24 =	vand.u32 $0xFFFFFFF8, v9;
	v22 =	vor.u32 $0x5, v10;
	v18 =	vld.idx.msk [tilespmem:v18+s19+$0x0], $0xffff  }
0x363: {  	v24 =	vadd.s32 v1, v24;
	v23 =	vor.u32 $0x6, v10;
	v19 =	vld.idx.msk [tilespmem:v19+s19+$0x0], $0xffff  }
0x364: {  	v25 =	vor.u32 $0x7, v24;
	v20 =	vld.idx.msk [tilespmem:v20+s19+$0x0], $0xffff  }
0x365: {  	v26 =	vor.u32 $0x1, v24;
	v21 =	vld.idx.msk [tilespmem:v21+s19+$0x0], $0xffff  }
0x366: {  	v27 =	vor.u32 $0x2, v24;
	v30 =	vld.idx.msk [tilespmem:v10+s19+$0x0], $0xffff;
	v16 =	vmul.f32 $8.000000000e+00, v16  }
0x367: {  	s0 =	simm.s32 $0x18800;
	v28 =	vor.u32 $0x3, v24;
	v22 =	vld.idx.msk [tilespmem:v22+s19+$0x0], $0xffff;
	v18 =	vmul.f32 $8.000000000e+00, v18  }
0x368: {  	v29 =	vor.u32 $0x4, v24;
	v23 =	vld.idx.msk [tilespmem:v23+s19+$0x0], $0xffff;
	v19 =	vmul.f32 $8.000000000e+00, v19;
	[tilespmem:s0+$0x180] =	vst v16  }
0x369: {  	v11 =	vshll.u32 v11, $0x6;
	[tilespmem:s0+$0xFFFFFE80] =	vst v18;
	v16 =	vmul.f32 $8.000000000e+00, v20;
	v18 =	vld.idx.msk [tilespmem:v25+s19+$0x0], $0xffff  }
0x36a: {  	v10 =	vand.u32 $0x40, v11;
	v11 =	vor.u32 $0x5, v24;
	[tilespmem:s0+$0xFFFFFF00] =	vst v19;
	v19 =	vmul.f32 $8.000000000e+00, v21;
	v25 =	vld.idx.msk [tilespmem:v26+s19+$0x0], $0xffff  }
0x36b: {  	v20 =	vor.u32 $0x6, v24;
	v21 =	vand.u32 $0xFFFFFFF8, v10;
	v26 =	vld.idx.msk [tilespmem:v27+s19+$0x0], $0xffff;
	v27 =	vmul.f32 $8.000000000e+00, v30;
	[tilespmem:s0+$0xFFFFFF80] =	vst v16  }
0x36c: {  	v21 =	vadd.s32 v2, v21;
	v16 =	vmul.f32 $8.000000000e+00, v22;
	[tilespmem:s0+$0x0] =	vst v19;
	v22 =	vld.idx.msk [tilespmem:v28+s19+$0x0], $0xffff  }
0x36d: {  	v19 =	vmul.f32 $8.000000000e+00, v23;
	v23 =	vor.u32 $0x7, v21;
	v29 =	vld.idx.msk [tilespmem:v29+s19+$0x0], $0xffff;
	[tilespmem:s0+$0xFFFFFE00] =	vst v27  }
0x36e: {  	v28 =	vor.u32 $0x1, v21;
	[tilespmem:s0+$0x80] =	vst v16;
	v24 =	vld.idx.msk [tilespmem:v24+s19+$0x0], $0xffff  }
0x36f: {  	v16 =	vor.u32 $0x2, v21;
	[tilespmem:s0+$0x100] =	vst v19;
	v30 =	vld.idx.msk [tilespmem:v11+s19+$0x0], $0xffff;
	v11 =	vmul.f32 $8.000000000e+00, v18  }
0x370: {  	v19 =	vld.idx.msk [tilespmem:v20+s19+$0x0], $0xffff;
	v18 =	vor.u32 $0x3, v21;
	v20 =	vmul.f32 $8.000000000e+00, v25  }
0x371: {  	v25 =	vor.u32 $0x4, v21;
	v26 =	vmul.f32 $8.000000000e+00, v26;
	[tilespmem:s0+$0x190] =	vst v11  }
0x372: {  	v12 =	vshll.u32 v12, $0x6;
	[tilespmem:s0+$0xFFFFFE90] =	vst v20;
	v20 =	vmul.f32 $8.000000000e+00, v22;
	v22 =	vld.idx.msk [tilespmem:v23+s19+$0x0], $0xffff  }
0x373: {  	v11 =	vand.u32 $0x40, v12;
	v12 =	vor.u32 $0x5, v21;
	[tilespmem:s0+$0xFFFFFF10] =	vst v26;
	v26 =	vmul.f32 $8.000000000e+00, v29;
	v27 =	vld.idx.msk [tilespmem:v28+s19+$0x0], $0xffff  }
0x374: {  	v23 =	vor.u32 $0x6, v21;
	v28 =	vand.u32 $0xFFFFFFF8, v11;
	v16 =	vld.idx.msk [tilespmem:v16+s19+$0x0], $0xffff;
	v24 =	vmul.f32 $8.000000000e+00, v24;
	[tilespmem:s0+$0xFFFFFF90] =	vst v20  }
0x375: {  	v20 =	vmul.f32 $8.000000000e+00, v30;
	v28 =	vadd.s32 v3, v28;
	[tilespmem:s0+$0x10] =	vst v26;
	v18 =	vld.idx.msk [tilespmem:v18+s19+$0x0], $0xffff  }
0x376: {  	v19 =	vmul.f32 $8.000000000e+00, v19;
	v26 =	vor.u32 $0x7, v28;
	v25 =	vld.idx.msk [tilespmem:v25+s19+$0x0], $0xffff;
	[tilespmem:s0+$0xFFFFFE10] =	vst v24  }
0x377: {  	v29 =	vor.u32 $0x1, v28;
	[tilespmem:s0+$0x90] =	vst v20;
	v21 =	vld.idx.msk [tilespmem:v21+s19+$0x0], $0xffff  }
0x378: {  	v20 =	vor.u32 $0x2, v28;
	[tilespmem:s0+$0x110] =	vst v19;
	v30 =	vld.idx.msk [tilespmem:v12+s19+$0x0], $0xffff;
	v12 =	vmul.f32 $8.000000000e+00, v22  }
0x379: {  	v19 =	vor.u32 $0x3, v28;
	v22 =	vld.idx.msk [tilespmem:v23+s19+$0x0], $0xffff;
	v23 =	vmul.f32 $8.000000000e+00, v27  }
0x37a: {  	v24 =	vor.u32 $0x4, v28;
	v16 =	vmul.f32 $8.000000000e+00, v16;
	[tilespmem:s0+$0x1A0] =	vst v12  }
0x37b: {  	v17 =	vshll.u32 v17, $0x6;
	[tilespmem:s0+$0xFFFFFEA0] =	vst v23;
	v18 =	vmul.f32 $8.000000000e+00, v18;
	v23 =	vld.idx.msk [tilespmem:v26+s19+$0x0], $0xffff  }
0x37c: {  	v12 =	vand.u32 $0x40, v17;
	v17 =	vor.u32 $0x5, v28;
	[tilespmem:s0+$0xFFFFFF20] =	vst v16;
	v16 =	vmul.f32 $8.000000000e+00, v25;
	v27 =	vld.idx.msk [tilespmem:v29+s19+$0x0], $0xffff  }
0x37d: {  	v26 =	vor.u32 $0x6, v28;
	v25 =	vand.u32 $0xFFFFFFF8, v12;
	v20 =	vld.idx.msk [tilespmem:v20+s19+$0x0], $0xffff;
	v21 =	vmul.f32 $8.000000000e+00, v21;
	[tilespmem:s0+$0xFFFFFFA0] =	vst v18  }
0x37e: {  	v18 =	vmul.f32 $8.000000000e+00, v30;
	v25 =	vadd.s32 v4, v25;
	[tilespmem:s0+$0x20] =	vst v16;
	v19 =	vld.idx.msk [tilespmem:v19+s19+$0x0], $0xffff  }
0x37f: {  	v16 =	vmul.f32 $8.000000000e+00, v22;
	v22 =	vor.u32 $0x7, v25;
	v24 =	vld.idx.msk [tilespmem:v24+s19+$0x0], $0xffff;
	[tilespmem:s0+$0xFFFFFE20] =	vst v21  }
0x380: {  	v29 =	vor.u32 $0x1, v25;
	[tilespmem:s0+$0xA0] =	vst v18;
	v28 =	vld.idx.msk [tilespmem:v28+s19+$0x0], $0xffff  }
0x381: {  	v18 =	vor.u32 $0x2, v25;
	v17 =	vld.idx.msk [tilespmem:v17+s19+$0x0], $0xffff;
	[tilespmem:s0+$0x120] =	vst v16;
	v16 =	vmul.f32 $8.000000000e+00, v23  }
0x382: {  	v23 =	vor.u32 $0x3, v25;
	v21 =	vld.idx.msk [tilespmem:v26+s19+$0x0], $0xffff;
	v26 =	vmul.f32 $8.000000000e+00, v27  }
0x383: {  	v27 =	vor.u32 $0x4, v25;
	v20 =	vmul.f32 $8.000000000e+00, v20;
	[tilespmem:s0+$0x1B0] =	vst v16  }
0x384: {  	v13 =	vshll.u32 v13, $0x6;
	v16 =	vor.u32 $0x5, v25;
	[tilespmem:s0+$0xFFFFFEB0] =	vst v26;
	v19 =	vmul.f32 $8.000000000e+00, v19;
	v22 =	vld.idx.msk [tilespmem:v22+s19+$0x0], $0xffff  }
0x385: {  	v13 =	vand.u32 $0x40, v13;
	[tilespmem:s0+$0xFFFFFF30] =	vst v20;
	v20 =	vmul.f32 $8.000000000e+00, v24;
	v29 =	vld.idx.msk [tilespmem:v29+s19+$0x0], $0xffff  }
0x386: {  	v26 =	vor.u32 $0x6, v25;
	v24 =	vand.u32 $0xFFFFFFF8, v13;
	v18 =	vld.idx.msk [tilespmem:v18+s19+$0x0], $0xffff;
	[tilespmem:s0+$0xFFFFFFB0] =	vst v19;
	v17 =	vmul.f32 $8.000000000e+00, v17  }
0x387: {  	v19 =	vadd.s32 v5, v24;
	[tilespmem:s0+$0x30] =	vst v20;
	v24 =	vmul.f32 $8.000000000e+00, v28;
	v23 =	vld.idx.msk [tilespmem:v23+s19+$0x0], $0xffff  }
0x388: {  	v20 =	vmul.f32 $8.000000000e+00, v21;
	v21 =	vor.u32 $0x7, v19;
	v27 =	vld.idx.msk [tilespmem:v27+s19+$0x0], $0xffff;
	[tilespmem:s0+$0xB0] =	vst v17  }
0x389: {  	v28 =	vor.u32 $0x1, v19;
	[tilespmem:s0+$0xFFFFFE30] =	vst v24;
	v16 =	vld.idx.msk [tilespmem:v16+s19+$0x0], $0xffff  }
0x38a: {  	v17 =	vor.u32 $0x2, v19;
	[tilespmem:s0+$0x130] =	vst v20;
	v25 =	vld.idx.msk [tilespmem:v25+s19+$0x0], $0xffff;
	v20 =	vmul.f32 $8.000000000e+00, v22  }
0x38b: {  	v22 =	vor.u32 $0x3, v19;
	v24 =	vld.idx.msk [tilespmem:v26+s19+$0x0], $0xffff;
	v26 =	vmul.f32 $8.000000000e+00, v29  }
0x38c: {  	v29 =	vor.u32 $0x4, v19;
	v18 =	vmul.f32 $8.000000000e+00, v18;
	[tilespmem:s0+$0x1C0] =	vst v20  }
0x38d: {  	v14 =	vshll.u32 v14, $0x6;
	v20 =	vor.u32 $0x5, v19;
	[tilespmem:s0+$0xFFFFFEC0] =	vst v26;
	v23 =	vmul.f32 $8.000000000e+00, v23;
	v21 =	vld.idx.msk [tilespmem:v21+s19+$0x0], $0xffff  }
0x38e: {  	v14 =	vand.u32 $0x40, v14;
	[tilespmem:s0+$0xFFFFFF40] =	vst v18;
	v18 =	vmul.f32 $8.000000000e+00, v27;
	v28 =	vld.idx.msk [tilespmem:v28+s19+$0x0], $0xffff  }
0x38f: {  	v26 =	vor.u32 $0x6, v19;
	v27 =	vand.u32 $0xFFFFFFF8, v14;
	v17 =	vld.idx.msk [tilespmem:v17+s19+$0x0], $0xffff;
	[tilespmem:s0+$0xFFFFFFC0] =	vst v23;
	v16 =	vmul.f32 $8.000000000e+00, v16  }
0x390: {  	v23 =	vadd.s32 v6, v27;
	[tilespmem:s0+$0x40] =	vst v18;
	v25 =	vmul.f32 $8.000000000e+00, v25;
	v22 =	vld.idx.msk [tilespmem:v22+s19+$0x0], $0xffff  }
0x391: {  	v18 =	vmul.f32 $8.000000000e+00, v24;
	v24 =	vor.u32 $0x7, v23;
	v29 =	vld.idx.msk [tilespmem:v29+s19+$0x0], $0xffff;
	[tilespmem:s0+$0xC0] =	vst v16  }
0x392: {  	v27 =	vor.u32 $0x1, v23;
	[tilespmem:s0+$0xFFFFFE40] =	vst v25;
	v20 =	vld.idx.msk [tilespmem:v20+s19+$0x0], $0xffff  }
0x393: {  	v30 =	vor.u32 $0x2, v23;
	[tilespmem:s0+$0x140] =	vst v18;
	v19 =	vld.idx.msk [tilespmem:v19+s19+$0x0], $0xffff;
	v16 =	vmul.f32 $8.000000000e+00, v21  }
0x394: {  	v15 =	vshll.u32 v15, $0x6;
	v18 =	vor.u32 $0x3, v23;
	v21 =	vld.idx.msk [tilespmem:v26+s19+$0x0], $0xffff;
	v25 =	vmul.f32 $8.000000000e+00, v28  }
0x395: {  	v15 =	vand.u32 $0x40, v15;
	v26 =	vor.u32 $0x4, v23;
	v17 =	vmul.f32 $8.000000000e+00, v17;
	[tilespmem:s0+$0x1D0] =	vst v16  }
0x396: {  	v31 =	vor.u32 $0x6, v23;
	v28 =	vor.u32 $0x5, v23;
	[tilespmem:s0+$0xFFFFFED0] =	vst v25;
	v22 =	vmul.f32 $8.000000000e+00, v22;
	v24 =	vld.idx.msk [tilespmem:v24+s19+$0x0], $0xffff  }
0x397: {  	[tilespmem:s0+$0xFFFFFF50] =	vst v17;
	v17 =	vmul.f32 $8.000000000e+00, v29;
	v16 =	vadd.s32 $0x8, v8;
	v25 =	vld.idx.msk [tilespmem:v27+s19+$0x0], $0xffff;
	v27 =	vand.u32 $0xFFFFFFF8, v15  }
0x398: {  	v29 =	vld.idx.msk [tilespmem:v30+s19+$0x0], $0xffff;
	[tilespmem:s0+$0xFFFFFFD0] =	vst v22;
	v20 =	vmul.f32 $8.000000000e+00, v20;
	v22 =	vand.u32 $0xFFFFFFF8, v16;
	v8 =	vadd.s32 v7, v27  }
0x399: {  	[tilespmem:s0+$0x50] =	vst v17;
	v19 =	vmul.f32 $8.000000000e+00, v19;
	v18 =	vld.idx.msk [tilespmem:v18+s19+$0x0], $0xffff;
	v17 =	vmul.f32 $8.000000000e+00, v21;
	v21 =	vadd.s32 v0, v22  }
0x39a: {  	v22 =	vor.u32 $0x7, v8;
	v26 =	vld.idx.msk [tilespmem:v26+s19+$0x0], $0xffff;
	[tilespmem:s0+$0xD0] =	vst v20  }
0x39b: {  	v20 =	vor.u32 $0x7, v21;
	[tilespmem:s0+$0xFFFFFE50] =	vst v19;
	v28 =	vld.idx.msk [tilespmem:v28+s19+$0x0], $0xffff  }
0x39c: {  	v27 =	vor.u32 $0x1, v21;
	[tilespmem:s0+$0x150] =	vst v17;
	v23 =	vld.idx.msk [tilespmem:v23+s19+$0x0], $0xffff;
	v17 =	vmul.f32 $8.000000000e+00, v24  }
0x39d: {  	v30 =	vor.u32 $0x3, v21;
	v32 =	vor.u32 $0x6, v21;
	v24 =	vor.u32 $0x2, v21;
	v19 =	vld.idx.msk [tilespmem:v31+s19+$0x0], $0xffff  }
0x39e: {  	v25 =	vmul.f32 $8.000000000e+00, v25;
	v31 =	vor.u32 $0x5, v21;
	[tilespmem:s0+$0x1E0] =	vst v17;
	v17 =	vor.u32 $0x4, v21;
	v21 =	vld.idx.msk [tilespmem:v21+s19+$0x0], $0xffff  }
0x39f: {  	v29 =	vmul.f32 $8.000000000e+00, v29;
	v22 =	vld.idx.msk [tilespmem:v22+s19+$0x0], $0xffff  }
0x3a0: {  	v9 =	vadd.s32 $0x8, v9;
	[tilespmem:s0+$0xFFFFFEE0] =	vst v25;
	v18 =	vmul.f32 $8.000000000e+00, v18;
	v20 =	vld.idx.msk [tilespmem:v20+s19+$0x0], $0xffff  }
0x3a1: {  	[tilespmem:s0+$0xFFFFFF60] =	vst v29;
	v26 =	vmul.f32 $8.000000000e+00, v26;
	v25 =	vld.idx.msk [tilespmem:v27+s19+$0x0], $0xffff;
	v27 =	vand.u32 $0xFFFFFFF8, v9  }
0x3a2: {  	v29 =	vor.u32 $0x1, v8;
	[tilespmem:s0+$0xFFFFFFE0] =	vst v18;
	v18 =	vmul.f32 $8.000000000e+00, v28;
	v27 =	vadd.s32 v1, v27;
	v24 =	vld.idx.msk [tilespmem:v24+s19+$0x0], $0xffff  }
0x3a3: {  	v28 =	vld.idx.msk [tilespmem:v30+s19+$0x0], $0xffff;
	[tilespmem:s0+$0x60] =	vst v26;
	v23 =	vmul.f32 $8.000000000e+00, v23;
	v26 =	vor.u32 $0x7, v27  }
0x3a4: {  	v19 =	vmul.f32 $8.000000000e+00, v19;
	[tilespmem:s0+$0xE0] =	vst v18;
	v18 =	vor.u32 $0x1, v27;
	v17 =	vld.idx.msk [tilespmem:v17+s19+$0x0], $0xffff  }
0x3a5: {  	v30 =	vld.idx.msk [tilespmem:v31+s19+$0x0], $0xffff;
	v31 =	vor.u32 $0x2, v27;
	[tilespmem:s0+$0xFFFFFE60] =	vst v23;
	v20 =	vmul.f32 $8.000000000e+00, v20  }
0x3a6: {  	s1 =	simm.s32 $0x18C00;
	v59 =	vor.u32 $0x3, v27;
	[tilespmem:s0+$0x160] =	vst v19;
	v19 =	vld.idx.msk [tilespmem:v32+s19+$0x0], $0xffff;
	v23 =	vmul.f32 $8.000000000e+00, v25  }
0x3a7: {  	v25 =	vor.u32 $0x4, v27;
	v24 =	vmul.f32 $8.000000000e+00, v24;
	[tilespmem:s1+$0x180] =	vst v20;
	v20 =	vld.idx.msk [tilespmem:v29+s19+$0x0], $0xffff  }
0x3a8: {  	v29 =	vor.u32 $0x5, v27;
	[tilespmem:s1+$0xFFFFFE80] =	vst v23;
	v23 =	vmul.f32 $8.000000000e+00, v28;
	v26 =	vld.idx.msk [tilespmem:v26+s19+$0x0], $0xffff  }
0x3a9: {  	v10 =	vadd.s32 $0x8, v10;
	v28 =	vor.u32 $0x6, v27;
	v18 =	vld.idx.msk [tilespmem:v18+s19+$0x0], $0xffff;
	[tilespmem:s1+$0xFFFFFF00] =	vst v24;
	v17 =	vmul.f32 $8.000000000e+00, v17  }
0x3aa: {  	v24 =	vand.u32 $0xFFFFFFF8, v10;
	[tilespmem:s1+$0xFFFFFF80] =	vst v23;
	v23 =	vmul.f32 $8.000000000e+00, v30;
	v31 =	vld.idx.msk [tilespmem:v31+s19+$0x0], $0xffff  }
0x3ab: {  	v30 =	vor.u32 $0x2, v8;
	v24 =	vadd.s32 v2, v24;
	v32 =	vld.idx.msk [tilespmem:v59+s19+$0x0], $0xffff;
	[tilespmem:s1+$0x0] =	vst v17;
	v17 =	vmul.f32 $8.000000000e+00, v19  }
0x3ac: {  	v19 =	vmul.f32 $8.000000000e+00, v21;
	[tilespmem:s1+$0x80] =	vst v23;
	v23 =	vor.u32 $0x7, v24;
	v21 =	vld.idx.msk [tilespmem:v25+s19+$0x0], $0xffff  }
0x3ad: {  	v22 =	vmul.f32 $8.000000000e+00, v22;
	v25 =	vor.u32 $0x1, v24;
	v29 =	vld.idx.msk [tilespmem:v29+s19+$0x0], $0xffff;
	[tilespmem:s1+$0x100] =	vst v17  }
0x3ae: {  	v17 =	vor.u32 $0x2, v24;
	[tilespmem:s1+$0xFFFFFE00] =	vst v19;
	v26 =	vmul.f32 $8.000000000e+00, v26;
	v19 =	vld.idx.msk [tilespmem:v28+s19+$0x0], $0xffff  }
0x3af: {  	[tilespmem:s0+$0x1F0] =	vst v22;
	v22 =	vor.u32 $0x3, v24;
	v18 =	vmul.f32 $8.000000000e+00, v18;
	v27 =	vld.idx.msk [tilespmem:v27+s19+$0x0], $0xffff  }
0x3b0: {  	v28 =	vor.u32 $0x4, v24;
	v31 =	vmul.f32 $8.000000000e+00, v31;
	[tilespmem:s1+$0x190] =	vst v26;
	v26 =	vld.idx.msk [tilespmem:v30+s19+$0x0], $0xffff  }
0x3b1: {  	v30 =	vor.u32 $0x5, v24;
	[tilespmem:s1+$0xFFFFFE90] =	vst v18;
	v18 =	vmul.f32 $8.000000000e+00, v32;
	v23 =	vld.idx.msk [tilespmem:v23+s19+$0x0], $0xffff  }
0x3b2: {  	v11 =	vadd.s32 $0x8, v11;
	v60 =	vor.u32 $0x6, v24;
	v25 =	vld.idx.msk [tilespmem:v25+s19+$0x0], $0xffff;
	[tilespmem:s1+$0xFFFFFF10] =	vst v31;
	v21 =	vmul.f32 $8.000000000e+00, v21  }
0x3b3: {  	v31 =	vand.u32 $0xFFFFFFF8, v11;
	[tilespmem:s1+$0xFFFFFF90] =	vst v18;
	v18 =	vmul.f32 $8.000000000e+00, v29;
	v17 =	vld.idx.msk [tilespmem:v17+s19+$0x0], $0xffff  }
0x3b4: {  	v29 =	vor.u32 $0x3, v8;
	v31 =	vadd.s32 v3, v31;
	v22 =	vld.idx.msk [tilespmem:v22+s19+$0x0], $0xffff;
	[tilespmem:s1+$0x10] =	vst v21;
	v19 =	vmul.f32 $8.000000000e+00, v19  }
0x3b5: {  	v21 =	vmul.f32 $8.000000000e+00, v27;
	[tilespmem:s1+$0x90] =	vst v18;
	v18 =	vor.u32 $0x7, v31;
	v27 =	vld.idx.msk [tilespmem:v28+s19+$0x0], $0xffff  }
0x3b6: {  	v20 =	vmul.f32 $8.000000000e+00, v20;
	v28 =	vor.u32 $0x1, v31;
	v30 =	vld.idx.msk [tilespmem:v30+s19+$0x0], $0xffff;
	[tilespmem:s1+$0x110] =	vst v19  }
0x3b7: {  	v19 =	vor.u32 $0x2, v31;
	[tilespmem:s1+$0xFFFFFE10] =	vst v21;
	v23 =	vmul.f32 $8.000000000e+00, v23;
	v21 =	vld.idx.msk [tilespmem:v60+s19+$0x0], $0xffff  }
0x3b8: {  	[tilespmem:s0+$0xFFFFFEF0] =	vst v20;
	v61 =	vor.u32 $0x3, v31;
	v24 =	vld.idx.msk [tilespmem:v24+s19+$0x0], $0xffff;
	v25 =	vmul.f32 $8.000000000e+00, v25  }
0x3b9: {  	v20 =	vor.u32 $0x4, v31;
	v17 =	vmul.f32 $8.000000000e+00, v17;
	[tilespmem:s1+$0x1A0] =	vst v23;
	v23 =	vld.idx.msk [tilespmem:v29+s19+$0x0], $0xffff  }
0x3ba: {  	v29 =	vor.u32 $0x5, v31;
	v22 =	vmul.f32 $8.000000000e+00, v22;
	[tilespmem:s1+$0xFFFFFEA0] =	vst v25;
	v18 =	vld.idx.msk [tilespmem:v18+s19+$0x0], $0xffff  }
0x3bb: {  	v12 =	vadd.s32 $0x8, v12;
	v25 =	vor.u32 $0x6, v31;
	v28 =	vld.idx.msk [tilespmem:v28+s19+$0x0], $0xffff;
	[tilespmem:s1+$0xFFFFFF20] =	vst v17;
	v17 =	vmul.f32 $8.000000000e+00, v27  }
0x3bc: {  	v27 =	vand.u32 $0xFFFFFFF8, v12;
	[tilespmem:s1+$0xFFFFFFA0] =	vst v22;
	v22 =	vmul.f32 $8.000000000e+00, v30;
	v19 =	vld.idx.msk [tilespmem:v19+s19+$0x0], $0xffff  }
0x3bd: {  	v30 =	vor.u32 $0x4, v8;
	v27 =	vadd.s32 v4, v27;
	v32 =	vld.idx.msk [tilespmem:v61+s19+$0x0], $0xffff;
	[tilespmem:s1+$0x20] =	vst v17;
	v17 =	vmul.f32 $8.000000000e+00, v21  }
0x3be: {  	v21 =	vmul.f32 $8.000000000e+00, v24;
	[tilespmem:s1+$0xA0] =	vst v22;
	v22 =	vor.u32 $0x7, v27;
	v20 =	vld.idx.msk [tilespmem:v20+s19+$0x0], $0xffff  }
0x3bf: {  	v24 =	vmul.f32 $8.000000000e+00, v26;
	v26 =	vor.u32 $0x1, v27;
	v29 =	vld.idx.msk [tilespmem:v29+s19+$0x0], $0xffff;
	[tilespmem:s1+$0x120] =	vst v17  }
0x3c0: {  	v17 =	vor.u32 $0x2, v27;
	[tilespmem:s1+$0xFFFFFE20] =	vst v21;
	v18 =	vmul.f32 $8.000000000e+00, v18;
	v21 =	vld.idx.msk [tilespmem:v25+s19+$0x0], $0xffff  }
0x3c1: {  	[tilespmem:s0+$0xFFFFFF70] =	vst v24;
	v25 =	vor.u32 $0x3, v27;
	v31 =	vld.idx.msk [tilespmem:v31+s19+$0x0], $0xffff;
	v28 =	vmul.f32 $8.000000000e+00, v28  }
0x3c2: {  	v24 =	vor.u32 $0x4, v27;
	v30 =	vld.idx.msk [tilespmem:v30+s19+$0x0], $0xffff;
	v19 =	vmul.f32 $8.000000000e+00, v19;
	[tilespmem:s1+$0x1B0] =	vst v18  }
0x3c3: {  	v18 =	vor.u32 $0x5, v27;
	[tilespmem:s1+$0xFFFFFEB0] =	vst v28;
	v28 =	vmul.f32 $8.000000000e+00, v32;
	v22 =	vld.idx.msk [tilespmem:v22+s19+$0x0], $0xffff  }
0x3c4: {  	v13 =	vadd.s32 $0x8, v13;
	v62 =	vor.u32 $0x6, v27;
	v26 =	vld.idx.msk [tilespmem:v26+s19+$0x0], $0xffff;
	[tilespmem:s1+$0xFFFFFF30] =	vst v19;
	v19 =	vmul.f32 $8.000000000e+00, v20  }
0x3c5: {  	v20 =	vand.u32 $0xFFFFFFF8, v13;
	v17 =	vld.idx.msk [tilespmem:v17+s19+$0x0], $0xffff;
	[tilespmem:s1+$0xFFFFFFB0] =	vst v28;
	v28 =	vmul.f32 $8.000000000e+00, v29  }
0x3c6: {  	v29 =	vor.u32 $0x5, v8;
	v20 =	vadd.s32 v5, v20;
	v25 =	vld.idx.msk [tilespmem:v25+s19+$0x0], $0xffff;
	[tilespmem:s1+$0x30] =	vst v19;
	v19 =	vmul.f32 $8.000000000e+00, v21  }
0x3c7: {  	v21 =	vmul.f32 $8.000000000e+00, v31;
	v24 =	vld.idx.msk [tilespmem:v24+s19+$0x0], $0xffff;
	[tilespmem:s1+$0xB0] =	vst v28;
	v28 =	vor.u32 $0x7, v20  }
0x3c8: {  	v23 =	vmul.f32 $8.000000000e+00, v23;
	v31 =	vor.u32 $0x1, v20;
	v18 =	vld.idx.msk [tilespmem:v18+s19+$0x0], $0xffff;
	[tilespmem:s1+$0x130] =	vst v19  }
0x3c9: {  	v19 =	vor.u32 $0x2, v20;
	[tilespmem:s1+$0xFFFFFE30] =	vst v21;
	v22 =	vmul.f32 $8.000000000e+00, v22;
	v21 =	vld.idx.msk [tilespmem:v62+s19+$0x0], $0xffff  }
0x3ca: {  	[tilespmem:s0+$0xFFFFFFF0] =	vst v23;
	v63 =	vor.u32 $0x3, v20;
	v27 =	vld.idx.msk [tilespmem:v27+s19+$0x0], $0xffff;
	v26 =	vmul.f32 $8.000000000e+00, v26  }
0x3cb: {  	v23 =	vor.u32 $0x4, v20;
	v17 =	vmul.f32 $8.000000000e+00, v17;
	[tilespmem:s1+$0x1C0] =	vst v22;
	v29 =	vld.idx.msk [tilespmem:v29+s19+$0x0], $0xffff  }
0x3cc: {  	v22 =	vor.u32 $0x5, v20;
	[tilespmem:s1+$0xFFFFFEC0] =	vst v26;
	v25 =	vmul.f32 $8.000000000e+00, v25;
	v28 =	vld.idx.msk [tilespmem:v28+s19+$0x0], $0xffff  }
0x3cd: {  	v14 =	vadd.s32 $0x8, v14;
	v26 =	vor.u32 $0x6, v20;
	v31 =	vld.idx.msk [tilespmem:v31+s19+$0x0], $0xffff;
	[tilespmem:s1+$0xFFFFFF40] =	vst v17;
	v17 =	vmul.f32 $8.000000000e+00, v24  }
0x3ce: {  	v24 =	vand.u32 $0xFFFFFFF8, v14;
	v19 =	vld.idx.msk [tilespmem:v19+s19+$0x0], $0xffff;
	[tilespmem:s1+$0xFFFFFFC0] =	vst v25;
	v25 =	vmul.f32 $8.000000000e+00, v18  }
0x3cf: {  	v33 =	vor.u32 $0x6, v8;
	v18 =	vadd.s32 v6, v24;
	v32 =	vld.idx.msk [tilespmem:v63+s19+$0x0], $0xffff;
	[tilespmem:s1+$0x40] =	vst v17;
	v17 =	vmul.f32 $8.000000000e+00, v21  }
0x3d0: {  	v21 =	vmul.f32 $8.000000000e+00, v27;
	v27 =	vor.u32 $0x7, v18;
	v34 =	vld.idx.msk [tilespmem:v23+s19+$0x0], $0xffff;
	[tilespmem:s1+$0xC0] =	vst v25  }
0x3d1: {  	v23 =	vmul.f32 $8.000000000e+00, v30;
	v30 =	vor.u32 $0x1, v18;
	v35 =	vld.idx.msk [tilespmem:v22+s19+$0x0], $0xffff;
	[tilespmem:s1+$0x140] =	vst v17  }
0x3d2: {  	v36 =	vor.u32 $0x2, v18;
	[tilespmem:s1+$0xFFFFFE40] =	vst v21;
	v26 =	vld.idx.msk [tilespmem:v26+s19+$0x0], $0xffff;
	v17 =	vmul.f32 $8.000000000e+00, v28  }
0x3d3: {  	v24 =	vor.u32 $0x3, v18;
	v25 =	vld.idx.msk [tilespmem:v20+s19+$0x0], $0xffff;
	v20 =	vmul.f32 $8.000000000e+00, v31;
	[tilespmem:s0+$0x70] =	vst v23  }
0x3d4: {  	v21 =	vld.idx.msk [tilespmem:v33+s19+$0x0], $0xffff;
	v23 =	vor.u32 $0x4, v18;
	v28 =	vmul.f32 $8.000000000e+00, v19;
	[tilespmem:s1+$0x1D0] =	vst v17  }
0x3d5: {  	v15 =	vadd.s32 $0x8, v15;
	v22 =	vor.u32 $0x5, v18;
	[tilespmem:s1+$0xFFFFFED0] =	vst v20;
	v32 =	vmul.f32 $8.000000000e+00, v32;
	v27 =	vld.idx.msk [tilespmem:v27+s19+$0x0], $0xffff  }
0x3d6: {  	v19 =	vor.u32 $0x6, v18;
	v20 =	vmul.f32 $8.000000000e+00, v29;
	v17 =	vld.idx.msk [tilespmem:v30+s19+$0x0], $0xffff;
	[tilespmem:s1+$0xFFFFFF50] =	vst v28;
	v29 =	vmul.f32 $8.000000000e+00, v34  }
0x3d7: {  	s6 =	simm.s32 $0x8;
	s3 =	simm.s32 $0x18C00;
	v16 =	vadd.s32 $0x8, v16;
	v31 =	vand.u32 $0xFFFFFFF8, v15;
	v28 =	vld.idx.msk [tilespmem:v36+s19+$0x0], $0xffff;
	[tilespmem:s1+$0xFFFFFFD0] =	vst v32;
	v30 =	vmul.f32 $8.000000000e+00, v35  }
.LBB2_13:
0x3d8: {  	v32 =	vand.u32 $0xFFFFFFF8, v16;
	s6 =	sadd.s32 $0x8, s6;
	v31 =	vadd.s32 v7, v31;
	v24 =	vld.idx.msk [tilespmem:v24+s19+$0x0], $0xffff;
	[tilespmem:s1+$0x50] =	vst v29;
	v26 =	vmul.f32 $8.000000000e+00, v26  }
0x3d9: {  	v25 =	vmul.f32 $8.000000000e+00, v25;
	v29 =	vadd.s32 v0, v32;
	p0 =	slt.u32 s6, $0x38;
	v23 =	vld.idx.msk [tilespmem:v23+s19+$0x0], $0xffff;
	[tilespmem:s1+$0xD0] =	vst v30;
	v30 =	vor.u32 $0x7, v31  }
0x3da: {  	v32 =	vor.u32 $0x1, v29;
	v33 =	vor.u32 $0x2, v29;
	v34 =	vor.u32 $0x7, v29;
	v22 =	vld.idx.msk [tilespmem:v22+s19+$0x0], $0xffff;
	[tilespmem:s1+$0x150] =	vst v26  }
0x3db: {  	v26 =	vor.u32 $0x3, v29;
	v35 =	vor.u32 $0x4, v29;
	[tilespmem:s1+$0xFFFFFE50] =	vst v25;
	v25 =	vld.idx.msk [tilespmem:v19+s19+$0x0], $0xffff;
	v19 =	vmul.f32 $8.000000000e+00, v27  }
0x3dc: {  	v36 =	vor.u32 $0x6, v29;
	v27 =	vor.u32 $0x5, v29;
	v17 =	vmul.f32 $8.000000000e+00, v17;
	v37 =	vld.idx.msk [tilespmem:v18+s19+$0x0], $0xffff;
	[tilespmem:s0+$0xF0] =	vst v20  }
0x3dd: {  	v38 =	vor.u32 $0x1, v31;
	v18 =	vmul.f32 $8.000000000e+00, v28;
	v28 =	vor.u32 $0x2, v31;
	[tilespmem:s1+$0x1E0] =	vst v19;
	v39 =	vld.idx.msk [tilespmem:v8+s19+$0x0], $0xffff;
	v8 =	vmovc v31  }
0x3de: {  	v24 =	vmul.f32 $8.000000000e+00, v24;
	[tilespmem:s1+$0xFFFFFEE0] =	vst v17;
	v20 =	vor.u32 $0x3, v8;
	v19 =	vor.u32 $0x4, v8;
	v30 =	vld.idx.msk [tilespmem:v30+s19+$0x0], $0xffff  }
0x3df: {  	v23 =	vmul.f32 $8.000000000e+00, v23;
	v17 =	vor.u32 $0x6, v8;
	v31 =	vld.idx.msk [tilespmem:v34+s19+$0x0], $0xffff;
	[tilespmem:s1+$0xFFFFFF60] =	vst v18;
	v18 =	vor.u32 $0x5, v8  }
0x3e0: {  	v9 =	vadd.s32 $0x8, v9;
	v21 =	vmul.f32 $8.000000000e+00, v21;
	v22 =	vmul.f32 $8.000000000e+00, v22;
	v32 =	vld.idx.msk [tilespmem:v32+s19+$0x0], $0xffff;
	[tilespmem:s1+$0xFFFFFFE0] =	vst v24  }
0x3e1: {  	v24 =	vand.u32 $0xFFFFFFF8, v9;
	v33 =	vld.idx.msk [tilespmem:v33+s19+$0x0], $0xffff;
	[tilespmem:s1+$0x60] =	vst v23;
	v23 =	vmul.f32 $8.000000000e+00, v25  }
0x3e2: {  	v24 =	vadd.s32 v1, v24;
	v25 =	vld.idx.msk [tilespmem:v26+s19+$0x0], $0xffff;
	v26 =	vmul.f32 $8.000000000e+00, v37;
	[tilespmem:s1+$0xE0] =	vst v22  }
0x3e3: {  	v22 =	vor.u32 $0x1, v24;
	v34 =	vor.u32 $0x2, v24;
	v37 =	vor.u32 $0x7, v24;
	v35 =	vld.idx.msk [tilespmem:v35+s19+$0x0], $0xffff;
	[tilespmem:s1+$0x160] =	vst v23  }
0x3e4: {  	v40 =	vor.u32 $0x4, v24;
	v23 =	vor.u32 $0x3, v24;
	v27 =	vld.idx.msk [tilespmem:v27+s19+$0x0], $0xffff;
	[tilespmem:s1+$0xFFFFFE60] =	vst v26;
	v26 =	vmul.f32 $8.000000000e+00, v30  }
0x3e5: {  	v41 =	vor.u32 $0x6, v24;
	v30 =	vor.u32 $0x5, v24;
	v31 =	vmul.f32 $8.000000000e+00, v31;
	v36 =	vld.idx.msk [tilespmem:v36+s19+$0x0], $0xffff;
	[tilespmem:s0+$0x170] =	vst v21  }
0x3e6: {  	s1 =	sadd.s32 $0x400, s1;
	v21 =	vld.idx.msk [tilespmem:v29+s19+$0x0], $0xffff;
	v29 =	vmul.f32 $8.000000000e+00, v32;
	[tilespmem:s3+$0x1F0] =	vst v26;
	v26 =	vmul.f32 $8.000000000e+00, v39  }
0x3e7: {  	v32 =	vmul.f32 $8.000000000e+00, v33;
	[tilespmem:s1+$0x180] =	vst v31;
	v31 =	vld.idx.msk [tilespmem:v38+s19+$0x0], $0xffff  }
0x3e8: {  	v25 =	vmul.f32 $8.000000000e+00, v25;
	[tilespmem:s1+$0xFFFFFE80] =	vst v29;
	v29 =	vld.idx.msk [tilespmem:v37+s19+$0x0], $0xffff  }
0x3e9: {  	v10 =	vadd.s32 $0x8, v10;
	v22 =	vld.idx.msk [tilespmem:v22+s19+$0x0], $0xffff;
	[tilespmem:s1+$0xFFFFFF00] =	vst v32;
	v32 =	vmul.f32 $8.000000000e+00, v35  }
0x3ea: {  	v33 =	vand.u32 $0xFFFFFFF8, v10;
	v34 =	vld.idx.msk [tilespmem:v34+s19+$0x0], $0xffff;
	[tilespmem:s1+$0xFFFFFF80] =	vst v25;
	v25 =	vmul.f32 $8.000000000e+00, v27  }
0x3eb: {  	v27 =	vadd.s32 v2, v33;
	v23 =	vld.idx.msk [tilespmem:v23+s19+$0x0], $0xffff;
	[tilespmem:s1+$0x0] =	vst v32;
	v32 =	vmul.f32 $8.000000000e+00, v36  }
0x3ec: {  	v21 =	vmul.f32 $8.000000000e+00, v21;
	v33 =	vor.u32 $0x1, v27;
	v35 =	vld.idx.msk [tilespmem:v40+s19+$0x0], $0xffff;
	[tilespmem:s1+$0x80] =	vst v25;
	v25 =	vor.u32 $0x7, v27  }
0x3ed: {  	v36 =	vor.u32 $0x2, v27;
	v37 =	vor.u32 $0x3, v27;
	v38 =	vor.u32 $0x4, v27;
	v30 =	vld.idx.msk [tilespmem:v30+s19+$0x0], $0xffff;
	[tilespmem:s1+$0x100] =	vst v32  }
0x3ee: {  	v39 =	vor.u32 $0x6, v27;
	v29 =	vmul.f32 $8.000000000e+00, v29;
	[tilespmem:s1+$0xFFFFFE00] =	vst v21;
	v21 =	vor.u32 $0x5, v27;
	v32 =	vld.idx.msk [tilespmem:v41+s19+$0x0], $0xffff  }
0x3ef: {  	v31 =	vmul.f32 $8.000000000e+00, v31;
	v22 =	vmul.f32 $8.000000000e+00, v22;
	v24 =	vld.idx.msk [tilespmem:v24+s19+$0x0], $0xffff;
	[tilespmem:s0+$0xFFFFFE70] =	vst v26;
	s0 =	smov.u32 s3;
	s3 =	smov.u32 s1  }
0x3f0: {  	v26 =	vmul.f32 $8.000000000e+00, v34;
	[tilespmem:s1+$0x190] =	vst v29;
	v28 =	vld.idx.msk [tilespmem:v28+s19+$0x0], $0xffff  }
0x3f1: {  	[tilespmem:s1+$0xFFFFFE90] =	vst v22;
	v22 =	vmul.f32 $8.000000000e+00, v23;
	v23 =	vld.idx.msk [tilespmem:v25+s19+$0x0], $0xffff  }
0x3f2: {  	v11 =	vadd.s32 $0x8, v11;
	v25 =	vld.idx.msk [tilespmem:v33+s19+$0x0], $0xffff;
	[tilespmem:s1+$0xFFFFFF10] =	vst v26;
	v26 =	vmul.f32 $8.000000000e+00, v35  }
0x3f3: {  	v29 =	vand.u32 $0xFFFFFFF8, v11;
	v33 =	vld.idx.msk [tilespmem:v36+s19+$0x0], $0xffff;
	[tilespmem:s1+$0xFFFFFF90] =	vst v22;
	v22 =	vmul.f32 $8.000000000e+00, v30  }
0x3f4: {  	v29 =	vadd.s32 v3, v29;
	v30 =	vld.idx.msk [tilespmem:v37+s19+$0x0], $0xffff;
	[tilespmem:s1+$0x10] =	vst v26;
	v26 =	vmul.f32 $8.000000000e+00, v32  }
0x3f5: {  	v24 =	vmul.f32 $8.000000000e+00, v24;
	v32 =	vor.u32 $0x1, v29;
	v34 =	vld.idx.msk [tilespmem:v38+s19+$0x0], $0xffff;
	[tilespmem:s1+$0x90] =	vst v22;
	v22 =	vor.u32 $0x7, v29  }
0x3f6: {  	v35 =	vor.u32 $0x2, v29;
	v36 =	vor.u32 $0x3, v29;
	v37 =	vor.u32 $0x4, v29;
	v21 =	vld.idx.msk [tilespmem:v21+s19+$0x0], $0xffff;
	[tilespmem:s1+$0x110] =	vst v26  }
0x3f7: {  	v38 =	vor.u32 $0x6, v29;
	v23 =	vmul.f32 $8.000000000e+00, v23;
	[tilespmem:s1+$0xFFFFFE10] =	vst v24;
	v24 =	vor.u32 $0x5, v29;
	v26 =	vld.idx.msk [tilespmem:v39+s19+$0x0], $0xffff  }
0x3f8: {  	v28 =	vmul.f32 $8.000000000e+00, v28;
	v25 =	vmul.f32 $8.000000000e+00, v25;
	v27 =	vld.idx.msk [tilespmem:v27+s19+$0x0], $0xffff;
	[tilespmem:s0+$0xFFFFFEF0] =	vst v31  }
0x3f9: {  	v31 =	vmul.f32 $8.000000000e+00, v33;
	[tilespmem:s1+$0x1A0] =	vst v23;
	v20 =	vld.idx.msk [tilespmem:v20+s19+$0x0], $0xffff  }
0x3fa: {  	v23 =	vmul.f32 $8.000000000e+00, v30;
	[tilespmem:s1+$0xFFFFFEA0] =	vst v25;
	v22 =	vld.idx.msk [tilespmem:v22+s19+$0x0], $0xffff  }
0x3fb: {  	v12 =	vadd.s32 $0x8, v12;
	v30 =	vmul.f32 $8.000000000e+00, v34;
	v25 =	vld.idx.msk [tilespmem:v32+s19+$0x0], $0xffff;
	[tilespmem:s1+$0xFFFFFF20] =	vst v31  }
0x3fc: {  	v31 =	vand.u32 $0xFFFFFFF8, v12;
	v21 =	vmul.f32 $8.000000000e+00, v21;
	v32 =	vld.idx.msk [tilespmem:v35+s19+$0x0], $0xffff;
	[tilespmem:s1+$0xFFFFFFA0] =	vst v23  }
0x3fd: {  	v23 =	vadd.s32 v4, v31;
	v26 =	vmul.f32 $8.000000000e+00, v26;
	v31 =	vld.idx.msk [tilespmem:v36+s19+$0x0], $0xffff;
	[tilespmem:s1+$0x20] =	vst v30  }
0x3fe: {  	v27 =	vmul.f32 $8.000000000e+00, v27;
	v30 =	vor.u32 $0x1, v23;
	v33 =	vld.idx.msk [tilespmem:v37+s19+$0x0], $0xffff;
	[tilespmem:s1+$0xA0] =	vst v21;
	v21 =	vor.u32 $0x7, v23  }
0x3ff: {  	v34 =	vor.u32 $0x2, v23;
	v35 =	vor.u32 $0x3, v23;
	v36 =	vor.u32 $0x4, v23;
	v24 =	vld.idx.msk [tilespmem:v24+s19+$0x0], $0xffff;
	[tilespmem:s1+$0x120] =	vst v26  }
0x400: {  	v37 =	vor.u32 $0x6, v23;
	v26 =	vor.u32 $0x5, v23;
	v22 =	vmul.f32 $8.000000000e+00, v22;
	[tilespmem:s1+$0xFFFFFE20] =	vst v27;
	v27 =	vld.idx.msk [tilespmem:v38+s19+$0x0], $0xffff  }
0x401: {  	v20 =	vmul.f32 $8.000000000e+00, v20;
	v25 =	vmul.f32 $8.000000000e+00, v25;
	v29 =	vld.idx.msk [tilespmem:v29+s19+$0x0], $0xffff;
	[tilespmem:s0+$0xFFFFFF70] =	vst v28  }
0x402: {  	v28 =	vmul.f32 $8.000000000e+00, v32;
	[tilespmem:s1+$0x1B0] =	vst v22;
	v19 =	vld.idx.msk [tilespmem:v19+s19+$0x0], $0xffff  }
0x403: {  	v22 =	vmul.f32 $8.000000000e+00, v31;
	[tilespmem:s1+$0xFFFFFEB0] =	vst v25;
	v21 =	vld.idx.msk [tilespmem:v21+s19+$0x0], $0xffff  }
0x404: {  	v13 =	vadd.s32 $0x8, v13;
	v25 =	vld.idx.msk [tilespmem:v30+s19+$0x0], $0xffff;
	[tilespmem:s1+$0xFFFFFF30] =	vst v28;
	v28 =	vmul.f32 $8.000000000e+00, v33  }
0x405: {  	v30 =	vand.u32 $0xFFFFFFF8, v13;
	v31 =	vld.idx.msk [tilespmem:v34+s19+$0x0], $0xffff;
	[tilespmem:s1+$0xFFFFFFB0] =	vst v22;
	v22 =	vmul.f32 $8.000000000e+00, v24  }
0x406: {  	v30 =	vadd.s32 v5, v30;
	v27 =	vmul.f32 $8.000000000e+00, v27;
	v24 =	vld.idx.msk [tilespmem:v35+s19+$0x0], $0xffff;
	[tilespmem:s1+$0x30] =	vst v28  }
0x407: {  	v28 =	vmul.f32 $8.000000000e+00, v29;
	v29 =	vor.u32 $0x1, v30;
	v32 =	vld.idx.msk [tilespmem:v36+s19+$0x0], $0xffff;
	[tilespmem:s1+$0xB0] =	vst v22;
	v22 =	vor.u32 $0x7, v30  }
0x408: {  	v33 =	vor.u32 $0x2, v30;
	v34 =	vor.u32 $0x3, v30;
	v35 =	vor.u32 $0x4, v30;
	v26 =	vld.idx.msk [tilespmem:v26+s19+$0x0], $0xffff;
	[tilespmem:s1+$0x130] =	vst v27  }
0x409: {  	v36 =	vor.u32 $0x6, v30;
	v27 =	vor.u32 $0x5, v30;
	v21 =	vmul.f32 $8.000000000e+00, v21;
	[tilespmem:s1+$0xFFFFFE30] =	vst v28;
	v28 =	vld.idx.msk [tilespmem:v37+s19+$0x0], $0xffff  }
0x40a: {  	v25 =	vmul.f32 $8.000000000e+00, v25;
	v23 =	vld.idx.msk [tilespmem:v23+s19+$0x0], $0xffff;
	[tilespmem:s0+$0xFFFFFFF0] =	vst v20;
	v20 =	vmul.f32 $8.000000000e+00, v19  }
0x40b: {  	v19 =	vmul.f32 $8.000000000e+00, v31;
	[tilespmem:s1+$0x1C0] =	vst v21;
	v21 =	vld.idx.msk [tilespmem:v18+s19+$0x0], $0xffff  }
0x40c: {  	v18 =	vmul.f32 $8.000000000e+00, v24;
	[tilespmem:s1+$0xFFFFFEC0] =	vst v25;
	v25 =	vld.idx.msk [tilespmem:v22+s19+$0x0], $0xffff  }
0x40d: {  	v14 =	vadd.s32 $0x8, v14;
	v29 =	vld.idx.msk [tilespmem:v29+s19+$0x0], $0xffff;
	[tilespmem:s1+$0xFFFFFF40] =	vst v19;
	v19 =	vmul.f32 $8.000000000e+00, v32  }
0x40e: {  	v22 =	vand.u32 $0xFFFFFFF8, v14;
	v24 =	vmul.f32 $8.000000000e+00, v26;
	v31 =	vld.idx.msk [tilespmem:v33+s19+$0x0], $0xffff;
	[tilespmem:s1+$0xFFFFFFC0] =	vst v18  }
0x40f: {  	v18 =	vadd.s32 v6, v22;
	v32 =	vld.idx.msk [tilespmem:v34+s19+$0x0], $0xffff;
	[tilespmem:s1+$0x40] =	vst v19;
	v19 =	vmul.f32 $8.000000000e+00, v28  }
0x410: {  	v22 =	vmul.f32 $8.000000000e+00, v23;
	v28 =	vor.u32 $0x1, v18;
	v34 =	vor.u32 $0x7, v18;
	v33 =	vld.idx.msk [tilespmem:v35+s19+$0x0], $0xffff;
	[tilespmem:s1+$0xC0] =	vst v24  }
0x411: {  	v23 =	vor.u32 $0x4, v18;
	v35 =	vor.u32 $0x2, v18;
	v24 =	vor.u32 $0x3, v18;
	v37 =	vld.idx.msk [tilespmem:v27+s19+$0x0], $0xffff;
	[tilespmem:s1+$0x140] =	vst v19  }
0x412: {  	v19 =	vor.u32 $0x6, v18;
	v27 =	vmul.f32 $8.000000000e+00, v25;
	[tilespmem:s1+$0xFFFFFE40] =	vst v22;
	v22 =	vor.u32 $0x5, v18;
	v26 =	vld.idx.msk [tilespmem:v36+s19+$0x0], $0xffff  }
.Ltmp6:
0x413: {  	v29 =	vmul.f32 $8.000000000e+00, v29;
	v25 =	vld.idx.msk [tilespmem:v30+s19+$0x0], $0xffff;
	[tilespmem:s0+$0x70] =	vst v20;
	v20 =	vmul.f32 $8.000000000e+00, v21;
	(pc) =	sbr.rel @p0 .LBB2_13-.Ltmp6, $4  }
0x414: {  	v30 =	vmul.f32 $8.000000000e+00, v31;
	[tilespmem:s1+$0x1D0] =	vst v27;
	v21 =	vld.idx.msk [tilespmem:v17+s19+$0x0], $0xffff  }
0x415: {  	v32 =	vmul.f32 $8.000000000e+00, v32;
	[tilespmem:s1+$0xFFFFFED0] =	vst v29;
	v27 =	vld.idx.msk [tilespmem:v34+s19+$0x0], $0xffff  }
0x416: {  	v15 =	vadd.s32 $0x8, v15;
	v29 =	vmul.f32 $8.000000000e+00, v33;
	v17 =	vld.idx.msk [tilespmem:v28+s19+$0x0], $0xffff;
	[tilespmem:s1+$0xFFFFFF50] =	vst v30  }
0x417: {  	v16 =	vadd.s32 $0x8, v16;
	v31 =	vand.u32 $0xFFFFFFF8, v15;
	v30 =	vmul.f32 $8.000000000e+00, v37;
	v28 =	vld.idx.msk [tilespmem:v35+s19+$0x0], $0xffff;
	[tilespmem:s1+$0xFFFFFFD0] =	vst v32  }
0x418: {  	_ =	sdelay $0x1  }
0x419: {  	[tilespmem:s1+$0x50] =	vst v29  }
0x41a: {  	v9 =	vmul.f32 $8.000000000e+00, v26;
	[tilespmem:s0+$0xF0] =	vst v20  }
0x41b: {  	v10 =	vadd.s32 v7, v31;
	v11 =	vld.idx.msk [tilespmem:v24+s19+$0x0], $0xffff;
	v12 =	vmul.f32 $8.000000000e+00, v25;
	[tilespmem:s1+$0xD0] =	vst v30  }
0x41c: {  	v8 =	vld.idx.msk [tilespmem:v8+s19+$0x0], $0xffff;
	v14 =	vor.u32 $0x7, v10;
	v56 =	vmul.f32 $8.000000000e+00, v21;
	[tilespmem:s1+$0x150] =	vst v9  }
0x41d: {  	v13 =	vld.idx.msk [tilespmem:v23+s19+$0x0], $0xffff;
	v45 =	vor.u32 $0x1, v10;
	[tilespmem:s1+$0xFFFFFE50] =	vst v12;
	v44 =	vmul.f32 $8.000000000e+00, v27  }
0x41e: {  	v47 =	vor.u32 $0x2, v10;
	v43 =	vld.idx.msk [tilespmem:v22+s19+$0x0], $0xffff;
	v16 =	vmul.f32 $8.000000000e+00, v17;
	[tilespmem:s0+$0x170] =	vst v56  }
0x41f: {  	v48 =	vor.u32 $0x3, v10;
	v15 =	vld.idx.msk [tilespmem:v19+s19+$0x0], $0xffff;
	v46 =	vmul.f32 $8.000000000e+00, v28;
	[tilespmem:s1+$0x1E0] =	vst v44  }
0x420: {  	v49 =	vor.u32 $0x4, v10;
	v18 =	vld.idx.msk [tilespmem:v18+s19+$0x0], $0xffff;
	[tilespmem:s1+$0xFFFFFEE0] =	vst v16;
	v11 =	vmul.f32 $8.000000000e+00, v11  }
0x421: {  	v50 =	vor.u32 $0x5, v10;
	v8 =	vmul.f32 $8.000000000e+00, v8;
	v14 =	vld.idx.msk [tilespmem:v14+s19+$0x0], $0xffff;
	[tilespmem:s1+$0xFFFFFF60] =	vst v46  }
0x422: {  	v51 =	vor.u32 $0x6, v10;
	v13 =	vmul.f32 $8.000000000e+00, v13;
	v53 =	vld.idx.msk [tilespmem:v45+s19+$0x0], $0xffff;
	[tilespmem:s1+$0xFFFFFFE0] =	vst v11  }
0x423: {  	v9 =	vmul.f32 $8.000000000e+00, v43;
	v55 =	vld.idx.msk [tilespmem:v47+s19+$0x0], $0xffff;
	[tilespmem:s0+$0xFFFFFE70] =	vst v8  }
0x424: {  	[tilespmem:s1+$0x60] =	vst v13;
	v52 =	vmul.f32 $8.000000000e+00, v15;
	v12 =	vld.idx.msk [tilespmem:v48+s19+$0x0], $0xffff  }
0x425: {  	v54 =	vmul.f32 $8.000000000e+00, v18;
	[tilespmem:s1+$0xE0] =	vst v9;
	v58 =	vld.idx.msk [tilespmem:v49+s19+$0x0], $0xffff  }
0x426: {  	[tilespmem:s1+$0x160] =	vst v52;
	v59 =	vld.idx.msk [tilespmem:v50+s19+$0x0], $0xffff;
	v57 =	vmul.f32 $8.000000000e+00, v14  }
0x427: {  	[tilespmem:s1+$0xFFFFFE60] =	vst v54;
	v60 =	vmul.f32 $8.000000000e+00, v53;
	v11 =	vld.idx.msk [tilespmem:v51+s19+$0x0], $0xffff  }
0x428: {  	v61 =	vld.idx.msk [tilespmem:v10+s19+$0x0], $0xffff;
	v8 =	vmul.f32 $8.000000000e+00, v55;
	[tilespmem:s3+$0x1F0] =	vst v57  }
0x429: {  	[tilespmem:s3+$0xFFFFFEF0] =	vst v60;
	v62 =	vmul.f32 $8.000000000e+00, v12  }
0x42a: {  	s30 =	sadd.s32 $0x1, s30;
	[tilespmem:s3+$0xFFFFFF70] =	vst v8;
	v8 =	vmul.f32 $8.000000000e+00, v58  }
0x42b: {  	p0 =	sne.s32 s30, $0x32;
	[tilespmem:s3+$0xFFFFFFF0] =	vst v62;
	v63 =	vmul.f32 $8.000000000e+00, v59  }
.Ltmp7:
0x42c: {  	s31 =	sshll.u32 s31, $0x12;
	[tilespmem:s3+$0x70] =	vst v8;
	v8 =	vmul.f32 $8.000000000e+00, v11;
	(pc) =	sbr.rel @p0 .LBB2_2-.Ltmp7, $4  }
0x42d: {  	s0 =	sor.u32 s4, s31;
	v9 =	vmul.f32 $8.000000000e+00, v61;
	[tilespmem:s3+$0xF0] =	vst v63  }
0x42e: {  	s0 =	sshrl.u32 s0, $0x3;
	[tilespmem:s3+$0x170] =	vst v8  }
0x42f: {  	s0 =	sadd.s32 s2, s0;
	[tilespmem:s3+$0xFFFFFE70] =	vst v9  }
0x430: {  	[hbm4b:s0+s8] =	stream.strided.scatter [tilespmem:s24], [sflag:$0x7], $0x2000, s9, s8, $0x38;
	[tilespmem:$0x1A600] =	vst v63  }
0x431: {  	_ =	swait.ge [sflag:s26], $0x2000  }
0x432: {  	[sflag:s26] =	ssyncset.done $0x0  }
0x433: {  	[sflag:s26] =	ssyncadd.s32 $0xFFFFE000  }
0x434: {  	_ =	swait.ge [sflag:s23], $0x2000  }
0x435: {  	s29 =	sadd.s32 $0x1, s29;
	s0 =	rddreg [dreg:$0x5]  }
0x436: {  	p0 =	sne.s32 s29, s0  }
.Ltmp8:
0x437: {  	_ = 	snop;
	(pc) =	sbr.rel @p0 .LBB2_1-.Ltmp8, $3  }
0x438: {  	_ =	sdelay $0x1  }
0x439: {  	[sflag:s23] =	ssyncset.done $0x0  }
0x43a: {  	[sflag:s23] =	ssyncadd.s32 $0xFFFFE000  }
0x43b: {  	_ =	sfence.sel $0x180000  }
0x43c: {  	[bflag:$0x0] =	sbarrier.arrive $0xFFFF  }
0x43d: {  	_ =	strace $0x90000047  }
0x43e: {  	s0 =	stileid.u32;
	[bflag:$0x2] =	sbarrier.arrive $0xFFFF  }
0x43f: {  	p0 =	sne.s32 s0, $0x0;
	s0 =	rddreg [dreg:$0x3]  }
0x440: {  	s0 =	sadd.s32 @!p0 $0x100000, s0  }
0x441: {  	[sflag:s0] =	ssyncadd.tile.s32 @!p0 $0x1;
	_ =	shalt  }
.Lfunc_end2:
_tile_overlayer_lowered:
.L_overlay_start_2:
0x442: {  	(tag) =	ssettag $0x2  }
0x443: {  	s0 =	rddreg [dreg:$0x0];
	s2 =	stileid.u32  }
0x444: {  	s1 =	rddreg [dreg:$0x1];
	p0 =	sne.s32 s2, $0x0  }
0x445: {  	s3 =	rddreg [dreg:$0x2];
	[bflag:$0x3] =	sbarrier.arrive $0xFFFF;
	s2 =	simm.s32 @!p0 $0x1C08  }
0x446: {  	[timem:s3], [sflag:s2] =	dma.local @!p0 [hbm:s0], s1  }
0x447: {  	s0 =	simm.s32 @!p0 $0x8  }
0x448: {  	_ =	swait.ge @!p0 [sflag:s0], s1  }
0x449: {  	s1 =	ssub.s32 @!p0 $0x0, s1;
	[sflag:s0] =	ssyncset.done @!p0 $0x0  }
0x44a: {  	[sflag:s0] =	ssyncadd.s32 @!p0 s1  }
0x44b: {  	[bflag:$0x3] =	sbarrier.arrive $0xFFFF  }
0x44c: {  	_ =	shalt  }

</sc_bundles>
